<compile_context>
chip_gen: v7x
topology: tpu7x:2x2x1
jax: 0.10.2.dev20260603
libtpu: 0.0.44.dev20260713+nightly
codegen_flags: <defaults>
</compile_context>

<pallas_src>
import jax
import jax.numpy as jnp
from jax import lax
from jax.experimental import pallas as pl
from jax.experimental.pallas import tpu as pltpu
from jax.experimental.pallas import tpu_sc as plsc

_D = 64
_NJ = 200
_NI = 4096
_NC = 2
_NS = 16
_NW = _NC * _NS
_G = 128
_PAD = 129
_NBUF = 4


def _lookup_kernel(idx_hbm, table_hbm, out_hbm,
                   idx_v, g0, g1, g2, g3, t0, t1, t2, t3,
                   gsem0, gsem1, gsem2, gsem3,
                   ssem0, ssem1, ssem2, ssem3):
    gbuf = (g0, g1, g2, g3)
    tbuf = (t0, t1, t2, t3)
    gsem = (gsem0, gsem1, gsem2, gsem3)
    ssem = (ssem0, ssem1, ssem2, ssem3)
    wid = lax.axis_index("s") * _NC + lax.axis_index("c")

    pltpu.sync_copy(idx_hbm.at[:, wid, :], idx_v)

    def gather_start(b, j):
        pltpu.async_copy(table_hbm.at[idx_v.at[j]], gbuf[b], gsem[b])

    def gather_wait(b, j):
        pltpu.make_async_copy(
            table_hbm.at[idx_v.at[j]], gbuf[b], gsem[b]
        ).wait()

    def scatter_start(b, j):
        pltpu.async_copy(
            tbuf[b].at[:, :, pl.ds(0, 128)], out_hbm.at[j, :, wid], ssem[b]
        )

    def scatter_wait(b, j):
        pltpu.make_async_copy(
            tbuf[b].at[:, :, pl.ds(0, 128)], out_hbm.at[j, :, wid], ssem[b]
        ).wait()

    lanes = lax.iota(jnp.int32, 16)
    ktv = [(lanes + c * 16) >> 3 for c in range(4)]
    ksv = [(lanes + c * 16) & 7 for c in range(4)]

    def transpose(b):
        gb, tb = gbuf[b], tbuf[b]

        def i_body(i):
            iv = jnp.full((16,), i, jnp.int32)
            for c in range(4):
                v = gb[i, pl.ds(c * 16, 16)]
                plsc.store_scatter(tb, [ktv[c], ksv[c], iv], v)

        plsc.parallel_loop(0, _G, 1, unroll=4)(i_body)

    for b in range(_NBUF):
        gather_start(b, b)

    for b in range(_NBUF):
        gather_wait(b, b)
        transpose(b)
        scatter_start(b, b)
        gather_start(b, b + _NBUF)

    def round_body(r):
        j0 = _NBUF * r
        for b in range(_NBUF):
            j = j0 + b
            gather_wait(b, j)
            scatter_wait(b, j - _NBUF)
            transpose(b)
            scatter_start(b, j)
            gather_start(b, j + _NBUF)

    pl.loop(1, _NJ // _NBUF - 1)(round_body)

    for b in range(_NBUF):
        j = _NJ - _NBUF + b
        gather_wait(b, j)
        scatter_wait(b, j - _NBUF)
        transpose(b)
        scatter_start(b, j)
    for b in range(_NBUF):
        scatter_wait(b, _NJ - _NBUF + b)


@jax.jit
def kernel(x, w):
    idx = x.T.reshape(_NJ, _NW, _G)
    mesh = plsc.VectorSubcoreMesh(core_axis_name="c", subcore_axis_name="s")
    out5 = pl.kernel(
        _lookup_kernel,
        mesh=mesh,
        out_type=jax.ShapeDtypeStruct((_NJ, 8, _NW, 8, 128), jnp.float32),
        scratch_types=(
            [pltpu.VMEM((_NJ, _G), jnp.int32)]
            + [pltpu.VMEM((_G, _D), jnp.float32)] * _NBUF
            + [pltpu.VMEM((8, 8, _PAD), jnp.float32)] * _NBUF
            + [pltpu.SemaphoreType.DMA] * (2 * _NBUF)
        ),
        compiler_params=pltpu.CompilerParams(
            use_tc_tiling_on_sc=False, needs_layout_passes=False
        ),
    )(idx, w)
    return out5.transpose(2, 4, 0, 1, 3).reshape(_NI, _NJ, _D)

# --- scband reference (transcript-rebuilt; emitter-appended) ---
"""Pipeline reference for scband-fixed-embedding-36155034698135 (READ-ONLY COPY).

The authoritative reference and input builder live on the scoring server;
editing this copy changes nothing except your own understanding.
"""

import math
import jax, jax.numpy as jnp
import numpy as np

C_IN = 100000
D_MODEL = 64

def _make_table(c_in, d_model):
    position = jnp.arange(0, c_in, dtype=jnp.float32)[:, None]
    div_term = jnp.exp(jnp.arange(0, d_model, 2, dtype=jnp.float32) * -(math.log(10000.0) / d_model))
    w = jnp.zeros((c_in, d_model), dtype=jnp.float32)
    w = w.at[:, 0::2].set(jnp.sin(position * div_term))
    w = w.at[:, 1::2].set(jnp.cos(position * div_term))
    return w

def setup_inputs(seed: int = 0) -> dict:
    key = jax.random.key(seed)
    x = jax.random.randint(key, (4096, 200), 0, C_IN, dtype=jnp.int32)
    w = _make_table(C_IN, D_MODEL)
    return {"x": x, "w": w}

def reference(x, w):
    # nn.Embedding lookup on a fixed (non-trainable) sinusoidal table, with .detach()
    out = jnp.take(w, x, axis=0)
    return jax.lax.stop_gradient(out)

if __name__ == "__main__":
    import jax
    _d = setup_inputs()
    print(jax.jit(kernel)(*tuple(_d.values())))

</pallas_src>

<mosaic_0001>
#map = affine_map<(d0, d1) -> (0, 0, 0)>
#map1 = affine_map<(d0, d1) -> (0, 0)>
#map2 = affine_map<(d0, d1) -> (0, 0, 0, 0, 0)>
module attributes {stable_mosaic.version = 14 : i64} {
  func.func @_lookup_kernel(%arg0: i32, %arg1: i32, %arg2: memref<200x32x128xi32, #tpu.memory_space<hbm>>, %arg3: memref<100000x64xf32, #tpu.memory_space<hbm>>, %arg4: memref<200x8x32x8x128xf32, #tpu.memory_space<hbm>>, %arg5: memref<200x128xi32, #tpu.memory_space<vmem>>, %arg6: memref<128x64xf32, #tpu.memory_space<vmem>>, %arg7: memref<128x64xf32, #tpu.memory_space<vmem>>, %arg8: memref<128x64xf32, #tpu.memory_space<vmem>>, %arg9: memref<128x64xf32, #tpu.memory_space<vmem>>, %arg10: memref<8x8x129xf32, #tpu.memory_space<vmem>>, %arg11: memref<8x8x129xf32, #tpu.memory_space<vmem>>, %arg12: memref<8x8x129xf32, #tpu.memory_space<vmem>>, %arg13: memref<8x8x129xf32, #tpu.memory_space<vmem>>, %arg14: memref<!tpu.dma_semaphore, #tpu.memory_space<semaphore_mem>>, %arg15: memref<!tpu.dma_semaphore, #tpu.memory_space<semaphore_mem>>, %arg16: memref<!tpu.dma_semaphore, #tpu.memory_space<semaphore_mem>>, %arg17: memref<!tpu.dma_semaphore, #tpu.memory_space<semaphore_mem>>, %arg18: memref<!tpu.dma_semaphore, #tpu.memory_space<semaphore_mem>>, %arg19: memref<!tpu.dma_semaphore, #tpu.memory_space<semaphore_mem>>, %arg20: memref<!tpu.dma_semaphore, #tpu.memory_space<semaphore_mem>>, %arg21: memref<!tpu.dma_semaphore, #tpu.memory_space<semaphore_mem>>) attributes {dimension_semantics = [#tpu.dimension_semantics<core_parallel>, #tpu.dimension_semantics<subcore_parallel>], iteration_bounds = array<i64: 2, 16>, scalar_prefetch = 0 : i64, scratch_operands = 17 : i64, tpu.core_type = #tpu.core_type<sc_vector_subcore>, window_params = [{transform_indices = #map}, {transform_indices = #map1}, {transform_indices = #map2}]} {
    %mul3A = arith.constant 2 : i32
    %mul3A_0 = arith.muli %arg1, %mul3A : i32
    %add3A = arith.addi %mul3A_0, %arg0 : i32
    "tpu.region"() ({
      %run_scoped3A = tpu.sem_alloc : memref<!tpu.dma_semaphore, #tpu.memory_space<semaphore_mem>>
      %dma_start3A_488 = arith.constant 0 : i32
      %dma_start3A_489 = arith.constant 0 : i32
      %dma_start3A_490 = tpu.memref_slice %arg2[%dma_start3A_488, %add3A, %dma_start3A_489] : memref<200x32x128xi32, #tpu.memory_space<hbm>> -> memref<200x1x128xi32, #tpu.memory_space<hbm>>
      %dma_start3A_491 = tpu.memref_squeeze %dma_start3A_490 : memref<200x1x128xi32, #tpu.memory_space<hbm>> -> memref<200x128xi32, #tpu.memory_space<hbm>>
      %dma_start3A_492 = arith.constant 0 : i32
      %dma_start3A_493 = arith.constant 0 : i32
      %dma_start3A_494 = tpu.memref_slice %arg2[%dma_start3A_492, %add3A, %dma_start3A_493] : memref<200x32x128xi32, #tpu.memory_space<hbm>> -> memref<200x1x128xi32, #tpu.memory_space<hbm>>
      %dma_start3A_495 = tpu.memref_squeeze %dma_start3A_494 : memref<200x1x128xi32, #tpu.memory_space<hbm>> -> memref<200x128xi32, #tpu.memory_space<hbm>>
      tpu.enqueue_dma source(%dma_start3A_495 : memref<200x128xi32, #tpu.memory_space<hbm>>) target(%arg5 : memref<200x128xi32, #tpu.memory_space<vmem>>) target_semaphore(%run_scoped3A : memref<!tpu.dma_semaphore, #tpu.memory_space<semaphore_mem>>)
      %dma_wait3A_496 = arith.constant 0 : i32
      %dma_wait3A_497 = arith.constant 0 : i32
      %dma_wait3A_498 = tpu.memref_slice %arg2[%dma_wait3A_496, %add3A, %dma_wait3A_497] : memref<200x32x128xi32, #tpu.memory_space<hbm>> -> memref<200x1x128xi32, #tpu.memory_space<hbm>>
      %dma_wait3A_499 = tpu.memref_squeeze %dma_wait3A_498 : memref<200x1x128xi32, #tpu.memory_space<hbm>> -> memref<200x128xi32, #tpu.memory_space<hbm>>
      %dma_wait3A_500 = arith.constant 0 : i32
      %dma_wait3A_501 = arith.constant 0 : i32
      %dma_wait3A_502 = tpu.memref_slice %arg2[%dma_wait3A_500, %add3A, %dma_wait3A_501] : memref<200x32x128xi32, #tpu.memory_space<hbm>> -> memref<200x1x128xi32, #tpu.memory_space<hbm>>
      %dma_wait3A_503 = tpu.memref_squeeze %dma_wait3A_502 : memref<200x1x128xi32, #tpu.memory_space<hbm>> -> memref<200x128xi32, #tpu.memory_space<hbm>>
      tpu.wait_dma2 semaphore(%run_scoped3A : memref<!tpu.dma_semaphore, #tpu.memory_space<semaphore_mem>>) src(%dma_wait3A_503 : memref<200x128xi32, #tpu.memory_space<hbm>>) dst(%arg5 : memref<200x128xi32, #tpu.memory_space<vmem>>)
      tpu.yield
    }) : () -> ()
    %iota3A = tpu.iota {dimensions = array<i32: 0>} : vector<16xi32>
    %add3A_1 = arith.constant 0 : i32
    %add3A_2 = vector.broadcast %add3A_1 : i32 to vector<16xi32>
    %add3A_3 = arith.addi %iota3A, %add3A_2 : vector<16xi32>
    %shift_right_arithmetic3A = arith.constant 3 : i32
    %shift_right_arithmetic3A_4 = vector.broadcast %shift_right_arithmetic3A : i32 to vector<16xi32>
    %shift_right_arithmetic3A_5 = arith.shrsi %add3A_3, %shift_right_arithmetic3A_4 : vector<16xi32>
    %add3A_6 = arith.constant 16 : i32
    %add3A_7 = vector.broadcast %add3A_6 : i32 to vector<16xi32>
    %add3A_8 = arith.addi %iota3A, %add3A_7 : vector<16xi32>
    %shift_right_arithmetic3A_9 = arith.constant 3 : i32
    %shift_right_arithmetic3A_10 = vector.broadcast %shift_right_arithmetic3A_9 : i32 to vector<16xi32>
    %shift_right_arithmetic3A_11 = arith.shrsi %add3A_8, %shift_right_arithmetic3A_10 : vector<16xi32>
    %add3A_12 = arith.constant 32 : i32
    %add3A_13 = vector.broadcast %add3A_12 : i32 to vector<16xi32>
    %add3A_14 = arith.addi %iota3A, %add3A_13 : vector<16xi32>
    %shift_right_arithmetic3A_15 = arith.constant 3 : i32
    %shift_right_arithmetic3A_16 = vector.broadcast %shift_right_arithmetic3A_15 : i32 to vector<16xi32>
    %shift_right_arithmetic3A_17 = arith.shrsi %add3A_14, %shift_right_arithmetic3A_16 : vector<16xi32>
    %add3A_18 = arith.constant 48 : i32
    %add3A_19 = vector.broadcast %add3A_18 : i32 to vector<16xi32>
    %add3A_20 = arith.addi %iota3A, %add3A_19 : vector<16xi32>
    %shift_right_arithmetic3A_21 = arith.constant 3 : i32
    %shift_right_arithmetic3A_22 = vector.broadcast %shift_right_arithmetic3A_21 : i32 to vector<16xi32>
    %shift_right_arithmetic3A_23 = arith.shrsi %add3A_20, %shift_right_arithmetic3A_22 : vector<16xi32>
    %add3A_24 = arith.constant 0 : i32
    %add3A_25 = vector.broadcast %add3A_24 : i32 to vector<16xi32>
    %add3A_26 = arith.addi %iota3A, %add3A_25 : vector<16xi32>
    %and3A = arith.constant 7 : i32
    %and3A_27 = vector.broadcast %and3A : i32 to vector<16xi32>
    %and3A_28 = arith.andi %add3A_26, %and3A_27 : vector<16xi32>
    %add3A_29 = arith.constant 16 : i32
    %add3A_30 = vector.broadcast %add3A_29 : i32 to vector<16xi32>
    %add3A_31 = arith.addi %iota3A, %add3A_30 : vector<16xi32>
    %and3A_32 = arith.constant 7 : i32
    %and3A_33 = vector.broadcast %and3A_32 : i32 to vector<16xi32>
    %and3A_34 = arith.andi %add3A_31, %and3A_33 : vector<16xi32>
    %add3A_35 = arith.constant 32 : i32
    %add3A_36 = vector.broadcast %add3A_35 : i32 to vector<16xi32>
    %add3A_37 = arith.addi %iota3A, %add3A_36 : vector<16xi32>
    %and3A_38 = arith.constant 7 : i32
    %and3A_39 = vector.broadcast %and3A_38 : i32 to vector<16xi32>
    %and3A_40 = arith.andi %add3A_37, %and3A_39 : vector<16xi32>
    %add3A_41 = arith.constant 48 : i32
    %add3A_42 = vector.broadcast %add3A_41 : i32 to vector<16xi32>
    %add3A_43 = arith.addi %iota3A, %add3A_42 : vector<16xi32>
    %and3A_44 = arith.constant 7 : i32
    %and3A_45 = vector.broadcast %and3A_44 : i32 to vector<16xi32>
    %and3A_46 = arith.andi %add3A_43, %and3A_45 : vector<16xi32>
    %dma_start3A = arith.constant 0 : i32
    %dma_start3A_47 = arith.constant 0 : i32
    %dma_start3A_48 = tpu.memref_slice %arg5[%dma_start3A, %dma_start3A_47] : memref<200x128xi32, #tpu.memory_space<vmem>> -> memref<1x128xi32, #tpu.memory_space<vmem>>
    %dma_start3A_49 = tpu.memref_squeeze %dma_start3A_48 : memref<1x128xi32, #tpu.memory_space<vmem>> -> memref<128xi32, #tpu.memory_space<vmem>>
    %dma_start3A_50 = arith.constant 0 : i32
    %dma_start3A_51 = arith.constant 0 : i32
    %dma_start3A_52 = tpu.memref_slice %arg3[%dma_start3A_50, %dma_start3A_51] : memref<100000x64xf32, #tpu.memory_space<hbm>> -> memref<100000x64xf32, #tpu.memory_space<hbm>>
    tpu.enqueue_indirect_dma source(%dma_start3A_52 : memref<100000x64xf32, #tpu.memory_space<hbm>>) target(%arg6 : memref<128x64xf32, #tpu.memory_space<vmem>>) offsets(%dma_start3A_49 : memref<128xi32, #tpu.memory_space<vmem>>) semaphore(%arg14 : memref<!tpu.dma_semaphore, #tpu.memory_space<semaphore_mem>>)
    %dma_start3A_53 = arith.constant 1 : i32
    %dma_start3A_54 = arith.constant 0 : i32
    %dma_start3A_55 = tpu.memref_slice %arg5[%dma_start3A_53, %dma_start3A_54] : memref<200x128xi32, #tpu.memory_space<vmem>> -> memref<1x128xi32, #tpu.memory_space<vmem>>
    %dma_start3A_56 = tpu.memref_squeeze %dma_start3A_55 : memref<1x128xi32, #tpu.memory_space<vmem>> -> memref<128xi32, #tpu.memory_space<vmem>>
    %dma_start3A_57 = arith.constant 0 : i32
    %dma_start3A_58 = arith.constant 0 : i32
    %dma_start3A_59 = tpu.memref_slice %arg3[%dma_start3A_57, %dma_start3A_58] : memref<100000x64xf32, #tpu.memory_space<hbm>> -> memref<100000x64xf32, #tpu.memory_space<hbm>>
    tpu.enqueue_indirect_dma source(%dma_start3A_59 : memref<100000x64xf32, #tpu.memory_space<hbm>>) target(%arg7 : memref<128x64xf32, #tpu.memory_space<vmem>>) offsets(%dma_start3A_56 : memref<128xi32, #tpu.memory_space<vmem>>) semaphore(%arg15 : memref<!tpu.dma_semaphore, #tpu.memory_space<semaphore_mem>>)
    %dma_start3A_60 = arith.constant 2 : i32
    %dma_start3A_61 = arith.constant 0 : i32
    %dma_start3A_62 = tpu.memref_slice %arg5[%dma_start3A_60, %dma_start3A_61] : memref<200x128xi32, #tpu.memory_space<vmem>> -> memref<1x128xi32, #tpu.memory_space<vmem>>
    %dma_start3A_63 = tpu.memref_squeeze %dma_start3A_62 : memref<1x128xi32, #tpu.memory_space<vmem>> -> memref<128xi32, #tpu.memory_space<vmem>>
    %dma_start3A_64 = arith.constant 0 : i32
    %dma_start3A_65 = arith.constant 0 : i32
    %dma_start3A_66 = tpu.memref_slice %arg3[%dma_start3A_64, %dma_start3A_65] : memref<100000x64xf32, #tpu.memory_space<hbm>> -> memref<100000x64xf32, #tpu.memory_space<hbm>>
    tpu.enqueue_indirect_dma source(%dma_start3A_66 : memref<100000x64xf32, #tpu.memory_space<hbm>>) target(%arg8 : memref<128x64xf32, #tpu.memory_space<vmem>>) offsets(%dma_start3A_63 : memref<128xi32, #tpu.memory_space<vmem>>) semaphore(%arg16 : memref<!tpu.dma_semaphore, #tpu.memory_space<semaphore_mem>>)
    %dma_start3A_67 = arith.constant 3 : i32
    %dma_start3A_68 = arith.constant 0 : i32
    %dma_start3A_69 = tpu.memref_slice %arg5[%dma_start3A_67, %dma_start3A_68] : memref<200x128xi32, #tpu.memory_space<vmem>> -> memref<1x128xi32, #tpu.memory_space<vmem>>
    %dma_start3A_70 = tpu.memref_squeeze %dma_start3A_69 : memref<1x128xi32, #tpu.memory_space<vmem>> -> memref<128xi32, #tpu.memory_space<vmem>>
    %dma_start3A_71 = arith.constant 0 : i32
    %dma_start3A_72 = arith.constant 0 : i32
    %dma_start3A_73 = tpu.memref_slice %arg3[%dma_start3A_71, %dma_start3A_72] : memref<100000x64xf32, #tpu.memory_space<hbm>> -> memref<100000x64xf32, #tpu.memory_space<hbm>>
    tpu.enqueue_indirect_dma source(%dma_start3A_73 : memref<100000x64xf32, #tpu.memory_space<hbm>>) target(%arg9 : memref<128x64xf32, #tpu.memory_space<vmem>>) offsets(%dma_start3A_70 : memref<128xi32, #tpu.memory_space<vmem>>) semaphore(%arg17 : memref<!tpu.dma_semaphore, #tpu.memory_space<semaphore_mem>>)
    %dma_wait3A = arith.constant 0 : i32
    %dma_wait3A_74 = arith.constant 0 : i32
    %dma_wait3A_75 = tpu.memref_slice %arg5[%dma_wait3A, %dma_wait3A_74] : memref<200x128xi32, #tpu.memory_space<vmem>> -> memref<1x128xi32, #tpu.memory_space<vmem>>
    %dma_wait3A_76 = tpu.memref_squeeze %dma_wait3A_75 : memref<1x128xi32, #tpu.memory_space<vmem>> -> memref<128xi32, #tpu.memory_space<vmem>>
    %dma_wait3A_77 = arith.constant 0 : i32
    %dma_wait3A_78 = arith.constant 0 : i32
    %dma_wait3A_79 = tpu.memref_slice %arg3[%dma_wait3A_77, %dma_wait3A_78] : memref<100000x64xf32, #tpu.memory_space<hbm>> -> memref<100000x64xf32, #tpu.memory_space<hbm>>
    tpu.wait_indirect_dma semaphore(%arg14 : memref<!tpu.dma_semaphore, #tpu.memory_space<semaphore_mem>>) src(%dma_wait3A_79 : memref<100000x64xf32, #tpu.memory_space<hbm>>) dst(%arg6 : memref<128x64xf32, #tpu.memory_space<vmem>>)
    %parallel_loop3A = arith.constant 0 : i32
    %parallel_loop3A_80 = arith.constant 128 : i32
    %parallel_loop3A_81 = arith.constant 1 : i32
    scf.for %parallel_loop3A_488 = %parallel_loop3A to %parallel_loop3A_80 step %parallel_loop3A_81  : i32 {
      %parallel_loop3A_489 = vector.broadcast %parallel_loop3A_488 : i32 to vector<16xi32>
      %parallel_loop3A_490 = arith.index_cast %parallel_loop3A_488 : i32 to index
      %parallel_loop3A_491 = arith.constant 0 : index
      %parallel_loop3A_492 = tpu.vector_load %arg6[%parallel_loop3A_490, %parallel_loop3A_491] {strides = array<i32>} : memref<128x64xf32, #tpu.memory_space<vmem>>, vector<16xf32>,
      tpu.vector_store_idx %arg10[%shift_right_arithmetic3A_5, %and3A_28, %parallel_loop3A_489], %parallel_loop3A_492 : memref<8x8x129xf32, #tpu.memory_space<vmem>>[vector<16xi32>, vector<16xi32>, vector<16xi32>], vector<16xf32>,
      %parallel_loop3A_493 = arith.index_cast %parallel_loop3A_488 : i32 to index
      %parallel_loop3A_494 = arith.constant 16 : index
      %parallel_loop3A_495 = tpu.vector_load %arg6[%parallel_loop3A_493, %parallel_loop3A_494] {strides = array<i32>} : memref<128x64xf32, #tpu.memory_space<vmem>>, vector<16xf32>,
      tpu.vector_store_idx %arg10[%shift_right_arithmetic3A_11, %and3A_34, %parallel_loop3A_489], %parallel_loop3A_495 : memref<8x8x129xf32, #tpu.memory_space<vmem>>[vector<16xi32>, vector<16xi32>, vector<16xi32>], vector<16xf32>,
      %parallel_loop3A_496 = arith.index_cast %parallel_loop3A_488 : i32 to index
      %parallel_loop3A_497 = arith.constant 32 : index
      %parallel_loop3A_498 = tpu.vector_load %arg6[%parallel_loop3A_496, %parallel_loop3A_497] {strides = array<i32>} : memref<128x64xf32, #tpu.memory_space<vmem>>, vector<16xf32>,
      tpu.vector_store_idx %arg10[%shift_right_arithmetic3A_17, %and3A_40, %parallel_loop3A_489], %parallel_loop3A_498 : memref<8x8x129xf32, #tpu.memory_space<vmem>>[vector<16xi32>, vector<16xi32>, vector<16xi32>], vector<16xf32>,
      %parallel_loop3A_499 = arith.index_cast %parallel_loop3A_488 : i32 to index
      %parallel_loop3A_500 = arith.constant 48 : index
      %parallel_loop3A_501 = tpu.vector_load %arg6[%parallel_loop3A_499, %parallel_loop3A_500] {strides = array<i32>} : memref<128x64xf32, #tpu.memory_space<vmem>>, vector<16xf32>,
      tpu.vector_store_idx %arg10[%shift_right_arithmetic3A_23, %and3A_46, %parallel_loop3A_489], %parallel_loop3A_501 : memref<8x8x129xf32, #tpu.memory_space<vmem>>[vector<16xi32>, vector<16xi32>, vector<16xi32>], vector<16xf32>,
    } {sc.loop_unroll_factor = 4 : i64, sc.parallel_access}
    %dma_start3A_82 = arith.constant 0 : i32
    %dma_start3A_83 = arith.constant 0 : i32
    %dma_start3A_84 = arith.constant 0 : i32
    %dma_start3A_85 = arith.constant 0 : i32
    %dma_start3A_86 = tpu.memref_slice %arg10[%dma_start3A_83, %dma_start3A_84, %dma_start3A_85] : memref<8x8x129xf32, #tpu.memory_space<vmem>> -> memref<8x8x128xf32, #tpu.memory_space<vmem>>
    %dma_start3A_87 = arith.constant 0 : i32
    %dma_start3A_88 = arith.constant 0 : i32
    %dma_start3A_89 = arith.constant 0 : i32
    %dma_start3A_90 = tpu.memref_slice %arg4[%dma_start3A_82, %dma_start3A_87, %add3A, %dma_start3A_88, %dma_start3A_89] : memref<200x8x32x8x128xf32, #tpu.memory_space<hbm>> -> memref<1x8x1x8x128xf32, #tpu.memory_space<hbm>>
    %dma_start3A_91 = tpu.memref_squeeze %dma_start3A_90 : memref<1x8x1x8x128xf32, #tpu.memory_space<hbm>> -> memref<8x8x128xf32, #tpu.memory_space<hbm>>
    %dma_start3A_92 = arith.constant 0 : i32
    %dma_start3A_93 = arith.constant 0 : i32
    %dma_start3A_94 = arith.constant 0 : i32
    %dma_start3A_95 = tpu.memref_slice %arg4[%dma_start3A_82, %dma_start3A_92, %add3A, %dma_start3A_93, %dma_start3A_94] : memref<200x8x32x8x128xf32, #tpu.memory_space<hbm>> -> memref<1x8x1x8x128xf32, #tpu.memory_space<hbm>>
    %dma_start3A_96 = tpu.memref_squeeze %dma_start3A_95 : memref<1x8x1x8x128xf32, #tpu.memory_space<hbm>> -> memref<8x8x128xf32, #tpu.memory_space<hbm>>
    %dma_start3A_97 = arith.constant 0 : i32
    %dma_start3A_98 = arith.constant 0 : i32
    %dma_start3A_99 = arith.constant 0 : i32
    %dma_start3A_100 = tpu.memref_slice %arg10[%dma_start3A_97, %dma_start3A_98, %dma_start3A_99] : memref<8x8x129xf32, #tpu.memory_space<vmem>> -> memref<8x8x128xf32, #tpu.memory_space<vmem>>
    tpu.enqueue_dma source(%dma_start3A_100 : memref<8x8x128xf32, #tpu.memory_space<vmem>>) target(%dma_start3A_96 : memref<8x8x128xf32, #tpu.memory_space<hbm>>) target_semaphore(%arg18 : memref<!tpu.dma_semaphore, #tpu.memory_space<semaphore_mem>>)
    %dma_start3A_101 = arith.constant 4 : i32
    %dma_start3A_102 = arith.constant 0 : i32
    %dma_start3A_103 = tpu.memref_slice %arg5[%dma_start3A_101, %dma_start3A_102] : memref<200x128xi32, #tpu.memory_space<vmem>> -> memref<1x128xi32, #tpu.memory_space<vmem>>
    %dma_start3A_104 = tpu.memref_squeeze %dma_start3A_103 : memref<1x128xi32, #tpu.memory_space<vmem>> -> memref<128xi32, #tpu.memory_space<vmem>>
    %dma_start3A_105 = arith.constant 0 : i32
    %dma_start3A_106 = arith.constant 0 : i32
    %dma_start3A_107 = tpu.memref_slice %arg3[%dma_start3A_105, %dma_start3A_106] : memref<100000x64xf32, #tpu.memory_space<hbm>> -> memref<100000x64xf32, #tpu.memory_space<hbm>>
    tpu.enqueue_indirect_dma source(%dma_start3A_107 : memref<100000x64xf32, #tpu.memory_space<hbm>>) target(%arg6 : memref<128x64xf32, #tpu.memory_space<vmem>>) offsets(%dma_start3A_104 : memref<128xi32, #tpu.memory_space<vmem>>) semaphore(%arg14 : memref<!tpu.dma_semaphore, #tpu.memory_space<semaphore_mem>>)
    %dma_wait3A_108 = arith.constant 1 : i32
    %dma_wait3A_109 = arith.constant 0 : i32
    %dma_wait3A_110 = tpu.memref_slice %arg5[%dma_wait3A_108, %dma_wait3A_109] : memref<200x128xi32, #tpu.memory_space<vmem>> -> memref<1x128xi32, #tpu.memory_space<vmem>>
    %dma_wait3A_111 = tpu.memref_squeeze %dma_wait3A_110 : memref<1x128xi32, #tpu.memory_space<vmem>> -> memref<128xi32, #tpu.memory_space<vmem>>
    %dma_wait3A_112 = arith.constant 0 : i32
    %dma_wait3A_113 = arith.constant 0 : i32
    %dma_wait3A_114 = tpu.memref_slice %arg3[%dma_wait3A_112, %dma_wait3A_113] : memref<100000x64xf32, #tpu.memory_space<hbm>> -> memref<100000x64xf32, #tpu.memory_space<hbm>>
    tpu.wait_indirect_dma semaphore(%arg15 : memref<!tpu.dma_semaphore, #tpu.memory_space<semaphore_mem>>) src(%dma_wait3A_114 : memref<100000x64xf32, #tpu.memory_space<hbm>>) dst(%arg7 : memref<128x64xf32, #tpu.memory_space<vmem>>)
    %parallel_loop3A_115 = arith.constant 0 : i32
    %parallel_loop3A_116 = arith.constant 128 : i32
    %parallel_loop3A_117 = arith.constant 1 : i32
    scf.for %parallel_loop3A_488 = %parallel_loop3A_115 to %parallel_loop3A_116 step %parallel_loop3A_117  : i32 {
      %parallel_loop3A_489 = vector.broadcast %parallel_loop3A_488 : i32 to vector<16xi32>
      %parallel_loop3A_490 = arith.index_cast %parallel_loop3A_488 : i32 to index
      %parallel_loop3A_491 = arith.constant 0 : index
      %parallel_loop3A_492 = tpu.vector_load %arg7[%parallel_loop3A_490, %parallel_loop3A_491] {strides = array<i32>} : memref<128x64xf32, #tpu.memory_space<vmem>>, vector<16xf32>,
      tpu.vector_store_idx %arg11[%shift_right_arithmetic3A_5, %and3A_28, %parallel_loop3A_489], %parallel_loop3A_492 : memref<8x8x129xf32, #tpu.memory_space<vmem>>[vector<16xi32>, vector<16xi32>, vector<16xi32>], vector<16xf32>,
      %parallel_loop3A_493 = arith.index_cast %parallel_loop3A_488 : i32 to index
      %parallel_loop3A_494 = arith.constant 16 : index
      %parallel_loop3A_495 = tpu.vector_load %arg7[%parallel_loop3A_493, %parallel_loop3A_494] {strides = array<i32>} : memref<128x64xf32, #tpu.memory_space<vmem>>, vector<16xf32>,
      tpu.vector_store_idx %arg11[%shift_right_arithmetic3A_11, %and3A_34, %parallel_loop3A_489], %parallel_loop3A_495 : memref<8x8x129xf32, #tpu.memory_space<vmem>>[vector<16xi32>, vector<16xi32>, vector<16xi32>], vector<16xf32>,
      %parallel_loop3A_496 = arith.index_cast %parallel_loop3A_488 : i32 to index
      %parallel_loop3A_497 = arith.constant 32 : index
      %parallel_loop3A_498 = tpu.vector_load %arg7[%parallel_loop3A_496, %parallel_loop3A_497] {strides = array<i32>} : memref<128x64xf32, #tpu.memory_space<vmem>>, vector<16xf32>,
      tpu.vector_store_idx %arg11[%shift_right_arithmetic3A_17, %and3A_40, %parallel_loop3A_489], %parallel_loop3A_498 : memref<8x8x129xf32, #tpu.memory_space<vmem>>[vector<16xi32>, vector<16xi32>, vector<16xi32>], vector<16xf32>,
      %parallel_loop3A_499 = arith.index_cast %parallel_loop3A_488 : i32 to index
      %parallel_loop3A_500 = arith.constant 48 : index
      %parallel_loop3A_501 = tpu.vector_load %arg7[%parallel_loop3A_499, %parallel_loop3A_500] {strides = array<i32>} : memref<128x64xf32, #tpu.memory_space<vmem>>, vector<16xf32>,
      tpu.vector_store_idx %arg11[%shift_right_arithmetic3A_23, %and3A_46, %parallel_loop3A_489], %parallel_loop3A_501 : memref<8x8x129xf32, #tpu.memory_space<vmem>>[vector<16xi32>, vector<16xi32>, vector<16xi32>], vector<16xf32>,
    } {sc.loop_unroll_factor = 4 : i64, sc.parallel_access}
    %dma_start3A_118 = arith.constant 1 : i32
    %dma_start3A_119 = arith.constant 0 : i32
    %dma_start3A_120 = arith.constant 0 : i32
    %dma_start3A_121 = arith.constant 0 : i32
    %dma_start3A_122 = tpu.memref_slice %arg11[%dma_start3A_119, %dma_start3A_120, %dma_start3A_121] : memref<8x8x129xf32, #tpu.memory_space<vmem>> -> memref<8x8x128xf32, #tpu.memory_space<vmem>>
    %dma_start3A_123 = arith.constant 0 : i32
    %dma_start3A_124 = arith.constant 0 : i32
    %dma_start3A_125 = arith.constant 0 : i32
    %dma_start3A_126 = tpu.memref_slice %arg4[%dma_start3A_118, %dma_start3A_123, %add3A, %dma_start3A_124, %dma_start3A_125] : memref<200x8x32x8x128xf32, #tpu.memory_space<hbm>> -> memref<1x8x1x8x128xf32, #tpu.memory_space<hbm>>
    %dma_start3A_127 = tpu.memref_squeeze %dma_start3A_126 : memref<1x8x1x8x128xf32, #tpu.memory_space<hbm>> -> memref<8x8x128xf32, #tpu.memory_space<hbm>>
    %dma_start3A_128 = arith.constant 0 : i32
    %dma_start3A_129 = arith.constant 0 : i32
    %dma_start3A_130 = arith.constant 0 : i32
    %dma_start3A_131 = tpu.memref_slice %arg4[%dma_start3A_118, %dma_start3A_128, %add3A, %dma_start3A_129, %dma_start3A_130] : memref<200x8x32x8x128xf32, #tpu.memory_space<hbm>> -> memref<1x8x1x8x128xf32, #tpu.memory_space<hbm>>
    %dma_start3A_132 = tpu.memref_squeeze %dma_start3A_131 : memref<1x8x1x8x128xf32, #tpu.memory_space<hbm>> -> memref<8x8x128xf32, #tpu.memory_space<hbm>>
    %dma_start3A_133 = arith.constant 0 : i32
    %dma_start3A_134 = arith.constant 0 : i32
    %dma_start3A_135 = arith.constant 0 : i32
    %dma_start3A_136 = tpu.memref_slice %arg11[%dma_start3A_133, %dma_start3A_134, %dma_start3A_135] : memref<8x8x129xf32, #tpu.memory_space<vmem>> -> memref<8x8x128xf32, #tpu.memory_space<vmem>>
    tpu.enqueue_dma source(%dma_start3A_136 : memref<8x8x128xf32, #tpu.memory_space<vmem>>) target(%dma_start3A_132 : memref<8x8x128xf32, #tpu.memory_space<hbm>>) target_semaphore(%arg19 : memref<!tpu.dma_semaphore, #tpu.memory_space<semaphore_mem>>)
    %dma_start3A_137 = arith.constant 5 : i32
    %dma_start3A_138 = arith.constant 0 : i32
    %dma_start3A_139 = tpu.memref_slice %arg5[%dma_start3A_137, %dma_start3A_138] : memref<200x128xi32, #tpu.memory_space<vmem>> -> memref<1x128xi32, #tpu.memory_space<vmem>>
    %dma_start3A_140 = tpu.memref_squeeze %dma_start3A_139 : memref<1x128xi32, #tpu.memory_space<vmem>> -> memref<128xi32, #tpu.memory_space<vmem>>
    %dma_start3A_141 = arith.constant 0 : i32
    %dma_start3A_142 = arith.constant 0 : i32
    %dma_start3A_143 = tpu.memref_slice %arg3[%dma_start3A_141, %dma_start3A_142] : memref<100000x64xf32, #tpu.memory_space<hbm>> -> memref<100000x64xf32, #tpu.memory_space<hbm>>
    tpu.enqueue_indirect_dma source(%dma_start3A_143 : memref<100000x64xf32, #tpu.memory_space<hbm>>) target(%arg7 : memref<128x64xf32, #tpu.memory_space<vmem>>) offsets(%dma_start3A_140 : memref<128xi32, #tpu.memory_space<vmem>>) semaphore(%arg15 : memref<!tpu.dma_semaphore, #tpu.memory_space<semaphore_mem>>)
    %dma_wait3A_144 = arith.constant 2 : i32
    %dma_wait3A_145 = arith.constant 0 : i32
    %dma_wait3A_146 = tpu.memref_slice %arg5[%dma_wait3A_144, %dma_wait3A_145] : memref<200x128xi32, #tpu.memory_space<vmem>> -> memref<1x128xi32, #tpu.memory_space<vmem>>
    %dma_wait3A_147 = tpu.memref_squeeze %dma_wait3A_146 : memref<1x128xi32, #tpu.memory_space<vmem>> -> memref<128xi32, #tpu.memory_space<vmem>>
    %dma_wait3A_148 = arith.constant 0 : i32
    %dma_wait3A_149 = arith.constant 0 : i32
    %dma_wait3A_150 = tpu.memref_slice %arg3[%dma_wait3A_148, %dma_wait3A_149] : memref<100000x64xf32, #tpu.memory_space<hbm>> -> memref<100000x64xf32, #tpu.memory_space<hbm>>
    tpu.wait_indirect_dma semaphore(%arg16 : memref<!tpu.dma_semaphore, #tpu.memory_space<semaphore_mem>>) src(%dma_wait3A_150 : memref<100000x64xf32, #tpu.memory_space<hbm>>) dst(%arg8 : memref<128x64xf32, #tpu.memory_space<vmem>>)
    %parallel_loop3A_151 = arith.constant 0 : i32
    %parallel_loop3A_152 = arith.constant 128 : i32
    %parallel_loop3A_153 = arith.constant 1 : i32
    scf.for %parallel_loop3A_488 = %parallel_loop3A_151 to %parallel_loop3A_152 step %parallel_loop3A_153  : i32 {
      %parallel_loop3A_489 = vector.broadcast %parallel_loop3A_488 : i32 to vector<16xi32>
      %parallel_loop3A_490 = arith.index_cast %parallel_loop3A_488 : i32 to index
      %parallel_loop3A_491 = arith.constant 0 : index
      %parallel_loop3A_492 = tpu.vector_load %arg8[%parallel_loop3A_490, %parallel_loop3A_491] {strides = array<i32>} : memref<128x64xf32, #tpu.memory_space<vmem>>, vector<16xf32>,
      tpu.vector_store_idx %arg12[%shift_right_arithmetic3A_5, %and3A_28, %parallel_loop3A_489], %parallel_loop3A_492 : memref<8x8x129xf32, #tpu.memory_space<vmem>>[vector<16xi32>, vector<16xi32>, vector<16xi32>], vector<16xf32>,
      %parallel_loop3A_493 = arith.index_cast %parallel_loop3A_488 : i32 to index
      %parallel_loop3A_494 = arith.constant 16 : index
      %parallel_loop3A_495 = tpu.vector_load %arg8[%parallel_loop3A_493, %parallel_loop3A_494] {strides = array<i32>} : memref<128x64xf32, #tpu.memory_space<vmem>>, vector<16xf32>,
      tpu.vector_store_idx %arg12[%shift_right_arithmetic3A_11, %and3A_34, %parallel_loop3A_489], %parallel_loop3A_495 : memref<8x8x129xf32, #tpu.memory_space<vmem>>[vector<16xi32>, vector<16xi32>, vector<16xi32>], vector<16xf32>,
      %parallel_loop3A_496 = arith.index_cast %parallel_loop3A_488 : i32 to index
      %parallel_loop3A_497 = arith.constant 32 : index
      %parallel_loop3A_498 = tpu.vector_load %arg8[%parallel_loop3A_496, %parallel_loop3A_497] {strides = array<i32>} : memref<128x64xf32, #tpu.memory_space<vmem>>, vector<16xf32>,
      tpu.vector_store_idx %arg12[%shift_right_arithmetic3A_17, %and3A_40, %parallel_loop3A_489], %parallel_loop3A_498 : memref<8x8x129xf32, #tpu.memory_space<vmem>>[vector<16xi32>, vector<16xi32>, vector<16xi32>], vector<16xf32>,
      %parallel_loop3A_499 = arith.index_cast %parallel_loop3A_488 : i32 to index
      %parallel_loop3A_500 = arith.constant 48 : index
      %parallel_loop3A_501 = tpu.vector_load %arg8[%parallel_loop3A_499, %parallel_loop3A_500] {strides = array<i32>} : memref<128x64xf32, #tpu.memory_space<vmem>>, vector<16xf32>,
      tpu.vector_store_idx %arg12[%shift_right_arithmetic3A_23, %and3A_46, %parallel_loop3A_489], %parallel_loop3A_501 : memref<8x8x129xf32, #tpu.memory_space<vmem>>[vector<16xi32>, vector<16xi32>, vector<16xi32>], vector<16xf32>,
    } {sc.loop_unroll_factor = 4 : i64, sc.parallel_access}
    %dma_start3A_154 = arith.constant 2 : i32
    %dma_start3A_155 = arith.constant 0 : i32
    %dma_start3A_156 = arith.constant 0 : i32
    %dma_start3A_157 = arith.constant 0 : i32
    %dma_start3A_158 = tpu.memref_slice %arg12[%dma_start3A_155, %dma_start3A_156, %dma_start3A_157] : memref<8x8x129xf32, #tpu.memory_space<vmem>> -> memref<8x8x128xf32, #tpu.memory_space<vmem>>
    %dma_start3A_159 = arith.constant 0 : i32
    %dma_start3A_160 = arith.constant 0 : i32
    %dma_start3A_161 = arith.constant 0 : i32
    %dma_start3A_162 = tpu.memref_slice %arg4[%dma_start3A_154, %dma_start3A_159, %add3A, %dma_start3A_160, %dma_start3A_161] : memref<200x8x32x8x128xf32, #tpu.memory_space<hbm>> -> memref<1x8x1x8x128xf32, #tpu.memory_space<hbm>>
    %dma_start3A_163 = tpu.memref_squeeze %dma_start3A_162 : memref<1x8x1x8x128xf32, #tpu.memory_space<hbm>> -> memref<8x8x128xf32, #tpu.memory_space<hbm>>
    %dma_start3A_164 = arith.constant 0 : i32
    %dma_start3A_165 = arith.constant 0 : i32
    %dma_start3A_166 = arith.constant 0 : i32
    %dma_start3A_167 = tpu.memref_slice %arg4[%dma_start3A_154, %dma_start3A_164, %add3A, %dma_start3A_165, %dma_start3A_166] : memref<200x8x32x8x128xf32, #tpu.memory_space<hbm>> -> memref<1x8x1x8x128xf32, #tpu.memory_space<hbm>>
    %dma_start3A_168 = tpu.memref_squeeze %dma_start3A_167 : memref<1x8x1x8x128xf32, #tpu.memory_space<hbm>> -> memref<8x8x128xf32, #tpu.memory_space<hbm>>
    %dma_start3A_169 = arith.constant 0 : i32
    %dma_start3A_170 = arith.constant 0 : i32
    %dma_start3A_171 = arith.constant 0 : i32
    %dma_start3A_172 = tpu.memref_slice %arg12[%dma_start3A_169, %dma_start3A_170, %dma_start3A_171] : memref<8x8x129xf32, #tpu.memory_space<vmem>> -> memref<8x8x128xf32, #tpu.memory_space<vmem>>
    tpu.enqueue_dma source(%dma_start3A_172 : memref<8x8x128xf32, #tpu.memory_space<vmem>>) target(%dma_start3A_168 : memref<8x8x128xf32, #tpu.memory_space<hbm>>) target_semaphore(%arg20 : memref<!tpu.dma_semaphore, #tpu.memory_space<semaphore_mem>>)
    %dma_start3A_173 = arith.constant 6 : i32
    %dma_start3A_174 = arith.constant 0 : i32
    %dma_start3A_175 = tpu.memref_slice %arg5[%dma_start3A_173, %dma_start3A_174] : memref<200x128xi32, #tpu.memory_space<vmem>> -> memref<1x128xi32, #tpu.memory_space<vmem>>
    %dma_start3A_176 = tpu.memref_squeeze %dma_start3A_175 : memref<1x128xi32, #tpu.memory_space<vmem>> -> memref<128xi32, #tpu.memory_space<vmem>>
    %dma_start3A_177 = arith.constant 0 : i32
    %dma_start3A_178 = arith.constant 0 : i32
    %dma_start3A_179 = tpu.memref_slice %arg3[%dma_start3A_177, %dma_start3A_178] : memref<100000x64xf32, #tpu.memory_space<hbm>> -> memref<100000x64xf32, #tpu.memory_space<hbm>>
    tpu.enqueue_indirect_dma source(%dma_start3A_179 : memref<100000x64xf32, #tpu.memory_space<hbm>>) target(%arg8 : memref<128x64xf32, #tpu.memory_space<vmem>>) offsets(%dma_start3A_176 : memref<128xi32, #tpu.memory_space<vmem>>) semaphore(%arg16 : memref<!tpu.dma_semaphore, #tpu.memory_space<semaphore_mem>>)
    %dma_wait3A_180 = arith.constant 3 : i32
    %dma_wait3A_181 = arith.constant 0 : i32
    %dma_wait3A_182 = tpu.memref_slice %arg5[%dma_wait3A_180, %dma_wait3A_181] : memref<200x128xi32, #tpu.memory_space<vmem>> -> memref<1x128xi32, #tpu.memory_space<vmem>>
    %dma_wait3A_183 = tpu.memref_squeeze %dma_wait3A_182 : memref<1x128xi32, #tpu.memory_space<vmem>> -> memref<128xi32, #tpu.memory_space<vmem>>
    %dma_wait3A_184 = arith.constant 0 : i32
    %dma_wait3A_185 = arith.constant 0 : i32
    %dma_wait3A_186 = tpu.memref_slice %arg3[%dma_wait3A_184, %dma_wait3A_185] : memref<100000x64xf32, #tpu.memory_space<hbm>> -> memref<100000x64xf32, #tpu.memory_space<hbm>>
    tpu.wait_indirect_dma semaphore(%arg17 : memref<!tpu.dma_semaphore, #tpu.memory_space<semaphore_mem>>) src(%dma_wait3A_186 : memref<100000x64xf32, #tpu.memory_space<hbm>>) dst(%arg9 : memref<128x64xf32, #tpu.memory_space<vmem>>)
    %parallel_loop3A_187 = arith.constant 0 : i32
    %parallel_loop3A_188 = arith.constant 128 : i32
    %parallel_loop3A_189 = arith.constant 1 : i32
    scf.for %parallel_loop3A_488 = %parallel_loop3A_187 to %parallel_loop3A_188 step %parallel_loop3A_189  : i32 {
      %parallel_loop3A_489 = vector.broadcast %parallel_loop3A_488 : i32 to vector<16xi32>
      %parallel_loop3A_490 = arith.index_cast %parallel_loop3A_488 : i32 to index
      %parallel_loop3A_491 = arith.constant 0 : index
      %parallel_loop3A_492 = tpu.vector_load %arg9[%parallel_loop3A_490, %parallel_loop3A_491] {strides = array<i32>} : memref<128x64xf32, #tpu.memory_space<vmem>>, vector<16xf32>,
      tpu.vector_store_idx %arg13[%shift_right_arithmetic3A_5, %and3A_28, %parallel_loop3A_489], %parallel_loop3A_492 : memref<8x8x129xf32, #tpu.memory_space<vmem>>[vector<16xi32>, vector<16xi32>, vector<16xi32>], vector<16xf32>,
      %parallel_loop3A_493 = arith.index_cast %parallel_loop3A_488 : i32 to index
      %parallel_loop3A_494 = arith.constant 16 : index
      %parallel_loop3A_495 = tpu.vector_load %arg9[%parallel_loop3A_493, %parallel_loop3A_494] {strides = array<i32>} : memref<128x64xf32, #tpu.memory_space<vmem>>, vector<16xf32>,
      tpu.vector_store_idx %arg13[%shift_right_arithmetic3A_11, %and3A_34, %parallel_loop3A_489], %parallel_loop3A_495 : memref<8x8x129xf32, #tpu.memory_space<vmem>>[vector<16xi32>, vector<16xi32>, vector<16xi32>], vector<16xf32>,
      %parallel_loop3A_496 = arith.index_cast %parallel_loop3A_488 : i32 to index
      %parallel_loop3A_497 = arith.constant 32 : index
      %parallel_loop3A_498 = tpu.vector_load %arg9[%parallel_loop3A_496, %parallel_loop3A_497] {strides = array<i32>} : memref<128x64xf32, #tpu.memory_space<vmem>>, vector<16xf32>,
      tpu.vector_store_idx %arg13[%shift_right_arithmetic3A_17, %and3A_40, %parallel_loop3A_489], %parallel_loop3A_498 : memref<8x8x129xf32, #tpu.memory_space<vmem>>[vector<16xi32>, vector<16xi32>, vector<16xi32>], vector<16xf32>,
      %parallel_loop3A_499 = arith.index_cast %parallel_loop3A_488 : i32 to index
      %parallel_loop3A_500 = arith.constant 48 : index
      %parallel_loop3A_501 = tpu.vector_load %arg9[%parallel_loop3A_499, %parallel_loop3A_500] {strides = array<i32>} : memref<128x64xf32, #tpu.memory_space<vmem>>, vector<16xf32>,
      tpu.vector_store_idx %arg13[%shift_right_arithmetic3A_23, %and3A_46, %parallel_loop3A_489], %parallel_loop3A_501 : memref<8x8x129xf32, #tpu.memory_space<vmem>>[vector<16xi32>, vector<16xi32>, vector<16xi32>], vector<16xf32>,
    } {sc.loop_unroll_factor = 4 : i64, sc.parallel_access}
    %dma_start3A_190 = arith.constant 3 : i32
    %dma_start3A_191 = arith.constant 0 : i32
    %dma_start3A_192 = arith.constant 0 : i32
    %dma_start3A_193 = arith.constant 0 : i32
    %dma_start3A_194 = tpu.memref_slice %arg13[%dma_start3A_191, %dma_start3A_192, %dma_start3A_193] : memref<8x8x129xf32, #tpu.memory_space<vmem>> -> memref<8x8x128xf32, #tpu.memory_space<vmem>>
    %dma_start3A_195 = arith.constant 0 : i32
    %dma_start3A_196 = arith.constant 0 : i32
    %dma_start3A_197 = arith.constant 0 : i32
    %dma_start3A_198 = tpu.memref_slice %arg4[%dma_start3A_190, %dma_start3A_195, %add3A, %dma_start3A_196, %dma_start3A_197] : memref<200x8x32x8x128xf32, #tpu.memory_space<hbm>> -> memref<1x8x1x8x128xf32, #tpu.memory_space<hbm>>
    %dma_start3A_199 = tpu.memref_squeeze %dma_start3A_198 : memref<1x8x1x8x128xf32, #tpu.memory_space<hbm>> -> memref<8x8x128xf32, #tpu.memory_space<hbm>>
    %dma_start3A_200 = arith.constant 0 : i32
    %dma_start3A_201 = arith.constant 0 : i32
    %dma_start3A_202 = arith.constant 0 : i32
    %dma_start3A_203 = tpu.memref_slice %arg4[%dma_start3A_190, %dma_start3A_200, %add3A, %dma_start3A_201, %dma_start3A_202] : memref<200x8x32x8x128xf32, #tpu.memory_space<hbm>> -> memref<1x8x1x8x128xf32, #tpu.memory_space<hbm>>
    %dma_start3A_204 = tpu.memref_squeeze %dma_start3A_203 : memref<1x8x1x8x128xf32, #tpu.memory_space<hbm>> -> memref<8x8x128xf32, #tpu.memory_space<hbm>>
    %dma_start3A_205 = arith.constant 0 : i32
    %dma_start3A_206 = arith.constant 0 : i32
    %dma_start3A_207 = arith.constant 0 : i32
    %dma_start3A_208 = tpu.memref_slice %arg13[%dma_start3A_205, %dma_start3A_206, %dma_start3A_207] : memref<8x8x129xf32, #tpu.memory_space<vmem>> -> memref<8x8x128xf32, #tpu.memory_space<vmem>>
    tpu.enqueue_dma source(%dma_start3A_208 : memref<8x8x128xf32, #tpu.memory_space<vmem>>) target(%dma_start3A_204 : memref<8x8x128xf32, #tpu.memory_space<hbm>>) target_semaphore(%arg21 : memref<!tpu.dma_semaphore, #tpu.memory_space<semaphore_mem>>)
    %dma_start3A_209 = arith.constant 7 : i32
    %dma_start3A_210 = arith.constant 0 : i32
    %dma_start3A_211 = tpu.memref_slice %arg5[%dma_start3A_209, %dma_start3A_210] : memref<200x128xi32, #tpu.memory_space<vmem>> -> memref<1x128xi32, #tpu.memory_space<vmem>>
    %dma_start3A_212 = tpu.memref_squeeze %dma_start3A_211 : memref<1x128xi32, #tpu.memory_space<vmem>> -> memref<128xi32, #tpu.memory_space<vmem>>
    %dma_start3A_213 = arith.constant 0 : i32
    %dma_start3A_214 = arith.constant 0 : i32
    %dma_start3A_215 = tpu.memref_slice %arg3[%dma_start3A_213, %dma_start3A_214] : memref<100000x64xf32, #tpu.memory_space<hbm>> -> memref<100000x64xf32, #tpu.memory_space<hbm>>
    tpu.enqueue_indirect_dma source(%dma_start3A_215 : memref<100000x64xf32, #tpu.memory_space<hbm>>) target(%arg9 : memref<128x64xf32, #tpu.memory_space<vmem>>) offsets(%dma_start3A_212 : memref<128xi32, #tpu.memory_space<vmem>>) semaphore(%arg17 : memref<!tpu.dma_semaphore, #tpu.memory_space<semaphore_mem>>)
    %scan3A = arith.constant 0 : i32
    %scan3A_216 = arith.constant 48 : i32
    %scan3A_217 = arith.addi %scan3A, %scan3A_216 : i32
    %scan3A_218 = arith.constant 1 : i32
    scf.for %scan3A_488 = %scan3A to %scan3A_217 step %scan3A_218  : i32 {
      %mul3A_489 = arith.constant 1 : i32
      %mul3A_490 = arith.muli %scan3A_488, %mul3A_489 : i32
      %add3A_491 = arith.constant 1 : i32
      %add3A_492 = arith.addi %add3A_491, %mul3A_490 : i32
      %mul3A_493 = arith.constant 4 : i32
      %mul3A_494 = arith.muli %mul3A_493, %add3A_492 : i32
      %add3A_495 = arith.constant 0 : i32
      %add3A_496 = arith.addi %mul3A_494, %add3A_495 : i32
      %dma_wait3A_497 = arith.constant 0 : i32
      %dma_wait3A_498 = tpu.memref_slice %arg5[%add3A_496, %dma_wait3A_497] : memref<200x128xi32, #tpu.memory_space<vmem>> -> memref<1x128xi32, #tpu.memory_space<vmem>>
      %dma_wait3A_499 = tpu.memref_squeeze %dma_wait3A_498 : memref<1x128xi32, #tpu.memory_space<vmem>> -> memref<128xi32, #tpu.memory_space<vmem>>
      %dma_wait3A_500 = arith.constant 0 : i32
      %dma_wait3A_501 = arith.constant 0 : i32
      %dma_wait3A_502 = tpu.memref_slice %arg3[%dma_wait3A_500, %dma_wait3A_501] : memref<100000x64xf32, #tpu.memory_space<hbm>> -> memref<100000x64xf32, #tpu.memory_space<hbm>>
      tpu.wait_indirect_dma semaphore(%arg14 : memref<!tpu.dma_semaphore, #tpu.memory_space<semaphore_mem>>) src(%dma_wait3A_502 : memref<100000x64xf32, #tpu.memory_space<hbm>>) dst(%arg6 : memref<128x64xf32, #tpu.memory_space<vmem>>)
      %sub3A = arith.constant 4 : i32
      %sub3A_503 = arith.subi %add3A_496, %sub3A : i32
      %dma_wait3A_504 = arith.constant 0 : i32
      %dma_wait3A_505 = arith.constant 0 : i32
      %dma_wait3A_506 = arith.constant 0 : i32
      %dma_wait3A_507 = tpu.memref_slice %arg10[%dma_wait3A_504, %dma_wait3A_505, %dma_wait3A_506] : memref<8x8x129xf32, #tpu.memory_space<vmem>> -> memref<8x8x128xf32, #tpu.memory_space<vmem>>
      %dma_wait3A_508 = arith.constant 0 : i32
      %dma_wait3A_509 = arith.constant 0 : i32
      %dma_wait3A_510 = arith.constant 0 : i32
      %dma_wait3A_511 = tpu.memref_slice %arg4[%sub3A_503, %dma_wait3A_508, %add3A, %dma_wait3A_509, %dma_wait3A_510] : memref<200x8x32x8x128xf32, #tpu.memory_space<hbm>> -> memref<1x8x1x8x128xf32, #tpu.memory_space<hbm>>
      %dma_wait3A_512 = tpu.memref_squeeze %dma_wait3A_511 : memref<1x8x1x8x128xf32, #tpu.memory_space<hbm>> -> memref<8x8x128xf32, #tpu.memory_space<hbm>>
      %dma_wait3A_513 = arith.constant 0 : i32
      %dma_wait3A_514 = arith.constant 0 : i32
      %dma_wait3A_515 = arith.constant 0 : i32
      %dma_wait3A_516 = tpu.memref_slice %arg4[%sub3A_503, %dma_wait3A_513, %add3A, %dma_wait3A_514, %dma_wait3A_515] : memref<200x8x32x8x128xf32, #tpu.memory_space<hbm>> -> memref<1x8x1x8x128xf32, #tpu.memory_space<hbm>>
      %dma_wait3A_517 = tpu.memref_squeeze %dma_wait3A_516 : memref<1x8x1x8x128xf32, #tpu.memory_space<hbm>> -> memref<8x8x128xf32, #tpu.memory_space<hbm>>
      %dma_wait3A_518 = arith.constant 0 : i32
      %dma_wait3A_519 = arith.constant 0 : i32
      %dma_wait3A_520 = arith.constant 0 : i32
      %dma_wait3A_521 = tpu.memref_slice %arg10[%dma_wait3A_518, %dma_wait3A_519, %dma_wait3A_520] : memref<8x8x129xf32, #tpu.memory_space<vmem>> -> memref<8x8x128xf32, #tpu.memory_space<vmem>>
      tpu.wait_dma2 semaphore(%arg18 : memref<!tpu.dma_semaphore, #tpu.memory_space<semaphore_mem>>) src(%dma_wait3A_521 : memref<8x8x128xf32, #tpu.memory_space<vmem>>) dst(%dma_wait3A_517 : memref<8x8x128xf32, #tpu.memory_space<hbm>>)
      %parallel_loop3A_522 = arith.constant 0 : i32
      %parallel_loop3A_523 = arith.constant 128 : i32
      %parallel_loop3A_524 = arith.constant 1 : i32
      scf.for %parallel_loop3A_722 = %parallel_loop3A_522 to %parallel_loop3A_523 step %parallel_loop3A_524  : i32 {
        %parallel_loop3A_723 = vector.broadcast %parallel_loop3A_722 : i32 to vector<16xi32>
        %parallel_loop3A_724 = arith.index_cast %parallel_loop3A_722 : i32 to index
        %parallel_loop3A_725 = arith.constant 0 : index
        %parallel_loop3A_726 = tpu.vector_load %arg6[%parallel_loop3A_724, %parallel_loop3A_725] {strides = array<i32>} : memref<128x64xf32, #tpu.memory_space<vmem>>, vector<16xf32>,
        tpu.vector_store_idx %arg10[%shift_right_arithmetic3A_5, %and3A_28, %parallel_loop3A_723], %parallel_loop3A_726 : memref<8x8x129xf32, #tpu.memory_space<vmem>>[vector<16xi32>, vector<16xi32>, vector<16xi32>], vector<16xf32>,
        %parallel_loop3A_727 = arith.index_cast %parallel_loop3A_722 : i32 to index
        %parallel_loop3A_728 = arith.constant 16 : index
        %parallel_loop3A_729 = tpu.vector_load %arg6[%parallel_loop3A_727, %parallel_loop3A_728] {strides = array<i32>} : memref<128x64xf32, #tpu.memory_space<vmem>>, vector<16xf32>,
        tpu.vector_store_idx %arg10[%shift_right_arithmetic3A_11, %and3A_34, %parallel_loop3A_723], %parallel_loop3A_729 : memref<8x8x129xf32, #tpu.memory_space<vmem>>[vector<16xi32>, vector<16xi32>, vector<16xi32>], vector<16xf32>,
        %parallel_loop3A_730 = arith.index_cast %parallel_loop3A_722 : i32 to index
        %parallel_loop3A_731 = arith.constant 32 : index
        %parallel_loop3A_732 = tpu.vector_load %arg6[%parallel_loop3A_730, %parallel_loop3A_731] {strides = array<i32>} : memref<128x64xf32, #tpu.memory_space<vmem>>, vector<16xf32>,
        tpu.vector_store_idx %arg10[%shift_right_arithmetic3A_17, %and3A_40, %parallel_loop3A_723], %parallel_loop3A_732 : memref<8x8x129xf32, #tpu.memory_space<vmem>>[vector<16xi32>, vector<16xi32>, vector<16xi32>], vector<16xf32>,
        %parallel_loop3A_733 = arith.index_cast %parallel_loop3A_722 : i32 to index
        %parallel_loop3A_734 = arith.constant 48 : index
        %parallel_loop3A_735 = tpu.vector_load %arg6[%parallel_loop3A_733, %parallel_loop3A_734] {strides = array<i32>} : memref<128x64xf32, #tpu.memory_space<vmem>>, vector<16xf32>,
        tpu.vector_store_idx %arg10[%shift_right_arithmetic3A_23, %and3A_46, %parallel_loop3A_723], %parallel_loop3A_735 : memref<8x8x129xf32, #tpu.memory_space<vmem>>[vector<16xi32>, vector<16xi32>, vector<16xi32>], vector<16xf32>,
      } {sc.loop_unroll_factor = 4 : i64, sc.parallel_access}
      %dma_start3A_525 = arith.constant 0 : i32
      %dma_start3A_526 = arith.constant 0 : i32
      %dma_start3A_527 = arith.constant 0 : i32
      %dma_start3A_528 = tpu.memref_slice %arg10[%dma_start3A_525, %dma_start3A_526, %dma_start3A_527] : memref<8x8x129xf32, #tpu.memory_space<vmem>> -> memref<8x8x128xf32, #tpu.memory_space<vmem>>
      %dma_start3A_529 = arith.constant 0 : i32
      %dma_start3A_530 = arith.constant 0 : i32
      %dma_start3A_531 = arith.constant 0 : i32
      %dma_start3A_532 = tpu.memref_slice %arg4[%add3A_496, %dma_start3A_529, %add3A, %dma_start3A_530, %dma_start3A_531] : memref<200x8x32x8x128xf32, #tpu.memory_space<hbm>> -> memref<1x8x1x8x128xf32, #tpu.memory_space<hbm>>
      %dma_start3A_533 = tpu.memref_squeeze %dma_start3A_532 : memref<1x8x1x8x128xf32, #tpu.memory_space<hbm>> -> memref<8x8x128xf32, #tpu.memory_space<hbm>>
      %dma_start3A_534 = arith.constant 0 : i32
      %dma_start3A_535 = arith.constant 0 : i32
      %dma_start3A_536 = arith.constant 0 : i32
      %dma_start3A_537 = tpu.memref_slice %arg4[%add3A_496, %dma_start3A_534, %add3A, %dma_start3A_535, %dma_start3A_536] : memref<200x8x32x8x128xf32, #tpu.memory_space<hbm>> -> memref<1x8x1x8x128xf32, #tpu.memory_space<hbm>>
      %dma_start3A_538 = tpu.memref_squeeze %dma_start3A_537 : memref<1x8x1x8x128xf32, #tpu.memory_space<hbm>> -> memref<8x8x128xf32, #tpu.memory_space<hbm>>
      %dma_start3A_539 = arith.constant 0 : i32
      %dma_start3A_540 = arith.constant 0 : i32
      %dma_start3A_541 = arith.constant 0 : i32
      %dma_start3A_542 = tpu.memref_slice %arg10[%dma_start3A_539, %dma_start3A_540, %dma_start3A_541] : memref<8x8x129xf32, #tpu.memory_space<vmem>> -> memref<8x8x128xf32, #tpu.memory_space<vmem>>
      tpu.enqueue_dma source(%dma_start3A_542 : memref<8x8x128xf32, #tpu.memory_space<vmem>>) target(%dma_start3A_538 : memref<8x8x128xf32, #tpu.memory_space<hbm>>) target_semaphore(%arg18 : memref<!tpu.dma_semaphore, #tpu.memory_space<semaphore_mem>>)
      %add3A_543 = arith.constant 4 : i32
      %add3A_544 = arith.addi %add3A_496, %add3A_543 : i32
      %dma_start3A_545 = arith.constant 0 : i32
      %dma_start3A_546 = tpu.memref_slice %arg5[%add3A_544, %dma_start3A_545] : memref<200x128xi32, #tpu.memory_space<vmem>> -> memref<1x128xi32, #tpu.memory_space<vmem>>
      %dma_start3A_547 = tpu.memref_squeeze %dma_start3A_546 : memref<1x128xi32, #tpu.memory_space<vmem>> -> memref<128xi32, #tpu.memory_space<vmem>>
      %dma_start3A_548 = arith.constant 0 : i32
      %dma_start3A_549 = arith.constant 0 : i32
      %dma_start3A_550 = tpu.memref_slice %arg3[%dma_start3A_548, %dma_start3A_549] : memref<100000x64xf32, #tpu.memory_space<hbm>> -> memref<100000x64xf32, #tpu.memory_space<hbm>>
      tpu.enqueue_indirect_dma source(%dma_start3A_550 : memref<100000x64xf32, #tpu.memory_space<hbm>>) target(%arg6 : memref<128x64xf32, #tpu.memory_space<vmem>>) offsets(%dma_start3A_547 : memref<128xi32, #tpu.memory_space<vmem>>) semaphore(%arg14 : memref<!tpu.dma_semaphore, #tpu.memory_space<semaphore_mem>>)
      %add3A_551 = arith.constant 1 : i32
      %add3A_552 = arith.addi %mul3A_494, %add3A_551 : i32
      %dma_wait3A_553 = arith.constant 0 : i32
      %dma_wait3A_554 = tpu.memref_slice %arg5[%add3A_552, %dma_wait3A_553] : memref<200x128xi32, #tpu.memory_space<vmem>> -> memref<1x128xi32, #tpu.memory_space<vmem>>
      %dma_wait3A_555 = tpu.memref_squeeze %dma_wait3A_554 : memref<1x128xi32, #tpu.memory_space<vmem>> -> memref<128xi32, #tpu.memory_space<vmem>>
      %dma_wait3A_556 = arith.constant 0 : i32
      %dma_wait3A_557 = arith.constant 0 : i32
      %dma_wait3A_558 = tpu.memref_slice %arg3[%dma_wait3A_556, %dma_wait3A_557] : memref<100000x64xf32, #tpu.memory_space<hbm>> -> memref<100000x64xf32, #tpu.memory_space<hbm>>
      tpu.wait_indirect_dma semaphore(%arg15 : memref<!tpu.dma_semaphore, #tpu.memory_space<semaphore_mem>>) src(%dma_wait3A_558 : memref<100000x64xf32, #tpu.memory_space<hbm>>) dst(%arg7 : memref<128x64xf32, #tpu.memory_space<vmem>>)
      %sub3A_559 = arith.constant 4 : i32
      %sub3A_560 = arith.subi %add3A_552, %sub3A_559 : i32
      %dma_wait3A_561 = arith.constant 0 : i32
      %dma_wait3A_562 = arith.constant 0 : i32
      %dma_wait3A_563 = arith.constant 0 : i32
      %dma_wait3A_564 = tpu.memref_slice %arg11[%dma_wait3A_561, %dma_wait3A_562, %dma_wait3A_563] : memref<8x8x129xf32, #tpu.memory_space<vmem>> -> memref<8x8x128xf32, #tpu.memory_space<vmem>>
      %dma_wait3A_565 = arith.constant 0 : i32
      %dma_wait3A_566 = arith.constant 0 : i32
      %dma_wait3A_567 = arith.constant 0 : i32
      %dma_wait3A_568 = tpu.memref_slice %arg4[%sub3A_560, %dma_wait3A_565, %add3A, %dma_wait3A_566, %dma_wait3A_567] : memref<200x8x32x8x128xf32, #tpu.memory_space<hbm>> -> memref<1x8x1x8x128xf32, #tpu.memory_space<hbm>>
      %dma_wait3A_569 = tpu.memref_squeeze %dma_wait3A_568 : memref<1x8x1x8x128xf32, #tpu.memory_space<hbm>> -> memref<8x8x128xf32, #tpu.memory_space<hbm>>
      %dma_wait3A_570 = arith.constant 0 : i32
      %dma_wait3A_571 = arith.constant 0 : i32
      %dma_wait3A_572 = arith.constant 0 : i32
      %dma_wait3A_573 = tpu.memref_slice %arg4[%sub3A_560, %dma_wait3A_570, %add3A, %dma_wait3A_571, %dma_wait3A_572] : memref<200x8x32x8x128xf32, #tpu.memory_space<hbm>> -> memref<1x8x1x8x128xf32, #tpu.memory_space<hbm>>
      %dma_wait3A_574 = tpu.memref_squeeze %dma_wait3A_573 : memref<1x8x1x8x128xf32, #tpu.memory_space<hbm>> -> memref<8x8x128xf32, #tpu.memory_space<hbm>>
      %dma_wait3A_575 = arith.constant 0 : i32
      %dma_wait3A_576 = arith.constant 0 : i32
      %dma_wait3A_577 = arith.constant 0 : i32
      %dma_wait3A_578 = tpu.memref_slice %arg11[%dma_wait3A_575, %dma_wait3A_576, %dma_wait3A_577] : memref<8x8x129xf32, #tpu.memory_space<vmem>> -> memref<8x8x128xf32, #tpu.memory_space<vmem>>
      tpu.wait_dma2 semaphore(%arg19 : memref<!tpu.dma_semaphore, #tpu.memory_space<semaphore_mem>>) src(%dma_wait3A_578 : memref<8x8x128xf32, #tpu.memory_space<vmem>>) dst(%dma_wait3A_574 : memref<8x8x128xf32, #tpu.memory_space<hbm>>)
      %parallel_loop3A_579 = arith.constant 0 : i32
      %parallel_loop3A_580 = arith.constant 128 : i32
      %parallel_loop3A_581 = arith.constant 1 : i32
      scf.for %parallel_loop3A_722 = %parallel_loop3A_579 to %parallel_loop3A_580 step %parallel_loop3A_581  : i32 {
        %parallel_loop3A_723 = vector.broadcast %parallel_loop3A_722 : i32 to vector<16xi32>
        %parallel_loop3A_724 = arith.index_cast %parallel_loop3A_722 : i32 to index
        %parallel_loop3A_725 = arith.constant 0 : index
        %parallel_loop3A_726 = tpu.vector_load %arg7[%parallel_loop3A_724, %parallel_loop3A_725] {strides = array<i32>} : memref<128x64xf32, #tpu.memory_space<vmem>>, vector<16xf32>,
        tpu.vector_store_idx %arg11[%shift_right_arithmetic3A_5, %and3A_28, %parallel_loop3A_723], %parallel_loop3A_726 : memref<8x8x129xf32, #tpu.memory_space<vmem>>[vector<16xi32>, vector<16xi32>, vector<16xi32>], vector<16xf32>,
        %parallel_loop3A_727 = arith.index_cast %parallel_loop3A_722 : i32 to index
        %parallel_loop3A_728 = arith.constant 16 : index
        %parallel_loop3A_729 = tpu.vector_load %arg7[%parallel_loop3A_727, %parallel_loop3A_728] {strides = array<i32>} : memref<128x64xf32, #tpu.memory_space<vmem>>, vector<16xf32>,
        tpu.vector_store_idx %arg11[%shift_right_arithmetic3A_11, %and3A_34, %parallel_loop3A_723], %parallel_loop3A_729 : memref<8x8x129xf32, #tpu.memory_space<vmem>>[vector<16xi32>, vector<16xi32>, vector<16xi32>], vector<16xf32>,
        %parallel_loop3A_730 = arith.index_cast %parallel_loop3A_722 : i32 to index
        %parallel_loop3A_731 = arith.constant 32 : index
        %parallel_loop3A_732 = tpu.vector_load %arg7[%parallel_loop3A_730, %parallel_loop3A_731] {strides = array<i32>} : memref<128x64xf32, #tpu.memory_space<vmem>>, vector<16xf32>,
        tpu.vector_store_idx %arg11[%shift_right_arithmetic3A_17, %and3A_40, %parallel_loop3A_723], %parallel_loop3A_732 : memref<8x8x129xf32, #tpu.memory_space<vmem>>[vector<16xi32>, vector<16xi32>, vector<16xi32>], vector<16xf32>,
        %parallel_loop3A_733 = arith.index_cast %parallel_loop3A_722 : i32 to index
        %parallel_loop3A_734 = arith.constant 48 : index
        %parallel_loop3A_735 = tpu.vector_load %arg7[%parallel_loop3A_733, %parallel_loop3A_734] {strides = array<i32>} : memref<128x64xf32, #tpu.memory_space<vmem>>, vector<16xf32>,
        tpu.vector_store_idx %arg11[%shift_right_arithmetic3A_23, %and3A_46, %parallel_loop3A_723], %parallel_loop3A_735 : memref<8x8x129xf32, #tpu.memory_space<vmem>>[vector<16xi32>, vector<16xi32>, vector<16xi32>], vector<16xf32>,
      } {sc.loop_unroll_factor = 4 : i64, sc.parallel_access}
      %dma_start3A_582 = arith.constant 0 : i32
      %dma_start3A_583 = arith.constant 0 : i32
      %dma_start3A_584 = arith.constant 0 : i32
      %dma_start3A_585 = tpu.memref_slice %arg11[%dma_start3A_582, %dma_start3A_583, %dma_start3A_584] : memref<8x8x129xf32, #tpu.memory_space<vmem>> -> memref<8x8x128xf32, #tpu.memory_space<vmem>>
      %dma_start3A_586 = arith.constant 0 : i32
      %dma_start3A_587 = arith.constant 0 : i32
      %dma_start3A_588 = arith.constant 0 : i32
      %dma_start3A_589 = tpu.memref_slice %arg4[%add3A_552, %dma_start3A_586, %add3A, %dma_start3A_587, %dma_start3A_588] : memref<200x8x32x8x128xf32, #tpu.memory_space<hbm>> -> memref<1x8x1x8x128xf32, #tpu.memory_space<hbm>>
      %dma_start3A_590 = tpu.memref_squeeze %dma_start3A_589 : memref<1x8x1x8x128xf32, #tpu.memory_space<hbm>> -> memref<8x8x128xf32, #tpu.memory_space<hbm>>
      %dma_start3A_591 = arith.constant 0 : i32
      %dma_start3A_592 = arith.constant 0 : i32
      %dma_start3A_593 = arith.constant 0 : i32
      %dma_start3A_594 = tpu.memref_slice %arg4[%add3A_552, %dma_start3A_591, %add3A, %dma_start3A_592, %dma_start3A_593] : memref<200x8x32x8x128xf32, #tpu.memory_space<hbm>> -> memref<1x8x1x8x128xf32, #tpu.memory_space<hbm>>
      %dma_start3A_595 = tpu.memref_squeeze %dma_start3A_594 : memref<1x8x1x8x128xf32, #tpu.memory_space<hbm>> -> memref<8x8x128xf32, #tpu.memory_space<hbm>>
      %dma_start3A_596 = arith.constant 0 : i32
      %dma_start3A_597 = arith.constant 0 : i32
      %dma_start3A_598 = arith.constant 0 : i32
      %dma_start3A_599 = tpu.memref_slice %arg11[%dma_start3A_596, %dma_start3A_597, %dma_start3A_598] : memref<8x8x129xf32, #tpu.memory_space<vmem>> -> memref<8x8x128xf32, #tpu.memory_space<vmem>>
      tpu.enqueue_dma source(%dma_start3A_599 : memref<8x8x128xf32, #tpu.memory_space<vmem>>) target(%dma_start3A_595 : memref<8x8x128xf32, #tpu.memory_space<hbm>>) target_semaphore(%arg19 : memref<!tpu.dma_semaphore, #tpu.memory_space<semaphore_mem>>)
      %add3A_600 = arith.constant 4 : i32
      %add3A_601 = arith.addi %add3A_552, %add3A_600 : i32
      %dma_start3A_602 = arith.constant 0 : i32
      %dma_start3A_603 = tpu.memref_slice %arg5[%add3A_601, %dma_start3A_602] : memref<200x128xi32, #tpu.memory_space<vmem>> -> memref<1x128xi32, #tpu.memory_space<vmem>>
      %dma_start3A_604 = tpu.memref_squeeze %dma_start3A_603 : memref<1x128xi32, #tpu.memory_space<vmem>> -> memref<128xi32, #tpu.memory_space<vmem>>
      %dma_start3A_605 = arith.constant 0 : i32
      %dma_start3A_606 = arith.constant 0 : i32
      %dma_start3A_607 = tpu.memref_slice %arg3[%dma_start3A_605, %dma_start3A_606] : memref<100000x64xf32, #tpu.memory_space<hbm>> -> memref<100000x64xf32, #tpu.memory_space<hbm>>
      tpu.enqueue_indirect_dma source(%dma_start3A_607 : memref<100000x64xf32, #tpu.memory_space<hbm>>) target(%arg7 : memref<128x64xf32, #tpu.memory_space<vmem>>) offsets(%dma_start3A_604 : memref<128xi32, #tpu.memory_space<vmem>>) semaphore(%arg15 : memref<!tpu.dma_semaphore, #tpu.memory_space<semaphore_mem>>)
      %add3A_608 = arith.constant 2 : i32
      %add3A_609 = arith.addi %mul3A_494, %add3A_608 : i32
      %dma_wait3A_610 = arith.constant 0 : i32
      %dma_wait3A_611 = tpu.memref_slice %arg5[%add3A_609, %dma_wait3A_610] : memref<200x128xi32, #tpu.memory_space<vmem>> -> memref<1x128xi32, #tpu.memory_space<vmem>>
      %dma_wait3A_612 = tpu.memref_squeeze %dma_wait3A_611 : memref<1x128xi32, #tpu.memory_space<vmem>> -> memref<128xi32, #tpu.memory_space<vmem>>
      %dma_wait3A_613 = arith.constant 0 : i32
      %dma_wait3A_614 = arith.constant 0 : i32
      %dma_wait3A_615 = tpu.memref_slice %arg3[%dma_wait3A_613, %dma_wait3A_614] : memref<100000x64xf32, #tpu.memory_space<hbm>> -> memref<100000x64xf32, #tpu.memory_space<hbm>>
      tpu.wait_indirect_dma semaphore(%arg16 : memref<!tpu.dma_semaphore, #tpu.memory_space<semaphore_mem>>) src(%dma_wait3A_615 : memref<100000x64xf32, #tpu.memory_space<hbm>>) dst(%arg8 : memref<128x64xf32, #tpu.memory_space<vmem>>)
      %sub3A_616 = arith.constant 4 : i32
      %sub3A_617 = arith.subi %add3A_609, %sub3A_616 : i32
      %dma_wait3A_618 = arith.constant 0 : i32
      %dma_wait3A_619 = arith.constant 0 : i32
      %dma_wait3A_620 = arith.constant 0 : i32
      %dma_wait3A_621 = tpu.memref_slice %arg12[%dma_wait3A_618, %dma_wait3A_619, %dma_wait3A_620] : memref<8x8x129xf32, #tpu.memory_space<vmem>> -> memref<8x8x128xf32, #tpu.memory_space<vmem>>
      %dma_wait3A_622 = arith.constant 0 : i32
      %dma_wait3A_623 = arith.constant 0 : i32
      %dma_wait3A_624 = arith.constant 0 : i32
      %dma_wait3A_625 = tpu.memref_slice %arg4[%sub3A_617, %dma_wait3A_622, %add3A, %dma_wait3A_623, %dma_wait3A_624] : memref<200x8x32x8x128xf32, #tpu.memory_space<hbm>> -> memref<1x8x1x8x128xf32, #tpu.memory_space<hbm>>
      %dma_wait3A_626 = tpu.memref_squeeze %dma_wait3A_625 : memref<1x8x1x8x128xf32, #tpu.memory_space<hbm>> -> memref<8x8x128xf32, #tpu.memory_space<hbm>>
      %dma_wait3A_627 = arith.constant 0 : i32
      %dma_wait3A_628 = arith.constant 0 : i32
      %dma_wait3A_629 = arith.constant 0 : i32
      %dma_wait3A_630 = tpu.memref_slice %arg4[%sub3A_617, %dma_wait3A_627, %add3A, %dma_wait3A_628, %dma_wait3A_629] : memref<200x8x32x8x128xf32, #tpu.memory_space<hbm>> -> memref<1x8x1x8x128xf32, #tpu.memory_space<hbm>>
      %dma_wait3A_631 = tpu.memref_squeeze %dma_wait3A_630 : memref<1x8x1x8x128xf32, #tpu.memory_space<hbm>> -> memref<8x8x128xf32, #tpu.memory_space<hbm>>
      %dma_wait3A_632 = arith.constant 0 : i32
      %dma_wait3A_633 = arith.constant 0 : i32
      %dma_wait3A_634 = arith.constant 0 : i32
      %dma_wait3A_635 = tpu.memref_slice %arg12[%dma_wait3A_632, %dma_wait3A_633, %dma_wait3A_634] : memref<8x8x129xf32, #tpu.memory_space<vmem>> -> memref<8x8x128xf32, #tpu.memory_space<vmem>>
      tpu.wait_dma2 semaphore(%arg20 : memref<!tpu.dma_semaphore, #tpu.memory_space<semaphore_mem>>) src(%dma_wait3A_635 : memref<8x8x128xf32, #tpu.memory_space<vmem>>) dst(%dma_wait3A_631 : memref<8x8x128xf32, #tpu.memory_space<hbm>>)
      %parallel_loop3A_636 = arith.constant 0 : i32
      %parallel_loop3A_637 = arith.constant 128 : i32
      %parallel_loop3A_638 = arith.constant 1 : i32
      scf.for %parallel_loop3A_722 = %parallel_loop3A_636 to %parallel_loop3A_637 step %parallel_loop3A_638  : i32 {
        %parallel_loop3A_723 = vector.broadcast %parallel_loop3A_722 : i32 to vector<16xi32>
        %parallel_loop3A_724 = arith.index_cast %parallel_loop3A_722 : i32 to index
        %parallel_loop3A_725 = arith.constant 0 : index
        %parallel_loop3A_726 = tpu.vector_load %arg8[%parallel_loop3A_724, %parallel_loop3A_725] {strides = array<i32>} : memref<128x64xf32, #tpu.memory_space<vmem>>, vector<16xf32>,
        tpu.vector_store_idx %arg12[%shift_right_arithmetic3A_5, %and3A_28, %parallel_loop3A_723], %parallel_loop3A_726 : memref<8x8x129xf32, #tpu.memory_space<vmem>>[vector<16xi32>, vector<16xi32>, vector<16xi32>], vector<16xf32>,
        %parallel_loop3A_727 = arith.index_cast %parallel_loop3A_722 : i32 to index
        %parallel_loop3A_728 = arith.constant 16 : index
        %parallel_loop3A_729 = tpu.vector_load %arg8[%parallel_loop3A_727, %parallel_loop3A_728] {strides = array<i32>} : memref<128x64xf32, #tpu.memory_space<vmem>>, vector<16xf32>,
        tpu.vector_store_idx %arg12[%shift_right_arithmetic3A_11, %and3A_34, %parallel_loop3A_723], %parallel_loop3A_729 : memref<8x8x129xf32, #tpu.memory_space<vmem>>[vector<16xi32>, vector<16xi32>, vector<16xi32>], vector<16xf32>,
        %parallel_loop3A_730 = arith.index_cast %parallel_loop3A_722 : i32 to index
        %parallel_loop3A_731 = arith.constant 32 : index
        %parallel_loop3A_732 = tpu.vector_load %arg8[%parallel_loop3A_730, %parallel_loop3A_731] {strides = array<i32>} : memref<128x64xf32, #tpu.memory_space<vmem>>, vector<16xf32>,
        tpu.vector_store_idx %arg12[%shift_right_arithmetic3A_17, %and3A_40, %parallel_loop3A_723], %parallel_loop3A_732 : memref<8x8x129xf32, #tpu.memory_space<vmem>>[vector<16xi32>, vector<16xi32>, vector<16xi32>], vector<16xf32>,
        %parallel_loop3A_733 = arith.index_cast %parallel_loop3A_722 : i32 to index
        %parallel_loop3A_734 = arith.constant 48 : index
        %parallel_loop3A_735 = tpu.vector_load %arg8[%parallel_loop3A_733, %parallel_loop3A_734] {strides = array<i32>} : memref<128x64xf32, #tpu.memory_space<vmem>>, vector<16xf32>,
        tpu.vector_store_idx %arg12[%shift_right_arithmetic3A_23, %and3A_46, %parallel_loop3A_723], %parallel_loop3A_735 : memref<8x8x129xf32, #tpu.memory_space<vmem>>[vector<16xi32>, vector<16xi32>, vector<16xi32>], vector<16xf32>,
      } {sc.loop_unroll_factor = 4 : i64, sc.parallel_access}
      %dma_start3A_639 = arith.constant 0 : i32
      %dma_start3A_640 = arith.constant 0 : i32
      %dma_start3A_641 = arith.constant 0 : i32
      %dma_start3A_642 = tpu.memref_slice %arg12[%dma_start3A_639, %dma_start3A_640, %dma_start3A_641] : memref<8x8x129xf32, #tpu.memory_space<vmem>> -> memref<8x8x128xf32, #tpu.memory_space<vmem>>
      %dma_start3A_643 = arith.constant 0 : i32
      %dma_start3A_644 = arith.constant 0 : i32
      %dma_start3A_645 = arith.constant 0 : i32
      %dma_start3A_646 = tpu.memref_slice %arg4[%add3A_609, %dma_start3A_643, %add3A, %dma_start3A_644, %dma_start3A_645] : memref<200x8x32x8x128xf32, #tpu.memory_space<hbm>> -> memref<1x8x1x8x128xf32, #tpu.memory_space<hbm>>
      %dma_start3A_647 = tpu.memref_squeeze %dma_start3A_646 : memref<1x8x1x8x128xf32, #tpu.memory_space<hbm>> -> memref<8x8x128xf32, #tpu.memory_space<hbm>>
      %dma_start3A_648 = arith.constant 0 : i32
      %dma_start3A_649 = arith.constant 0 : i32
      %dma_start3A_650 = arith.constant 0 : i32
      %dma_start3A_651 = tpu.memref_slice %arg4[%add3A_609, %dma_start3A_648, %add3A, %dma_start3A_649, %dma_start3A_650] : memref<200x8x32x8x128xf32, #tpu.memory_space<hbm>> -> memref<1x8x1x8x128xf32, #tpu.memory_space<hbm>>
      %dma_start3A_652 = tpu.memref_squeeze %dma_start3A_651 : memref<1x8x1x8x128xf32, #tpu.memory_space<hbm>> -> memref<8x8x128xf32, #tpu.memory_space<hbm>>
      %dma_start3A_653 = arith.constant 0 : i32
      %dma_start3A_654 = arith.constant 0 : i32
      %dma_start3A_655 = arith.constant 0 : i32
      %dma_start3A_656 = tpu.memref_slice %arg12[%dma_start3A_653, %dma_start3A_654, %dma_start3A_655] : memref<8x8x129xf32, #tpu.memory_space<vmem>> -> memref<8x8x128xf32, #tpu.memory_space<vmem>>
      tpu.enqueue_dma source(%dma_start3A_656 : memref<8x8x128xf32, #tpu.memory_space<vmem>>) target(%dma_start3A_652 : memref<8x8x128xf32, #tpu.memory_space<hbm>>) target_semaphore(%arg20 : memref<!tpu.dma_semaphore, #tpu.memory_space<semaphore_mem>>)
      %add3A_657 = arith.constant 4 : i32
      %add3A_658 = arith.addi %add3A_609, %add3A_657 : i32
      %dma_start3A_659 = arith.constant 0 : i32
      %dma_start3A_660 = tpu.memref_slice %arg5[%add3A_658, %dma_start3A_659] : memref<200x128xi32, #tpu.memory_space<vmem>> -> memref<1x128xi32, #tpu.memory_space<vmem>>
      %dma_start3A_661 = tpu.memref_squeeze %dma_start3A_660 : memref<1x128xi32, #tpu.memory_space<vmem>> -> memref<128xi32, #tpu.memory_space<vmem>>
      %dma_start3A_662 = arith.constant 0 : i32
      %dma_start3A_663 = arith.constant 0 : i32
      %dma_start3A_664 = tpu.memref_slice %arg3[%dma_start3A_662, %dma_start3A_663] : memref<100000x64xf32, #tpu.memory_space<hbm>> -> memref<100000x64xf32, #tpu.memory_space<hbm>>
      tpu.enqueue_indirect_dma source(%dma_start3A_664 : memref<100000x64xf32, #tpu.memory_space<hbm>>) target(%arg8 : memref<128x64xf32, #tpu.memory_space<vmem>>) offsets(%dma_start3A_661 : memref<128xi32, #tpu.memory_space<vmem>>) semaphore(%arg16 : memref<!tpu.dma_semaphore, #tpu.memory_space<semaphore_mem>>)
      %add3A_665 = arith.constant 3 : i32
      %add3A_666 = arith.addi %mul3A_494, %add3A_665 : i32
      %dma_wait3A_667 = arith.constant 0 : i32
      %dma_wait3A_668 = tpu.memref_slice %arg5[%add3A_666, %dma_wait3A_667] : memref<200x128xi32, #tpu.memory_space<vmem>> -> memref<1x128xi32, #tpu.memory_space<vmem>>
      %dma_wait3A_669 = tpu.memref_squeeze %dma_wait3A_668 : memref<1x128xi32, #tpu.memory_space<vmem>> -> memref<128xi32, #tpu.memory_space<vmem>>
      %dma_wait3A_670 = arith.constant 0 : i32
      %dma_wait3A_671 = arith.constant 0 : i32
      %dma_wait3A_672 = tpu.memref_slice %arg3[%dma_wait3A_670, %dma_wait3A_671] : memref<100000x64xf32, #tpu.memory_space<hbm>> -> memref<100000x64xf32, #tpu.memory_space<hbm>>
      tpu.wait_indirect_dma semaphore(%arg17 : memref<!tpu.dma_semaphore, #tpu.memory_space<semaphore_mem>>) src(%dma_wait3A_672 : memref<100000x64xf32, #tpu.memory_space<hbm>>) dst(%arg9 : memref<128x64xf32, #tpu.memory_space<vmem>>)
      %sub3A_673 = arith.constant 4 : i32
      %sub3A_674 = arith.subi %add3A_666, %sub3A_673 : i32
      %dma_wait3A_675 = arith.constant 0 : i32
      %dma_wait3A_676 = arith.constant 0 : i32
      %dma_wait3A_677 = arith.constant 0 : i32
      %dma_wait3A_678 = tpu.memref_slice %arg13[%dma_wait3A_675, %dma_wait3A_676, %dma_wait3A_677] : memref<8x8x129xf32, #tpu.memory_space<vmem>> -> memref<8x8x128xf32, #tpu.memory_space<vmem>>
      %dma_wait3A_679 = arith.constant 0 : i32
      %dma_wait3A_680 = arith.constant 0 : i32
      %dma_wait3A_681 = arith.constant 0 : i32
      %dma_wait3A_682 = tpu.memref_slice %arg4[%sub3A_674, %dma_wait3A_679, %add3A, %dma_wait3A_680, %dma_wait3A_681] : memref<200x8x32x8x128xf32, #tpu.memory_space<hbm>> -> memref<1x8x1x8x128xf32, #tpu.memory_space<hbm>>
      %dma_wait3A_683 = tpu.memref_squeeze %dma_wait3A_682 : memref<1x8x1x8x128xf32, #tpu.memory_space<hbm>> -> memref<8x8x128xf32, #tpu.memory_space<hbm>>
      %dma_wait3A_684 = arith.constant 0 : i32
      %dma_wait3A_685 = arith.constant 0 : i32
      %dma_wait3A_686 = arith.constant 0 : i32
      %dma_wait3A_687 = tpu.memref_slice %arg4[%sub3A_674, %dma_wait3A_684, %add3A, %dma_wait3A_685, %dma_wait3A_686] : memref<200x8x32x8x128xf32, #tpu.memory_space<hbm>> -> memref<1x8x1x8x128xf32, #tpu.memory_space<hbm>>
      %dma_wait3A_688 = tpu.memref_squeeze %dma_wait3A_687 : memref<1x8x1x8x128xf32, #tpu.memory_space<hbm>> -> memref<8x8x128xf32, #tpu.memory_space<hbm>>
      %dma_wait3A_689 = arith.constant 0 : i32
      %dma_wait3A_690 = arith.constant 0 : i32
      %dma_wait3A_691 = arith.constant 0 : i32
      %dma_wait3A_692 = tpu.memref_slice %arg13[%dma_wait3A_689, %dma_wait3A_690, %dma_wait3A_691] : memref<8x8x129xf32, #tpu.memory_space<vmem>> -> memref<8x8x128xf32, #tpu.memory_space<vmem>>
      tpu.wait_dma2 semaphore(%arg21 : memref<!tpu.dma_semaphore, #tpu.memory_space<semaphore_mem>>) src(%dma_wait3A_692 : memref<8x8x128xf32, #tpu.memory_space<vmem>>) dst(%dma_wait3A_688 : memref<8x8x128xf32, #tpu.memory_space<hbm>>)
      %parallel_loop3A_693 = arith.constant 0 : i32
      %parallel_loop3A_694 = arith.constant 128 : i32
      %parallel_loop3A_695 = arith.constant 1 : i32
      scf.for %parallel_loop3A_722 = %parallel_loop3A_693 to %parallel_loop3A_694 step %parallel_loop3A_695  : i32 {
        %parallel_loop3A_723 = vector.broadcast %parallel_loop3A_722 : i32 to vector<16xi32>
        %parallel_loop3A_724 = arith.index_cast %parallel_loop3A_722 : i32 to index
        %parallel_loop3A_725 = arith.constant 0 : index
        %parallel_loop3A_726 = tpu.vector_load %arg9[%parallel_loop3A_724, %parallel_loop3A_725] {strides = array<i32>} : memref<128x64xf32, #tpu.memory_space<vmem>>, vector<16xf32>,
        tpu.vector_store_idx %arg13[%shift_right_arithmetic3A_5, %and3A_28, %parallel_loop3A_723], %parallel_loop3A_726 : memref<8x8x129xf32, #tpu.memory_space<vmem>>[vector<16xi32>, vector<16xi32>, vector<16xi32>], vector<16xf32>,
        %parallel_loop3A_727 = arith.index_cast %parallel_loop3A_722 : i32 to index
        %parallel_loop3A_728 = arith.constant 16 : index
        %parallel_loop3A_729 = tpu.vector_load %arg9[%parallel_loop3A_727, %parallel_loop3A_728] {strides = array<i32>} : memref<128x64xf32, #tpu.memory_space<vmem>>, vector<16xf32>,
        tpu.vector_store_idx %arg13[%shift_right_arithmetic3A_11, %and3A_34, %parallel_loop3A_723], %parallel_loop3A_729 : memref<8x8x129xf32, #tpu.memory_space<vmem>>[vector<16xi32>, vector<16xi32>, vector<16xi32>], vector<16xf32>,
        %parallel_loop3A_730 = arith.index_cast %parallel_loop3A_722 : i32 to index
        %parallel_loop3A_731 = arith.constant 32 : index
        %parallel_loop3A_732 = tpu.vector_load %arg9[%parallel_loop3A_730, %parallel_loop3A_731] {strides = array<i32>} : memref<128x64xf32, #tpu.memory_space<vmem>>, vector<16xf32>,
        tpu.vector_store_idx %arg13[%shift_right_arithmetic3A_17, %and3A_40, %parallel_loop3A_723], %parallel_loop3A_732 : memref<8x8x129xf32, #tpu.memory_space<vmem>>[vector<16xi32>, vector<16xi32>, vector<16xi32>], vector<16xf32>,
        %parallel_loop3A_733 = arith.index_cast %parallel_loop3A_722 : i32 to index
        %parallel_loop3A_734 = arith.constant 48 : index
        %parallel_loop3A_735 = tpu.vector_load %arg9[%parallel_loop3A_733, %parallel_loop3A_734] {strides = array<i32>} : memref<128x64xf32, #tpu.memory_space<vmem>>, vector<16xf32>,
        tpu.vector_store_idx %arg13[%shift_right_arithmetic3A_23, %and3A_46, %parallel_loop3A_723], %parallel_loop3A_735 : memref<8x8x129xf32, #tpu.memory_space<vmem>>[vector<16xi32>, vector<16xi32>, vector<16xi32>], vector<16xf32>,
      } {sc.loop_unroll_factor = 4 : i64, sc.parallel_access}
      %dma_start3A_696 = arith.constant 0 : i32
      %dma_start3A_697 = arith.constant 0 : i32
      %dma_start3A_698 = arith.constant 0 : i32
      %dma_start3A_699 = tpu.memref_slice %arg13[%dma_start3A_696, %dma_start3A_697, %dma_start3A_698] : memref<8x8x129xf32, #tpu.memory_space<vmem>> -> memref<8x8x128xf32, #tpu.memory_space<vmem>>
      %dma_start3A_700 = arith.constant 0 : i32
      %dma_start3A_701 = arith.constant 0 : i32
      %dma_start3A_702 = arith.constant 0 : i32
      %dma_start3A_703 = tpu.memref_slice %arg4[%add3A_666, %dma_start3A_700, %add3A, %dma_start3A_701, %dma_start3A_702] : memref<200x8x32x8x128xf32, #tpu.memory_space<hbm>> -> memref<1x8x1x8x128xf32, #tpu.memory_space<hbm>>
      %dma_start3A_704 = tpu.memref_squeeze %dma_start3A_703 : memref<1x8x1x8x128xf32, #tpu.memory_space<hbm>> -> memref<8x8x128xf32, #tpu.memory_space<hbm>>
      %dma_start3A_705 = arith.constant 0 : i32
      %dma_start3A_706 = arith.constant 0 : i32
      %dma_start3A_707 = arith.constant 0 : i32
      %dma_start3A_708 = tpu.memref_slice %arg4[%add3A_666, %dma_start3A_705, %add3A, %dma_start3A_706, %dma_start3A_707] : memref<200x8x32x8x128xf32, #tpu.memory_space<hbm>> -> memref<1x8x1x8x128xf32, #tpu.memory_space<hbm>>
      %dma_start3A_709 = tpu.memref_squeeze %dma_start3A_708 : memref<1x8x1x8x128xf32, #tpu.memory_space<hbm>> -> memref<8x8x128xf32, #tpu.memory_space<hbm>>
      %dma_start3A_710 = arith.constant 0 : i32
      %dma_start3A_711 = arith.constant 0 : i32
      %dma_start3A_712 = arith.constant 0 : i32
      %dma_start3A_713 = tpu.memref_slice %arg13[%dma_start3A_710, %dma_start3A_711, %dma_start3A_712] : memref<8x8x129xf32, #tpu.memory_space<vmem>> -> memref<8x8x128xf32, #tpu.memory_space<vmem>>
      tpu.enqueue_dma source(%dma_start3A_713 : memref<8x8x128xf32, #tpu.memory_space<vmem>>) target(%dma_start3A_709 : memref<8x8x128xf32, #tpu.memory_space<hbm>>) target_semaphore(%arg21 : memref<!tpu.dma_semaphore, #tpu.memory_space<semaphore_mem>>)
      %add3A_714 = arith.constant 4 : i32
      %add3A_715 = arith.addi %add3A_666, %add3A_714 : i32
      %dma_start3A_716 = arith.constant 0 : i32
      %dma_start3A_717 = tpu.memref_slice %arg5[%add3A_715, %dma_start3A_716] : memref<200x128xi32, #tpu.memory_space<vmem>> -> memref<1x128xi32, #tpu.memory_space<vmem>>
      %dma_start3A_718 = tpu.memref_squeeze %dma_start3A_717 : memref<1x128xi32, #tpu.memory_space<vmem>> -> memref<128xi32, #tpu.memory_space<vmem>>
      %dma_start3A_719 = arith.constant 0 : i32
      %dma_start3A_720 = arith.constant 0 : i32
      %dma_start3A_721 = tpu.memref_slice %arg3[%dma_start3A_719, %dma_start3A_720] : memref<100000x64xf32, #tpu.memory_space<hbm>> -> memref<100000x64xf32, #tpu.memory_space<hbm>>
      tpu.enqueue_indirect_dma source(%dma_start3A_721 : memref<100000x64xf32, #tpu.memory_space<hbm>>) target(%arg9 : memref<128x64xf32, #tpu.memory_space<vmem>>) offsets(%dma_start3A_718 : memref<128xi32, #tpu.memory_space<vmem>>) semaphore(%arg17 : memref<!tpu.dma_semaphore, #tpu.memory_space<semaphore_mem>>)
    }
    %scan3A_219 = arith.constant 48 : i32
    %dma_wait3A_220 = arith.constant 196 : i32
    %dma_wait3A_221 = arith.constant 0 : i32
    %dma_wait3A_222 = tpu.memref_slice %arg5[%dma_wait3A_220, %dma_wait3A_221] : memref<200x128xi32, #tpu.memory_space<vmem>> -> memref<1x128xi32, #tpu.memory_space<vmem>>
    %dma_wait3A_223 = tpu.memref_squeeze %dma_wait3A_222 : memref<1x128xi32, #tpu.memory_space<vmem>> -> memref<128xi32, #tpu.memory_space<vmem>>
    %dma_wait3A_224 = arith.constant 0 : i32
    %dma_wait3A_225 = arith.constant 0 : i32
    %dma_wait3A_226 = tpu.memref_slice %arg3[%dma_wait3A_224, %dma_wait3A_225] : memref<100000x64xf32, #tpu.memory_space<hbm>> -> memref<100000x64xf32, #tpu.memory_space<hbm>>
    tpu.wait_indirect_dma semaphore(%arg14 : memref<!tpu.dma_semaphore, #tpu.memory_space<semaphore_mem>>) src(%dma_wait3A_226 : memref<100000x64xf32, #tpu.memory_space<hbm>>) dst(%arg6 : memref<128x64xf32, #tpu.memory_space<vmem>>)
    %dma_wait3A_227 = arith.constant 192 : i32
    %dma_wait3A_228 = arith.constant 0 : i32
    %dma_wait3A_229 = arith.constant 0 : i32
    %dma_wait3A_230 = arith.constant 0 : i32
    %dma_wait3A_231 = tpu.memref_slice %arg10[%dma_wait3A_228, %dma_wait3A_229, %dma_wait3A_230] : memref<8x8x129xf32, #tpu.memory_space<vmem>> -> memref<8x8x128xf32, #tpu.memory_space<vmem>>
    %dma_wait3A_232 = arith.constant 0 : i32
    %dma_wait3A_233 = arith.constant 0 : i32
    %dma_wait3A_234 = arith.constant 0 : i32
    %dma_wait3A_235 = tpu.memref_slice %arg4[%dma_wait3A_227, %dma_wait3A_232, %add3A, %dma_wait3A_233, %dma_wait3A_234] : memref<200x8x32x8x128xf32, #tpu.memory_space<hbm>> -> memref<1x8x1x8x128xf32, #tpu.memory_space<hbm>>
    %dma_wait3A_236 = tpu.memref_squeeze %dma_wait3A_235 : memref<1x8x1x8x128xf32, #tpu.memory_space<hbm>> -> memref<8x8x128xf32, #tpu.memory_space<hbm>>
    %dma_wait3A_237 = arith.constant 0 : i32
    %dma_wait3A_238 = arith.constant 0 : i32
    %dma_wait3A_239 = arith.constant 0 : i32
    %dma_wait3A_240 = tpu.memref_slice %arg4[%dma_wait3A_227, %dma_wait3A_237, %add3A, %dma_wait3A_238, %dma_wait3A_239] : memref<200x8x32x8x128xf32, #tpu.memory_space<hbm>> -> memref<1x8x1x8x128xf32, #tpu.memory_space<hbm>>
    %dma_wait3A_241 = tpu.memref_squeeze %dma_wait3A_240 : memref<1x8x1x8x128xf32, #tpu.memory_space<hbm>> -> memref<8x8x128xf32, #tpu.memory_space<hbm>>
    %dma_wait3A_242 = arith.constant 0 : i32
    %dma_wait3A_243 = arith.constant 0 : i32
    %dma_wait3A_244 = arith.constant 0 : i32
    %dma_wait3A_245 = tpu.memref_slice %arg10[%dma_wait3A_242, %dma_wait3A_243, %dma_wait3A_244] : memref<8x8x129xf32, #tpu.memory_space<vmem>> -> memref<8x8x128xf32, #tpu.memory_space<vmem>>
    tpu.wait_dma2 semaphore(%arg18 : memref<!tpu.dma_semaphore, #tpu.memory_space<semaphore_mem>>) src(%dma_wait3A_245 : memref<8x8x128xf32, #tpu.memory_space<vmem>>) dst(%dma_wait3A_241 : memref<8x8x128xf32, #tpu.memory_space<hbm>>)
    %parallel_loop3A_246 = arith.constant 0 : i32
    %parallel_loop3A_247 = arith.constant 128 : i32
    %parallel_loop3A_248 = arith.constant 1 : i32
    scf.for %parallel_loop3A_488 = %parallel_loop3A_246 to %parallel_loop3A_247 step %parallel_loop3A_248  : i32 {
      %parallel_loop3A_489 = vector.broadcast %parallel_loop3A_488 : i32 to vector<16xi32>
      %parallel_loop3A_490 = arith.index_cast %parallel_loop3A_488 : i32 to index
      %parallel_loop3A_491 = arith.constant 0 : index
      %parallel_loop3A_492 = tpu.vector_load %arg6[%parallel_loop3A_490, %parallel_loop3A_491] {strides = array<i32>} : memref<128x64xf32, #tpu.memory_space<vmem>>, vector<16xf32>,
      tpu.vector_store_idx %arg10[%shift_right_arithmetic3A_5, %and3A_28, %parallel_loop3A_489], %parallel_loop3A_492 : memref<8x8x129xf32, #tpu.memory_space<vmem>>[vector<16xi32>, vector<16xi32>, vector<16xi32>], vector<16xf32>,
      %parallel_loop3A_493 = arith.index_cast %parallel_loop3A_488 : i32 to index
      %parallel_loop3A_494 = arith.constant 16 : index
      %parallel_loop3A_495 = tpu.vector_load %arg6[%parallel_loop3A_493, %parallel_loop3A_494] {strides = array<i32>} : memref<128x64xf32, #tpu.memory_space<vmem>>, vector<16xf32>,
      tpu.vector_store_idx %arg10[%shift_right_arithmetic3A_11, %and3A_34, %parallel_loop3A_489], %parallel_loop3A_495 : memref<8x8x129xf32, #tpu.memory_space<vmem>>[vector<16xi32>, vector<16xi32>, vector<16xi32>], vector<16xf32>,
      %parallel_loop3A_496 = arith.index_cast %parallel_loop3A_488 : i32 to index
      %parallel_loop3A_497 = arith.constant 32 : index
      %parallel_loop3A_498 = tpu.vector_load %arg6[%parallel_loop3A_496, %parallel_loop3A_497] {strides = array<i32>} : memref<128x64xf32, #tpu.memory_space<vmem>>, vector<16xf32>,
      tpu.vector_store_idx %arg10[%shift_right_arithmetic3A_17, %and3A_40, %parallel_loop3A_489], %parallel_loop3A_498 : memref<8x8x129xf32, #tpu.memory_space<vmem>>[vector<16xi32>, vector<16xi32>, vector<16xi32>], vector<16xf32>,
      %parallel_loop3A_499 = arith.index_cast %parallel_loop3A_488 : i32 to index
      %parallel_loop3A_500 = arith.constant 48 : index
      %parallel_loop3A_501 = tpu.vector_load %arg6[%parallel_loop3A_499, %parallel_loop3A_500] {strides = array<i32>} : memref<128x64xf32, #tpu.memory_space<vmem>>, vector<16xf32>,
      tpu.vector_store_idx %arg10[%shift_right_arithmetic3A_23, %and3A_46, %parallel_loop3A_489], %parallel_loop3A_501 : memref<8x8x129xf32, #tpu.memory_space<vmem>>[vector<16xi32>, vector<16xi32>, vector<16xi32>], vector<16xf32>,
    } {sc.loop_unroll_factor = 4 : i64, sc.parallel_access}
    %dma_start3A_249 = arith.constant 196 : i32
    %dma_start3A_250 = arith.constant 0 : i32
    %dma_start3A_251 = arith.constant 0 : i32
    %dma_start3A_252 = arith.constant 0 : i32
    %dma_start3A_253 = tpu.memref_slice %arg10[%dma_start3A_250, %dma_start3A_251, %dma_start3A_252] : memref<8x8x129xf32, #tpu.memory_space<vmem>> -> memref<8x8x128xf32, #tpu.memory_space<vmem>>
    %dma_start3A_254 = arith.constant 0 : i32
    %dma_start3A_255 = arith.constant 0 : i32
    %dma_start3A_256 = arith.constant 0 : i32
    %dma_start3A_257 = tpu.memref_slice %arg4[%dma_start3A_249, %dma_start3A_254, %add3A, %dma_start3A_255, %dma_start3A_256] : memref<200x8x32x8x128xf32, #tpu.memory_space<hbm>> -> memref<1x8x1x8x128xf32, #tpu.memory_space<hbm>>
    %dma_start3A_258 = tpu.memref_squeeze %dma_start3A_257 : memref<1x8x1x8x128xf32, #tpu.memory_space<hbm>> -> memref<8x8x128xf32, #tpu.memory_space<hbm>>
    %dma_start3A_259 = arith.constant 0 : i32
    %dma_start3A_260 = arith.constant 0 : i32
    %dma_start3A_261 = arith.constant 0 : i32
    %dma_start3A_262 = tpu.memref_slice %arg4[%dma_start3A_249, %dma_start3A_259, %add3A, %dma_start3A_260, %dma_start3A_261] : memref<200x8x32x8x128xf32, #tpu.memory_space<hbm>> -> memref<1x8x1x8x128xf32, #tpu.memory_space<hbm>>
    %dma_start3A_263 = tpu.memref_squeeze %dma_start3A_262 : memref<1x8x1x8x128xf32, #tpu.memory_space<hbm>> -> memref<8x8x128xf32, #tpu.memory_space<hbm>>
    %dma_start3A_264 = arith.constant 0 : i32
    %dma_start3A_265 = arith.constant 0 : i32
    %dma_start3A_266 = arith.constant 0 : i32
    %dma_start3A_267 = tpu.memref_slice %arg10[%dma_start3A_264, %dma_start3A_265, %dma_start3A_266] : memref<8x8x129xf32, #tpu.memory_space<vmem>> -> memref<8x8x128xf32, #tpu.memory_space<vmem>>
    tpu.enqueue_dma source(%dma_start3A_267 : memref<8x8x128xf32, #tpu.memory_space<vmem>>) target(%dma_start3A_263 : memref<8x8x128xf32, #tpu.memory_space<hbm>>) target_semaphore(%arg18 : memref<!tpu.dma_semaphore, #tpu.memory_space<semaphore_mem>>)
    %dma_wait3A_268 = arith.constant 197 : i32
    %dma_wait3A_269 = arith.constant 0 : i32
    %dma_wait3A_270 = tpu.memref_slice %arg5[%dma_wait3A_268, %dma_wait3A_269] : memref<200x128xi32, #tpu.memory_space<vmem>> -> memref<1x128xi32, #tpu.memory_space<vmem>>
    %dma_wait3A_271 = tpu.memref_squeeze %dma_wait3A_270 : memref<1x128xi32, #tpu.memory_space<vmem>> -> memref<128xi32, #tpu.memory_space<vmem>>
    %dma_wait3A_272 = arith.constant 0 : i32
    %dma_wait3A_273 = arith.constant 0 : i32
    %dma_wait3A_274 = tpu.memref_slice %arg3[%dma_wait3A_272, %dma_wait3A_273] : memref<100000x64xf32, #tpu.memory_space<hbm>> -> memref<100000x64xf32, #tpu.memory_space<hbm>>
    tpu.wait_indirect_dma semaphore(%arg15 : memref<!tpu.dma_semaphore, #tpu.memory_space<semaphore_mem>>) src(%dma_wait3A_274 : memref<100000x64xf32, #tpu.memory_space<hbm>>) dst(%arg7 : memref<128x64xf32, #tpu.memory_space<vmem>>)
    %dma_wait3A_275 = arith.constant 193 : i32
    %dma_wait3A_276 = arith.constant 0 : i32
    %dma_wait3A_277 = arith.constant 0 : i32
    %dma_wait3A_278 = arith.constant 0 : i32
    %dma_wait3A_279 = tpu.memref_slice %arg11[%dma_wait3A_276, %dma_wait3A_277, %dma_wait3A_278] : memref<8x8x129xf32, #tpu.memory_space<vmem>> -> memref<8x8x128xf32, #tpu.memory_space<vmem>>
    %dma_wait3A_280 = arith.constant 0 : i32
    %dma_wait3A_281 = arith.constant 0 : i32
    %dma_wait3A_282 = arith.constant 0 : i32
    %dma_wait3A_283 = tpu.memref_slice %arg4[%dma_wait3A_275, %dma_wait3A_280, %add3A, %dma_wait3A_281, %dma_wait3A_282] : memref<200x8x32x8x128xf32, #tpu.memory_space<hbm>> -> memref<1x8x1x8x128xf32, #tpu.memory_space<hbm>>
    %dma_wait3A_284 = tpu.memref_squeeze %dma_wait3A_283 : memref<1x8x1x8x128xf32, #tpu.memory_space<hbm>> -> memref<8x8x128xf32, #tpu.memory_space<hbm>>
    %dma_wait3A_285 = arith.constant 0 : i32
    %dma_wait3A_286 = arith.constant 0 : i32
    %dma_wait3A_287 = arith.constant 0 : i32
    %dma_wait3A_288 = tpu.memref_slice %arg4[%dma_wait3A_275, %dma_wait3A_285, %add3A, %dma_wait3A_286, %dma_wait3A_287] : memref<200x8x32x8x128xf32, #tpu.memory_space<hbm>> -> memref<1x8x1x8x128xf32, #tpu.memory_space<hbm>>
    %dma_wait3A_289 = tpu.memref_squeeze %dma_wait3A_288 : memref<1x8x1x8x128xf32, #tpu.memory_space<hbm>> -> memref<8x8x128xf32, #tpu.memory_space<hbm>>
    %dma_wait3A_290 = arith.constant 0 : i32
    %dma_wait3A_291 = arith.constant 0 : i32
    %dma_wait3A_292 = arith.constant 0 : i32
    %dma_wait3A_293 = tpu.memref_slice %arg11[%dma_wait3A_290, %dma_wait3A_291, %dma_wait3A_292] : memref<8x8x129xf32, #tpu.memory_space<vmem>> -> memref<8x8x128xf32, #tpu.memory_space<vmem>>
    tpu.wait_dma2 semaphore(%arg19 : memref<!tpu.dma_semaphore, #tpu.memory_space<semaphore_mem>>) src(%dma_wait3A_293 : memref<8x8x128xf32, #tpu.memory_space<vmem>>) dst(%dma_wait3A_289 : memref<8x8x128xf32, #tpu.memory_space<hbm>>)
    %parallel_loop3A_294 = arith.constant 0 : i32
    %parallel_loop3A_295 = arith.constant 128 : i32
    %parallel_loop3A_296 = arith.constant 1 : i32
    scf.for %parallel_loop3A_488 = %parallel_loop3A_294 to %parallel_loop3A_295 step %parallel_loop3A_296  : i32 {
      %parallel_loop3A_489 = vector.broadcast %parallel_loop3A_488 : i32 to vector<16xi32>
      %parallel_loop3A_490 = arith.index_cast %parallel_loop3A_488 : i32 to index
      %parallel_loop3A_491 = arith.constant 0 : index
      %parallel_loop3A_492 = tpu.vector_load %arg7[%parallel_loop3A_490, %parallel_loop3A_491] {strides = array<i32>} : memref<128x64xf32, #tpu.memory_space<vmem>>, vector<16xf32>,
      tpu.vector_store_idx %arg11[%shift_right_arithmetic3A_5, %and3A_28, %parallel_loop3A_489], %parallel_loop3A_492 : memref<8x8x129xf32, #tpu.memory_space<vmem>>[vector<16xi32>, vector<16xi32>, vector<16xi32>], vector<16xf32>,
      %parallel_loop3A_493 = arith.index_cast %parallel_loop3A_488 : i32 to index
      %parallel_loop3A_494 = arith.constant 16 : index
      %parallel_loop3A_495 = tpu.vector_load %arg7[%parallel_loop3A_493, %parallel_loop3A_494] {strides = array<i32>} : memref<128x64xf32, #tpu.memory_space<vmem>>, vector<16xf32>,
      tpu.vector_store_idx %arg11[%shift_right_arithmetic3A_11, %and3A_34, %parallel_loop3A_489], %parallel_loop3A_495 : memref<8x8x129xf32, #tpu.memory_space<vmem>>[vector<16xi32>, vector<16xi32>, vector<16xi32>], vector<16xf32>,
      %parallel_loop3A_496 = arith.index_cast %parallel_loop3A_488 : i32 to index
      %parallel_loop3A_497 = arith.constant 32 : index
      %parallel_loop3A_498 = tpu.vector_load %arg7[%parallel_loop3A_496, %parallel_loop3A_497] {strides = array<i32>} : memref<128x64xf32, #tpu.memory_space<vmem>>, vector<16xf32>,
      tpu.vector_store_idx %arg11[%shift_right_arithmetic3A_17, %and3A_40, %parallel_loop3A_489], %parallel_loop3A_498 : memref<8x8x129xf32, #tpu.memory_space<vmem>>[vector<16xi32>, vector<16xi32>, vector<16xi32>], vector<16xf32>,
      %parallel_loop3A_499 = arith.index_cast %parallel_loop3A_488 : i32 to index
      %parallel_loop3A_500 = arith.constant 48 : index
      %parallel_loop3A_501 = tpu.vector_load %arg7[%parallel_loop3A_499, %parallel_loop3A_500] {strides = array<i32>} : memref<128x64xf32, #tpu.memory_space<vmem>>, vector<16xf32>,
      tpu.vector_store_idx %arg11[%shift_right_arithmetic3A_23, %and3A_46, %parallel_loop3A_489], %parallel_loop3A_501 : memref<8x8x129xf32, #tpu.memory_space<vmem>>[vector<16xi32>, vector<16xi32>, vector<16xi32>], vector<16xf32>,
    } {sc.loop_unroll_factor = 4 : i64, sc.parallel_access}
    %dma_start3A_297 = arith.constant 197 : i32
    %dma_start3A_298 = arith.constant 0 : i32
    %dma_start3A_299 = arith.constant 0 : i32
    %dma_start3A_300 = arith.constant 0 : i32
    %dma_start3A_301 = tpu.memref_slice %arg11[%dma_start3A_298, %dma_start3A_299, %dma_start3A_300] : memref<8x8x129xf32, #tpu.memory_space<vmem>> -> memref<8x8x128xf32, #tpu.memory_space<vmem>>
    %dma_start3A_302 = arith.constant 0 : i32
    %dma_start3A_303 = arith.constant 0 : i32
    %dma_start3A_304 = arith.constant 0 : i32
    %dma_start3A_305 = tpu.memref_slice %arg4[%dma_start3A_297, %dma_start3A_302, %add3A, %dma_start3A_303, %dma_start3A_304] : memref<200x8x32x8x128xf32, #tpu.memory_space<hbm>> -> memref<1x8x1x8x128xf32, #tpu.memory_space<hbm>>
    %dma_start3A_306 = tpu.memref_squeeze %dma_start3A_305 : memref<1x8x1x8x128xf32, #tpu.memory_space<hbm>> -> memref<8x8x128xf32, #tpu.memory_space<hbm>>
    %dma_start3A_307 = arith.constant 0 : i32
    %dma_start3A_308 = arith.constant 0 : i32
    %dma_start3A_309 = arith.constant 0 : i32
    %dma_start3A_310 = tpu.memref_slice %arg4[%dma_start3A_297, %dma_start3A_307, %add3A, %dma_start3A_308, %dma_start3A_309] : memref<200x8x32x8x128xf32, #tpu.memory_space<hbm>> -> memref<1x8x1x8x128xf32, #tpu.memory_space<hbm>>
    %dma_start3A_311 = tpu.memref_squeeze %dma_start3A_310 : memref<1x8x1x8x128xf32, #tpu.memory_space<hbm>> -> memref<8x8x128xf32, #tpu.memory_space<hbm>>
    %dma_start3A_312 = arith.constant 0 : i32
    %dma_start3A_313 = arith.constant 0 : i32
    %dma_start3A_314 = arith.constant 0 : i32
    %dma_start3A_315 = tpu.memref_slice %arg11[%dma_start3A_312, %dma_start3A_313, %dma_start3A_314] : memref<8x8x129xf32, #tpu.memory_space<vmem>> -> memref<8x8x128xf32, #tpu.memory_space<vmem>>
    tpu.enqueue_dma source(%dma_start3A_315 : memref<8x8x128xf32, #tpu.memory_space<vmem>>) target(%dma_start3A_311 : memref<8x8x128xf32, #tpu.memory_space<hbm>>) target_semaphore(%arg19 : memref<!tpu.dma_semaphore, #tpu.memory_space<semaphore_mem>>)
    %dma_wait3A_316 = arith.constant 198 : i32
    %dma_wait3A_317 = arith.constant 0 : i32
    %dma_wait3A_318 = tpu.memref_slice %arg5[%dma_wait3A_316, %dma_wait3A_317] : memref<200x128xi32, #tpu.memory_space<vmem>> -> memref<1x128xi32, #tpu.memory_space<vmem>>
    %dma_wait3A_319 = tpu.memref_squeeze %dma_wait3A_318 : memref<1x128xi32, #tpu.memory_space<vmem>> -> memref<128xi32, #tpu.memory_space<vmem>>
    %dma_wait3A_320 = arith.constant 0 : i32
    %dma_wait3A_321 = arith.constant 0 : i32
    %dma_wait3A_322 = tpu.memref_slice %arg3[%dma_wait3A_320, %dma_wait3A_321] : memref<100000x64xf32, #tpu.memory_space<hbm>> -> memref<100000x64xf32, #tpu.memory_space<hbm>>
    tpu.wait_indirect_dma semaphore(%arg16 : memref<!tpu.dma_semaphore, #tpu.memory_space<semaphore_mem>>) src(%dma_wait3A_322 : memref<100000x64xf32, #tpu.memory_space<hbm>>) dst(%arg8 : memref<128x64xf32, #tpu.memory_space<vmem>>)
    %dma_wait3A_323 = arith.constant 194 : i32
    %dma_wait3A_324 = arith.constant 0 : i32
    %dma_wait3A_325 = arith.constant 0 : i32
    %dma_wait3A_326 = arith.constant 0 : i32
    %dma_wait3A_327 = tpu.memref_slice %arg12[%dma_wait3A_324, %dma_wait3A_325, %dma_wait3A_326] : memref<8x8x129xf32, #tpu.memory_space<vmem>> -> memref<8x8x128xf32, #tpu.memory_space<vmem>>
    %dma_wait3A_328 = arith.constant 0 : i32
    %dma_wait3A_329 = arith.constant 0 : i32
    %dma_wait3A_330 = arith.constant 0 : i32
    %dma_wait3A_331 = tpu.memref_slice %arg4[%dma_wait3A_323, %dma_wait3A_328, %add3A, %dma_wait3A_329, %dma_wait3A_330] : memref<200x8x32x8x128xf32, #tpu.memory_space<hbm>> -> memref<1x8x1x8x128xf32, #tpu.memory_space<hbm>>
    %dma_wait3A_332 = tpu.memref_squeeze %dma_wait3A_331 : memref<1x8x1x8x128xf32, #tpu.memory_space<hbm>> -> memref<8x8x128xf32, #tpu.memory_space<hbm>>
    %dma_wait3A_333 = arith.constant 0 : i32
    %dma_wait3A_334 = arith.constant 0 : i32
    %dma_wait3A_335 = arith.constant 0 : i32
    %dma_wait3A_336 = tpu.memref_slice %arg4[%dma_wait3A_323, %dma_wait3A_333, %add3A, %dma_wait3A_334, %dma_wait3A_335] : memref<200x8x32x8x128xf32, #tpu.memory_space<hbm>> -> memref<1x8x1x8x128xf32, #tpu.memory_space<hbm>>
    %dma_wait3A_337 = tpu.memref_squeeze %dma_wait3A_336 : memref<1x8x1x8x128xf32, #tpu.memory_space<hbm>> -> memref<8x8x128xf32, #tpu.memory_space<hbm>>
    %dma_wait3A_338 = arith.constant 0 : i32
    %dma_wait3A_339 = arith.constant 0 : i32
    %dma_wait3A_340 = arith.constant 0 : i32
    %dma_wait3A_341 = tpu.memref_slice %arg12[%dma_wait3A_338, %dma_wait3A_339, %dma_wait3A_340] : memref<8x8x129xf32, #tpu.memory_space<vmem>> -> memref<8x8x128xf32, #tpu.memory_space<vmem>>
    tpu.wait_dma2 semaphore(%arg20 : memref<!tpu.dma_semaphore, #tpu.memory_space<semaphore_mem>>) src(%dma_wait3A_341 : memref<8x8x128xf32, #tpu.memory_space<vmem>>) dst(%dma_wait3A_337 : memref<8x8x128xf32, #tpu.memory_space<hbm>>)
    %parallel_loop3A_342 = arith.constant 0 : i32
    %parallel_loop3A_343 = arith.constant 128 : i32
    %parallel_loop3A_344 = arith.constant 1 : i32
    scf.for %parallel_loop3A_488 = %parallel_loop3A_342 to %parallel_loop3A_343 step %parallel_loop3A_344  : i32 {
      %parallel_loop3A_489 = vector.broadcast %parallel_loop3A_488 : i32 to vector<16xi32>
      %parallel_loop3A_490 = arith.index_cast %parallel_loop3A_488 : i32 to index
      %parallel_loop3A_491 = arith.constant 0 : index
      %parallel_loop3A_492 = tpu.vector_load %arg8[%parallel_loop3A_490, %parallel_loop3A_491] {strides = array<i32>} : memref<128x64xf32, #tpu.memory_space<vmem>>, vector<16xf32>,
      tpu.vector_store_idx %arg12[%shift_right_arithmetic3A_5, %and3A_28, %parallel_loop3A_489], %parallel_loop3A_492 : memref<8x8x129xf32, #tpu.memory_space<vmem>>[vector<16xi32>, vector<16xi32>, vector<16xi32>], vector<16xf32>,
      %parallel_loop3A_493 = arith.index_cast %parallel_loop3A_488 : i32 to index
      %parallel_loop3A_494 = arith.constant 16 : index
      %parallel_loop3A_495 = tpu.vector_load %arg8[%parallel_loop3A_493, %parallel_loop3A_494] {strides = array<i32>} : memref<128x64xf32, #tpu.memory_space<vmem>>, vector<16xf32>,
      tpu.vector_store_idx %arg12[%shift_right_arithmetic3A_11, %and3A_34, %parallel_loop3A_489], %parallel_loop3A_495 : memref<8x8x129xf32, #tpu.memory_space<vmem>>[vector<16xi32>, vector<16xi32>, vector<16xi32>], vector<16xf32>,
      %parallel_loop3A_496 = arith.index_cast %parallel_loop3A_488 : i32 to index
      %parallel_loop3A_497 = arith.constant 32 : index
      %parallel_loop3A_498 = tpu.vector_load %arg8[%parallel_loop3A_496, %parallel_loop3A_497] {strides = array<i32>} : memref<128x64xf32, #tpu.memory_space<vmem>>, vector<16xf32>,
      tpu.vector_store_idx %arg12[%shift_right_arithmetic3A_17, %and3A_40, %parallel_loop3A_489], %parallel_loop3A_498 : memref<8x8x129xf32, #tpu.memory_space<vmem>>[vector<16xi32>, vector<16xi32>, vector<16xi32>], vector<16xf32>,
      %parallel_loop3A_499 = arith.index_cast %parallel_loop3A_488 : i32 to index
      %parallel_loop3A_500 = arith.constant 48 : index
      %parallel_loop3A_501 = tpu.vector_load %arg8[%parallel_loop3A_499, %parallel_loop3A_500] {strides = array<i32>} : memref<128x64xf32, #tpu.memory_space<vmem>>, vector<16xf32>,
      tpu.vector_store_idx %arg12[%shift_right_arithmetic3A_23, %and3A_46, %parallel_loop3A_489], %parallel_loop3A_501 : memref<8x8x129xf32, #tpu.memory_space<vmem>>[vector<16xi32>, vector<16xi32>, vector<16xi32>], vector<16xf32>,
    } {sc.loop_unroll_factor = 4 : i64, sc.parallel_access}
    %dma_start3A_345 = arith.constant 198 : i32
    %dma_start3A_346 = arith.constant 0 : i32
    %dma_start3A_347 = arith.constant 0 : i32
    %dma_start3A_348 = arith.constant 0 : i32
    %dma_start3A_349 = tpu.memref_slice %arg12[%dma_start3A_346, %dma_start3A_347, %dma_start3A_348] : memref<8x8x129xf32, #tpu.memory_space<vmem>> -> memref<8x8x128xf32, #tpu.memory_space<vmem>>
    %dma_start3A_350 = arith.constant 0 : i32
    %dma_start3A_351 = arith.constant 0 : i32
    %dma_start3A_352 = arith.constant 0 : i32
    %dma_start3A_353 = tpu.memref_slice %arg4[%dma_start3A_345, %dma_start3A_350, %add3A, %dma_start3A_351, %dma_start3A_352] : memref<200x8x32x8x128xf32, #tpu.memory_space<hbm>> -> memref<1x8x1x8x128xf32, #tpu.memory_space<hbm>>
    %dma_start3A_354 = tpu.memref_squeeze %dma_start3A_353 : memref<1x8x1x8x128xf32, #tpu.memory_space<hbm>> -> memref<8x8x128xf32, #tpu.memory_space<hbm>>
    %dma_start3A_355 = arith.constant 0 : i32
    %dma_start3A_356 = arith.constant 0 : i32
    %dma_start3A_357 = arith.constant 0 : i32
    %dma_start3A_358 = tpu.memref_slice %arg4[%dma_start3A_345, %dma_start3A_355, %add3A, %dma_start3A_356, %dma_start3A_357] : memref<200x8x32x8x128xf32, #tpu.memory_space<hbm>> -> memref<1x8x1x8x128xf32, #tpu.memory_space<hbm>>
    %dma_start3A_359 = tpu.memref_squeeze %dma_start3A_358 : memref<1x8x1x8x128xf32, #tpu.memory_space<hbm>> -> memref<8x8x128xf32, #tpu.memory_space<hbm>>
    %dma_start3A_360 = arith.constant 0 : i32
    %dma_start3A_361 = arith.constant 0 : i32
    %dma_start3A_362 = arith.constant 0 : i32
    %dma_start3A_363 = tpu.memref_slice %arg12[%dma_start3A_360, %dma_start3A_361, %dma_start3A_362] : memref<8x8x129xf32, #tpu.memory_space<vmem>> -> memref<8x8x128xf32, #tpu.memory_space<vmem>>
    tpu.enqueue_dma source(%dma_start3A_363 : memref<8x8x128xf32, #tpu.memory_space<vmem>>) target(%dma_start3A_359 : memref<8x8x128xf32, #tpu.memory_space<hbm>>) target_semaphore(%arg20 : memref<!tpu.dma_semaphore, #tpu.memory_space<semaphore_mem>>)
    %dma_wait3A_364 = arith.constant 199 : i32
    %dma_wait3A_365 = arith.constant 0 : i32
    %dma_wait3A_366 = tpu.memref_slice %arg5[%dma_wait3A_364, %dma_wait3A_365] : memref<200x128xi32, #tpu.memory_space<vmem>> -> memref<1x128xi32, #tpu.memory_space<vmem>>
    %dma_wait3A_367 = tpu.memref_squeeze %dma_wait3A_366 : memref<1x128xi32, #tpu.memory_space<vmem>> -> memref<128xi32, #tpu.memory_space<vmem>>
    %dma_wait3A_368 = arith.constant 0 : i32
    %dma_wait3A_369 = arith.constant 0 : i32
    %dma_wait3A_370 = tpu.memref_slice %arg3[%dma_wait3A_368, %dma_wait3A_369] : memref<100000x64xf32, #tpu.memory_space<hbm>> -> memref<100000x64xf32, #tpu.memory_space<hbm>>
    tpu.wait_indirect_dma semaphore(%arg17 : memref<!tpu.dma_semaphore, #tpu.memory_space<semaphore_mem>>) src(%dma_wait3A_370 : memref<100000x64xf32, #tpu.memory_space<hbm>>) dst(%arg9 : memref<128x64xf32, #tpu.memory_space<vmem>>)
    %dma_wait3A_371 = arith.constant 195 : i32
    %dma_wait3A_372 = arith.constant 0 : i32
    %dma_wait3A_373 = arith.constant 0 : i32
    %dma_wait3A_374 = arith.constant 0 : i32
    %dma_wait3A_375 = tpu.memref_slice %arg13[%dma_wait3A_372, %dma_wait3A_373, %dma_wait3A_374] : memref<8x8x129xf32, #tpu.memory_space<vmem>> -> memref<8x8x128xf32, #tpu.memory_space<vmem>>
    %dma_wait3A_376 = arith.constant 0 : i32
    %dma_wait3A_377 = arith.constant 0 : i32
    %dma_wait3A_378 = arith.constant 0 : i32
    %dma_wait3A_379 = tpu.memref_slice %arg4[%dma_wait3A_371, %dma_wait3A_376, %add3A, %dma_wait3A_377, %dma_wait3A_378] : memref<200x8x32x8x128xf32, #tpu.memory_space<hbm>> -> memref<1x8x1x8x128xf32, #tpu.memory_space<hbm>>
    %dma_wait3A_380 = tpu.memref_squeeze %dma_wait3A_379 : memref<1x8x1x8x128xf32, #tpu.memory_space<hbm>> -> memref<8x8x128xf32, #tpu.memory_space<hbm>>
    %dma_wait3A_381 = arith.constant 0 : i32
    %dma_wait3A_382 = arith.constant 0 : i32
    %dma_wait3A_383 = arith.constant 0 : i32
    %dma_wait3A_384 = tpu.memref_slice %arg4[%dma_wait3A_371, %dma_wait3A_381, %add3A, %dma_wait3A_382, %dma_wait3A_383] : memref<200x8x32x8x128xf32, #tpu.memory_space<hbm>> -> memref<1x8x1x8x128xf32, #tpu.memory_space<hbm>>
    %dma_wait3A_385 = tpu.memref_squeeze %dma_wait3A_384 : memref<1x8x1x8x128xf32, #tpu.memory_space<hbm>> -> memref<8x8x128xf32, #tpu.memory_space<hbm>>
    %dma_wait3A_386 = arith.constant 0 : i32
    %dma_wait3A_387 = arith.constant 0 : i32
    %dma_wait3A_388 = arith.constant 0 : i32
    %dma_wait3A_389 = tpu.memref_slice %arg13[%dma_wait3A_386, %dma_wait3A_387, %dma_wait3A_388] : memref<8x8x129xf32, #tpu.memory_space<vmem>> -> memref<8x8x128xf32, #tpu.memory_space<vmem>>
    tpu.wait_dma2 semaphore(%arg21 : memref<!tpu.dma_semaphore, #tpu.memory_space<semaphore_mem>>) src(%dma_wait3A_389 : memref<8x8x128xf32, #tpu.memory_space<vmem>>) dst(%dma_wait3A_385 : memref<8x8x128xf32, #tpu.memory_space<hbm>>)
    %parallel_loop3A_390 = arith.constant 0 : i32
    %parallel_loop3A_391 = arith.constant 128 : i32
    %parallel_loop3A_392 = arith.constant 1 : i32
    scf.for %parallel_loop3A_488 = %parallel_loop3A_390 to %parallel_loop3A_391 step %parallel_loop3A_392  : i32 {
      %parallel_loop3A_489 = vector.broadcast %parallel_loop3A_488 : i32 to vector<16xi32>
      %parallel_loop3A_490 = arith.index_cast %parallel_loop3A_488 : i32 to index
      %parallel_loop3A_491 = arith.constant 0 : index
      %parallel_loop3A_492 = tpu.vector_load %arg9[%parallel_loop3A_490, %parallel_loop3A_491] {strides = array<i32>} : memref<128x64xf32, #tpu.memory_space<vmem>>, vector<16xf32>,
      tpu.vector_store_idx %arg13[%shift_right_arithmetic3A_5, %and3A_28, %parallel_loop3A_489], %parallel_loop3A_492 : memref<8x8x129xf32, #tpu.memory_space<vmem>>[vector<16xi32>, vector<16xi32>, vector<16xi32>], vector<16xf32>,
      %parallel_loop3A_493 = arith.index_cast %parallel_loop3A_488 : i32 to index
      %parallel_loop3A_494 = arith.constant 16 : index
      %parallel_loop3A_495 = tpu.vector_load %arg9[%parallel_loop3A_493, %parallel_loop3A_494] {strides = array<i32>} : memref<128x64xf32, #tpu.memory_space<vmem>>, vector<16xf32>,
      tpu.vector_store_idx %arg13[%shift_right_arithmetic3A_11, %and3A_34, %parallel_loop3A_489], %parallel_loop3A_495 : memref<8x8x129xf32, #tpu.memory_space<vmem>>[vector<16xi32>, vector<16xi32>, vector<16xi32>], vector<16xf32>,
      %parallel_loop3A_496 = arith.index_cast %parallel_loop3A_488 : i32 to index
      %parallel_loop3A_497 = arith.constant 32 : index
      %parallel_loop3A_498 = tpu.vector_load %arg9[%parallel_loop3A_496, %parallel_loop3A_497] {strides = array<i32>} : memref<128x64xf32, #tpu.memory_space<vmem>>, vector<16xf32>,
      tpu.vector_store_idx %arg13[%shift_right_arithmetic3A_17, %and3A_40, %parallel_loop3A_489], %parallel_loop3A_498 : memref<8x8x129xf32, #tpu.memory_space<vmem>>[vector<16xi32>, vector<16xi32>, vector<16xi32>], vector<16xf32>,
      %parallel_loop3A_499 = arith.index_cast %parallel_loop3A_488 : i32 to index
      %parallel_loop3A_500 = arith.constant 48 : index
      %parallel_loop3A_501 = tpu.vector_load %arg9[%parallel_loop3A_499, %parallel_loop3A_500] {strides = array<i32>} : memref<128x64xf32, #tpu.memory_space<vmem>>, vector<16xf32>,
      tpu.vector_store_idx %arg13[%shift_right_arithmetic3A_23, %and3A_46, %parallel_loop3A_489], %parallel_loop3A_501 : memref<8x8x129xf32, #tpu.memory_space<vmem>>[vector<16xi32>, vector<16xi32>, vector<16xi32>], vector<16xf32>,
    } {sc.loop_unroll_factor = 4 : i64, sc.parallel_access}
    %dma_start3A_393 = arith.constant 199 : i32
    %dma_start3A_394 = arith.constant 0 : i32
    %dma_start3A_395 = arith.constant 0 : i32
    %dma_start3A_396 = arith.constant 0 : i32
    %dma_start3A_397 = tpu.memref_slice %arg13[%dma_start3A_394, %dma_start3A_395, %dma_start3A_396] : memref<8x8x129xf32, #tpu.memory_space<vmem>> -> memref<8x8x128xf32, #tpu.memory_space<vmem>>
    %dma_start3A_398 = arith.constant 0 : i32
    %dma_start3A_399 = arith.constant 0 : i32
    %dma_start3A_400 = arith.constant 0 : i32
    %dma_start3A_401 = tpu.memref_slice %arg4[%dma_start3A_393, %dma_start3A_398, %add3A, %dma_start3A_399, %dma_start3A_400] : memref<200x8x32x8x128xf32, #tpu.memory_space<hbm>> -> memref<1x8x1x8x128xf32, #tpu.memory_space<hbm>>
    %dma_start3A_402 = tpu.memref_squeeze %dma_start3A_401 : memref<1x8x1x8x128xf32, #tpu.memory_space<hbm>> -> memref<8x8x128xf32, #tpu.memory_space<hbm>>
    %dma_start3A_403 = arith.constant 0 : i32
    %dma_start3A_404 = arith.constant 0 : i32
    %dma_start3A_405 = arith.constant 0 : i32
    %dma_start3A_406 = tpu.memref_slice %arg4[%dma_start3A_393, %dma_start3A_403, %add3A, %dma_start3A_404, %dma_start3A_405] : memref<200x8x32x8x128xf32, #tpu.memory_space<hbm>> -> memref<1x8x1x8x128xf32, #tpu.memory_space<hbm>>
    %dma_start3A_407 = tpu.memref_squeeze %dma_start3A_406 : memref<1x8x1x8x128xf32, #tpu.memory_space<hbm>> -> memref<8x8x128xf32, #tpu.memory_space<hbm>>
    %dma_start3A_408 = arith.constant 0 : i32
    %dma_start3A_409 = arith.constant 0 : i32
    %dma_start3A_410 = arith.constant 0 : i32
    %dma_start3A_411 = tpu.memref_slice %arg13[%dma_start3A_408, %dma_start3A_409, %dma_start3A_410] : memref<8x8x129xf32, #tpu.memory_space<vmem>> -> memref<8x8x128xf32, #tpu.memory_space<vmem>>
    tpu.enqueue_dma source(%dma_start3A_411 : memref<8x8x128xf32, #tpu.memory_space<vmem>>) target(%dma_start3A_407 : memref<8x8x128xf32, #tpu.memory_space<hbm>>) target_semaphore(%arg21 : memref<!tpu.dma_semaphore, #tpu.memory_space<semaphore_mem>>)
    %dma_wait3A_412 = arith.constant 196 : i32
    %dma_wait3A_413 = arith.constant 0 : i32
    %dma_wait3A_414 = arith.constant 0 : i32
    %dma_wait3A_415 = arith.constant 0 : i32
    %dma_wait3A_416 = tpu.memref_slice %arg10[%dma_wait3A_413, %dma_wait3A_414, %dma_wait3A_415] : memref<8x8x129xf32, #tpu.memory_space<vmem>> -> memref<8x8x128xf32, #tpu.memory_space<vmem>>
    %dma_wait3A_417 = arith.constant 0 : i32
    %dma_wait3A_418 = arith.constant 0 : i32
    %dma_wait3A_419 = arith.constant 0 : i32
    %dma_wait3A_420 = tpu.memref_slice %arg4[%dma_wait3A_412, %dma_wait3A_417, %add3A, %dma_wait3A_418, %dma_wait3A_419] : memref<200x8x32x8x128xf32, #tpu.memory_space<hbm>> -> memref<1x8x1x8x128xf32, #tpu.memory_space<hbm>>
    %dma_wait3A_421 = tpu.memref_squeeze %dma_wait3A_420 : memref<1x8x1x8x128xf32, #tpu.memory_space<hbm>> -> memref<8x8x128xf32, #tpu.memory_space<hbm>>
    %dma_wait3A_422 = arith.constant 0 : i32
    %dma_wait3A_423 = arith.constant 0 : i32
    %dma_wait3A_424 = arith.constant 0 : i32
    %dma_wait3A_425 = tpu.memref_slice %arg4[%dma_wait3A_412, %dma_wait3A_422, %add3A, %dma_wait3A_423, %dma_wait3A_424] : memref<200x8x32x8x128xf32, #tpu.memory_space<hbm>> -> memref<1x8x1x8x128xf32, #tpu.memory_space<hbm>>
    %dma_wait3A_426 = tpu.memref_squeeze %dma_wait3A_425 : memref<1x8x1x8x128xf32, #tpu.memory_space<hbm>> -> memref<8x8x128xf32, #tpu.memory_space<hbm>>
    %dma_wait3A_427 = arith.constant 0 : i32
    %dma_wait3A_428 = arith.constant 0 : i32
    %dma_wait3A_429 = arith.constant 0 : i32
    %dma_wait3A_430 = tpu.memref_slice %arg10[%dma_wait3A_427, %dma_wait3A_428, %dma_wait3A_429] : memref<8x8x129xf32, #tpu.memory_space<vmem>> -> memref<8x8x128xf32, #tpu.memory_space<vmem>>
    tpu.wait_dma2 semaphore(%arg18 : memref<!tpu.dma_semaphore, #tpu.memory_space<semaphore_mem>>) src(%dma_wait3A_430 : memref<8x8x128xf32, #tpu.memory_space<vmem>>) dst(%dma_wait3A_426 : memref<8x8x128xf32, #tpu.memory_space<hbm>>)
    %dma_wait3A_431 = arith.constant 197 : i32
    %dma_wait3A_432 = arith.constant 0 : i32
    %dma_wait3A_433 = arith.constant 0 : i32
    %dma_wait3A_434 = arith.constant 0 : i32
    %dma_wait3A_435 = tpu.memref_slice %arg11[%dma_wait3A_432, %dma_wait3A_433, %dma_wait3A_434] : memref<8x8x129xf32, #tpu.memory_space<vmem>> -> memref<8x8x128xf32, #tpu.memory_space<vmem>>
    %dma_wait3A_436 = arith.constant 0 : i32
    %dma_wait3A_437 = arith.constant 0 : i32
    %dma_wait3A_438 = arith.constant 0 : i32
    %dma_wait3A_439 = tpu.memref_slice %arg4[%dma_wait3A_431, %dma_wait3A_436, %add3A, %dma_wait3A_437, %dma_wait3A_438] : memref<200x8x32x8x128xf32, #tpu.memory_space<hbm>> -> memref<1x8x1x8x128xf32, #tpu.memory_space<hbm>>
    %dma_wait3A_440 = tpu.memref_squeeze %dma_wait3A_439 : memref<1x8x1x8x128xf32, #tpu.memory_space<hbm>> -> memref<8x8x128xf32, #tpu.memory_space<hbm>>
    %dma_wait3A_441 = arith.constant 0 : i32
    %dma_wait3A_442 = arith.constant 0 : i32
    %dma_wait3A_443 = arith.constant 0 : i32
    %dma_wait3A_444 = tpu.memref_slice %arg4[%dma_wait3A_431, %dma_wait3A_441, %add3A, %dma_wait3A_442, %dma_wait3A_443] : memref<200x8x32x8x128xf32, #tpu.memory_space<hbm>> -> memref<1x8x1x8x128xf32, #tpu.memory_space<hbm>>
    %dma_wait3A_445 = tpu.memref_squeeze %dma_wait3A_444 : memref<1x8x1x8x128xf32, #tpu.memory_space<hbm>> -> memref<8x8x128xf32, #tpu.memory_space<hbm>>
    %dma_wait3A_446 = arith.constant 0 : i32
    %dma_wait3A_447 = arith.constant 0 : i32
    %dma_wait3A_448 = arith.constant 0 : i32
    %dma_wait3A_449 = tpu.memref_slice %arg11[%dma_wait3A_446, %dma_wait3A_447, %dma_wait3A_448] : memref<8x8x129xf32, #tpu.memory_space<vmem>> -> memref<8x8x128xf32, #tpu.memory_space<vmem>>
    tpu.wait_dma2 semaphore(%arg19 : memref<!tpu.dma_semaphore, #tpu.memory_space<semaphore_mem>>) src(%dma_wait3A_449 : memref<8x8x128xf32, #tpu.memory_space<vmem>>) dst(%dma_wait3A_445 : memref<8x8x128xf32, #tpu.memory_space<hbm>>)
    %dma_wait3A_450 = arith.constant 198 : i32
    %dma_wait3A_451 = arith.constant 0 : i32
    %dma_wait3A_452 = arith.constant 0 : i32
    %dma_wait3A_453 = arith.constant 0 : i32
    %dma_wait3A_454 = tpu.memref_slice %arg12[%dma_wait3A_451, %dma_wait3A_452, %dma_wait3A_453] : memref<8x8x129xf32, #tpu.memory_space<vmem>> -> memref<8x8x128xf32, #tpu.memory_space<vmem>>
    %dma_wait3A_455 = arith.constant 0 : i32
    %dma_wait3A_456 = arith.constant 0 : i32
    %dma_wait3A_457 = arith.constant 0 : i32
    %dma_wait3A_458 = tpu.memref_slice %arg4[%dma_wait3A_450, %dma_wait3A_455, %add3A, %dma_wait3A_456, %dma_wait3A_457] : memref<200x8x32x8x128xf32, #tpu.memory_space<hbm>> -> memref<1x8x1x8x128xf32, #tpu.memory_space<hbm>>
    %dma_wait3A_459 = tpu.memref_squeeze %dma_wait3A_458 : memref<1x8x1x8x128xf32, #tpu.memory_space<hbm>> -> memref<8x8x128xf32, #tpu.memory_space<hbm>>
    %dma_wait3A_460 = arith.constant 0 : i32
    %dma_wait3A_461 = arith.constant 0 : i32
    %dma_wait3A_462 = arith.constant 0 : i32
    %dma_wait3A_463 = tpu.memref_slice %arg4[%dma_wait3A_450, %dma_wait3A_460, %add3A, %dma_wait3A_461, %dma_wait3A_462] : memref<200x8x32x8x128xf32, #tpu.memory_space<hbm>> -> memref<1x8x1x8x128xf32, #tpu.memory_space<hbm>>
    %dma_wait3A_464 = tpu.memref_squeeze %dma_wait3A_463 : memref<1x8x1x8x128xf32, #tpu.memory_space<hbm>> -> memref<8x8x128xf32, #tpu.memory_space<hbm>>
    %dma_wait3A_465 = arith.constant 0 : i32
    %dma_wait3A_466 = arith.constant 0 : i32
    %dma_wait3A_467 = arith.constant 0 : i32
    %dma_wait3A_468 = tpu.memref_slice %arg12[%dma_wait3A_465, %dma_wait3A_466, %dma_wait3A_467] : memref<8x8x129xf32, #tpu.memory_space<vmem>> -> memref<8x8x128xf32, #tpu.memory_space<vmem>>
    tpu.wait_dma2 semaphore(%arg20 : memref<!tpu.dma_semaphore, #tpu.memory_space<semaphore_mem>>) src(%dma_wait3A_468 : memref<8x8x128xf32, #tpu.memory_space<vmem>>) dst(%dma_wait3A_464 : memref<8x8x128xf32, #tpu.memory_space<hbm>>)
    %dma_wait3A_469 = arith.constant 199 : i32
    %dma_wait3A_470 = arith.constant 0 : i32
    %dma_wait3A_471 = arith.constant 0 : i32
    %dma_wait3A_472 = arith.constant 0 : i32
    %dma_wait3A_473 = tpu.memref_slice %arg13[%dma_wait3A_470, %dma_wait3A_471, %dma_wait3A_472] : memref<8x8x129xf32, #tpu.memory_space<vmem>> -> memref<8x8x128xf32, #tpu.memory_space<vmem>>
    %dma_wait3A_474 = arith.constant 0 : i32
    %dma_wait3A_475 = arith.constant 0 : i32
    %dma_wait3A_476 = arith.constant 0 : i32
    %dma_wait3A_477 = tpu.memref_slice %arg4[%dma_wait3A_469, %dma_wait3A_474, %add3A, %dma_wait3A_475, %dma_wait3A_476] : memref<200x8x32x8x128xf32, #tpu.memory_space<hbm>> -> memref<1x8x1x8x128xf32, #tpu.memory_space<hbm>>
    %dma_wait3A_478 = tpu.memref_squeeze %dma_wait3A_477 : memref<1x8x1x8x128xf32, #tpu.memory_space<hbm>> -> memref<8x8x128xf32, #tpu.memory_space<hbm>>
    %dma_wait3A_479 = arith.constant 0 : i32
    %dma_wait3A_480 = arith.constant 0 : i32
    %dma_wait3A_481 = arith.constant 0 : i32
    %dma_wait3A_482 = tpu.memref_slice %arg4[%dma_wait3A_469, %dma_wait3A_479, %add3A, %dma_wait3A_480, %dma_wait3A_481] : memref<200x8x32x8x128xf32, #tpu.memory_space<hbm>> -> memref<1x8x1x8x128xf32, #tpu.memory_space<hbm>>
    %dma_wait3A_483 = tpu.memref_squeeze %dma_wait3A_482 : memref<1x8x1x8x128xf32, #tpu.memory_space<hbm>> -> memref<8x8x128xf32, #tpu.memory_space<hbm>>
    %dma_wait3A_484 = arith.constant 0 : i32
    %dma_wait3A_485 = arith.constant 0 : i32
    %dma_wait3A_486 = arith.constant 0 : i32
    %dma_wait3A_487 = tpu.memref_slice %arg13[%dma_wait3A_484, %dma_wait3A_485, %dma_wait3A_486] : memref<8x8x129xf32, #tpu.memory_space<vmem>> -> memref<8x8x128xf32, #tpu.memory_space<vmem>>
    tpu.wait_dma2 semaphore(%arg21 : memref<!tpu.dma_semaphore, #tpu.memory_space<semaphore_mem>>) src(%dma_wait3A_487 : memref<8x8x128xf32, #tpu.memory_space<vmem>>) dst(%dma_wait3A_483 : memref<8x8x128xf32, #tpu.memory_space<hbm>>)
    return
  }
}

</mosaic_0001>

<sc_bundles>
// kernel: kernel.3.cloned.1.call-start
scs
__scs_entry_jumppad:
0x0: {  	(pc) =	sbr.rel $0x88, $3  }
0x1: {  	(tag) =	ssettag $0x0;
	lr =	simm.s32 $0x1  }
0x2: {  	[smem:$0x3F9F] =	sst lr;
	_ =	strace $0xD0000000  }
0x3: {  	_ = 	snop  }
0x4: {  	_ = 	snop  }
0x5: {  	_ = 	snop  }
0x6: {  	_ = 	snop  }
0x7: {  	_ = 	snop  }
__scs_overlays_trampoline_lowered:
0x8: {  	[smem:$0x3FAE] =	sst s0  }
0x9: {  	[smem:$0x3FAF] =	sst s1  }
0xa: {  	[smem:$0x3FB0] =	sst s2  }
0xb: {  	[smem:$0x3FB1] =	sst s3  }
0xc: {  	[smem:$0x3FB2] =	sst s4  }
0xd: {  	[smem:$0x3FB3] =	sst s5  }
0xe: {  	[smem:$0x3FB4] =	sst s6  }
0xf: {  	[smem:$0x3FB5] =	sst s7  }
0x10: {  	[smem:$0x3FB6] =	sst s8  }
0x11: {  	[smem:$0x3FB7] =	sst s9;
	s0 =	simm.s32 @!p0 $0x0  }
0x12: {  	s1 =	sld [smem:$0x3F9D];
	s0 =	simm.s32 @p0 $0x1  }
0x13: {  	[smem:$0x3FB8] =	sst s0;
	s0 =	simm.s32 @!p1 $0x0  }
0x14: {  	s2 =	sld [smem:$0x3F9C];
	s0 =	simm.s32 @p1 $0x1  }
0x15: {  	[smem:$0x3FB9] =	sst s0;
	s0 =	simm.s32 @!p2 $0x0  }
0x16: {  	s3 =	sld [smem:$0x3FDB];
	s0 =	simm.s32 @p2 $0x1  }
0x17: {  	s4 =	simm.s32 $0x1BF5;
	[smem:$0x3FBB] =	sst s0  }
0x18: {  	s0 =	sld [smem:$0x3F9E];
	_ =	swait.ge [sflag:s4], $0x0  }
0x19: {  	s7 =	sld [smem:$0x3F9F]  }
0x1a: {  	s8 =	sadd.s32 $0xFFFFE003, lr  }
0x1b: {  	s9 =	sadd.s32 $0xFFFFFEF7, lr;
	s5 =	simm.s32 $0xFFFFFFFF;
	p2 =	slt.u32 s8, $0xFFFFF086  }
0x1c: {  	p1 =	slt.u32 s9, $0xF7A;
	s5 =	simm.s32 @!p2 $0x0  }
0x1d: {  	s5 =	simm.s32 @p1 $0x1;
	p0 =	seq.s32 s7, s2  }
0x1e: {  	s7 =	smul.u32 @!p0 $0xF7A, s2;
	p2 =	seq.s32 @!p0 s5, $0x0  }
0x1f: {  	s9 =	smul.u32 $0xF7A, s1;
	s8 =	simm.s32 @!p0 $0x1BF5;
	p2 =	por !p2, p0  }
0x20: {  	[sflag:s8] =	ssyncset.s32 @!p0 $0xFFFFF086;
	s6 =	sadd.s32 @!p0 s3, s7;
	s7 =	simm.s32 @!p0 $0x108  }
0x21: {  	s3 =	sadd.s32 s3, s9;
	s6 =	sadd.s32 @!p0 $0x88, s6;
	s7 =	simm.s32 @p2 $0x1082  }
0x22: {  	[simem:s7], [sflag:s8] =	dma.local @!p0 [hbm:s6], $0xF7A  }
0x23: {  	s9 =	sor.u32 $0xD0000000, s2;
	s6 =	simm.s32 $0x108;
	_ =	swait.ge @!p0 [sflag:s8], $0x0  }
0x24: {  	s3 =	sadd.s32 $0x88, s3;
	s6 =	simm.s32 @!p1 $0x1082;
	[sflag:s4] =	ssyncset.s32 $0xFFFFF086  }
0x25: {  	[simem:s6], [sflag:s4] =	dma.local [hbm:s3], $0xF7A  }
0x26: {  	[smem:$0x3F9F] =	sst s1;
	(tag) =	ssettag s2;
	_ =	strace s9  }
0x27: {  	s1 =	sld [smem:$0x3FAF]  }
0x28: {  	s2 =	sld [smem:$0x3FB0]  }
0x29: {  	s4 =	sld [smem:$0x3FB2]  }
0x2a: {  	p0 =	seq.s32 s5, $0x0;
	s5 =	sld [smem:$0x3FB3]  }
0x2b: {  	s6 =	sld [smem:$0x3FB4]  }
0x2c: {  	s7 =	sld [smem:$0x3FB5]  }
0x2d: {  	s3 =	simm.s32 $0x108;
	s8 =	sld [smem:$0x3FB6]  }
0x2e: {  	s3 =	simm.s32 @!p0 $0x1082;
	s9 =	sld [smem:$0x3FB7]  }
0x2f: {  	lr =	sadd.s32 s0, s3;
	s0 =	sld [smem:$0x3FAE]  }
0x30: {  	s3 =	sld [smem:$0x3FB1]  }
0x31: {  	[smem:$0x3FBA] =	sst s10  }
0x32: {  	s10 =	sld [smem:$0x3FB8];
	_ =	sdelay $0x3  }
0x33: {  	p0 =	seq.s32 s10, $0x1;
	s10 =	sld [smem:$0x3FBA];
	_ =	sdelay $0x3  }
0x34: {  	[smem:$0x3FBA] =	sst s10  }
0x35: {  	s10 =	sld [smem:$0x3FB9];
	_ =	sdelay $0x3  }
0x36: {  	p1 =	seq.s32 s10, $0x1;
	s10 =	sld [smem:$0x3FBA];
	_ =	sdelay $0x3  }
0x37: {  	[smem:$0x3FBA] =	sst s10  }
0x38: {  	s10 =	sld [smem:$0x3FBB]  }
0x39: {  	_ = 	snop;
	(pc) =	sbr.ind lr, $3  }
0x3a: {  	_ = 	snop  }
0x3b: {  	_ = 	snop  }
0x3c: {  	p2 =	seq.s32 s10, $0x1;
	s10 =	sld [smem:$0x3FBA]  }
0x3d: {  	_ =	shalt  }
0x3e: {  	_ =	shalt  }
0x3f: {  	_ =	shalt  }
0x40: {  	_ =	shalt  }
0x41: {  	_ =	shalt  }
0x42: {  	_ =	shalt  }
0x43: {  	_ =	shalt  }
0x44: {  	_ =	shalt  }
0x45: {  	_ =	shalt  }
0x46: {  	_ =	shalt  }
0x47: {  	_ =	shalt  }
0x48: {  	_ =	shalt  }
0x49: {  	_ =	shalt  }
0x4a: {  	_ =	shalt  }
0x4b: {  	_ =	shalt  }
0x4c: {  	_ =	shalt  }
0x4d: {  	_ =	shalt  }
0x4e: {  	_ =	shalt  }
0x4f: {  	_ =	shalt  }
0x50: {  	_ =	shalt  }
0x51: {  	_ =	shalt  }
0x52: {  	_ =	shalt  }
0x53: {  	_ =	shalt  }
0x54: {  	_ =	shalt  }
0x55: {  	_ =	shalt  }
0x56: {  	_ =	shalt  }
0x57: {  	_ =	shalt  }
0x58: {  	_ =	shalt  }
0x59: {  	_ =	shalt  }
0x5a: {  	_ =	shalt  }
0x5b: {  	_ =	shalt  }
0x5c: {  	_ =	shalt  }
0x5d: {  	_ =	shalt  }
0x5e: {  	_ =	shalt  }
0x5f: {  	_ =	shalt  }
0x60: {  	_ =	shalt  }
0x61: {  	_ =	shalt  }
0x62: {  	_ =	shalt  }
0x63: {  	_ =	shalt  }
0x64: {  	_ =	shalt  }
0x65: {  	_ =	shalt  }
0x66: {  	_ =	shalt  }
0x67: {  	_ =	shalt  }
0x68: {  	_ =	shalt  }
0x69: {  	_ =	shalt  }
0x6a: {  	_ =	shalt  }
0x6b: {  	_ =	shalt  }
0x6c: {  	_ =	shalt  }
0x6d: {  	_ =	shalt  }
0x6e: {  	_ =	shalt  }
0x6f: {  	_ =	shalt  }
0x70: {  	_ =	shalt  }
0x71: {  	_ =	shalt  }
0x72: {  	_ =	shalt  }
0x73: {  	_ =	shalt  }
0x74: {  	_ =	shalt  }
0x75: {  	_ =	shalt  }
0x76: {  	_ =	shalt  }
0x77: {  	_ =	shalt  }
0x78: {  	_ =	shalt  }
0x79: {  	_ =	shalt  }
0x7a: {  	_ =	shalt  }
0x7b: {  	_ =	shalt  }
0x7c: {  	_ =	shalt  }
0x7d: {  	_ =	shalt  }
0x7e: {  	_ =	shalt  }
0x7f: {  	_ =	shalt  }
0x80: {  	_ =	shalt  }
0x81: {  	_ =	shalt  }
0x82: {  	_ =	shalt  }
0x83: {  	_ =	shalt  }
0x84: {  	_ =	shalt  }
0x85: {  	_ =	shalt  }
0x86: {  	_ =	shalt  }
0x87: {  	_ =	shalt  }
.Lfunc_end0:
.L_simem_size_0:
called_computation_lowered:
.L_overlay_start_0:
0x88: {  	s2 =	sld [smem:$0x3FD9]  }
0x89: {  	s3 =	sld [smem:$0x3FFE];
	_ =	sdelay $0x1  }
0x8a: {  	s1 =	srdreg.scid  }
0x8b: {  	s0 =	sand.u32 $0x1, s1  }
0x8c: {  	s17 =	sshll.u32 s0, $0xA;
	s2 =	sadd.s32 s3, s2  }
0x8d: {  	s2 =	sadd.s32 s2, s17  }
0x8e: {  	[smem:$0x3FC6] =	sst s2  }
0x8f: {  	_ = 	snop  }
0x90: {  	s2 =	sld [smem:$0x3FD0];
	(tm) =	ssettm $0x1  }
0x91: {  	s18 =	sld [smem:$0x3FFB];
	_ =	sdelay $0x3  }
0x92: {  	_ =	strace s18  }
0x93: {  	s3 =	sld [smem:$0x3FFC];
	_ =	sdelay $0x3  }
0x94: {  	_ =	strace s3  }
0x95: {  	s3 =	sld [smem:$0x3FFD];
	_ =	sdelay $0x3  }
0x96: {  	_ =	strace s3  }
0x97: {  	_ =	strace $0x8FFFFFFF  }
0x98: {  	s19 =	sld [smem:$0x3FDB];
	_ =	sdelay $0x1  }
0x99: {  	s4 =	simm.s32 $_scs_section_size  }
0x9a: {  	s5 =	simm.s32 $_size__tile_overlayer_lowered;
	s6 =	simm.s32 $_tile_overlayer_lowered  }
0x9b: {  	s22 =	simm.s32 $0x1BFF;
	s21 =	sshll.u32 s6, $0x1;
	s3 =	sadd.s32 s4, s19  }
0x9c: {  	s7 =	simm.s32 $0x0;
	s20 =	sshll.u32 s5, $0x1;
	s5 =	sadd.s32 s21, s3  }
0x9d: {  	[timem:s7], [sflag:s22] =	dma.local [hbm:s5], s20  }
0x9e: {  	_ =	swait.ge [sflag:s22], s20  }
0x9f: {  	s4 =	ssub.s32 $0x0, s20;
	[sflag:s22] =	ssyncset.done $0x0  }
0xa0: {  	[sflag:s22] =	ssyncadd.s32 s4;
	_ =	sdelay $0x1  }
0xa1: {  	s23 =	simm.s32 $0x1B8B  }
0xa2: {  	_ =	swait.ge [sflag:s23], $0x1  }
0xa3: {  	[sflag:s23] =	ssyncset.done $0x0  }
0xa4: {  	s25 =	simm.s32 $0x1B8E;
	s24 =	sld [smem:$0x3FFE];
	[sflag:s23] =	ssyncadd.s32 $0xFFFFFFFF  }
0xa5: {  	s26 =	simm.s32 $execute0_lowered;
	[smem:$0x3FD2] =	sst s25  }
0xa6: {  	s5 =	sshll.u32 s26, $0x1;
	_ =	strace $0x80000046;
	[dreg:$0x1] =	wrdreg $0xFFFFFFFF  }
0xa7: {  	s28 =	simm.s32 $_size_execute0_lowered;
	s3 =	sadd.s32 s3, s5;
	[dreg:$0x0] =	wrdreg $0x0  }
0xa8: {  	s5 =	sshll.u32 s28, $0x1;
	[dreg:$0x2] =	wrdreg s3  }
0xa9: {  	[dreg:$0x3] =	wrdreg s5  }
0xaa: {  	[dreg:$0x4] =	wrdreg $0xC0  }
0xab: {  	_ =	task [dreg:s7], $0x5FFFF  }
0xac: {  	[dreg:$0x1] =	wrdreg $0xFFFFFFFF  }
0xad: {  	[dreg:$0x0] =	wrdreg $0x60  }
0xae: {  	[dreg:$0x2] =	wrdreg s24  }
0xaf: {  	[dreg:$0x3] =	wrdreg s2  }
0xb0: {  	[dreg:$0x4] =	wrdreg $0x9  }
0xb1: {  	_ =	task.clear_ibuf [dreg:s7], $0x5FFFF;
	_ =	strace $0x90000046  }
0xb2: {  	s29 =	simm.s32 $0x9;
	_ =	strace $0x80000048  }
0xb3: {  	_ =	swait.ge [sflag:s29], $0x1  }
0xb4: {  	[sflag:s29] =	ssyncadd.s32 $0xFFFFFFFF  }
0xb5: {  	_ =	strace $0x90000048  }
0xb6: {  	_ =	sfence  }
0xb7: {  	s30 =	sld [smem:$0x0];
	_ =	sdelay $0x2  }
0xb8: {  	s31 =	sshll.u32 s1, $0xD;
	s1 =	sshrl.u32 s1, $0x2  }
0xb9: {  	s3 =	sand.u32 $0x4000, s31;
	s1 =	sadd.s32 s1, s30  }
0xba: {  	s0 =	sor.u32 s3, s0;
	s1 =	sshll.u32 s1, $0x11  }
0xbb: {  	s0 =	sor.u32 s1, s0  }
0xbc: {  	s0 =	sadd.s32 $0x8F2B, s0  }
0xbd: {  	[sflag:s0] =	ssyncadd.remote.s32 $0x1  }
0xbe: {  	_ =	sfence.sel $0xFFFF  }
0xbf: {  	[dreg:$0x0] =	wrdreg $0xFFFFFFFF;
	(pc) =	sbr.abs _section_cstart, $3  }
0xc0: {  	[dreg:$0x1] =	wrdreg $0xFFFFFFFF  }
0xc1: {  	_ =	task.clear_ibuf [dreg:s7], $0x2FFFF;
	_ =	strace $0x9FFFFFFF  }
0xc2: {  	(tm) =	ssettm $0x7FFFFFFF  }
0xc3: {  	_ =	shalt  }
tec
execute0_lowered:
.L_overlay_start_1:
0x0: {  	(tag) =	ssettag $0x1  }
0x1: {  	s0 =	rddreg [dreg:$0x0];
	s1 =	srdreg.scid  }
0x2: {  	s2 =	stileid.u32;
	s7 =	rddreg [dreg:$0x1];
	s3 =	simm.s32 $0x0  }
0x3: {  	s28 =	simm.s32 $0xC400;
	s29 =	simm.s32 $0x1;
	s30 =	simm.s32 $0xE400  }
0x4: {  	s31 =	simm.s32 $0x14A00;
	s1 =	sand.u32 $0x1, s1;
	s2 =	sshll.u32 s2, $0x1  }
0x5: {  	s18 =	simm.s32 $0x6;
	[smem:$0x7FF] =	sst s3;
	s2 =	sor.u32 s1, s2  }
0x6: {  	s8 =	sadd.s32 $0x8000, s7;
	s1 =	ssub.s32 $0x2, s1;
	s4 =	sshll.u32 s2, $0x4  }
0x7: {  	s10 =	sadd.s32 $0x10000, s7;
	s5 =	sshrl.u32 s1, $0x1;
	s6 =	sadd.s32 s4, s0  }
0x8: {  	s19 =	ssub.s32 s1, s5;
	s5 =	sshll.u32 s2, $0x7;
	s20 =	sadd.s32 $0x400, s6  }
0x9: {  	_ =	strace $0x80000047;
	s2 =	sadd.s32 s5, s8;
	[dreg:$0x3] =	wrdreg s20  }
0xa: {  	s11 =	sadd.s32 $0x18000, s7;
	s22 =	sadd.s32 s5, s10;
	[dreg:$0x5] =	wrdreg s2  }
0xb: {  	s9 =	simm.s32 $0x8;
	s23 =	sadd.s32 s5, s11;
	[dreg:$0x6] =	wrdreg s22  }
0xc: {  	s4 =	sadd.s32 $0x19400, s0;
	s21 =	sadd.s32 s7, s5;
	[dreg:$0x7] =	wrdreg s23  }
0xd: {  	s0 =	smax.u32 s19, $0x1;
	s19 =	simm.s32 $0x80;
	[dreg:$0x4] =	wrdreg s21  }
0xe: {  	s6 =	simm.s32 $0x5;
	s24 =	sadd.s32 $0x620000, s21;
	[dreg:$0xc] =	wrdreg s0  }
0xf: {  	s7 =	simm.s32 $0x0;
	s25 =	sadd.s32 $0x628000, s21;
	[dreg:$0x8] =	wrdreg s24  }
0x10: {  	v0 =	vlaneseq.u32;
	s26 =	sadd.s32 $0x630000, s21;
	s1 =	sadd.s32 $0x638000, s21;
	[dreg:$0x9] =	wrdreg s25  }
0x11: {  	v0 =	vmul.u32 $0x88, v0;
	s0 =	simm.s32 $0x10600;
	s20 =	simm.s32 $0x4;
	[dreg:$0xa] =	wrdreg s26  }
0x12: {  	s21 =	simm.s32 $0x7;
	[dreg:$0xb] =	wrdreg s1;
	s25 =	simm.s32 $0xA400  }
0x13: {  	v1 =	vadd.s32 $0x880, v0;
	v2 =	vadd.s32 $0x1100, v0;
	v3 =	vadd.s32 $0x1980, v0;
	s1 =	simm.s32 $0x2;
	s24 =	simm.s32 $0x3;
	s26 =	simm.s32 $0x12800  }
.LBB2_1:
0x14: {  	[dreg:$0xd] =	wrdreg s7  }
0x15: {  	s2 =	rddreg [dreg:$0x3];
	s16 =	simm.s32 $0x1000;
	s17 =	simm.s32 $0x9  }
0x16: {  	[tilespmem:s3], [sflag:$0x9] =	stream.strided.gather [hbm4b:s2+s19], $0x6400, s16, s19, $0x38;
	[tilespmem:$0x16C00] =	vst v63  }
0x17: {  	_ =	swait.ge [sflag:s17], $0x6400  }
0x18: {  	[sflag:s17] =	ssyncset.done $0x0  }
0x19: {  	s22 =	simm.s32 $0x6400;
	[sflag:s17] =	ssyncadd.s32 $0xFFFF9C00  }
0x1a: {  	[tilespmem:s22], [sflag:$0x1] =	stream.indirect.gather [hbm4b:s4+s19], $0x40, s3, s19, $0xb8;
	[tilespmem:$0x16C00] =	vst v63  }
0x1b: {  	s23 =	simm.s32 $0x8400  }
0x1c: {  	[tilespmem:s23], [sflag:$0x2] =	stream.indirect.gather [hbm4b:s4+s19], $0x40, s19, s19, $0xb8;
	[tilespmem:$0x16C00] =	vst v63  }
0x1d: {  	s7 =	simm.s32 $0x100  }
0x1e: {  	[tilespmem:s25], [sflag:$0x3] =	stream.indirect.gather [hbm4b:s4+s19], $0x40, s7, s19, $0xb8;
	[tilespmem:$0x16C00] =	vst v63  }
0x1f: {  	s12 =	simm.s32 $0x180  }
0x20: {  	[tilespmem:s28], [sflag:$0x4] =	stream.indirect.gather [hbm4b:s4+s19], $0x40, s12, s19, $0xb8;
	[tilespmem:$0x16C00] =	vst v63  }
0x21: {  	s13 =	simm.s32 $0x3;
	_ =	swait.ge [sflag:s29], $0x2000  }
0x22: {  	v4 =	vmov s13;
	[sflag:s29] =	ssyncset.done $0x0  }
0x23: {  	s14 =	simm.s32 $0x1;
	s13 =	simm.s32 $0x6480;
	v5 =	vand.u32 $0x7F, v4;
	v4 =	vmov s3;
	[sflag:s29] =	ssyncadd.s32 $0xFFFFE000  }
0x24: {  	v8 =	vadd.s32 v0, v5;
	v6 =	vand.u32 $0x7C, v4;
	v4 =	vmov s14;
	v7 =	vld [tilespmem:s13+$0x40]  }
0x25: {  	v10 =	vadd.s32 v0, v6;
	v11 =	vand.u32 $0x7D, v4;
	v9 =	vld [tilespmem:s13+$0xFFFFFF80]  }
0x26: {  	s15 =	simm.s32 $0x2;
	v12 =	vadd.s32 v0, v11;
	v4 =	vld [tilespmem:s13+$0xFFFFFFC0]  }
0x27: {  	v13 =	vmov s15  }
0x28: {  	v13 =	vand.u32 $0x7E, v13  }
0x29: {  	v15 =	vadd.s32 v0, v13;
	v14 =	vld [tilespmem:s13+$0x0];
	[tilespmem:v8+s30+$0x0] =	vst.idx.msk $0xffff, v7  }
0x2a: {  	v8 =	vadd.s32 v1, v5;
	[tilespmem:v10+s30+$0x0] =	vst.idx.msk $0xffff, v9;
	v7 =	vld [tilespmem:s13+$0x50]  }
0x2b: {  	v10 =	vadd.s32 v1, v6;
	[tilespmem:v12+s30+$0x0] =	vst.idx.msk $0xffff, v4;
	v9 =	vld [tilespmem:s13+$0xFFFFFF90]  }
0x2c: {  	v12 =	vadd.s32 v1, v11;
	v4 =	vld [tilespmem:s13+$0xFFFFFFD0];
	_ =	sdelay $0x1  }
0x2d: {  	[tilespmem:v15+s30+$0x0] =	vst.idx.msk $0xffff, v14  }
0x2e: {  	v16 =	vadd.s32 v1, v13;
	v15 =	vld [tilespmem:s13+$0x10];
	[tilespmem:v8+s30+$0x0] =	vst.idx.msk $0xffff, v7  }
0x2f: {  	s16 =	simm.s32 $0x7;
	v14 =	vadd.s32 v2, v5;
	[tilespmem:v10+s30+$0x0] =	vst.idx.msk $0xffff, v9;
	v7 =	vld [tilespmem:s13+$0x60]  }
0x30: {  	v10 =	vadd.s32 v2, v6;
	v8 =	vmov s16;
	[tilespmem:v12+s30+$0x0] =	vst.idx.msk $0xffff, v4;
	v9 =	vld [tilespmem:s13+$0xFFFFFFA0]  }
0x31: {  	v17 =	vadd.s32 v2, v11;
	s12 =	simm.s32 $0x6580;
	v8 =	vand.u32 $0x7F, v8;
	v12 =	vld [tilespmem:s13+$0xFFFFFFE0]  }
0x32: {  	s17 =	simm.s32 $0x4;
	v18 =	vld [tilespmem:s12+$0x40];
	v19 =	vadd.s32 v0, v8  }
0x33: {  	s22 =	simm.s32 $0x5;
	v4 =	vmov s17;
	[tilespmem:v16+s30+$0x0] =	vst.idx.msk $0xffff, v15  }
0x34: {  	v22 =	vmov s22;
	v4 =	vand.u32 $0x7C, v4;
	[tilespmem:v14+s30+$0x0] =	vst.idx.msk $0xffff, v7  }
0x35: {  	s23 =	simm.s32 $0x6;
	v20 =	vld [tilespmem:s12+$0xFFFFFF80];
	v21 =	vadd.s32 v0, v4;
	v7 =	vand.u32 $0x7D, v22;
	[tilespmem:v10+s30+$0x0] =	vst.idx.msk $0xffff, v9  }
0x36: {  	v14 =	vmov s23;
	v9 =	vld [tilespmem:s12+$0xFFFFFFC0];
	[tilespmem:v17+s30+$0x0] =	vst.idx.msk $0xffff, v12;
	v10 =	vadd.s32 v0, v7  }
0x37: {  	v16 =	vadd.s32 v3, v5;
	v12 =	vld [tilespmem:s13+$0x20];
	v5 =	vand.u32 $0x7E, v14;
	[tilespmem:v19+s30+$0x0] =	vst.idx.msk $0xffff, v18;
	v18 =	vadd.s32 v2, v13  }
0x38: {  	v14 =	vld [tilespmem:s12+$0x0];
	v63 =	vadd.s32 v0, v5  }
0x39: {  	v15 =	vld [tilespmem:s13+$0x70]  }
0x3a: {  	[tilespmem:v21+s30+$0x0] =	vst.idx.msk $0xffff, v20;
	v20 =	vadd.s32 v1, v8;
	v19 =	vld [tilespmem:s12+$0x50]  }
0x3b: {  	v23 =	vadd.s32 v1, v4;
	v21 =	vld [tilespmem:s12+$0xFFFFFF90];
	[tilespmem:v10+s30+$0x0] =	vst.idx.msk $0xffff, v9  }
0x3c: {  	v25 =	vadd.s32 v3, v11;
	v24 =	vld [tilespmem:s13+$0xFFFFFFF0];
	[tilespmem:v18+s30+$0x0] =	vst.idx.msk $0xffff, v12  }
0x3d: {  	v18 =	vadd.s32 v1, v7;
	v17 =	vld [tilespmem:s12+$0xFFFFFFD0];
	[tilespmem:v63+s30+$0x0] =	vst.idx.msk $0xffff, v14  }
0x3e: {  	[tilespmem:v16+s30+$0x0] =	vst.idx.msk $0xffff, v15;
	v16 =	vadd.s32 v1, v5;
	v15 =	vld [tilespmem:s12+$0x10]  }
0x3f: {  	[tilespmem:v20+s30+$0x0] =	vst.idx.msk $0xffff, v19;
	v11 =	vld [tilespmem:s13+$0x30];
	v14 =	vadd.s32 v3, v13  }
0x40: {  	v12 =	vadd.s32 v2, v8;
	[tilespmem:v23+s30+$0x0] =	vst.idx.msk $0xffff, v21;
	v9 =	vld [tilespmem:s12+$0x60]  }
0x41: {  	s2 =	simm.s32 $0xB;
	s14 =	simm.s32 $0x8;
	s7 =	simm.s32 $0xC;
	[tilespmem:v25+s30+$0x0] =	vst.idx.msk $0xffff, v24;
	v13 =	vadd.s32 v2, v4;
	v10 =	vld [tilespmem:s12+$0xFFFFFFA0]  }
.LBB2_2:
0x42: {  	p0 =	slt.u32 s7, $0x7C;
	v19 =	vmov s2;
	[tilespmem:v18+s30+$0x0] =	vst.idx.msk $0xffff, v17;
	v17 =	vld [tilespmem:s13+$0xFFFFFFB0];
	v18 =	vadd.s32 v3, v6;
	v6 =	vmov v4;
	s13 =	smov.u32 s12  }
0x43: {  	v4 =	vmov s14;
	v21 =	vadd.s32 v2, v7;
	s12 =	sadd.s32 $0x100, s12;
	v19 =	vand.u32 $0x7F, v19;
	v20 =	vld [tilespmem:s13+$0xFFFFFFE0];
	[tilespmem:v16+s30+$0x0] =	vst.idx.msk $0xffff, v15  }
0x44: {  	s2 =	sadd.s32 $0x1, s14;
	v4 =	vand.u32 $0x7C, v4;
	v15 =	vld [tilespmem:s12+$0x40];
	v16 =	vadd.s32 v0, v19;
	[tilespmem:v14+s30+$0x0] =	vst.idx.msk $0xffff, v11  }
0x45: {  	v22 =	vmov s2;
	s2 =	sadd.s32 $0x2, s14;
	s14 =	smov.u32 s7;
	v14 =	vadd.s32 v0, v4;
	v11 =	vld [tilespmem:s12+$0xFFFFFF80];
	[tilespmem:v12+s30+$0x0] =	vst.idx.msk $0xffff, v9  }
0x46: {  	v9 =	vand.u32 $0x7D, v22;
	v12 =	vmov s2;
	[tilespmem:v13+s30+$0x0] =	vst.idx.msk $0xffff, v10;
	v10 =	vld [tilespmem:s13+$0x70];
	v13 =	vadd.s32 v3, v8;
	v8 =	vmovc v19  }
0x47: {  	v22 =	vadd.s32 v0, v9;
	v12 =	vand.u32 $0x7E, v12;
	v19 =	vld [tilespmem:s12+$0xFFFFFFC0];
	[tilespmem:v18+s30+$0x0] =	vst.idx.msk $0xffff, v17  }
0x48: {  	v24 =	vadd.s32 v0, v12;
	v23 =	vld [tilespmem:s12+$0x0];
	[tilespmem:v21+s30+$0x0] =	vst.idx.msk $0xffff, v20  }
0x49: {  	v21 =	vadd.s32 v2, v5;
	[tilespmem:v16+s30+$0x0] =	vst.idx.msk $0xffff, v15;
	v20 =	vld [tilespmem:s13+$0x20]  }
0x4a: {  	[tilespmem:v14+s30+$0x0] =	vst.idx.msk $0xffff, v11;
	v11 =	vld [tilespmem:s12+$0x50];
	v14 =	vadd.s32 v1, v8  }
0x4b: {  	v26 =	vadd.s32 v1, v4;
	v25 =	vld [tilespmem:s12+$0xFFFFFF90];
	[tilespmem:v13+s30+$0x0] =	vst.idx.msk $0xffff, v10  }
0x4c: {  	[tilespmem:v22+s30+$0x0] =	vst.idx.msk $0xffff, v19;
	v19 =	vld [tilespmem:s13+$0xFFFFFFF0];
	v22 =	vadd.s32 v3, v7;
	v7 =	vmov v9  }
.Ltmp0:
0x4d: {  	v17 =	vld [tilespmem:s12+$0xFFFFFFD0];
	v18 =	vadd.s32 v1, v7;
	[tilespmem:v24+s30+$0x0] =	vst.idx.msk $0xffff, v23;
	(pc) =	sbr.rel @p0 .LBB2_2-.Ltmp0, $4  }
0x4e: {  	v16 =	vadd.s32 v1, v12;
	v15 =	vld [tilespmem:s12+$0x10];
	[tilespmem:v21+s30+$0x0] =	vst.idx.msk $0xffff, v20  }
0x4f: {  	[tilespmem:v14+s30+$0x0] =	vst.idx.msk $0xffff, v11;
	v11 =	vld [tilespmem:s13+$0x30];
	v14 =	vadd.s32 v3, v5;
	v5 =	vmov v12  }
0x50: {  	v12 =	vadd.s32 v2, v8;
	[tilespmem:v26+s30+$0x0] =	vst.idx.msk $0xffff, v25;
	v9 =	vld [tilespmem:s12+$0x60]  }
0x51: {  	s7 =	sadd.s32 $0x4, s7;
	s2 =	sadd.s32 $0x3, s14;
	v13 =	vadd.s32 v2, v4;
	v10 =	vld [tilespmem:s12+$0xFFFFFFA0];
	[tilespmem:v22+s30+$0x0] =	vst.idx.msk $0xffff, v19  }
0x52: {  	_ =	sdelay $0x2  }
0x53: {  	v19 =	vmov s2  }
0x54: {  	s7 =	sadd.s32 $0x1, s14;
	[tilespmem:v18+s30+$0x0] =	vst.idx.msk $0xffff, v17;
	v30 =	vld [tilespmem:s13+$0xFFFFFFB0];
	v6 =	vadd.s32 v3, v6;
	s23 =	sadd.s32 $0x100, s12;
	v21 =	vmov s14;
	v31 =	vand.u32 $0x7F, v19  }
0x55: {  	s13 =	sadd.s32 $0x2, s14;
	v32 =	vmov s7;
	[tilespmem:v16+s30+$0x0] =	vst.idx.msk $0xffff, v15;
	v33 =	vld [tilespmem:s23+$0x40];
	v21 =	vand.u32 $0x7C, v21;
	v34 =	vadd.s32 v0, v31  }
0x56: {  	v20 =	vmov s13;
	v22 =	vld [tilespmem:s23+$0xFFFFFF80];
	v19 =	vand.u32 $0x7D, v32;
	[tilespmem:v14+s30+$0x0] =	vst.idx.msk $0xffff, v11;
	v39 =	vadd.s32 v0, v21  }
0x57: {  	v35 =	vld [tilespmem:s23+$0xFFFFFFC0];
	v20 =	vand.u32 $0x7E, v20;
	v36 =	vadd.s32 v0, v19;
	[tilespmem:v12+s30+$0x0] =	vst.idx.msk $0xffff, v9  }
0x58: {  	v37 =	vld [tilespmem:s23+$0x0];
	v38 =	vadd.s32 v0, v20;
	[tilespmem:v13+s30+$0x0] =	vst.idx.msk $0xffff, v10  }
0x59: {  	v41 =	vadd.s32 v2, v7;
	v40 =	vld [tilespmem:s12+$0xFFFFFFE0];
	[tilespmem:v6+s30+$0x0] =	vst.idx.msk $0xffff, v30  }
0x5a: {  	v49 =	vadd.s32 v2, v5;
	v48 =	vld [tilespmem:s12+$0x20];
	[tilespmem:v34+s30+$0x0] =	vst.idx.msk $0xffff, v33  }
0x5b: {  	v43 =	vadd.s32 v1, v31;
	[tilespmem:v39+s30+$0x0] =	vst.idx.msk $0xffff, v22;
	v15 =	vld [tilespmem:s23+$0x50]  }
0x5c: {  	v47 =	vadd.s32 v1, v21;
	[tilespmem:v36+s30+$0x0] =	vst.idx.msk $0xffff, v35;
	v46 =	vld [tilespmem:s23+$0xFFFFFF90]  }
0x5d: {  	v44 =	vadd.s32 v1, v19;
	[tilespmem:v38+s30+$0x0] =	vst.idx.msk $0xffff, v37;
	v11 =	vld [tilespmem:s23+$0xFFFFFFD0]  }
0x5e: {  	v45 =	vadd.s32 v1, v20;
	[tilespmem:v41+s30+$0x0] =	vst.idx.msk $0xffff, v40;
	v9 =	vld [tilespmem:s23+$0x10]  }
0x5f: {  	v8 =	vadd.s32 v3, v8;
	v42 =	vld [tilespmem:s12+$0x70];
	[tilespmem:v49+s30+$0x0] =	vst.idx.msk $0xffff, v48  }
0x60: {  	v5 =	vadd.s32 v3, v5;
	v13 =	vld [tilespmem:s12+$0x30];
	[tilespmem:v43+s30+$0x0] =	vst.idx.msk $0xffff, v15  }
0x61: {  	v52 =	vadd.s32 v2, v31;
	[tilespmem:v47+s30+$0x0] =	vst.idx.msk $0xffff, v46;
	v15 =	vld [tilespmem:s23+$0x60]  }
0x62: {  	v57 =	vadd.s32 v2, v21;
	[tilespmem:v44+s30+$0x0] =	vst.idx.msk $0xffff, v11;
	v56 =	vld [tilespmem:s23+$0xFFFFFFA0]  }
0x63: {  	v53 =	vadd.s32 v2, v19;
	[tilespmem:v45+s30+$0x0] =	vst.idx.msk $0xffff, v9;
	v11 =	vld [tilespmem:s23+$0xFFFFFFE0]  }
0x64: {  	v55 =	vadd.s32 v2, v20;
	[tilespmem:v8+s30+$0x0] =	vst.idx.msk $0xffff, v42;
	v54 =	vld [tilespmem:s23+$0x20]  }
0x65: {  	v4 =	vadd.s32 v3, v4;
	v58 =	vld [tilespmem:s12+$0xFFFFFFB0];
	[tilespmem:v5+s30+$0x0] =	vst.idx.msk $0xffff, v13  }
0x66: {  	v51 =	vadd.s32 v3, v7;
	v50 =	vld [tilespmem:s12+$0xFFFFFFF0];
	[tilespmem:v52+s30+$0x0] =	vst.idx.msk $0xffff, v15  }
0x67: {  	v60 =	vadd.s32 v3, v31;
	[tilespmem:v57+s30+$0x0] =	vst.idx.msk $0xffff, v56;
	v59 =	vld [tilespmem:s23+$0x70]  }
0x68: {  	v63 =	vadd.s32 v3, v21;
	[tilespmem:v53+s30+$0x0] =	vst.idx.msk $0xffff, v11;
	v5 =	vld [tilespmem:s23+$0xFFFFFFB0]  }
0x69: {  	v61 =	vadd.s32 v3, v19;
	[tilespmem:v55+s30+$0x0] =	vst.idx.msk $0xffff, v54;
	v11 =	vld [tilespmem:s23+$0xFFFFFFF0]  }
0x6a: {  	v62 =	vadd.s32 v3, v20;
	[tilespmem:v4+s30+$0x0] =	vst.idx.msk $0xffff, v58;
	v6 =	vld [tilespmem:s23+$0x30]  }
0x6b: {  	[tilespmem:v51+s30+$0x0] =	vst.idx.msk $0xffff, v50  }
0x6c: {  	[tilespmem:v60+s30+$0x0] =	vst.idx.msk $0xffff, v59  }
0x6d: {  	[tilespmem:v63+s30+$0x0] =	vst.idx.msk $0xffff, v5  }
0x6e: {  	[tilespmem:v61+s30+$0x0] =	vst.idx.msk $0xffff, v11  }
0x6f: {  	[tilespmem:v62+s30+$0x0] =	vst.idx.msk $0xffff, v6  }
0x70: {  	s14 =	simm.s32 $0xE400;
	s15 =	rddreg [dreg:$0x4]  }
0x71: {  	[hbm4b:s15+s3] =	stream.linear.scatter [tilespmem:s14], [sflag:$0x5], $0x80, $0x38;
	[tilespmem:$0x16C00] =	vst v63  }
0x72: {  	s16 =	simm.s32 $0xE488;
	s17 =	sadd.s32 $0x10, s15  }
0x73: {  	[hbm4b:s17+s3] =	stream.linear.scatter [tilespmem:s16], [sflag:$0x5], $0x80, $0x38;
	[tilespmem:$0x16C00] =	vst v63  }
0x74: {  	s22 =	simm.s32 $0xE510;
	s2 =	simm.s32 $0x440;
	s23 =	sadd.s32 $0x20, s15  }
0x75: {  	[hbm4b:s23+s3] =	stream.linear.scatter [tilespmem:s22], [sflag:$0x5], $0x80, $0x38;
	[tilespmem:$0x16C00] =	vst v63  }
0x76: {  	s7 =	simm.s32 $0xE598;
	s13 =	simm.s32 $0xE620;
	s12 =	sadd.s32 $0x30, s15  }
0x77: {  	[hbm4b:s12+s3] =	stream.linear.scatter [tilespmem:s7], [sflag:$0x5], $0x80, $0x38;
	[tilespmem:$0x16C00] =	vst v63  }
0x78: {  	s14 =	sadd.s32 $0x40, s15;
	s16 =	simm.s32 $0xE6A8;
	s17 =	sadd.s32 $0x50, s15  }
0x79: {  	[hbm4b:s14+s3] =	stream.linear.scatter [tilespmem:s13], [sflag:$0x5], $0x80, $0x38;
	[tilespmem:$0x16C00] =	vst v63  }
0x7a: {  	s22 =	simm.s32 $0xE730;
	s23 =	sadd.s32 $0x60, s15;
	s12 =	simm.s32 $0x2200  }
0x7b: {  	[hbm4b:s17+s3] =	stream.linear.scatter [tilespmem:s16], [sflag:$0x5], $0x80, $0x38;
	[tilespmem:$0x16C00] =	vst v63  }
0x7c: {  	s7 =	sadd.s32 $0x1000, s15;
	s13 =	simm.s32 $0xE7B8;
	s14 =	sadd.s32 $0x70, s15  }
0x7d: {  	[hbm4b:s23+s3] =	stream.linear.scatter [tilespmem:s22], [sflag:$0x5], $0x80, $0x38;
	[tilespmem:$0x16C00] =	vst v63  }
.LBB2_4:
0x7e: {  	[hbm4b:s14+s3] =	stream.linear.scatter [tilespmem:s13], [sflag:$0x5], $0x80, $0x38;
	[tilespmem:$0x16C00] =	vst v63  }
0x7f: {  	s13 =	smov.u32 s2;
	s2 =	smov.u32 s12  }
0x80: {  	s15 =	sadd.s32 $0x1100, s12;
	s2 =	sshra.s32 s2, $0x2;
	s14 =	sadd.s32 $0xE400, s13  }
0x81: {  	[hbm4b:s7+s3] =	stream.linear.scatter [tilespmem:s14], [sflag:$0x5], $0x80, $0x38;
	[tilespmem:$0x16C00] =	vst v63  }
0x82: {  	p0 =	sne.s32 s12, $0x7700;
	s12 =	sadd.s32 $0xE488, s13;
	s14 =	sadd.s32 $0x10, s7  }
0x83: {  	[hbm4b:s14+s3] =	stream.linear.scatter [tilespmem:s12], [sflag:$0x5], $0x80, $0x38;
	[tilespmem:$0x16C00] =	vst v63  }
0x84: {  	s12 =	sadd.s32 $0xE510, s13;
	s14 =	sadd.s32 $0x20, s7  }
0x85: {  	[hbm4b:s14+s3] =	stream.linear.scatter [tilespmem:s12], [sflag:$0x5], $0x80, $0x38;
	[tilespmem:$0x16C00] =	vst v63  }
0x86: {  	s12 =	sadd.s32 $0xE598, s13;
	s14 =	sadd.s32 $0x30, s7  }
0x87: {  	[hbm4b:s14+s3] =	stream.linear.scatter [tilespmem:s12], [sflag:$0x5], $0x80, $0x38;
	[tilespmem:$0x16C00] =	vst v63  }
0x88: {  	s12 =	sadd.s32 $0xE620, s13;
	s14 =	sadd.s32 $0x40, s7  }
0x89: {  	[hbm4b:s14+s3] =	stream.linear.scatter [tilespmem:s12], [sflag:$0x5], $0x80, $0x38;
	[tilespmem:$0x16C00] =	vst v63  }
.Ltmp1:
0x8a: {  	s12 =	sadd.s32 $0xE6A8, s13;
	s14 =	sadd.s32 $0x50, s7;
	(pc) =	sbr.rel @p0 .LBB2_4-.Ltmp1, $4  }
0x8b: {  	[hbm4b:s14+s3] =	stream.linear.scatter [tilespmem:s12], [sflag:$0x5], $0x80, $0x38;
	[tilespmem:$0x16C00] =	vst v63  }
0x8c: {  	s12 =	sadd.s32 $0xE730, s13;
	s14 =	sadd.s32 $0x60, s7;
	s13 =	sadd.s32 $0xE7B8, s13  }
0x8d: {  	[hbm4b:s14+s3] =	stream.linear.scatter [tilespmem:s12], [sflag:$0x5], $0x80, $0x38;
	[tilespmem:$0x16C00] =	vst v63  }
0x8e: {  	s14 =	sadd.s32 $0x70, s7;
	s7 =	sadd.s32 $0x1000, s7;
	s12 =	smov.u32 s15  }
0x8f: {  	[hbm4b:s14+s3] =	stream.linear.scatter [tilespmem:s13], [sflag:$0x5], $0x80, $0x38;
	[tilespmem:$0x16C00] =	vst v63  }
0x90: {  	s12 =	sadd.s32 $0xE400, s2  }
0x91: {  	[hbm4b:s7+s3] =	stream.linear.scatter [tilespmem:s12], [sflag:$0x5], $0x80, $0x38;
	[tilespmem:$0x16C00] =	vst v63  }
0x92: {  	s16 =	sadd.s32 $0xE488, s2;
	s17 =	sadd.s32 $0x10, s7  }
0x93: {  	[hbm4b:s17+s3] =	stream.linear.scatter [tilespmem:s16], [sflag:$0x5], $0x80, $0x38;
	[tilespmem:$0x16C00] =	vst v63  }
0x94: {  	s22 =	sadd.s32 $0xE510, s2;
	s23 =	sadd.s32 $0x20, s7  }
0x95: {  	[hbm4b:s23+s3] =	stream.linear.scatter [tilespmem:s22], [sflag:$0x5], $0x80, $0x38;
	[tilespmem:$0x16C00] =	vst v63  }
0x96: {  	s14 =	sadd.s32 $0xE598, s2;
	s15 =	sadd.s32 $0x30, s7  }
0x97: {  	[hbm4b:s15+s3] =	stream.linear.scatter [tilespmem:s14], [sflag:$0x5], $0x80, $0x38;
	[tilespmem:$0x16C00] =	vst v63  }
0x98: {  	s16 =	sadd.s32 $0xE620, s2;
	s17 =	sadd.s32 $0x40, s7  }
0x99: {  	[hbm4b:s17+s3] =	stream.linear.scatter [tilespmem:s16], [sflag:$0x5], $0x80, $0x38;
	[tilespmem:$0x16C00] =	vst v63  }
0x9a: {  	s22 =	sadd.s32 $0xE6A8, s2;
	s23 =	sadd.s32 $0x50, s7  }
0x9b: {  	[hbm4b:s23+s3] =	stream.linear.scatter [tilespmem:s22], [sflag:$0x5], $0x80, $0x38;
	[tilespmem:$0x16C00] =	vst v63  }
0x9c: {  	s14 =	sadd.s32 $0xE730, s2;
	s15 =	sadd.s32 $0x60, s7  }
0x9d: {  	[hbm4b:s15+s3] =	stream.linear.scatter [tilespmem:s14], [sflag:$0x5], $0x80, $0x38;
	[tilespmem:$0x16C00] =	vst v63  }
0x9e: {  	s16 =	sadd.s32 $0xE7B8, s2;
	s17 =	sadd.s32 $0x70, s7  }
0x9f: {  	[hbm4b:s17+s3] =	stream.linear.scatter [tilespmem:s16], [sflag:$0x5], $0x80, $0x38;
	[tilespmem:$0x16C00] =	vst v63  }
0xa0: {  	s22 =	simm.s32 $0x6400;
	s23 =	simm.s32 $0x200  }
0xa1: {  	[tilespmem:s22], [sflag:$0x1] =	stream.indirect.gather [hbm4b:s4+s19], $0x40, s23, s19, $0xb8;
	[tilespmem:$0x16C00] =	vst v63  }
0xa2: {  	s7 =	simm.s32 $0x3;
	_ =	swait.ge [sflag:s1], $0x2000  }
0xa3: {  	s12 =	simm.s32 $0x0;
	v4 =	vmov s7;
	[sflag:s1] =	ssyncset.done $0x0  }
0xa4: {  	s13 =	simm.s32 $0x8480;
	v5 =	vand.u32 $0x7F, v4;
	v4 =	vmov s12;
	s14 =	simm.s32 $0x1;
	[sflag:s1] =	ssyncadd.s32 $0xFFFFE000  }
0xa5: {  	v8 =	vadd.s32 v0, v5;
	v6 =	vand.u32 $0x7C, v4;
	v4 =	vmov s14;
	v7 =	vld [tilespmem:s13+$0x40]  }
0xa6: {  	v10 =	vadd.s32 v0, v6;
	v11 =	vand.u32 $0x7D, v4;
	v9 =	vld [tilespmem:s13+$0xFFFFFF80]  }
0xa7: {  	s15 =	simm.s32 $0x2;
	v12 =	vadd.s32 v0, v11;
	v4 =	vld [tilespmem:s13+$0xFFFFFFC0]  }
0xa8: {  	v13 =	vmov s15  }
0xa9: {  	v13 =	vand.u32 $0x7E, v13  }
0xaa: {  	v15 =	vadd.s32 v0, v13;
	v14 =	vld [tilespmem:s13+$0x0];
	[tilespmem:v8+s0+$0x0] =	vst.idx.msk $0xffff, v7  }
0xab: {  	v8 =	vadd.s32 v1, v5;
	[tilespmem:v10+s0+$0x0] =	vst.idx.msk $0xffff, v9;
	v7 =	vld [tilespmem:s13+$0x50]  }
0xac: {  	v10 =	vadd.s32 v1, v6;
	[tilespmem:v12+s0+$0x0] =	vst.idx.msk $0xffff, v4;
	v9 =	vld [tilespmem:s13+$0xFFFFFF90]  }
0xad: {  	v12 =	vadd.s32 v1, v11;
	v4 =	vld [tilespmem:s13+$0xFFFFFFD0];
	_ =	sdelay $0x1  }
0xae: {  	[tilespmem:v15+s0+$0x0] =	vst.idx.msk $0xffff, v14  }
0xaf: {  	v16 =	vadd.s32 v1, v13;
	v15 =	vld [tilespmem:s13+$0x10];
	[tilespmem:v8+s0+$0x0] =	vst.idx.msk $0xffff, v7  }
0xb0: {  	s16 =	simm.s32 $0x7;
	v14 =	vadd.s32 v2, v5;
	[tilespmem:v10+s0+$0x0] =	vst.idx.msk $0xffff, v9;
	v7 =	vld [tilespmem:s13+$0x60]  }
0xb1: {  	v10 =	vadd.s32 v2, v6;
	v8 =	vmov s16;
	[tilespmem:v12+s0+$0x0] =	vst.idx.msk $0xffff, v4;
	v9 =	vld [tilespmem:s13+$0xFFFFFFA0]  }
0xb2: {  	s12 =	simm.s32 $0x8580;
	v17 =	vadd.s32 v2, v11;
	v8 =	vand.u32 $0x7F, v8;
	v12 =	vld [tilespmem:s13+$0xFFFFFFE0]  }
0xb3: {  	s17 =	simm.s32 $0x4;
	v18 =	vld [tilespmem:s12+$0x40];
	v19 =	vadd.s32 v0, v8  }
0xb4: {  	s22 =	simm.s32 $0x5;
	v4 =	vmov s17;
	[tilespmem:v16+s0+$0x0] =	vst.idx.msk $0xffff, v15  }
0xb5: {  	v22 =	vmov s22;
	v4 =	vand.u32 $0x7C, v4;
	[tilespmem:v14+s0+$0x0] =	vst.idx.msk $0xffff, v7  }
0xb6: {  	s23 =	simm.s32 $0x6;
	v20 =	vld [tilespmem:s12+$0xFFFFFF80];
	v21 =	vadd.s32 v0, v4;
	v7 =	vand.u32 $0x7D, v22;
	[tilespmem:v10+s0+$0x0] =	vst.idx.msk $0xffff, v9  }
0xb7: {  	v14 =	vmov s23;
	v9 =	vld [tilespmem:s12+$0xFFFFFFC0];
	[tilespmem:v17+s0+$0x0] =	vst.idx.msk $0xffff, v12;
	v10 =	vadd.s32 v0, v7  }
0xb8: {  	v16 =	vadd.s32 v3, v5;
	v12 =	vld [tilespmem:s13+$0x20];
	v5 =	vand.u32 $0x7E, v14;
	[tilespmem:v19+s0+$0x0] =	vst.idx.msk $0xffff, v18;
	v18 =	vadd.s32 v2, v13  }
0xb9: {  	v14 =	vld [tilespmem:s12+$0x0];
	v63 =	vadd.s32 v0, v5  }
0xba: {  	v15 =	vld [tilespmem:s13+$0x70]  }
0xbb: {  	[tilespmem:v21+s0+$0x0] =	vst.idx.msk $0xffff, v20;
	v20 =	vadd.s32 v1, v8;
	v19 =	vld [tilespmem:s12+$0x50]  }
0xbc: {  	v23 =	vadd.s32 v1, v4;
	v21 =	vld [tilespmem:s12+$0xFFFFFF90];
	[tilespmem:v10+s0+$0x0] =	vst.idx.msk $0xffff, v9  }
0xbd: {  	v25 =	vadd.s32 v3, v11;
	v24 =	vld [tilespmem:s13+$0xFFFFFFF0];
	[tilespmem:v18+s0+$0x0] =	vst.idx.msk $0xffff, v12  }
0xbe: {  	v18 =	vadd.s32 v1, v7;
	v17 =	vld [tilespmem:s12+$0xFFFFFFD0];
	[tilespmem:v63+s0+$0x0] =	vst.idx.msk $0xffff, v14  }
0xbf: {  	[tilespmem:v16+s0+$0x0] =	vst.idx.msk $0xffff, v15;
	v16 =	vadd.s32 v1, v5;
	v15 =	vld [tilespmem:s12+$0x10]  }
0xc0: {  	[tilespmem:v20+s0+$0x0] =	vst.idx.msk $0xffff, v19;
	v11 =	vld [tilespmem:s13+$0x30];
	v14 =	vadd.s32 v3, v13  }
0xc1: {  	v12 =	vadd.s32 v2, v8;
	[tilespmem:v23+s0+$0x0] =	vst.idx.msk $0xffff, v21;
	v9 =	vld [tilespmem:s12+$0x60]  }
0xc2: {  	s2 =	simm.s32 $0xB;
	s7 =	simm.s32 $0xC;
	s14 =	simm.s32 $0x8;
	[tilespmem:v25+s0+$0x0] =	vst.idx.msk $0xffff, v24;
	v13 =	vadd.s32 v2, v4;
	v10 =	vld [tilespmem:s12+$0xFFFFFFA0]  }
.LBB2_6:
0xc3: {  	p0 =	slt.u32 s7, $0x7C;
	v19 =	vmov s2;
	[tilespmem:v18+s0+$0x0] =	vst.idx.msk $0xffff, v17;
	v17 =	vld [tilespmem:s13+$0xFFFFFFB0];
	v18 =	vadd.s32 v3, v6;
	v6 =	vmov v4;
	s13 =	smov.u32 s12  }
0xc4: {  	v4 =	vmov s14;
	v21 =	vadd.s32 v2, v7;
	s12 =	sadd.s32 $0x100, s12;
	v19 =	vand.u32 $0x7F, v19;
	v20 =	vld [tilespmem:s13+$0xFFFFFFE0];
	[tilespmem:v16+s0+$0x0] =	vst.idx.msk $0xffff, v15  }
0xc5: {  	s2 =	sadd.s32 $0x1, s14;
	v4 =	vand.u32 $0x7C, v4;
	v15 =	vld [tilespmem:s12+$0x40];
	v16 =	vadd.s32 v0, v19;
	[tilespmem:v14+s0+$0x0] =	vst.idx.msk $0xffff, v11  }
0xc6: {  	v22 =	vmov s2;
	s2 =	sadd.s32 $0x2, s14;
	s14 =	smov.u32 s7;
	v14 =	vadd.s32 v0, v4;
	v11 =	vld [tilespmem:s12+$0xFFFFFF80];
	[tilespmem:v12+s0+$0x0] =	vst.idx.msk $0xffff, v9  }
0xc7: {  	v9 =	vand.u32 $0x7D, v22;
	v12 =	vmov s2;
	[tilespmem:v13+s0+$0x0] =	vst.idx.msk $0xffff, v10;
	v10 =	vld [tilespmem:s13+$0x70];
	v13 =	vadd.s32 v3, v8;
	v8 =	vmovc v19  }
0xc8: {  	v22 =	vadd.s32 v0, v9;
	v12 =	vand.u32 $0x7E, v12;
	v19 =	vld [tilespmem:s12+$0xFFFFFFC0];
	[tilespmem:v18+s0+$0x0] =	vst.idx.msk $0xffff, v17  }
0xc9: {  	v24 =	vadd.s32 v0, v12;
	v23 =	vld [tilespmem:s12+$0x0];
	[tilespmem:v21+s0+$0x0] =	vst.idx.msk $0xffff, v20  }
0xca: {  	v21 =	vadd.s32 v2, v5;
	[tilespmem:v16+s0+$0x0] =	vst.idx.msk $0xffff, v15;
	v20 =	vld [tilespmem:s13+$0x20]  }
0xcb: {  	[tilespmem:v14+s0+$0x0] =	vst.idx.msk $0xffff, v11;
	v11 =	vld [tilespmem:s12+$0x50];
	v14 =	vadd.s32 v1, v8  }
0xcc: {  	v26 =	vadd.s32 v1, v4;
	v25 =	vld [tilespmem:s12+$0xFFFFFF90];
	[tilespmem:v13+s0+$0x0] =	vst.idx.msk $0xffff, v10  }
0xcd: {  	[tilespmem:v22+s0+$0x0] =	vst.idx.msk $0xffff, v19;
	v19 =	vld [tilespmem:s13+$0xFFFFFFF0];
	v22 =	vadd.s32 v3, v7;
	v7 =	vmov v9  }
.Ltmp2:
0xce: {  	v17 =	vld [tilespmem:s12+$0xFFFFFFD0];
	v18 =	vadd.s32 v1, v7;
	[tilespmem:v24+s0+$0x0] =	vst.idx.msk $0xffff, v23;
	(pc) =	sbr.rel @p0 .LBB2_6-.Ltmp2, $4  }
0xcf: {  	v16 =	vadd.s32 v1, v12;
	v15 =	vld [tilespmem:s12+$0x10];
	[tilespmem:v21+s0+$0x0] =	vst.idx.msk $0xffff, v20  }
0xd0: {  	[tilespmem:v14+s0+$0x0] =	vst.idx.msk $0xffff, v11;
	v11 =	vld [tilespmem:s13+$0x30];
	v14 =	vadd.s32 v3, v5;
	v5 =	vmov v12  }
0xd1: {  	v12 =	vadd.s32 v2, v8;
	[tilespmem:v26+s0+$0x0] =	vst.idx.msk $0xffff, v25;
	v9 =	vld [tilespmem:s12+$0x60]  }
0xd2: {  	s7 =	sadd.s32 $0x4, s7;
	s2 =	sadd.s32 $0x3, s14;
	v13 =	vadd.s32 v2, v4;
	v10 =	vld [tilespmem:s12+$0xFFFFFFA0];
	[tilespmem:v22+s0+$0x0] =	vst.idx.msk $0xffff, v19  }
0xd3: {  	_ =	sdelay $0x2  }
0xd4: {  	v19 =	vmov s2  }
0xd5: {  	s7 =	sadd.s32 $0x1, s14;
	[tilespmem:v18+s0+$0x0] =	vst.idx.msk $0xffff, v17;
	v30 =	vld [tilespmem:s13+$0xFFFFFFB0];
	v6 =	vadd.s32 v3, v6;
	s23 =	sadd.s32 $0x100, s12;
	v21 =	vmov s14;
	v31 =	vand.u32 $0x7F, v19  }
0xd6: {  	s13 =	sadd.s32 $0x2, s14;
	v32 =	vmov s7;
	[tilespmem:v16+s0+$0x0] =	vst.idx.msk $0xffff, v15;
	v33 =	vld [tilespmem:s23+$0x40];
	v21 =	vand.u32 $0x7C, v21;
	v34 =	vadd.s32 v0, v31  }
0xd7: {  	v20 =	vmov s13;
	v22 =	vld [tilespmem:s23+$0xFFFFFF80];
	v19 =	vand.u32 $0x7D, v32;
	[tilespmem:v14+s0+$0x0] =	vst.idx.msk $0xffff, v11;
	v39 =	vadd.s32 v0, v21  }
0xd8: {  	v35 =	vld [tilespmem:s23+$0xFFFFFFC0];
	v20 =	vand.u32 $0x7E, v20;
	v36 =	vadd.s32 v0, v19;
	[tilespmem:v12+s0+$0x0] =	vst.idx.msk $0xffff, v9  }
0xd9: {  	v37 =	vld [tilespmem:s23+$0x0];
	v38 =	vadd.s32 v0, v20;
	[tilespmem:v13+s0+$0x0] =	vst.idx.msk $0xffff, v10  }
0xda: {  	v41 =	vadd.s32 v2, v7;
	v40 =	vld [tilespmem:s12+$0xFFFFFFE0];
	[tilespmem:v6+s0+$0x0] =	vst.idx.msk $0xffff, v30  }
0xdb: {  	v49 =	vadd.s32 v2, v5;
	v48 =	vld [tilespmem:s12+$0x20];
	[tilespmem:v34+s0+$0x0] =	vst.idx.msk $0xffff, v33  }
0xdc: {  	v43 =	vadd.s32 v1, v31;
	[tilespmem:v39+s0+$0x0] =	vst.idx.msk $0xffff, v22;
	v15 =	vld [tilespmem:s23+$0x50]  }
0xdd: {  	v47 =	vadd.s32 v1, v21;
	[tilespmem:v36+s0+$0x0] =	vst.idx.msk $0xffff, v35;
	v46 =	vld [tilespmem:s23+$0xFFFFFF90]  }
0xde: {  	v44 =	vadd.s32 v1, v19;
	[tilespmem:v38+s0+$0x0] =	vst.idx.msk $0xffff, v37;
	v11 =	vld [tilespmem:s23+$0xFFFFFFD0]  }
0xdf: {  	v45 =	vadd.s32 v1, v20;
	[tilespmem:v41+s0+$0x0] =	vst.idx.msk $0xffff, v40;
	v9 =	vld [tilespmem:s23+$0x10]  }
0xe0: {  	v8 =	vadd.s32 v3, v8;
	v42 =	vld [tilespmem:s12+$0x70];
	[tilespmem:v49+s0+$0x0] =	vst.idx.msk $0xffff, v48  }
0xe1: {  	v5 =	vadd.s32 v3, v5;
	v13 =	vld [tilespmem:s12+$0x30];
	[tilespmem:v43+s0+$0x0] =	vst.idx.msk $0xffff, v15  }
0xe2: {  	v52 =	vadd.s32 v2, v31;
	[tilespmem:v47+s0+$0x0] =	vst.idx.msk $0xffff, v46;
	v15 =	vld [tilespmem:s23+$0x60]  }
0xe3: {  	v57 =	vadd.s32 v2, v21;
	[tilespmem:v44+s0+$0x0] =	vst.idx.msk $0xffff, v11;
	v56 =	vld [tilespmem:s23+$0xFFFFFFA0]  }
0xe4: {  	v53 =	vadd.s32 v2, v19;
	[tilespmem:v45+s0+$0x0] =	vst.idx.msk $0xffff, v9;
	v11 =	vld [tilespmem:s23+$0xFFFFFFE0]  }
0xe5: {  	v55 =	vadd.s32 v2, v20;
	[tilespmem:v8+s0+$0x0] =	vst.idx.msk $0xffff, v42;
	v54 =	vld [tilespmem:s23+$0x20]  }
0xe6: {  	v4 =	vadd.s32 v3, v4;
	v58 =	vld [tilespmem:s12+$0xFFFFFFB0];
	[tilespmem:v5+s0+$0x0] =	vst.idx.msk $0xffff, v13  }
0xe7: {  	v51 =	vadd.s32 v3, v7;
	v50 =	vld [tilespmem:s12+$0xFFFFFFF0];
	[tilespmem:v52+s0+$0x0] =	vst.idx.msk $0xffff, v15  }
0xe8: {  	v60 =	vadd.s32 v3, v31;
	[tilespmem:v57+s0+$0x0] =	vst.idx.msk $0xffff, v56;
	v59 =	vld [tilespmem:s23+$0x70]  }
0xe9: {  	v63 =	vadd.s32 v3, v21;
	[tilespmem:v53+s0+$0x0] =	vst.idx.msk $0xffff, v11;
	v5 =	vld [tilespmem:s23+$0xFFFFFFB0]  }
0xea: {  	v61 =	vadd.s32 v3, v19;
	[tilespmem:v55+s0+$0x0] =	vst.idx.msk $0xffff, v54;
	v11 =	vld [tilespmem:s23+$0xFFFFFFF0]  }
0xeb: {  	v62 =	vadd.s32 v3, v20;
	[tilespmem:v4+s0+$0x0] =	vst.idx.msk $0xffff, v58;
	v6 =	vld [tilespmem:s23+$0x30]  }
0xec: {  	[tilespmem:v51+s0+$0x0] =	vst.idx.msk $0xffff, v50  }
0xed: {  	[tilespmem:v60+s0+$0x0] =	vst.idx.msk $0xffff, v59  }
0xee: {  	[tilespmem:v63+s0+$0x0] =	vst.idx.msk $0xffff, v5  }
0xef: {  	[tilespmem:v61+s0+$0x0] =	vst.idx.msk $0xffff, v11  }
0xf0: {  	[tilespmem:v62+s0+$0x0] =	vst.idx.msk $0xffff, v6  }
0xf1: {  	s14 =	simm.s32 $0x10600;
	s15 =	rddreg [dreg:$0x5]  }
0xf2: {  	[hbm4b:s15+s3] =	stream.linear.scatter [tilespmem:s14], [sflag:$0x6], $0x80, $0x38;
	[tilespmem:$0x16C00] =	vst v63  }
0xf3: {  	s16 =	simm.s32 $0x10688;
	s17 =	sadd.s32 $0x10, s15  }
0xf4: {  	[hbm4b:s17+s3] =	stream.linear.scatter [tilespmem:s16], [sflag:$0x6], $0x80, $0x38;
	[tilespmem:$0x16C00] =	vst v63  }
0xf5: {  	s22 =	simm.s32 $0x10710;
	s2 =	simm.s32 $0x440;
	s23 =	sadd.s32 $0x20, s15  }
0xf6: {  	[hbm4b:s23+s3] =	stream.linear.scatter [tilespmem:s22], [sflag:$0x6], $0x80, $0x38;
	[tilespmem:$0x16C00] =	vst v63  }
0xf7: {  	s7 =	simm.s32 $0x10798;
	s13 =	simm.s32 $0x10820;
	s12 =	sadd.s32 $0x30, s15  }
0xf8: {  	[hbm4b:s12+s3] =	stream.linear.scatter [tilespmem:s7], [sflag:$0x6], $0x80, $0x38;
	[tilespmem:$0x16C00] =	vst v63  }
0xf9: {  	s14 =	sadd.s32 $0x40, s15;
	s16 =	simm.s32 $0x108A8;
	s17 =	sadd.s32 $0x50, s15  }
0xfa: {  	[hbm4b:s14+s3] =	stream.linear.scatter [tilespmem:s13], [sflag:$0x6], $0x80, $0x38;
	[tilespmem:$0x16C00] =	vst v63  }
0xfb: {  	s22 =	simm.s32 $0x10930;
	s23 =	sadd.s32 $0x60, s15;
	s12 =	simm.s32 $0x2200  }
0xfc: {  	[hbm4b:s17+s3] =	stream.linear.scatter [tilespmem:s16], [sflag:$0x6], $0x80, $0x38;
	[tilespmem:$0x16C00] =	vst v63  }
0xfd: {  	s7 =	sadd.s32 $0x1000, s15;
	s13 =	simm.s32 $0x109B8;
	s14 =	sadd.s32 $0x70, s15  }
0xfe: {  	[hbm4b:s23+s3] =	stream.linear.scatter [tilespmem:s22], [sflag:$0x6], $0x80, $0x38;
	[tilespmem:$0x16C00] =	vst v63  }
.LBB2_8:
0xff: {  	[hbm4b:s14+s3] =	stream.linear.scatter [tilespmem:s13], [sflag:$0x6], $0x80, $0x38;
	[tilespmem:$0x16C00] =	vst v63  }
0x100: {  	s13 =	smov.u32 s2;
	s2 =	smov.u32 s12  }
0x101: {  	s15 =	sadd.s32 $0x1100, s12;
	s2 =	sshra.s32 s2, $0x2;
	s14 =	sadd.s32 $0x10600, s13  }
0x102: {  	[hbm4b:s7+s3] =	stream.linear.scatter [tilespmem:s14], [sflag:$0x6], $0x80, $0x38;
	[tilespmem:$0x16C00] =	vst v63  }
0x103: {  	p0 =	sne.s32 s12, $0x7700;
	s12 =	sadd.s32 $0x10688, s13;
	s14 =	sadd.s32 $0x10, s7  }
0x104: {  	[hbm4b:s14+s3] =	stream.linear.scatter [tilespmem:s12], [sflag:$0x6], $0x80, $0x38;
	[tilespmem:$0x16C00] =	vst v63  }
0x105: {  	s12 =	sadd.s32 $0x10710, s13;
	s14 =	sadd.s32 $0x20, s7  }
0x106: {  	[hbm4b:s14+s3] =	stream.linear.scatter [tilespmem:s12], [sflag:$0x6], $0x80, $0x38;
	[tilespmem:$0x16C00] =	vst v63  }
0x107: {  	s12 =	sadd.s32 $0x10798, s13;
	s14 =	sadd.s32 $0x30, s7  }
0x108: {  	[hbm4b:s14+s3] =	stream.linear.scatter [tilespmem:s12], [sflag:$0x6], $0x80, $0x38;
	[tilespmem:$0x16C00] =	vst v63  }
0x109: {  	s12 =	sadd.s32 $0x10820, s13;
	s14 =	sadd.s32 $0x40, s7  }
0x10a: {  	[hbm4b:s14+s3] =	stream.linear.scatter [tilespmem:s12], [sflag:$0x6], $0x80, $0x38;
	[tilespmem:$0x16C00] =	vst v63  }
.Ltmp3:
0x10b: {  	s12 =	sadd.s32 $0x108A8, s13;
	s14 =	sadd.s32 $0x50, s7;
	(pc) =	sbr.rel @p0 .LBB2_8-.Ltmp3, $4  }
0x10c: {  	[hbm4b:s14+s3] =	stream.linear.scatter [tilespmem:s12], [sflag:$0x6], $0x80, $0x38;
	[tilespmem:$0x16C00] =	vst v63  }
0x10d: {  	s12 =	sadd.s32 $0x10930, s13;
	s14 =	sadd.s32 $0x60, s7;
	s13 =	sadd.s32 $0x109B8, s13  }
0x10e: {  	[hbm4b:s14+s3] =	stream.linear.scatter [tilespmem:s12], [sflag:$0x6], $0x80, $0x38;
	[tilespmem:$0x16C00] =	vst v63  }
0x10f: {  	s14 =	sadd.s32 $0x70, s7;
	s7 =	sadd.s32 $0x1000, s7;
	s12 =	smov.u32 s15  }
0x110: {  	[hbm4b:s14+s3] =	stream.linear.scatter [tilespmem:s13], [sflag:$0x6], $0x80, $0x38;
	[tilespmem:$0x16C00] =	vst v63  }
0x111: {  	s12 =	sadd.s32 $0x10600, s2  }
0x112: {  	[hbm4b:s7+s3] =	stream.linear.scatter [tilespmem:s12], [sflag:$0x6], $0x80, $0x38;
	[tilespmem:$0x16C00] =	vst v63  }
0x113: {  	s16 =	sadd.s32 $0x10688, s2;
	s17 =	sadd.s32 $0x10, s7  }
0x114: {  	[hbm4b:s17+s3] =	stream.linear.scatter [tilespmem:s16], [sflag:$0x6], $0x80, $0x38;
	[tilespmem:$0x16C00] =	vst v63  }
0x115: {  	s22 =	sadd.s32 $0x10710, s2;
	s23 =	sadd.s32 $0x20, s7  }
0x116: {  	[hbm4b:s23+s3] =	stream.linear.scatter [tilespmem:s22], [sflag:$0x6], $0x80, $0x38;
	[tilespmem:$0x16C00] =	vst v63  }
0x117: {  	s14 =	sadd.s32 $0x10798, s2;
	s15 =	sadd.s32 $0x30, s7  }
0x118: {  	[hbm4b:s15+s3] =	stream.linear.scatter [tilespmem:s14], [sflag:$0x6], $0x80, $0x38;
	[tilespmem:$0x16C00] =	vst v63  }
0x119: {  	s16 =	sadd.s32 $0x10820, s2;
	s17 =	sadd.s32 $0x40, s7  }
0x11a: {  	[hbm4b:s17+s3] =	stream.linear.scatter [tilespmem:s16], [sflag:$0x6], $0x80, $0x38;
	[tilespmem:$0x16C00] =	vst v63  }
0x11b: {  	s22 =	sadd.s32 $0x108A8, s2;
	s23 =	sadd.s32 $0x50, s7  }
0x11c: {  	[hbm4b:s23+s3] =	stream.linear.scatter [tilespmem:s22], [sflag:$0x6], $0x80, $0x38;
	[tilespmem:$0x16C00] =	vst v63  }
0x11d: {  	s14 =	sadd.s32 $0x10930, s2;
	s15 =	sadd.s32 $0x60, s7  }
0x11e: {  	[hbm4b:s15+s3] =	stream.linear.scatter [tilespmem:s14], [sflag:$0x6], $0x80, $0x38;
	[tilespmem:$0x16C00] =	vst v63  }
0x11f: {  	s16 =	sadd.s32 $0x109B8, s2;
	s17 =	sadd.s32 $0x70, s7  }
0x120: {  	[hbm4b:s17+s3] =	stream.linear.scatter [tilespmem:s16], [sflag:$0x6], $0x80, $0x38;
	[tilespmem:$0x16C00] =	vst v63  }
0x121: {  	s22 =	simm.s32 $0x8400;
	s23 =	simm.s32 $0x280  }
0x122: {  	[tilespmem:s22], [sflag:$0x2] =	stream.indirect.gather [hbm4b:s4+s19], $0x40, s23, s19, $0xb8;
	[tilespmem:$0x16C00] =	vst v63  }
0x123: {  	s7 =	simm.s32 $0x3;
	_ =	swait.ge [sflag:s24], $0x2000  }
0x124: {  	s12 =	simm.s32 $0x0;
	v4 =	vmov s7;
	[sflag:s24] =	ssyncset.done $0x0  }
0x125: {  	s13 =	simm.s32 $0xA480;
	v5 =	vand.u32 $0x7F, v4;
	v4 =	vmov s12;
	s14 =	simm.s32 $0x1;
	[sflag:s24] =	ssyncadd.s32 $0xFFFFE000  }
0x126: {  	v8 =	vadd.s32 v0, v5;
	v6 =	vand.u32 $0x7C, v4;
	v4 =	vmov s14;
	v7 =	vld [tilespmem:s13+$0x40]  }
0x127: {  	v10 =	vadd.s32 v0, v6;
	v11 =	vand.u32 $0x7D, v4;
	v9 =	vld [tilespmem:s13+$0xFFFFFF80]  }
0x128: {  	s15 =	simm.s32 $0x2;
	v12 =	vadd.s32 v0, v11;
	v4 =	vld [tilespmem:s13+$0xFFFFFFC0]  }
0x129: {  	v13 =	vmov s15  }
0x12a: {  	v13 =	vand.u32 $0x7E, v13  }
0x12b: {  	v15 =	vadd.s32 v0, v13;
	v14 =	vld [tilespmem:s13+$0x0];
	[tilespmem:v8+s26+$0x0] =	vst.idx.msk $0xffff, v7  }
0x12c: {  	v8 =	vadd.s32 v1, v5;
	[tilespmem:v10+s26+$0x0] =	vst.idx.msk $0xffff, v9;
	v7 =	vld [tilespmem:s13+$0x50]  }
0x12d: {  	v10 =	vadd.s32 v1, v6;
	[tilespmem:v12+s26+$0x0] =	vst.idx.msk $0xffff, v4;
	v9 =	vld [tilespmem:s13+$0xFFFFFF90]  }
0x12e: {  	v12 =	vadd.s32 v1, v11;
	v4 =	vld [tilespmem:s13+$0xFFFFFFD0];
	_ =	sdelay $0x1  }
0x12f: {  	[tilespmem:v15+s26+$0x0] =	vst.idx.msk $0xffff, v14  }
0x130: {  	v16 =	vadd.s32 v1, v13;
	v15 =	vld [tilespmem:s13+$0x10];
	[tilespmem:v8+s26+$0x0] =	vst.idx.msk $0xffff, v7  }
0x131: {  	s16 =	simm.s32 $0x7;
	v14 =	vadd.s32 v2, v5;
	[tilespmem:v10+s26+$0x0] =	vst.idx.msk $0xffff, v9;
	v7 =	vld [tilespmem:s13+$0x60]  }
0x132: {  	v10 =	vadd.s32 v2, v6;
	v8 =	vmov s16;
	[tilespmem:v12+s26+$0x0] =	vst.idx.msk $0xffff, v4;
	v9 =	vld [tilespmem:s13+$0xFFFFFFA0]  }
0x133: {  	s12 =	simm.s32 $0xA580;
	v17 =	vadd.s32 v2, v11;
	v8 =	vand.u32 $0x7F, v8;
	v12 =	vld [tilespmem:s13+$0xFFFFFFE0]  }
0x134: {  	s17 =	simm.s32 $0x4;
	v18 =	vld [tilespmem:s12+$0x40];
	v19 =	vadd.s32 v0, v8  }
0x135: {  	s22 =	simm.s32 $0x5;
	v4 =	vmov s17;
	[tilespmem:v16+s26+$0x0] =	vst.idx.msk $0xffff, v15  }
0x136: {  	v22 =	vmov s22;
	v4 =	vand.u32 $0x7C, v4;
	[tilespmem:v14+s26+$0x0] =	vst.idx.msk $0xffff, v7  }
0x137: {  	s23 =	simm.s32 $0x6;
	v20 =	vld [tilespmem:s12+$0xFFFFFF80];
	v21 =	vadd.s32 v0, v4;
	v7 =	vand.u32 $0x7D, v22;
	[tilespmem:v10+s26+$0x0] =	vst.idx.msk $0xffff, v9  }
0x138: {  	v14 =	vmov s23;
	v9 =	vld [tilespmem:s12+$0xFFFFFFC0];
	[tilespmem:v17+s26+$0x0] =	vst.idx.msk $0xffff, v12;
	v10 =	vadd.s32 v0, v7  }
0x139: {  	v16 =	vadd.s32 v3, v5;
	v12 =	vld [tilespmem:s13+$0x20];
	v5 =	vand.u32 $0x7E, v14;
	[tilespmem:v19+s26+$0x0] =	vst.idx.msk $0xffff, v18;
	v18 =	vadd.s32 v2, v13  }
0x13a: {  	v14 =	vld [tilespmem:s12+$0x0];
	v63 =	vadd.s32 v0, v5  }
0x13b: {  	v15 =	vld [tilespmem:s13+$0x70]  }
0x13c: {  	[tilespmem:v21+s26+$0x0] =	vst.idx.msk $0xffff, v20;
	v20 =	vadd.s32 v1, v8;
	v19 =	vld [tilespmem:s12+$0x50]  }
0x13d: {  	v23 =	vadd.s32 v1, v4;
	v21 =	vld [tilespmem:s12+$0xFFFFFF90];
	[tilespmem:v10+s26+$0x0] =	vst.idx.msk $0xffff, v9  }
0x13e: {  	v25 =	vadd.s32 v3, v11;
	v24 =	vld [tilespmem:s13+$0xFFFFFFF0];
	[tilespmem:v18+s26+$0x0] =	vst.idx.msk $0xffff, v12  }
0x13f: {  	v18 =	vadd.s32 v1, v7;
	v17 =	vld [tilespmem:s12+$0xFFFFFFD0];
	[tilespmem:v63+s26+$0x0] =	vst.idx.msk $0xffff, v14  }
0x140: {  	[tilespmem:v16+s26+$0x0] =	vst.idx.msk $0xffff, v15;
	v16 =	vadd.s32 v1, v5;
	v15 =	vld [tilespmem:s12+$0x10]  }
0x141: {  	[tilespmem:v20+s26+$0x0] =	vst.idx.msk $0xffff, v19;
	v11 =	vld [tilespmem:s13+$0x30];
	v14 =	vadd.s32 v3, v13  }
0x142: {  	v12 =	vadd.s32 v2, v8;
	[tilespmem:v23+s26+$0x0] =	vst.idx.msk $0xffff, v21;
	v9 =	vld [tilespmem:s12+$0x60]  }
0x143: {  	s2 =	simm.s32 $0xB;
	s7 =	simm.s32 $0xC;
	s14 =	simm.s32 $0x8;
	[tilespmem:v25+s26+$0x0] =	vst.idx.msk $0xffff, v24;
	v13 =	vadd.s32 v2, v4;
	v10 =	vld [tilespmem:s12+$0xFFFFFFA0]  }
.LBB2_10:
0x144: {  	p0 =	slt.u32 s7, $0x7C;
	v19 =	vmov s2;
	[tilespmem:v18+s26+$0x0] =	vst.idx.msk $0xffff, v17;
	v17 =	vld [tilespmem:s13+$0xFFFFFFB0];
	v18 =	vadd.s32 v3, v6;
	v6 =	vmov v4;
	s13 =	smov.u32 s12  }
0x145: {  	v4 =	vmov s14;
	v21 =	vadd.s32 v2, v7;
	s12 =	sadd.s32 $0x100, s12;
	v19 =	vand.u32 $0x7F, v19;
	v20 =	vld [tilespmem:s13+$0xFFFFFFE0];
	[tilespmem:v16+s26+$0x0] =	vst.idx.msk $0xffff, v15  }
0x146: {  	s2 =	sadd.s32 $0x1, s14;
	v4 =	vand.u32 $0x7C, v4;
	v15 =	vld [tilespmem:s12+$0x40];
	v16 =	vadd.s32 v0, v19;
	[tilespmem:v14+s26+$0x0] =	vst.idx.msk $0xffff, v11  }
0x147: {  	v22 =	vmov s2;
	s2 =	sadd.s32 $0x2, s14;
	s14 =	smov.u32 s7;
	v14 =	vadd.s32 v0, v4;
	v11 =	vld [tilespmem:s12+$0xFFFFFF80];
	[tilespmem:v12+s26+$0x0] =	vst.idx.msk $0xffff, v9  }
0x148: {  	v9 =	vand.u32 $0x7D, v22;
	v12 =	vmov s2;
	[tilespmem:v13+s26+$0x0] =	vst.idx.msk $0xffff, v10;
	v10 =	vld [tilespmem:s13+$0x70];
	v13 =	vadd.s32 v3, v8;
	v8 =	vmovc v19  }
0x149: {  	v22 =	vadd.s32 v0, v9;
	v12 =	vand.u32 $0x7E, v12;
	v19 =	vld [tilespmem:s12+$0xFFFFFFC0];
	[tilespmem:v18+s26+$0x0] =	vst.idx.msk $0xffff, v17  }
0x14a: {  	v24 =	vadd.s32 v0, v12;
	v23 =	vld [tilespmem:s12+$0x0];
	[tilespmem:v21+s26+$0x0] =	vst.idx.msk $0xffff, v20  }
0x14b: {  	v21 =	vadd.s32 v2, v5;
	[tilespmem:v16+s26+$0x0] =	vst.idx.msk $0xffff, v15;
	v20 =	vld [tilespmem:s13+$0x20]  }
0x14c: {  	[tilespmem:v14+s26+$0x0] =	vst.idx.msk $0xffff, v11;
	v11 =	vld [tilespmem:s12+$0x50];
	v14 =	vadd.s32 v1, v8  }
0x14d: {  	v26 =	vadd.s32 v1, v4;
	v25 =	vld [tilespmem:s12+$0xFFFFFF90];
	[tilespmem:v13+s26+$0x0] =	vst.idx.msk $0xffff, v10  }
0x14e: {  	[tilespmem:v22+s26+$0x0] =	vst.idx.msk $0xffff, v19;
	v19 =	vld [tilespmem:s13+$0xFFFFFFF0];
	v22 =	vadd.s32 v3, v7;
	v7 =	vmov v9  }
.Ltmp4:
0x14f: {  	v17 =	vld [tilespmem:s12+$0xFFFFFFD0];
	v18 =	vadd.s32 v1, v7;
	[tilespmem:v24+s26+$0x0] =	vst.idx.msk $0xffff, v23;
	(pc) =	sbr.rel @p0 .LBB2_10-.Ltmp4, $4  }
0x150: {  	v16 =	vadd.s32 v1, v12;
	v15 =	vld [tilespmem:s12+$0x10];
	[tilespmem:v21+s26+$0x0] =	vst.idx.msk $0xffff, v20  }
0x151: {  	[tilespmem:v14+s26+$0x0] =	vst.idx.msk $0xffff, v11;
	v11 =	vld [tilespmem:s13+$0x30];
	v14 =	vadd.s32 v3, v5;
	v5 =	vmov v12  }
0x152: {  	v12 =	vadd.s32 v2, v8;
	[tilespmem:v26+s26+$0x0] =	vst.idx.msk $0xffff, v25;
	v9 =	vld [tilespmem:s12+$0x60]  }
0x153: {  	s7 =	sadd.s32 $0x4, s7;
	s2 =	sadd.s32 $0x3, s14;
	v13 =	vadd.s32 v2, v4;
	v10 =	vld [tilespmem:s12+$0xFFFFFFA0];
	[tilespmem:v22+s26+$0x0] =	vst.idx.msk $0xffff, v19  }
0x154: {  	_ =	sdelay $0x2  }
0x155: {  	v19 =	vmov s2  }
0x156: {  	s7 =	sadd.s32 $0x1, s14;
	[tilespmem:v18+s26+$0x0] =	vst.idx.msk $0xffff, v17;
	v30 =	vld [tilespmem:s13+$0xFFFFFFB0];
	v6 =	vadd.s32 v3, v6;
	s23 =	sadd.s32 $0x100, s12;
	v21 =	vmov s14;
	v31 =	vand.u32 $0x7F, v19  }
0x157: {  	s13 =	sadd.s32 $0x2, s14;
	v32 =	vmov s7;
	[tilespmem:v16+s26+$0x0] =	vst.idx.msk $0xffff, v15;
	v33 =	vld [tilespmem:s23+$0x40];
	v21 =	vand.u32 $0x7C, v21;
	v34 =	vadd.s32 v0, v31  }
0x158: {  	v20 =	vmov s13;
	v22 =	vld [tilespmem:s23+$0xFFFFFF80];
	v19 =	vand.u32 $0x7D, v32;
	[tilespmem:v14+s26+$0x0] =	vst.idx.msk $0xffff, v11;
	v39 =	vadd.s32 v0, v21  }
0x159: {  	v35 =	vld [tilespmem:s23+$0xFFFFFFC0];
	v20 =	vand.u32 $0x7E, v20;
	v36 =	vadd.s32 v0, v19;
	[tilespmem:v12+s26+$0x0] =	vst.idx.msk $0xffff, v9  }
0x15a: {  	v37 =	vld [tilespmem:s23+$0x0];
	v38 =	vadd.s32 v0, v20;
	[tilespmem:v13+s26+$0x0] =	vst.idx.msk $0xffff, v10  }
0x15b: {  	v41 =	vadd.s32 v2, v7;
	v40 =	vld [tilespmem:s12+$0xFFFFFFE0];
	[tilespmem:v6+s26+$0x0] =	vst.idx.msk $0xffff, v30  }
0x15c: {  	v49 =	vadd.s32 v2, v5;
	v48 =	vld [tilespmem:s12+$0x20];
	[tilespmem:v34+s26+$0x0] =	vst.idx.msk $0xffff, v33  }
0x15d: {  	v43 =	vadd.s32 v1, v31;
	[tilespmem:v39+s26+$0x0] =	vst.idx.msk $0xffff, v22;
	v15 =	vld [tilespmem:s23+$0x50]  }
0x15e: {  	v47 =	vadd.s32 v1, v21;
	[tilespmem:v36+s26+$0x0] =	vst.idx.msk $0xffff, v35;
	v46 =	vld [tilespmem:s23+$0xFFFFFF90]  }
0x15f: {  	v44 =	vadd.s32 v1, v19;
	[tilespmem:v38+s26+$0x0] =	vst.idx.msk $0xffff, v37;
	v11 =	vld [tilespmem:s23+$0xFFFFFFD0]  }
0x160: {  	v45 =	vadd.s32 v1, v20;
	[tilespmem:v41+s26+$0x0] =	vst.idx.msk $0xffff, v40;
	v9 =	vld [tilespmem:s23+$0x10]  }
0x161: {  	v8 =	vadd.s32 v3, v8;
	v42 =	vld [tilespmem:s12+$0x70];
	[tilespmem:v49+s26+$0x0] =	vst.idx.msk $0xffff, v48  }
0x162: {  	v5 =	vadd.s32 v3, v5;
	v13 =	vld [tilespmem:s12+$0x30];
	[tilespmem:v43+s26+$0x0] =	vst.idx.msk $0xffff, v15  }
0x163: {  	v52 =	vadd.s32 v2, v31;
	[tilespmem:v47+s26+$0x0] =	vst.idx.msk $0xffff, v46;
	v15 =	vld [tilespmem:s23+$0x60]  }
0x164: {  	v57 =	vadd.s32 v2, v21;
	[tilespmem:v44+s26+$0x0] =	vst.idx.msk $0xffff, v11;
	v56 =	vld [tilespmem:s23+$0xFFFFFFA0]  }
0x165: {  	v53 =	vadd.s32 v2, v19;
	[tilespmem:v45+s26+$0x0] =	vst.idx.msk $0xffff, v9;
	v11 =	vld [tilespmem:s23+$0xFFFFFFE0]  }
0x166: {  	v55 =	vadd.s32 v2, v20;
	[tilespmem:v8+s26+$0x0] =	vst.idx.msk $0xffff, v42;
	v54 =	vld [tilespmem:s23+$0x20]  }
0x167: {  	v4 =	vadd.s32 v3, v4;
	v58 =	vld [tilespmem:s12+$0xFFFFFFB0];
	[tilespmem:v5+s26+$0x0] =	vst.idx.msk $0xffff, v13  }
0x168: {  	v51 =	vadd.s32 v3, v7;
	v50 =	vld [tilespmem:s12+$0xFFFFFFF0];
	[tilespmem:v52+s26+$0x0] =	vst.idx.msk $0xffff, v15  }
0x169: {  	v60 =	vadd.s32 v3, v31;
	[tilespmem:v57+s26+$0x0] =	vst.idx.msk $0xffff, v56;
	v59 =	vld [tilespmem:s23+$0x70]  }
0x16a: {  	v63 =	vadd.s32 v3, v21;
	[tilespmem:v53+s26+$0x0] =	vst.idx.msk $0xffff, v11;
	v5 =	vld [tilespmem:s23+$0xFFFFFFB0]  }
0x16b: {  	v61 =	vadd.s32 v3, v19;
	[tilespmem:v55+s26+$0x0] =	vst.idx.msk $0xffff, v54;
	v11 =	vld [tilespmem:s23+$0xFFFFFFF0]  }
0x16c: {  	v62 =	vadd.s32 v3, v20;
	[tilespmem:v4+s26+$0x0] =	vst.idx.msk $0xffff, v58;
	v6 =	vld [tilespmem:s23+$0x30]  }
0x16d: {  	[tilespmem:v51+s26+$0x0] =	vst.idx.msk $0xffff, v50  }
0x16e: {  	[tilespmem:v60+s26+$0x0] =	vst.idx.msk $0xffff, v59  }
0x16f: {  	[tilespmem:v63+s26+$0x0] =	vst.idx.msk $0xffff, v5  }
0x170: {  	[tilespmem:v61+s26+$0x0] =	vst.idx.msk $0xffff, v11  }
0x171: {  	[tilespmem:v62+s26+$0x0] =	vst.idx.msk $0xffff, v6  }
0x172: {  	s14 =	simm.s32 $0x12800;
	s15 =	rddreg [dreg:$0x6]  }
0x173: {  	[hbm4b:s15+s3] =	stream.linear.scatter [tilespmem:s14], [sflag:$0x7], $0x80, $0x38;
	[tilespmem:$0x16C00] =	vst v63  }
0x174: {  	s16 =	simm.s32 $0x12888;
	s17 =	sadd.s32 $0x10, s15  }
0x175: {  	[hbm4b:s17+s3] =	stream.linear.scatter [tilespmem:s16], [sflag:$0x7], $0x80, $0x38;
	[tilespmem:$0x16C00] =	vst v63  }
0x176: {  	s22 =	simm.s32 $0x12910;
	s2 =	simm.s32 $0x440;
	s23 =	sadd.s32 $0x20, s15  }
0x177: {  	[hbm4b:s23+s3] =	stream.linear.scatter [tilespmem:s22], [sflag:$0x7], $0x80, $0x38;
	[tilespmem:$0x16C00] =	vst v63  }
0x178: {  	s7 =	simm.s32 $0x12998;
	s13 =	simm.s32 $0x12A20;
	s12 =	sadd.s32 $0x30, s15  }
0x179: {  	[hbm4b:s12+s3] =	stream.linear.scatter [tilespmem:s7], [sflag:$0x7], $0x80, $0x38;
	[tilespmem:$0x16C00] =	vst v63  }
0x17a: {  	s14 =	sadd.s32 $0x40, s15;
	s16 =	simm.s32 $0x12AA8;
	s17 =	sadd.s32 $0x50, s15  }
0x17b: {  	[hbm4b:s14+s3] =	stream.linear.scatter [tilespmem:s13], [sflag:$0x7], $0x80, $0x38;
	[tilespmem:$0x16C00] =	vst v63  }
0x17c: {  	s22 =	simm.s32 $0x12B30;
	s23 =	sadd.s32 $0x60, s15;
	s12 =	simm.s32 $0x2200  }
0x17d: {  	[hbm4b:s17+s3] =	stream.linear.scatter [tilespmem:s16], [sflag:$0x7], $0x80, $0x38;
	[tilespmem:$0x16C00] =	vst v63  }
0x17e: {  	s7 =	sadd.s32 $0x1000, s15;
	s13 =	simm.s32 $0x12BB8;
	s14 =	sadd.s32 $0x70, s15  }
0x17f: {  	[hbm4b:s23+s3] =	stream.linear.scatter [tilespmem:s22], [sflag:$0x7], $0x80, $0x38;
	[tilespmem:$0x16C00] =	vst v63  }
.LBB2_12:
0x180: {  	[hbm4b:s14+s3] =	stream.linear.scatter [tilespmem:s13], [sflag:$0x7], $0x80, $0x38;
	[tilespmem:$0x16C00] =	vst v63  }
0x181: {  	s13 =	smov.u32 s2;
	s2 =	smov.u32 s12  }
0x182: {  	s15 =	sadd.s32 $0x1100, s12;
	s2 =	sshra.s32 s2, $0x2;
	s14 =	sadd.s32 $0x12800, s13  }
0x183: {  	[hbm4b:s7+s3] =	stream.linear.scatter [tilespmem:s14], [sflag:$0x7], $0x80, $0x38;
	[tilespmem:$0x16C00] =	vst v63  }
0x184: {  	p0 =	sne.s32 s12, $0x7700;
	s12 =	sadd.s32 $0x12888, s13;
	s14 =	sadd.s32 $0x10, s7  }
0x185: {  	[hbm4b:s14+s3] =	stream.linear.scatter [tilespmem:s12], [sflag:$0x7], $0x80, $0x38;
	[tilespmem:$0x16C00] =	vst v63  }
0x186: {  	s12 =	sadd.s32 $0x12910, s13;
	s14 =	sadd.s32 $0x20, s7  }
0x187: {  	[hbm4b:s14+s3] =	stream.linear.scatter [tilespmem:s12], [sflag:$0x7], $0x80, $0x38;
	[tilespmem:$0x16C00] =	vst v63  }
0x188: {  	s12 =	sadd.s32 $0x12998, s13;
	s14 =	sadd.s32 $0x30, s7  }
0x189: {  	[hbm4b:s14+s3] =	stream.linear.scatter [tilespmem:s12], [sflag:$0x7], $0x80, $0x38;
	[tilespmem:$0x16C00] =	vst v63  }
0x18a: {  	s12 =	sadd.s32 $0x12A20, s13;
	s14 =	sadd.s32 $0x40, s7  }
0x18b: {  	[hbm4b:s14+s3] =	stream.linear.scatter [tilespmem:s12], [sflag:$0x7], $0x80, $0x38;
	[tilespmem:$0x16C00] =	vst v63  }
.Ltmp5:
0x18c: {  	s12 =	sadd.s32 $0x12AA8, s13;
	s14 =	sadd.s32 $0x50, s7;
	(pc) =	sbr.rel @p0 .LBB2_12-.Ltmp5, $4  }
0x18d: {  	[hbm4b:s14+s3] =	stream.linear.scatter [tilespmem:s12], [sflag:$0x7], $0x80, $0x38;
	[tilespmem:$0x16C00] =	vst v63  }
0x18e: {  	s12 =	sadd.s32 $0x12B30, s13;
	s14 =	sadd.s32 $0x60, s7;
	s13 =	sadd.s32 $0x12BB8, s13  }
0x18f: {  	[hbm4b:s14+s3] =	stream.linear.scatter [tilespmem:s12], [sflag:$0x7], $0x80, $0x38;
	[tilespmem:$0x16C00] =	vst v63  }
0x190: {  	s14 =	sadd.s32 $0x70, s7;
	s7 =	sadd.s32 $0x1000, s7;
	s12 =	smov.u32 s15  }
0x191: {  	[hbm4b:s14+s3] =	stream.linear.scatter [tilespmem:s13], [sflag:$0x7], $0x80, $0x38;
	[tilespmem:$0x16C00] =	vst v63  }
0x192: {  	s12 =	sadd.s32 $0x12800, s2  }
0x193: {  	[hbm4b:s7+s3] =	stream.linear.scatter [tilespmem:s12], [sflag:$0x7], $0x80, $0x38;
	[tilespmem:$0x16C00] =	vst v63  }
0x194: {  	s22 =	sadd.s32 $0x12888, s2;
	s23 =	sadd.s32 $0x10, s7  }
0x195: {  	[hbm4b:s23+s3] =	stream.linear.scatter [tilespmem:s22], [sflag:$0x7], $0x80, $0x38;
	[tilespmem:$0x16C00] =	vst v63  }
0x196: {  	s14 =	sadd.s32 $0x12910, s2;
	s15 =	sadd.s32 $0x20, s7  }
0x197: {  	[hbm4b:s15+s3] =	stream.linear.scatter [tilespmem:s14], [sflag:$0x7], $0x80, $0x38;
	[tilespmem:$0x16C00] =	vst v63  }
0x198: {  	s16 =	sadd.s32 $0x12998, s2;
	s17 =	sadd.s32 $0x30, s7  }
0x199: {  	[hbm4b:s17+s3] =	stream.linear.scatter [tilespmem:s16], [sflag:$0x7], $0x80, $0x38;
	[tilespmem:$0x16C00] =	vst v63  }
0x19a: {  	s22 =	sadd.s32 $0x12A20, s2;
	s23 =	sadd.s32 $0x40, s7  }
0x19b: {  	[hbm4b:s23+s3] =	stream.linear.scatter [tilespmem:s22], [sflag:$0x7], $0x80, $0x38;
	[tilespmem:$0x16C00] =	vst v63  }
0x19c: {  	s13 =	sadd.s32 $0x12AA8, s2;
	s14 =	sadd.s32 $0x50, s7  }
0x19d: {  	[hbm4b:s14+s3] =	stream.linear.scatter [tilespmem:s13], [sflag:$0x7], $0x80, $0x38;
	[tilespmem:$0x16C00] =	vst v63  }
0x19e: {  	s15 =	sadd.s32 $0x12B30, s2;
	s16 =	sadd.s32 $0x60, s7  }
0x19f: {  	[hbm4b:s16+s3] =	stream.linear.scatter [tilespmem:s15], [sflag:$0x7], $0x80, $0x38;
	[tilespmem:$0x16C00] =	vst v63  }
0x1a0: {  	s17 =	sadd.s32 $0x12BB8, s2;
	s22 =	sadd.s32 $0x70, s7  }
0x1a1: {  	[hbm4b:s22+s3] =	stream.linear.scatter [tilespmem:s17], [sflag:$0x7], $0x80, $0x38;
	[tilespmem:$0x16C00] =	vst v63  }
0x1a2: {  	s23 =	simm.s32 $0x300  }
0x1a3: {  	[tilespmem:s25], [sflag:$0x3] =	stream.indirect.gather [hbm4b:s4+s19], $0x40, s23, s19, $0xb8;
	[tilespmem:$0x16C00] =	vst v63  }
0x1a4: {  	s7 =	simm.s32 $0x3;
	_ =	swait.ge [sflag:s20], $0x2000  }
0x1a5: {  	s12 =	simm.s32 $0x0;
	v4 =	vmov s7;
	[sflag:s20] =	ssyncset.done $0x0  }
0x1a6: {  	s13 =	simm.s32 $0xC480;
	v5 =	vand.u32 $0x7F, v4;
	v4 =	vmov s12;
	s14 =	simm.s32 $0x1;
	[sflag:s20] =	ssyncadd.s32 $0xFFFFE000  }
0x1a7: {  	v8 =	vadd.s32 v0, v5;
	v6 =	vand.u32 $0x7C, v4;
	v4 =	vmov s14;
	v7 =	vld [tilespmem:s13+$0x40]  }
0x1a8: {  	v10 =	vadd.s32 v0, v6;
	v11 =	vand.u32 $0x7D, v4;
	v9 =	vld [tilespmem:s13+$0xFFFFFF80]  }
0x1a9: {  	s15 =	simm.s32 $0x2;
	v12 =	vadd.s32 v0, v11;
	v4 =	vld [tilespmem:s13+$0xFFFFFFC0]  }
0x1aa: {  	v13 =	vmov s15  }
0x1ab: {  	v13 =	vand.u32 $0x7E, v13  }
0x1ac: {  	v15 =	vadd.s32 v0, v13;
	v14 =	vld [tilespmem:s13+$0x0];
	[tilespmem:v8+s31+$0x0] =	vst.idx.msk $0xffff, v7  }
0x1ad: {  	v8 =	vadd.s32 v1, v5;
	[tilespmem:v10+s31+$0x0] =	vst.idx.msk $0xffff, v9;
	v7 =	vld [tilespmem:s13+$0x50]  }
0x1ae: {  	v10 =	vadd.s32 v1, v6;
	[tilespmem:v12+s31+$0x0] =	vst.idx.msk $0xffff, v4;
	v9 =	vld [tilespmem:s13+$0xFFFFFF90]  }
0x1af: {  	v12 =	vadd.s32 v1, v11;
	v4 =	vld [tilespmem:s13+$0xFFFFFFD0];
	_ =	sdelay $0x1  }
0x1b0: {  	[tilespmem:v15+s31+$0x0] =	vst.idx.msk $0xffff, v14  }
0x1b1: {  	v16 =	vadd.s32 v1, v13;
	v15 =	vld [tilespmem:s13+$0x10];
	[tilespmem:v8+s31+$0x0] =	vst.idx.msk $0xffff, v7  }
0x1b2: {  	s16 =	simm.s32 $0x7;
	v14 =	vadd.s32 v2, v5;
	[tilespmem:v10+s31+$0x0] =	vst.idx.msk $0xffff, v9;
	v7 =	vld [tilespmem:s13+$0x60]  }
0x1b3: {  	v10 =	vadd.s32 v2, v6;
	v8 =	vmov s16;
	[tilespmem:v12+s31+$0x0] =	vst.idx.msk $0xffff, v4;
	v9 =	vld [tilespmem:s13+$0xFFFFFFA0]  }
0x1b4: {  	s12 =	simm.s32 $0xC580;
	v17 =	vadd.s32 v2, v11;
	v8 =	vand.u32 $0x7F, v8;
	v12 =	vld [tilespmem:s13+$0xFFFFFFE0]  }
0x1b5: {  	s17 =	simm.s32 $0x4;
	v18 =	vld [tilespmem:s12+$0x40];
	v19 =	vadd.s32 v0, v8  }
0x1b6: {  	s22 =	simm.s32 $0x5;
	v4 =	vmov s17;
	[tilespmem:v16+s31+$0x0] =	vst.idx.msk $0xffff, v15  }
0x1b7: {  	v22 =	vmov s22;
	v4 =	vand.u32 $0x7C, v4;
	[tilespmem:v14+s31+$0x0] =	vst.idx.msk $0xffff, v7  }
0x1b8: {  	s23 =	simm.s32 $0x6;
	v20 =	vld [tilespmem:s12+$0xFFFFFF80];
	v21 =	vadd.s32 v0, v4;
	v7 =	vand.u32 $0x7D, v22;
	[tilespmem:v10+s31+$0x0] =	vst.idx.msk $0xffff, v9  }
0x1b9: {  	v14 =	vmov s23;
	v9 =	vld [tilespmem:s12+$0xFFFFFFC0];
	[tilespmem:v17+s31+$0x0] =	vst.idx.msk $0xffff, v12;
	v10 =	vadd.s32 v0, v7  }
0x1ba: {  	v16 =	vadd.s32 v3, v5;
	v12 =	vld [tilespmem:s13+$0x20];
	v5 =	vand.u32 $0x7E, v14;
	[tilespmem:v19+s31+$0x0] =	vst.idx.msk $0xffff, v18;
	v18 =	vadd.s32 v2, v13  }
0x1bb: {  	v14 =	vld [tilespmem:s12+$0x0];
	v63 =	vadd.s32 v0, v5  }
0x1bc: {  	v15 =	vld [tilespmem:s13+$0x70]  }
0x1bd: {  	[tilespmem:v21+s31+$0x0] =	vst.idx.msk $0xffff, v20;
	v20 =	vadd.s32 v1, v8;
	v19 =	vld [tilespmem:s12+$0x50]  }
0x1be: {  	v23 =	vadd.s32 v1, v4;
	v21 =	vld [tilespmem:s12+$0xFFFFFF90];
	[tilespmem:v10+s31+$0x0] =	vst.idx.msk $0xffff, v9  }
0x1bf: {  	v25 =	vadd.s32 v3, v11;
	v24 =	vld [tilespmem:s13+$0xFFFFFFF0];
	[tilespmem:v18+s31+$0x0] =	vst.idx.msk $0xffff, v12  }
0x1c0: {  	v18 =	vadd.s32 v1, v7;
	v17 =	vld [tilespmem:s12+$0xFFFFFFD0];
	[tilespmem:v63+s31+$0x0] =	vst.idx.msk $0xffff, v14  }
0x1c1: {  	[tilespmem:v16+s31+$0x0] =	vst.idx.msk $0xffff, v15;
	v16 =	vadd.s32 v1, v5;
	v15 =	vld [tilespmem:s12+$0x10]  }
0x1c2: {  	[tilespmem:v20+s31+$0x0] =	vst.idx.msk $0xffff, v19;
	v11 =	vld [tilespmem:s13+$0x30];
	v14 =	vadd.s32 v3, v13  }
0x1c3: {  	v12 =	vadd.s32 v2, v8;
	[tilespmem:v23+s31+$0x0] =	vst.idx.msk $0xffff, v21;
	v9 =	vld [tilespmem:s12+$0x60]  }
0x1c4: {  	s2 =	simm.s32 $0xB;
	s7 =	simm.s32 $0xC;
	s14 =	simm.s32 $0x8;
	[tilespmem:v25+s31+$0x0] =	vst.idx.msk $0xffff, v24;
	v13 =	vadd.s32 v2, v4;
	v10 =	vld [tilespmem:s12+$0xFFFFFFA0]  }
.LBB2_14:
0x1c5: {  	p0 =	slt.u32 s7, $0x7C;
	v19 =	vmov s2;
	[tilespmem:v18+s31+$0x0] =	vst.idx.msk $0xffff, v17;
	v17 =	vld [tilespmem:s13+$0xFFFFFFB0];
	v18 =	vadd.s32 v3, v6;
	v6 =	vmov v4;
	s13 =	smov.u32 s12  }
0x1c6: {  	v4 =	vmov s14;
	v21 =	vadd.s32 v2, v7;
	s12 =	sadd.s32 $0x100, s12;
	v19 =	vand.u32 $0x7F, v19;
	v20 =	vld [tilespmem:s13+$0xFFFFFFE0];
	[tilespmem:v16+s31+$0x0] =	vst.idx.msk $0xffff, v15  }
0x1c7: {  	s2 =	sadd.s32 $0x1, s14;
	v4 =	vand.u32 $0x7C, v4;
	v15 =	vld [tilespmem:s12+$0x40];
	v16 =	vadd.s32 v0, v19;
	[tilespmem:v14+s31+$0x0] =	vst.idx.msk $0xffff, v11  }
0x1c8: {  	v22 =	vmov s2;
	s2 =	sadd.s32 $0x2, s14;
	s14 =	smov.u32 s7;
	v14 =	vadd.s32 v0, v4;
	v11 =	vld [tilespmem:s12+$0xFFFFFF80];
	[tilespmem:v12+s31+$0x0] =	vst.idx.msk $0xffff, v9  }
0x1c9: {  	v9 =	vand.u32 $0x7D, v22;
	v12 =	vmov s2;
	[tilespmem:v13+s31+$0x0] =	vst.idx.msk $0xffff, v10;
	v10 =	vld [tilespmem:s13+$0x70];
	v13 =	vadd.s32 v3, v8;
	v8 =	vmovc v19  }
0x1ca: {  	v22 =	vadd.s32 v0, v9;
	v12 =	vand.u32 $0x7E, v12;
	v19 =	vld [tilespmem:s12+$0xFFFFFFC0];
	[tilespmem:v18+s31+$0x0] =	vst.idx.msk $0xffff, v17  }
0x1cb: {  	v24 =	vadd.s32 v0, v12;
	v23 =	vld [tilespmem:s12+$0x0];
	[tilespmem:v21+s31+$0x0] =	vst.idx.msk $0xffff, v20  }
0x1cc: {  	v21 =	vadd.s32 v2, v5;
	[tilespmem:v16+s31+$0x0] =	vst.idx.msk $0xffff, v15;
	v20 =	vld [tilespmem:s13+$0x20]  }
0x1cd: {  	[tilespmem:v14+s31+$0x0] =	vst.idx.msk $0xffff, v11;
	v11 =	vld [tilespmem:s12+$0x50];
	v14 =	vadd.s32 v1, v8  }
0x1ce: {  	v26 =	vadd.s32 v1, v4;
	v25 =	vld [tilespmem:s12+$0xFFFFFF90];
	[tilespmem:v13+s31+$0x0] =	vst.idx.msk $0xffff, v10  }
0x1cf: {  	[tilespmem:v22+s31+$0x0] =	vst.idx.msk $0xffff, v19;
	v19 =	vld [tilespmem:s13+$0xFFFFFFF0];
	v22 =	vadd.s32 v3, v7;
	v7 =	vmov v9  }
.Ltmp6:
0x1d0: {  	v17 =	vld [tilespmem:s12+$0xFFFFFFD0];
	v18 =	vadd.s32 v1, v7;
	[tilespmem:v24+s31+$0x0] =	vst.idx.msk $0xffff, v23;
	(pc) =	sbr.rel @p0 .LBB2_14-.Ltmp6, $4  }
0x1d1: {  	v16 =	vadd.s32 v1, v12;
	v15 =	vld [tilespmem:s12+$0x10];
	[tilespmem:v21+s31+$0x0] =	vst.idx.msk $0xffff, v20  }
0x1d2: {  	[tilespmem:v14+s31+$0x0] =	vst.idx.msk $0xffff, v11;
	v11 =	vld [tilespmem:s13+$0x30];
	v14 =	vadd.s32 v3, v5;
	v5 =	vmov v12  }
0x1d3: {  	v12 =	vadd.s32 v2, v8;
	[tilespmem:v26+s31+$0x0] =	vst.idx.msk $0xffff, v25;
	v9 =	vld [tilespmem:s12+$0x60]  }
0x1d4: {  	s7 =	sadd.s32 $0x4, s7;
	s2 =	sadd.s32 $0x3, s14;
	v13 =	vadd.s32 v2, v4;
	v10 =	vld [tilespmem:s12+$0xFFFFFFA0];
	[tilespmem:v22+s31+$0x0] =	vst.idx.msk $0xffff, v19  }
0x1d5: {  	_ =	sdelay $0x2  }
0x1d6: {  	v19 =	vmov s2  }
0x1d7: {  	s7 =	sadd.s32 $0x1, s14;
	[tilespmem:v18+s31+$0x0] =	vst.idx.msk $0xffff, v17;
	v30 =	vld [tilespmem:s13+$0xFFFFFFB0];
	v6 =	vadd.s32 v3, v6;
	s23 =	sadd.s32 $0x100, s12;
	v21 =	vmov s14;
	v31 =	vand.u32 $0x7F, v19  }
0x1d8: {  	s13 =	sadd.s32 $0x2, s14;
	v32 =	vmov s7;
	[tilespmem:v16+s31+$0x0] =	vst.idx.msk $0xffff, v15;
	v33 =	vld [tilespmem:s23+$0x40];
	v21 =	vand.u32 $0x7C, v21;
	v34 =	vadd.s32 v0, v31  }
0x1d9: {  	v20 =	vmov s13;
	v22 =	vld [tilespmem:s23+$0xFFFFFF80];
	v19 =	vand.u32 $0x7D, v32;
	[tilespmem:v14+s31+$0x0] =	vst.idx.msk $0xffff, v11;
	v39 =	vadd.s32 v0, v21  }
0x1da: {  	v35 =	vld [tilespmem:s23+$0xFFFFFFC0];
	v20 =	vand.u32 $0x7E, v20;
	v36 =	vadd.s32 v0, v19;
	[tilespmem:v12+s31+$0x0] =	vst.idx.msk $0xffff, v9  }
0x1db: {  	v37 =	vld [tilespmem:s23+$0x0];
	v38 =	vadd.s32 v0, v20;
	[tilespmem:v13+s31+$0x0] =	vst.idx.msk $0xffff, v10  }
0x1dc: {  	v41 =	vadd.s32 v2, v7;
	v40 =	vld [tilespmem:s12+$0xFFFFFFE0];
	[tilespmem:v6+s31+$0x0] =	vst.idx.msk $0xffff, v30  }
0x1dd: {  	v49 =	vadd.s32 v2, v5;
	v48 =	vld [tilespmem:s12+$0x20];
	[tilespmem:v34+s31+$0x0] =	vst.idx.msk $0xffff, v33  }
0x1de: {  	v43 =	vadd.s32 v1, v31;
	[tilespmem:v39+s31+$0x0] =	vst.idx.msk $0xffff, v22;
	v15 =	vld [tilespmem:s23+$0x50]  }
0x1df: {  	v47 =	vadd.s32 v1, v21;
	[tilespmem:v36+s31+$0x0] =	vst.idx.msk $0xffff, v35;
	v46 =	vld [tilespmem:s23+$0xFFFFFF90]  }
0x1e0: {  	v44 =	vadd.s32 v1, v19;
	[tilespmem:v38+s31+$0x0] =	vst.idx.msk $0xffff, v37;
	v11 =	vld [tilespmem:s23+$0xFFFFFFD0]  }
0x1e1: {  	v45 =	vadd.s32 v1, v20;
	[tilespmem:v41+s31+$0x0] =	vst.idx.msk $0xffff, v40;
	v9 =	vld [tilespmem:s23+$0x10]  }
0x1e2: {  	v8 =	vadd.s32 v3, v8;
	v42 =	vld [tilespmem:s12+$0x70];
	[tilespmem:v49+s31+$0x0] =	vst.idx.msk $0xffff, v48  }
0x1e3: {  	v5 =	vadd.s32 v3, v5;
	v13 =	vld [tilespmem:s12+$0x30];
	[tilespmem:v43+s31+$0x0] =	vst.idx.msk $0xffff, v15  }
0x1e4: {  	v52 =	vadd.s32 v2, v31;
	[tilespmem:v47+s31+$0x0] =	vst.idx.msk $0xffff, v46;
	v15 =	vld [tilespmem:s23+$0x60]  }
0x1e5: {  	v57 =	vadd.s32 v2, v21;
	[tilespmem:v44+s31+$0x0] =	vst.idx.msk $0xffff, v11;
	v56 =	vld [tilespmem:s23+$0xFFFFFFA0]  }
0x1e6: {  	v53 =	vadd.s32 v2, v19;
	[tilespmem:v45+s31+$0x0] =	vst.idx.msk $0xffff, v9;
	v11 =	vld [tilespmem:s23+$0xFFFFFFE0]  }
0x1e7: {  	v55 =	vadd.s32 v2, v20;
	[tilespmem:v8+s31+$0x0] =	vst.idx.msk $0xffff, v42;
	v54 =	vld [tilespmem:s23+$0x20]  }
0x1e8: {  	v4 =	vadd.s32 v3, v4;
	v58 =	vld [tilespmem:s12+$0xFFFFFFB0];
	[tilespmem:v5+s31+$0x0] =	vst.idx.msk $0xffff, v13  }
0x1e9: {  	v51 =	vadd.s32 v3, v7;
	v50 =	vld [tilespmem:s12+$0xFFFFFFF0];
	[tilespmem:v52+s31+$0x0] =	vst.idx.msk $0xffff, v15  }
0x1ea: {  	v60 =	vadd.s32 v3, v31;
	[tilespmem:v57+s31+$0x0] =	vst.idx.msk $0xffff, v56;
	v59 =	vld [tilespmem:s23+$0x70]  }
0x1eb: {  	v63 =	vadd.s32 v3, v21;
	[tilespmem:v53+s31+$0x0] =	vst.idx.msk $0xffff, v11;
	v5 =	vld [tilespmem:s23+$0xFFFFFFB0]  }
0x1ec: {  	v61 =	vadd.s32 v3, v19;
	[tilespmem:v55+s31+$0x0] =	vst.idx.msk $0xffff, v54;
	v11 =	vld [tilespmem:s23+$0xFFFFFFF0]  }
0x1ed: {  	v62 =	vadd.s32 v3, v20;
	[tilespmem:v4+s31+$0x0] =	vst.idx.msk $0xffff, v58;
	v6 =	vld [tilespmem:s23+$0x30]  }
0x1ee: {  	[tilespmem:v51+s31+$0x0] =	vst.idx.msk $0xffff, v50  }
0x1ef: {  	[tilespmem:v60+s31+$0x0] =	vst.idx.msk $0xffff, v59  }
0x1f0: {  	[tilespmem:v63+s31+$0x0] =	vst.idx.msk $0xffff, v5  }
0x1f1: {  	[tilespmem:v61+s31+$0x0] =	vst.idx.msk $0xffff, v11  }
0x1f2: {  	[tilespmem:v62+s31+$0x0] =	vst.idx.msk $0xffff, v6  }
0x1f3: {  	s14 =	simm.s32 $0x14A00;
	s15 =	rddreg [dreg:$0x7]  }
0x1f4: {  	[hbm4b:s15+s3] =	stream.linear.scatter [tilespmem:s14], [sflag:$0x8], $0x80, $0x38;
	[tilespmem:$0x16C00] =	vst v63  }
0x1f5: {  	s16 =	simm.s32 $0x14A88;
	s17 =	sadd.s32 $0x10, s15  }
0x1f6: {  	[hbm4b:s17+s3] =	stream.linear.scatter [tilespmem:s16], [sflag:$0x8], $0x80, $0x38;
	[tilespmem:$0x16C00] =	vst v63  }
0x1f7: {  	s22 =	simm.s32 $0x14B10;
	s2 =	simm.s32 $0x440;
	s23 =	sadd.s32 $0x20, s15  }
0x1f8: {  	[hbm4b:s23+s3] =	stream.linear.scatter [tilespmem:s22], [sflag:$0x8], $0x80, $0x38;
	[tilespmem:$0x16C00] =	vst v63  }
0x1f9: {  	s7 =	simm.s32 $0x14B98;
	s13 =	simm.s32 $0x14C20;
	s12 =	sadd.s32 $0x30, s15  }
0x1fa: {  	[hbm4b:s12+s3] =	stream.linear.scatter [tilespmem:s7], [sflag:$0x8], $0x80, $0x38;
	[tilespmem:$0x16C00] =	vst v63  }
0x1fb: {  	s14 =	sadd.s32 $0x40, s15;
	s16 =	simm.s32 $0x14CA8;
	s17 =	sadd.s32 $0x50, s15  }
0x1fc: {  	[hbm4b:s14+s3] =	stream.linear.scatter [tilespmem:s13], [sflag:$0x8], $0x80, $0x38;
	[tilespmem:$0x16C00] =	vst v63  }
0x1fd: {  	s22 =	simm.s32 $0x14D30;
	s23 =	sadd.s32 $0x60, s15;
	s12 =	simm.s32 $0x2200  }
0x1fe: {  	[hbm4b:s17+s3] =	stream.linear.scatter [tilespmem:s16], [sflag:$0x8], $0x80, $0x38;
	[tilespmem:$0x16C00] =	vst v63  }
0x1ff: {  	s7 =	sadd.s32 $0x1000, s15;
	s13 =	simm.s32 $0x14DB8;
	s14 =	sadd.s32 $0x70, s15  }
0x200: {  	[hbm4b:s23+s3] =	stream.linear.scatter [tilespmem:s22], [sflag:$0x8], $0x80, $0x38;
	[tilespmem:$0x16C00] =	vst v63  }
.LBB2_16:
0x201: {  	[hbm4b:s14+s3] =	stream.linear.scatter [tilespmem:s13], [sflag:$0x8], $0x80, $0x38;
	[tilespmem:$0x16C00] =	vst v63  }
0x202: {  	s13 =	smov.u32 s2;
	s2 =	smov.u32 s12  }
0x203: {  	s15 =	sadd.s32 $0x1100, s12;
	s2 =	sshra.s32 s2, $0x2;
	s14 =	sadd.s32 $0x14A00, s13  }
0x204: {  	[hbm4b:s7+s3] =	stream.linear.scatter [tilespmem:s14], [sflag:$0x8], $0x80, $0x38;
	[tilespmem:$0x16C00] =	vst v63  }
0x205: {  	p0 =	sne.s32 s12, $0x7700;
	s12 =	sadd.s32 $0x14A88, s13;
	s14 =	sadd.s32 $0x10, s7  }
0x206: {  	[hbm4b:s14+s3] =	stream.linear.scatter [tilespmem:s12], [sflag:$0x8], $0x80, $0x38;
	[tilespmem:$0x16C00] =	vst v63  }
0x207: {  	s12 =	sadd.s32 $0x14B10, s13;
	s14 =	sadd.s32 $0x20, s7  }
0x208: {  	[hbm4b:s14+s3] =	stream.linear.scatter [tilespmem:s12], [sflag:$0x8], $0x80, $0x38;
	[tilespmem:$0x16C00] =	vst v63  }
0x209: {  	s12 =	sadd.s32 $0x14B98, s13;
	s14 =	sadd.s32 $0x30, s7  }
0x20a: {  	[hbm4b:s14+s3] =	stream.linear.scatter [tilespmem:s12], [sflag:$0x8], $0x80, $0x38;
	[tilespmem:$0x16C00] =	vst v63  }
0x20b: {  	s12 =	sadd.s32 $0x14C20, s13;
	s14 =	sadd.s32 $0x40, s7  }
0x20c: {  	[hbm4b:s14+s3] =	stream.linear.scatter [tilespmem:s12], [sflag:$0x8], $0x80, $0x38;
	[tilespmem:$0x16C00] =	vst v63  }
.Ltmp7:
0x20d: {  	s12 =	sadd.s32 $0x14CA8, s13;
	s14 =	sadd.s32 $0x50, s7;
	(pc) =	sbr.rel @p0 .LBB2_16-.Ltmp7, $4  }
0x20e: {  	[hbm4b:s14+s3] =	stream.linear.scatter [tilespmem:s12], [sflag:$0x8], $0x80, $0x38;
	[tilespmem:$0x16C00] =	vst v63  }
0x20f: {  	s12 =	sadd.s32 $0x14D30, s13;
	s14 =	sadd.s32 $0x60, s7;
	s13 =	sadd.s32 $0x14DB8, s13  }
0x210: {  	[hbm4b:s14+s3] =	stream.linear.scatter [tilespmem:s12], [sflag:$0x8], $0x80, $0x38;
	[tilespmem:$0x16C00] =	vst v63  }
0x211: {  	s14 =	sadd.s32 $0x70, s7;
	s7 =	sadd.s32 $0x1000, s7;
	s12 =	smov.u32 s15  }
0x212: {  	[hbm4b:s14+s3] =	stream.linear.scatter [tilespmem:s13], [sflag:$0x8], $0x80, $0x38;
	[tilespmem:$0x16C00] =	vst v63  }
0x213: {  	s12 =	sadd.s32 $0x14A00, s2  }
0x214: {  	[hbm4b:s7+s3] =	stream.linear.scatter [tilespmem:s12], [sflag:$0x8], $0x80, $0x38;
	[tilespmem:$0x16C00] =	vst v63  }
0x215: {  	s22 =	sadd.s32 $0x14A88, s2;
	s23 =	sadd.s32 $0x10, s7  }
0x216: {  	[hbm4b:s23+s3] =	stream.linear.scatter [tilespmem:s22], [sflag:$0x8], $0x80, $0x38;
	[tilespmem:$0x16C00] =	vst v63  }
0x217: {  	s14 =	sadd.s32 $0x14B10, s2;
	s15 =	sadd.s32 $0x20, s7  }
0x218: {  	[hbm4b:s15+s3] =	stream.linear.scatter [tilespmem:s14], [sflag:$0x8], $0x80, $0x38;
	[tilespmem:$0x16C00] =	vst v63  }
0x219: {  	s16 =	sadd.s32 $0x14B98, s2;
	s17 =	sadd.s32 $0x30, s7  }
0x21a: {  	[hbm4b:s17+s3] =	stream.linear.scatter [tilespmem:s16], [sflag:$0x8], $0x80, $0x38;
	[tilespmem:$0x16C00] =	vst v63  }
0x21b: {  	s22 =	sadd.s32 $0x14C20, s2;
	s23 =	sadd.s32 $0x40, s7  }
0x21c: {  	[hbm4b:s23+s3] =	stream.linear.scatter [tilespmem:s22], [sflag:$0x8], $0x80, $0x38;
	[tilespmem:$0x16C00] =	vst v63  }
0x21d: {  	s13 =	sadd.s32 $0x14CA8, s2;
	s14 =	sadd.s32 $0x50, s7  }
0x21e: {  	[hbm4b:s14+s3] =	stream.linear.scatter [tilespmem:s13], [sflag:$0x8], $0x80, $0x38;
	[tilespmem:$0x16C00] =	vst v63  }
0x21f: {  	s15 =	sadd.s32 $0x14D30, s2;
	s16 =	sadd.s32 $0x60, s7  }
0x220: {  	[hbm4b:s16+s3] =	stream.linear.scatter [tilespmem:s15], [sflag:$0x8], $0x80, $0x38;
	[tilespmem:$0x16C00] =	vst v63  }
0x221: {  	s17 =	sadd.s32 $0x14DB8, s2;
	s22 =	sadd.s32 $0x70, s7  }
0x222: {  	[hbm4b:s22+s3] =	stream.linear.scatter [tilespmem:s17], [sflag:$0x8], $0x80, $0x38;
	[tilespmem:$0x16C00] =	vst v63  }
0x223: {  	s12 =	simm.s32 $0x0;
	s23 =	simm.s32 $0x380;
	s13 =	simm.s32 $0x0  }
0x224: {  	[tilespmem:s28], [sflag:$0x4] =	stream.indirect.gather [hbm4b:s4+s19], $0x40, s23, s19, $0xb8;
	[tilespmem:$0x16C00] =	vst v63  }
.LBB2_18:
0x225: {  	_ =	swait.ge [sflag:s29], $0x2000  }
0x226: {  	[sflag:s29] =	ssyncset.done $0x0  }
0x227: {  	[sflag:s29] =	ssyncadd.s32 $0xFFFFE000  }
0x228: {  	s2 =	simm.s32 $0x3;
	_ =	swait.ge [sflag:s6], $0x2000  }
0x229: {  	v4 =	vmov s2;
	[sflag:s6] =	ssyncset.done $0x0  }
0x22a: {  	s15 =	simm.s32 $0x6480;
	s14 =	simm.s32 $0x1;
	v5 =	vand.u32 $0x7F, v4;
	v4 =	vmov s12;
	[sflag:s6] =	ssyncadd.s32 $0xFFFFE000  }
0x22b: {  	v8 =	vadd.s32 v0, v5;
	v6 =	vand.u32 $0x7C, v4;
	v4 =	vmov s14;
	v7 =	vld [tilespmem:s15+$0x40]  }
0x22c: {  	v10 =	vadd.s32 v0, v6;
	v11 =	vand.u32 $0x7D, v4;
	v9 =	vld [tilespmem:s15+$0xFFFFFF80]  }
0x22d: {  	s16 =	simm.s32 $0x2;
	v12 =	vadd.s32 v0, v11;
	v4 =	vld [tilespmem:s15+$0xFFFFFFC0]  }
0x22e: {  	v13 =	vmov s16  }
0x22f: {  	v13 =	vand.u32 $0x7E, v13  }
0x230: {  	v15 =	vadd.s32 v0, v13;
	v14 =	vld [tilespmem:s15+$0x0];
	[tilespmem:v8+s30+$0x0] =	vst.idx.msk $0xffff, v7  }
0x231: {  	v8 =	vadd.s32 v1, v5;
	[tilespmem:v10+s30+$0x0] =	vst.idx.msk $0xffff, v9;
	v7 =	vld [tilespmem:s15+$0x50]  }
0x232: {  	v10 =	vadd.s32 v1, v6;
	[tilespmem:v12+s30+$0x0] =	vst.idx.msk $0xffff, v4;
	v9 =	vld [tilespmem:s15+$0xFFFFFF90]  }
0x233: {  	v12 =	vadd.s32 v1, v11;
	v4 =	vld [tilespmem:s15+$0xFFFFFFD0];
	_ =	sdelay $0x1  }
0x234: {  	[tilespmem:v15+s30+$0x0] =	vst.idx.msk $0xffff, v14  }
0x235: {  	v16 =	vadd.s32 v1, v13;
	v15 =	vld [tilespmem:s15+$0x10];
	[tilespmem:v8+s30+$0x0] =	vst.idx.msk $0xffff, v7  }
0x236: {  	s17 =	simm.s32 $0x7;
	v14 =	vadd.s32 v2, v5;
	[tilespmem:v10+s30+$0x0] =	vst.idx.msk $0xffff, v9;
	v7 =	vld [tilespmem:s15+$0x60]  }
0x237: {  	v10 =	vadd.s32 v2, v6;
	v8 =	vmov s17;
	[tilespmem:v12+s30+$0x0] =	vst.idx.msk $0xffff, v4;
	v9 =	vld [tilespmem:s15+$0xFFFFFFA0]  }
0x238: {  	s14 =	simm.s32 $0x6580;
	v17 =	vadd.s32 v2, v11;
	v8 =	vand.u32 $0x7F, v8;
	v12 =	vld [tilespmem:s15+$0xFFFFFFE0]  }
0x239: {  	s7 =	simm.s32 $0x4;
	v18 =	vld [tilespmem:s14+$0x40];
	v19 =	vadd.s32 v0, v8  }
0x23a: {  	s22 =	simm.s32 $0x5;
	v4 =	vmov s7;
	[tilespmem:v16+s30+$0x0] =	vst.idx.msk $0xffff, v15  }
0x23b: {  	v22 =	vmov s22;
	v4 =	vand.u32 $0x7C, v4;
	[tilespmem:v14+s30+$0x0] =	vst.idx.msk $0xffff, v7  }
0x23c: {  	s23 =	simm.s32 $0x6;
	v20 =	vld [tilespmem:s14+$0xFFFFFF80];
	v21 =	vadd.s32 v0, v4;
	v7 =	vand.u32 $0x7D, v22;
	[tilespmem:v10+s30+$0x0] =	vst.idx.msk $0xffff, v9  }
0x23d: {  	v14 =	vmov s23;
	v9 =	vld [tilespmem:s14+$0xFFFFFFC0];
	[tilespmem:v17+s30+$0x0] =	vst.idx.msk $0xffff, v12;
	v10 =	vadd.s32 v0, v7  }
0x23e: {  	v16 =	vadd.s32 v3, v5;
	v12 =	vld [tilespmem:s15+$0x20];
	v5 =	vand.u32 $0x7E, v14;
	[tilespmem:v19+s30+$0x0] =	vst.idx.msk $0xffff, v18;
	v18 =	vadd.s32 v2, v13  }
0x23f: {  	v14 =	vld [tilespmem:s14+$0x0];
	v63 =	vadd.s32 v0, v5  }
0x240: {  	v15 =	vld [tilespmem:s15+$0x70]  }
0x241: {  	[tilespmem:v21+s30+$0x0] =	vst.idx.msk $0xffff, v20;
	v20 =	vadd.s32 v1, v8;
	v19 =	vld [tilespmem:s14+$0x50]  }
0x242: {  	v23 =	vadd.s32 v1, v4;
	v21 =	vld [tilespmem:s14+$0xFFFFFF90];
	[tilespmem:v10+s30+$0x0] =	vst.idx.msk $0xffff, v9  }
0x243: {  	v25 =	vadd.s32 v3, v11;
	v24 =	vld [tilespmem:s15+$0xFFFFFFF0];
	[tilespmem:v18+s30+$0x0] =	vst.idx.msk $0xffff, v12  }
0x244: {  	v18 =	vadd.s32 v1, v7;
	v17 =	vld [tilespmem:s14+$0xFFFFFFD0];
	[tilespmem:v63+s30+$0x0] =	vst.idx.msk $0xffff, v14  }
0x245: {  	[tilespmem:v16+s30+$0x0] =	vst.idx.msk $0xffff, v15;
	v16 =	vadd.s32 v1, v5;
	v15 =	vld [tilespmem:s14+$0x10]  }
0x246: {  	[tilespmem:v20+s30+$0x0] =	vst.idx.msk $0xffff, v19;
	v11 =	vld [tilespmem:s15+$0x30];
	v14 =	vadd.s32 v3, v13  }
0x247: {  	v12 =	vadd.s32 v2, v8;
	[tilespmem:v23+s30+$0x0] =	vst.idx.msk $0xffff, v21;
	v9 =	vld [tilespmem:s14+$0x60]  }
0x248: {  	s16 =	simm.s32 $0x8;
	s2 =	simm.s32 $0xB;
	s7 =	simm.s32 $0xC;
	[tilespmem:v25+s30+$0x0] =	vst.idx.msk $0xffff, v24;
	v13 =	vadd.s32 v2, v4;
	v10 =	vld [tilespmem:s14+$0xFFFFFFA0]  }
.LBB2_19:
0x249: {  	p0 =	slt.u32 s7, $0x7C;
	v19 =	vmov s2;
	[tilespmem:v18+s30+$0x0] =	vst.idx.msk $0xffff, v17;
	v17 =	vld [tilespmem:s15+$0xFFFFFFB0];
	v18 =	vadd.s32 v3, v6;
	v6 =	vmov v4;
	s15 =	smov.u32 s14  }
0x24a: {  	v4 =	vmov s16;
	v21 =	vadd.s32 v2, v7;
	s14 =	sadd.s32 $0x100, s14;
	v19 =	vand.u32 $0x7F, v19;
	v20 =	vld [tilespmem:s15+$0xFFFFFFE0];
	[tilespmem:v16+s30+$0x0] =	vst.idx.msk $0xffff, v15  }
0x24b: {  	s2 =	sadd.s32 $0x1, s16;
	v4 =	vand.u32 $0x7C, v4;
	v15 =	vld [tilespmem:s14+$0x40];
	v16 =	vadd.s32 v0, v19;
	[tilespmem:v14+s30+$0x0] =	vst.idx.msk $0xffff, v11  }
0x24c: {  	v22 =	vmov s2;
	s2 =	sadd.s32 $0x2, s16;
	s16 =	smov.u32 s7;
	v14 =	vadd.s32 v0, v4;
	v11 =	vld [tilespmem:s14+$0xFFFFFF80];
	[tilespmem:v12+s30+$0x0] =	vst.idx.msk $0xffff, v9  }
0x24d: {  	v9 =	vand.u32 $0x7D, v22;
	v12 =	vmov s2;
	[tilespmem:v13+s30+$0x0] =	vst.idx.msk $0xffff, v10;
	v10 =	vld [tilespmem:s15+$0x70];
	v13 =	vadd.s32 v3, v8;
	v8 =	vmovc v19  }
0x24e: {  	v22 =	vadd.s32 v0, v9;
	v12 =	vand.u32 $0x7E, v12;
	v19 =	vld [tilespmem:s14+$0xFFFFFFC0];
	[tilespmem:v18+s30+$0x0] =	vst.idx.msk $0xffff, v17  }
0x24f: {  	v24 =	vadd.s32 v0, v12;
	v23 =	vld [tilespmem:s14+$0x0];
	[tilespmem:v21+s30+$0x0] =	vst.idx.msk $0xffff, v20  }
0x250: {  	v21 =	vadd.s32 v2, v5;
	[tilespmem:v16+s30+$0x0] =	vst.idx.msk $0xffff, v15;
	v20 =	vld [tilespmem:s15+$0x20]  }
0x251: {  	[tilespmem:v14+s30+$0x0] =	vst.idx.msk $0xffff, v11;
	v11 =	vld [tilespmem:s14+$0x50];
	v14 =	vadd.s32 v1, v8  }
0x252: {  	v26 =	vadd.s32 v1, v4;
	v25 =	vld [tilespmem:s14+$0xFFFFFF90];
	[tilespmem:v13+s30+$0x0] =	vst.idx.msk $0xffff, v10  }
0x253: {  	[tilespmem:v22+s30+$0x0] =	vst.idx.msk $0xffff, v19;
	v19 =	vld [tilespmem:s15+$0xFFFFFFF0];
	v22 =	vadd.s32 v3, v7;
	v7 =	vmov v9  }
.Ltmp8:
0x254: {  	v17 =	vld [tilespmem:s14+$0xFFFFFFD0];
	v18 =	vadd.s32 v1, v7;
	[tilespmem:v24+s30+$0x0] =	vst.idx.msk $0xffff, v23;
	(pc) =	sbr.rel @p0 .LBB2_19-.Ltmp8, $4  }
0x255: {  	v16 =	vadd.s32 v1, v12;
	v15 =	vld [tilespmem:s14+$0x10];
	[tilespmem:v21+s30+$0x0] =	vst.idx.msk $0xffff, v20  }
0x256: {  	[tilespmem:v14+s30+$0x0] =	vst.idx.msk $0xffff, v11;
	v11 =	vld [tilespmem:s15+$0x30];
	v14 =	vadd.s32 v3, v5;
	v5 =	vmov v12  }
0x257: {  	v12 =	vadd.s32 v2, v8;
	[tilespmem:v26+s30+$0x0] =	vst.idx.msk $0xffff, v25;
	v9 =	vld [tilespmem:s14+$0x60]  }
0x258: {  	s7 =	sadd.s32 $0x4, s7;
	s2 =	sadd.s32 $0x3, s16;
	v13 =	vadd.s32 v2, v4;
	v10 =	vld [tilespmem:s14+$0xFFFFFFA0];
	[tilespmem:v22+s30+$0x0] =	vst.idx.msk $0xffff, v19  }
0x259: {  	_ =	sdelay $0x2  }
0x25a: {  	v19 =	vmov s2  }
0x25b: {  	s7 =	sadd.s32 $0x1, s16;
	[tilespmem:v18+s30+$0x0] =	vst.idx.msk $0xffff, v17;
	v30 =	vld [tilespmem:s15+$0xFFFFFFB0];
	v6 =	vadd.s32 v3, v6;
	s17 =	sadd.s32 $0x100, s14;
	v21 =	vmov s16;
	v31 =	vand.u32 $0x7F, v19  }
0x25c: {  	s22 =	sadd.s32 $0x2, s16;
	v32 =	vmov s7;
	[tilespmem:v16+s30+$0x0] =	vst.idx.msk $0xffff, v15;
	v33 =	vld [tilespmem:s17+$0x40];
	v21 =	vand.u32 $0x7C, v21;
	v34 =	vadd.s32 v0, v31  }
0x25d: {  	v20 =	vmov s22;
	v22 =	vld [tilespmem:s17+$0xFFFFFF80];
	v19 =	vand.u32 $0x7D, v32;
	[tilespmem:v14+s30+$0x0] =	vst.idx.msk $0xffff, v11;
	v39 =	vadd.s32 v0, v21  }
0x25e: {  	v35 =	vld [tilespmem:s17+$0xFFFFFFC0];
	v20 =	vand.u32 $0x7E, v20;
	v36 =	vadd.s32 v0, v19;
	[tilespmem:v12+s30+$0x0] =	vst.idx.msk $0xffff, v9  }
0x25f: {  	v37 =	vld [tilespmem:s17+$0x0];
	v38 =	vadd.s32 v0, v20;
	[tilespmem:v13+s30+$0x0] =	vst.idx.msk $0xffff, v10  }
0x260: {  	v41 =	vadd.s32 v2, v7;
	v40 =	vld [tilespmem:s14+$0xFFFFFFE0];
	[tilespmem:v6+s30+$0x0] =	vst.idx.msk $0xffff, v30  }
0x261: {  	v49 =	vadd.s32 v2, v5;
	v48 =	vld [tilespmem:s14+$0x20];
	[tilespmem:v34+s30+$0x0] =	vst.idx.msk $0xffff, v33  }
0x262: {  	v43 =	vadd.s32 v1, v31;
	[tilespmem:v39+s30+$0x0] =	vst.idx.msk $0xffff, v22;
	v15 =	vld [tilespmem:s17+$0x50]  }
0x263: {  	v47 =	vadd.s32 v1, v21;
	[tilespmem:v36+s30+$0x0] =	vst.idx.msk $0xffff, v35;
	v46 =	vld [tilespmem:s17+$0xFFFFFF90]  }
0x264: {  	v44 =	vadd.s32 v1, v19;
	[tilespmem:v38+s30+$0x0] =	vst.idx.msk $0xffff, v37;
	v11 =	vld [tilespmem:s17+$0xFFFFFFD0]  }
0x265: {  	v45 =	vadd.s32 v1, v20;
	[tilespmem:v41+s30+$0x0] =	vst.idx.msk $0xffff, v40;
	v9 =	vld [tilespmem:s17+$0x10]  }
0x266: {  	v8 =	vadd.s32 v3, v8;
	v42 =	vld [tilespmem:s14+$0x70];
	[tilespmem:v49+s30+$0x0] =	vst.idx.msk $0xffff, v48  }
0x267: {  	v5 =	vadd.s32 v3, v5;
	v13 =	vld [tilespmem:s14+$0x30];
	[tilespmem:v43+s30+$0x0] =	vst.idx.msk $0xffff, v15  }
0x268: {  	v52 =	vadd.s32 v2, v31;
	[tilespmem:v47+s30+$0x0] =	vst.idx.msk $0xffff, v46;
	v15 =	vld [tilespmem:s17+$0x60]  }
0x269: {  	v57 =	vadd.s32 v2, v21;
	[tilespmem:v44+s30+$0x0] =	vst.idx.msk $0xffff, v11;
	v56 =	vld [tilespmem:s17+$0xFFFFFFA0]  }
0x26a: {  	v53 =	vadd.s32 v2, v19;
	[tilespmem:v45+s30+$0x0] =	vst.idx.msk $0xffff, v9;
	v11 =	vld [tilespmem:s17+$0xFFFFFFE0]  }
0x26b: {  	v55 =	vadd.s32 v2, v20;
	[tilespmem:v8+s30+$0x0] =	vst.idx.msk $0xffff, v42;
	v54 =	vld [tilespmem:s17+$0x20]  }
0x26c: {  	v4 =	vadd.s32 v3, v4;
	v58 =	vld [tilespmem:s14+$0xFFFFFFB0];
	[tilespmem:v5+s30+$0x0] =	vst.idx.msk $0xffff, v13  }
0x26d: {  	v51 =	vadd.s32 v3, v7;
	v50 =	vld [tilespmem:s14+$0xFFFFFFF0];
	[tilespmem:v52+s30+$0x0] =	vst.idx.msk $0xffff, v15  }
0x26e: {  	v60 =	vadd.s32 v3, v31;
	[tilespmem:v57+s30+$0x0] =	vst.idx.msk $0xffff, v56;
	v59 =	vld [tilespmem:s17+$0x70]  }
0x26f: {  	v63 =	vadd.s32 v3, v21;
	[tilespmem:v53+s30+$0x0] =	vst.idx.msk $0xffff, v11;
	v5 =	vld [tilespmem:s17+$0xFFFFFFB0]  }
0x270: {  	v61 =	vadd.s32 v3, v19;
	[tilespmem:v55+s30+$0x0] =	vst.idx.msk $0xffff, v54;
	v11 =	vld [tilespmem:s17+$0xFFFFFFF0]  }
0x271: {  	v62 =	vadd.s32 v3, v20;
	[tilespmem:v4+s30+$0x0] =	vst.idx.msk $0xffff, v58;
	v6 =	vld [tilespmem:s17+$0x30]  }
0x272: {  	[tilespmem:v51+s30+$0x0] =	vst.idx.msk $0xffff, v50  }
0x273: {  	s13 =	sadd.s32 $0x1, s13;
	[tilespmem:v60+s30+$0x0] =	vst.idx.msk $0xffff, v59  }
0x274: {  	s23 =	sshll.u32 s13, $0x11;
	[tilespmem:v63+s30+$0x0] =	vst.idx.msk $0xffff, v5  }
0x275: {  	s7 =	rddreg [dreg:$0x1];
	s14 =	sor.u32 s5, s23;
	[tilespmem:v61+s30+$0x0] =	vst.idx.msk $0xffff, v11  }
0x276: {  	s15 =	simm.s32 $0xE400;
	s7 =	sadd.s32 s7, s14;
	[tilespmem:v62+s30+$0x0] =	vst.idx.msk $0xffff, v6  }
0x277: {  	[hbm4b:s7+s3] =	stream.linear.scatter [tilespmem:s15], [sflag:$0x5], $0x80, $0x38;
	[tilespmem:$0x16C00] =	vst v63  }
0x278: {  	s16 =	simm.s32 $0xE488;
	s17 =	sadd.s32 $0x10, s7  }
0x279: {  	[hbm4b:s17+s3] =	stream.linear.scatter [tilespmem:s16], [sflag:$0x5], $0x80, $0x38;
	[tilespmem:$0x16C00] =	vst v63  }
0x27a: {  	s2 =	simm.s32 $0x440;
	s22 =	simm.s32 $0xE510;
	s23 =	sadd.s32 $0x20, s7  }
0x27b: {  	[hbm4b:s23+s3] =	stream.linear.scatter [tilespmem:s22], [sflag:$0x5], $0x80, $0x38;
	[tilespmem:$0x16C00] =	vst v63  }
0x27c: {  	s15 =	simm.s32 $0x2200;
	s16 =	simm.s32 $0xE598;
	s17 =	sadd.s32 $0x30, s7  }
0x27d: {  	[hbm4b:s17+s3] =	stream.linear.scatter [tilespmem:s16], [sflag:$0x5], $0x80, $0x38;
	[tilespmem:$0x16C00] =	vst v63  }
0x27e: {  	s22 =	simm.s32 $0xE620;
	s23 =	sadd.s32 $0x40, s7;
	s16 =	simm.s32 $0xE6A8  }
0x27f: {  	[hbm4b:s23+s3] =	stream.linear.scatter [tilespmem:s22], [sflag:$0x5], $0x80, $0x38;
	[tilespmem:$0x16C00] =	vst v63  }
0x280: {  	s17 =	sadd.s32 $0x50, s7;
	s22 =	simm.s32 $0xE730;
	s23 =	sadd.s32 $0x60, s7  }
0x281: {  	[hbm4b:s17+s3] =	stream.linear.scatter [tilespmem:s16], [sflag:$0x5], $0x80, $0x38;
	[tilespmem:$0x16C00] =	vst v63  }
0x282: {  	s16 =	simm.s32 $0xE7B8;
	s17 =	sadd.s32 $0x70, s7;
	s7 =	sadd.s32 $0x1000, s7  }
0x283: {  	[hbm4b:s23+s3] =	stream.linear.scatter [tilespmem:s22], [sflag:$0x5], $0x80, $0x38;
	[tilespmem:$0x16C00] =	vst v63  }
.LBB2_21:
0x284: {  	[hbm4b:s17+s3] =	stream.linear.scatter [tilespmem:s16], [sflag:$0x5], $0x80, $0x38;
	[tilespmem:$0x16C00] =	vst v63  }
0x285: {  	s16 =	smov.u32 s2;
	s2 =	smov.u32 s15  }
0x286: {  	s22 =	sadd.s32 $0x1100, s15;
	s2 =	sshra.s32 s2, $0x2;
	s17 =	sadd.s32 $0xE400, s16  }
0x287: {  	[hbm4b:s7+s3] =	stream.linear.scatter [tilespmem:s17], [sflag:$0x5], $0x80, $0x38;
	[tilespmem:$0x16C00] =	vst v63  }
0x288: {  	p0 =	sne.s32 s15, $0x7700;
	s15 =	sadd.s32 $0xE488, s16;
	s17 =	sadd.s32 $0x10, s7  }
0x289: {  	[hbm4b:s17+s3] =	stream.linear.scatter [tilespmem:s15], [sflag:$0x5], $0x80, $0x38;
	[tilespmem:$0x16C00] =	vst v63  }
0x28a: {  	s15 =	sadd.s32 $0xE510, s16;
	s17 =	sadd.s32 $0x20, s7  }
0x28b: {  	[hbm4b:s17+s3] =	stream.linear.scatter [tilespmem:s15], [sflag:$0x5], $0x80, $0x38;
	[tilespmem:$0x16C00] =	vst v63  }
0x28c: {  	s15 =	sadd.s32 $0xE598, s16;
	s17 =	sadd.s32 $0x30, s7  }
0x28d: {  	[hbm4b:s17+s3] =	stream.linear.scatter [tilespmem:s15], [sflag:$0x5], $0x80, $0x38;
	[tilespmem:$0x16C00] =	vst v63  }
0x28e: {  	s15 =	sadd.s32 $0xE620, s16;
	s17 =	sadd.s32 $0x40, s7  }
0x28f: {  	[hbm4b:s17+s3] =	stream.linear.scatter [tilespmem:s15], [sflag:$0x5], $0x80, $0x38;
	[tilespmem:$0x16C00] =	vst v63  }
.Ltmp9:
0x290: {  	s15 =	sadd.s32 $0xE6A8, s16;
	s17 =	sadd.s32 $0x50, s7;
	(pc) =	sbr.rel @p0 .LBB2_21-.Ltmp9, $4  }
0x291: {  	[hbm4b:s17+s3] =	stream.linear.scatter [tilespmem:s15], [sflag:$0x5], $0x80, $0x38;
	[tilespmem:$0x16C00] =	vst v63  }
0x292: {  	s15 =	sadd.s32 $0xE730, s16;
	s17 =	sadd.s32 $0x60, s7;
	s16 =	sadd.s32 $0xE7B8, s16  }
0x293: {  	[hbm4b:s17+s3] =	stream.linear.scatter [tilespmem:s15], [sflag:$0x5], $0x80, $0x38;
	[tilespmem:$0x16C00] =	vst v63  }
0x294: {  	s17 =	sadd.s32 $0x70, s7;
	s7 =	sadd.s32 $0x1000, s7;
	s15 =	smov.u32 s22  }
0x295: {  	[hbm4b:s17+s3] =	stream.linear.scatter [tilespmem:s16], [sflag:$0x5], $0x80, $0x38;
	[tilespmem:$0x16C00] =	vst v63  }
0x296: {  	s15 =	sadd.s32 $0xE400, s2  }
0x297: {  	[hbm4b:s7+s3] =	stream.linear.scatter [tilespmem:s15], [sflag:$0x5], $0x80, $0x38;
	[tilespmem:$0x16C00] =	vst v63  }
0x298: {  	s16 =	sadd.s32 $0xE488, s2;
	s17 =	sadd.s32 $0x10, s7  }
0x299: {  	[hbm4b:s17+s3] =	stream.linear.scatter [tilespmem:s16], [sflag:$0x5], $0x80, $0x38;
	[tilespmem:$0x16C00] =	vst v63  }
0x29a: {  	s22 =	sadd.s32 $0xE510, s2;
	s23 =	sadd.s32 $0x20, s7  }
0x29b: {  	[hbm4b:s23+s3] =	stream.linear.scatter [tilespmem:s22], [sflag:$0x5], $0x80, $0x38;
	[tilespmem:$0x16C00] =	vst v63  }
0x29c: {  	s16 =	sadd.s32 $0xE598, s2;
	s17 =	sadd.s32 $0x30, s7  }
0x29d: {  	[hbm4b:s17+s3] =	stream.linear.scatter [tilespmem:s16], [sflag:$0x5], $0x80, $0x38;
	[tilespmem:$0x16C00] =	vst v63  }
0x29e: {  	s22 =	sadd.s32 $0xE620, s2;
	s23 =	sadd.s32 $0x40, s7  }
0x29f: {  	[hbm4b:s23+s3] =	stream.linear.scatter [tilespmem:s22], [sflag:$0x5], $0x80, $0x38;
	[tilespmem:$0x16C00] =	vst v63  }
0x2a0: {  	s16 =	sadd.s32 $0xE6A8, s2;
	s17 =	sadd.s32 $0x50, s7  }
0x2a1: {  	[hbm4b:s17+s3] =	stream.linear.scatter [tilespmem:s16], [sflag:$0x5], $0x80, $0x38;
	[tilespmem:$0x16C00] =	vst v63  }
0x2a2: {  	s22 =	sadd.s32 $0xE730, s2;
	s23 =	sadd.s32 $0x60, s7  }
0x2a3: {  	[hbm4b:s23+s3] =	stream.linear.scatter [tilespmem:s22], [sflag:$0x5], $0x80, $0x38;
	[tilespmem:$0x16C00] =	vst v63  }
0x2a4: {  	s22 =	sshll.u32 s13, $0x9  }
0x2a5: {  	s16 =	sadd.s32 $0xE7B8, s2;
	s17 =	sadd.s32 $0x70, s7;
	s15 =	sand.u32 $0x3FFFFE00, s22  }
0x2a6: {  	[hbm4b:s17+s3] =	stream.linear.scatter [tilespmem:s16], [sflag:$0x5], $0x80, $0x38;
	[tilespmem:$0x16C00] =	vst v63  }
0x2a7: {  	s23 =	simm.s32 $0x6400;
	s2 =	sadd.s32 $0x200, s15  }
0x2a8: {  	[tilespmem:s23], [sflag:$0x1] =	stream.indirect.gather [hbm4b:s4+s19], $0x40, s2, s19, $0xb8;
	[tilespmem:$0x16C00] =	vst v63  }
0x2a9: {  	_ =	swait.ge [sflag:s1], $0x2000  }
0x2aa: {  	[sflag:s1] =	ssyncset.done $0x0  }
0x2ab: {  	[sflag:s1] =	ssyncadd.s32 $0xFFFFE000  }
0x2ac: {  	s7 =	simm.s32 $0x3;
	_ =	swait.ge [sflag:s18], $0x2000  }
0x2ad: {  	v4 =	vmov s7;
	s16 =	simm.s32 $0x0;
	[sflag:s18] =	ssyncset.done $0x0  }
0x2ae: {  	v5 =	vand.u32 $0x7F, v4;
	s22 =	simm.s32 $0x1;
	s17 =	simm.s32 $0x8480;
	v4 =	vmov s16;
	[sflag:s18] =	ssyncadd.s32 $0xFFFFE000  }
0x2af: {  	v8 =	vadd.s32 v0, v5;
	v6 =	vand.u32 $0x7C, v4;
	v4 =	vmov s22;
	v7 =	vld [tilespmem:s17+$0x40]  }
0x2b0: {  	v10 =	vadd.s32 v0, v6;
	v11 =	vand.u32 $0x7D, v4;
	v9 =	vld [tilespmem:s17+$0xFFFFFF80]  }
0x2b1: {  	s23 =	simm.s32 $0x2;
	v12 =	vadd.s32 v0, v11;
	v4 =	vld [tilespmem:s17+$0xFFFFFFC0]  }
0x2b2: {  	v13 =	vmov s23  }
0x2b3: {  	v13 =	vand.u32 $0x7E, v13  }
0x2b4: {  	v15 =	vadd.s32 v0, v13;
	v14 =	vld [tilespmem:s17+$0x0];
	[tilespmem:v8+s0+$0x0] =	vst.idx.msk $0xffff, v7  }
0x2b5: {  	v8 =	vadd.s32 v1, v5;
	[tilespmem:v10+s0+$0x0] =	vst.idx.msk $0xffff, v9;
	v7 =	vld [tilespmem:s17+$0x50]  }
0x2b6: {  	v10 =	vadd.s32 v1, v6;
	[tilespmem:v12+s0+$0x0] =	vst.idx.msk $0xffff, v4;
	v9 =	vld [tilespmem:s17+$0xFFFFFF90]  }
0x2b7: {  	v12 =	vadd.s32 v1, v11;
	v4 =	vld [tilespmem:s17+$0xFFFFFFD0];
	_ =	sdelay $0x1  }
0x2b8: {  	[tilespmem:v15+s0+$0x0] =	vst.idx.msk $0xffff, v14  }
0x2b9: {  	v16 =	vadd.s32 v1, v13;
	v15 =	vld [tilespmem:s17+$0x10];
	[tilespmem:v8+s0+$0x0] =	vst.idx.msk $0xffff, v7  }
0x2ba: {  	s7 =	simm.s32 $0x7;
	v14 =	vadd.s32 v2, v5;
	[tilespmem:v10+s0+$0x0] =	vst.idx.msk $0xffff, v9;
	v7 =	vld [tilespmem:s17+$0x60]  }
0x2bb: {  	s16 =	simm.s32 $0x4;
	v10 =	vadd.s32 v2, v6;
	v8 =	vmov s7;
	[tilespmem:v12+s0+$0x0] =	vst.idx.msk $0xffff, v4;
	v9 =	vld [tilespmem:s17+$0xFFFFFFA0]  }
0x2bc: {  	v17 =	vadd.s32 v2, v11;
	v4 =	vmov s16;
	s16 =	simm.s32 $0x8580;
	v8 =	vand.u32 $0x7F, v8;
	v12 =	vld [tilespmem:s17+$0xFFFFFFE0]  }
0x2bd: {  	v18 =	vld [tilespmem:s16+$0x40];
	v19 =	vadd.s32 v0, v8  }
0x2be: {  	s22 =	simm.s32 $0x5;
	[tilespmem:v16+s0+$0x0] =	vst.idx.msk $0xffff, v15  }
0x2bf: {  	v22 =	vmov s22;
	v4 =	vand.u32 $0x7C, v4;
	[tilespmem:v14+s0+$0x0] =	vst.idx.msk $0xffff, v7  }
0x2c0: {  	s23 =	simm.s32 $0x6;
	v20 =	vld [tilespmem:s16+$0xFFFFFF80];
	v21 =	vadd.s32 v0, v4;
	v7 =	vand.u32 $0x7D, v22;
	[tilespmem:v10+s0+$0x0] =	vst.idx.msk $0xffff, v9  }
0x2c1: {  	v14 =	vmov s23;
	v9 =	vld [tilespmem:s16+$0xFFFFFFC0];
	[tilespmem:v17+s0+$0x0] =	vst.idx.msk $0xffff, v12;
	v10 =	vadd.s32 v0, v7  }
0x2c2: {  	v16 =	vadd.s32 v3, v5;
	v12 =	vld [tilespmem:s17+$0x20];
	v5 =	vand.u32 $0x7E, v14;
	[tilespmem:v19+s0+$0x0] =	vst.idx.msk $0xffff, v18;
	v18 =	vadd.s32 v2, v13  }
0x2c3: {  	v14 =	vld [tilespmem:s16+$0x0];
	v63 =	vadd.s32 v0, v5  }
0x2c4: {  	v15 =	vld [tilespmem:s17+$0x70]  }
0x2c5: {  	[tilespmem:v21+s0+$0x0] =	vst.idx.msk $0xffff, v20;
	v20 =	vadd.s32 v1, v8;
	v19 =	vld [tilespmem:s16+$0x50]  }
0x2c6: {  	v23 =	vadd.s32 v1, v4;
	v21 =	vld [tilespmem:s16+$0xFFFFFF90];
	[tilespmem:v10+s0+$0x0] =	vst.idx.msk $0xffff, v9  }
0x2c7: {  	v25 =	vadd.s32 v3, v11;
	v24 =	vld [tilespmem:s17+$0xFFFFFFF0];
	[tilespmem:v18+s0+$0x0] =	vst.idx.msk $0xffff, v12  }
0x2c8: {  	v18 =	vadd.s32 v1, v7;
	v17 =	vld [tilespmem:s16+$0xFFFFFFD0];
	[tilespmem:v63+s0+$0x0] =	vst.idx.msk $0xffff, v14  }
0x2c9: {  	[tilespmem:v16+s0+$0x0] =	vst.idx.msk $0xffff, v15;
	v16 =	vadd.s32 v1, v5;
	v15 =	vld [tilespmem:s16+$0x10]  }
0x2ca: {  	[tilespmem:v20+s0+$0x0] =	vst.idx.msk $0xffff, v19;
	v11 =	vld [tilespmem:s17+$0x30];
	v14 =	vadd.s32 v3, v13  }
0x2cb: {  	v12 =	vadd.s32 v2, v8;
	[tilespmem:v23+s0+$0x0] =	vst.idx.msk $0xffff, v21;
	v9 =	vld [tilespmem:s16+$0x60]  }
0x2cc: {  	s2 =	simm.s32 $0xC;
	s22 =	simm.s32 $0xB;
	s7 =	simm.s32 $0x8;
	[tilespmem:v25+s0+$0x0] =	vst.idx.msk $0xffff, v24;
	v13 =	vadd.s32 v2, v4;
	v10 =	vld [tilespmem:s16+$0xFFFFFFA0]  }
.LBB2_23:
0x2cd: {  	p0 =	slt.u32 s2, $0x7C;
	v19 =	vmov s22;
	[tilespmem:v18+s0+$0x0] =	vst.idx.msk $0xffff, v17;
	v17 =	vld [tilespmem:s17+$0xFFFFFFB0];
	v18 =	vadd.s32 v3, v6;
	v6 =	vmov v4;
	s17 =	smov.u32 s16  }
0x2ce: {  	v4 =	vmov s7;
	v21 =	vadd.s32 v2, v7;
	s16 =	sadd.s32 $0x100, s16;
	v19 =	vand.u32 $0x7F, v19;
	v20 =	vld [tilespmem:s17+$0xFFFFFFE0];
	[tilespmem:v16+s0+$0x0] =	vst.idx.msk $0xffff, v15  }
0x2cf: {  	s22 =	sadd.s32 $0x1, s7;
	v4 =	vand.u32 $0x7C, v4;
	v15 =	vld [tilespmem:s16+$0x40];
	v16 =	vadd.s32 v0, v19;
	[tilespmem:v14+s0+$0x0] =	vst.idx.msk $0xffff, v11  }
0x2d0: {  	v22 =	vmov s22;
	s22 =	sadd.s32 $0x2, s7;
	s7 =	smov.u32 s2;
	v14 =	vadd.s32 v0, v4;
	v11 =	vld [tilespmem:s16+$0xFFFFFF80];
	[tilespmem:v12+s0+$0x0] =	vst.idx.msk $0xffff, v9  }
0x2d1: {  	v9 =	vand.u32 $0x7D, v22;
	v12 =	vmov s22;
	[tilespmem:v13+s0+$0x0] =	vst.idx.msk $0xffff, v10;
	v10 =	vld [tilespmem:s17+$0x70];
	v13 =	vadd.s32 v3, v8;
	v8 =	vmovc v19  }
0x2d2: {  	v22 =	vadd.s32 v0, v9;
	v12 =	vand.u32 $0x7E, v12;
	v19 =	vld [tilespmem:s16+$0xFFFFFFC0];
	[tilespmem:v18+s0+$0x0] =	vst.idx.msk $0xffff, v17  }
0x2d3: {  	v24 =	vadd.s32 v0, v12;
	v23 =	vld [tilespmem:s16+$0x0];
	[tilespmem:v21+s0+$0x0] =	vst.idx.msk $0xffff, v20  }
0x2d4: {  	v21 =	vadd.s32 v2, v5;
	[tilespmem:v16+s0+$0x0] =	vst.idx.msk $0xffff, v15;
	v20 =	vld [tilespmem:s17+$0x20]  }
0x2d5: {  	[tilespmem:v14+s0+$0x0] =	vst.idx.msk $0xffff, v11;
	v11 =	vld [tilespmem:s16+$0x50];
	v14 =	vadd.s32 v1, v8  }
0x2d6: {  	v26 =	vadd.s32 v1, v4;
	v25 =	vld [tilespmem:s16+$0xFFFFFF90];
	[tilespmem:v13+s0+$0x0] =	vst.idx.msk $0xffff, v10  }
0x2d7: {  	[tilespmem:v22+s0+$0x0] =	vst.idx.msk $0xffff, v19;
	v19 =	vld [tilespmem:s17+$0xFFFFFFF0];
	v22 =	vadd.s32 v3, v7;
	v7 =	vmov v9  }
.Ltmp10:
0x2d8: {  	v17 =	vld [tilespmem:s16+$0xFFFFFFD0];
	v18 =	vadd.s32 v1, v7;
	[tilespmem:v24+s0+$0x0] =	vst.idx.msk $0xffff, v23;
	(pc) =	sbr.rel @p0 .LBB2_23-.Ltmp10, $4  }
0x2d9: {  	v16 =	vadd.s32 v1, v12;
	v15 =	vld [tilespmem:s16+$0x10];
	[tilespmem:v21+s0+$0x0] =	vst.idx.msk $0xffff, v20  }
0x2da: {  	[tilespmem:v14+s0+$0x0] =	vst.idx.msk $0xffff, v11;
	v11 =	vld [tilespmem:s17+$0x30];
	v14 =	vadd.s32 v3, v5;
	v5 =	vmov v12  }
0x2db: {  	v12 =	vadd.s32 v2, v8;
	[tilespmem:v26+s0+$0x0] =	vst.idx.msk $0xffff, v25;
	v9 =	vld [tilespmem:s16+$0x60]  }
0x2dc: {  	s2 =	sadd.s32 $0x4, s2;
	s22 =	sadd.s32 $0x3, s7;
	v13 =	vadd.s32 v2, v4;
	v10 =	vld [tilespmem:s16+$0xFFFFFFA0];
	[tilespmem:v22+s0+$0x0] =	vst.idx.msk $0xffff, v19  }
0x2dd: {  	_ =	sdelay $0x2  }
0x2de: {  	v19 =	vmov s22  }
0x2df: {  	s23 =	sadd.s32 $0x1, s7;
	[tilespmem:v18+s0+$0x0] =	vst.idx.msk $0xffff, v17;
	v30 =	vld [tilespmem:s17+$0xFFFFFFB0];
	v6 =	vadd.s32 v3, v6;
	s2 =	sadd.s32 $0x100, s16;
	v21 =	vmov s7;
	v31 =	vand.u32 $0x7F, v19  }
0x2e0: {  	s22 =	sadd.s32 $0x2, s7;
	v32 =	vmov s23;
	[tilespmem:v16+s0+$0x0] =	vst.idx.msk $0xffff, v15;
	v33 =	vld [tilespmem:s2+$0x40];
	v21 =	vand.u32 $0x7C, v21;
	v34 =	vadd.s32 v0, v31  }
0x2e1: {  	v20 =	vmov s22;
	v22 =	vld [tilespmem:s2+$0xFFFFFF80];
	v19 =	vand.u32 $0x7D, v32;
	[tilespmem:v14+s0+$0x0] =	vst.idx.msk $0xffff, v11;
	v39 =	vadd.s32 v0, v21  }
0x2e2: {  	v35 =	vld [tilespmem:s2+$0xFFFFFFC0];
	v20 =	vand.u32 $0x7E, v20;
	v36 =	vadd.s32 v0, v19;
	[tilespmem:v12+s0+$0x0] =	vst.idx.msk $0xffff, v9  }
0x2e3: {  	v37 =	vld [tilespmem:s2+$0x0];
	v38 =	vadd.s32 v0, v20;
	[tilespmem:v13+s0+$0x0] =	vst.idx.msk $0xffff, v10  }
0x2e4: {  	v41 =	vadd.s32 v2, v7;
	v40 =	vld [tilespmem:s16+$0xFFFFFFE0];
	[tilespmem:v6+s0+$0x0] =	vst.idx.msk $0xffff, v30  }
0x2e5: {  	v49 =	vadd.s32 v2, v5;
	v48 =	vld [tilespmem:s16+$0x20];
	[tilespmem:v34+s0+$0x0] =	vst.idx.msk $0xffff, v33  }
0x2e6: {  	v43 =	vadd.s32 v1, v31;
	[tilespmem:v39+s0+$0x0] =	vst.idx.msk $0xffff, v22;
	v15 =	vld [tilespmem:s2+$0x50]  }
0x2e7: {  	v47 =	vadd.s32 v1, v21;
	[tilespmem:v36+s0+$0x0] =	vst.idx.msk $0xffff, v35;
	v46 =	vld [tilespmem:s2+$0xFFFFFF90]  }
0x2e8: {  	v44 =	vadd.s32 v1, v19;
	[tilespmem:v38+s0+$0x0] =	vst.idx.msk $0xffff, v37;
	v11 =	vld [tilespmem:s2+$0xFFFFFFD0]  }
0x2e9: {  	v45 =	vadd.s32 v1, v20;
	[tilespmem:v41+s0+$0x0] =	vst.idx.msk $0xffff, v40;
	v9 =	vld [tilespmem:s2+$0x10]  }
0x2ea: {  	v8 =	vadd.s32 v3, v8;
	v42 =	vld [tilespmem:s16+$0x70];
	[tilespmem:v49+s0+$0x0] =	vst.idx.msk $0xffff, v48  }
0x2eb: {  	v5 =	vadd.s32 v3, v5;
	v13 =	vld [tilespmem:s16+$0x30];
	[tilespmem:v43+s0+$0x0] =	vst.idx.msk $0xffff, v15  }
0x2ec: {  	v52 =	vadd.s32 v2, v31;
	[tilespmem:v47+s0+$0x0] =	vst.idx.msk $0xffff, v46;
	v15 =	vld [tilespmem:s2+$0x60]  }
0x2ed: {  	v57 =	vadd.s32 v2, v21;
	[tilespmem:v44+s0+$0x0] =	vst.idx.msk $0xffff, v11;
	v56 =	vld [tilespmem:s2+$0xFFFFFFA0]  }
0x2ee: {  	v53 =	vadd.s32 v2, v19;
	[tilespmem:v45+s0+$0x0] =	vst.idx.msk $0xffff, v9;
	v11 =	vld [tilespmem:s2+$0xFFFFFFE0]  }
0x2ef: {  	v55 =	vadd.s32 v2, v20;
	[tilespmem:v8+s0+$0x0] =	vst.idx.msk $0xffff, v42;
	v54 =	vld [tilespmem:s2+$0x20]  }
0x2f0: {  	v4 =	vadd.s32 v3, v4;
	v58 =	vld [tilespmem:s16+$0xFFFFFFB0];
	[tilespmem:v5+s0+$0x0] =	vst.idx.msk $0xffff, v13  }
0x2f1: {  	v51 =	vadd.s32 v3, v7;
	v50 =	vld [tilespmem:s16+$0xFFFFFFF0];
	[tilespmem:v52+s0+$0x0] =	vst.idx.msk $0xffff, v15  }
0x2f2: {  	v60 =	vadd.s32 v3, v31;
	[tilespmem:v57+s0+$0x0] =	vst.idx.msk $0xffff, v56;
	v59 =	vld [tilespmem:s2+$0x70]  }
0x2f3: {  	v63 =	vadd.s32 v3, v21;
	[tilespmem:v53+s0+$0x0] =	vst.idx.msk $0xffff, v11;
	v5 =	vld [tilespmem:s2+$0xFFFFFFB0]  }
0x2f4: {  	v61 =	vadd.s32 v3, v19;
	[tilespmem:v55+s0+$0x0] =	vst.idx.msk $0xffff, v54;
	v11 =	vld [tilespmem:s2+$0xFFFFFFF0]  }
0x2f5: {  	v62 =	vadd.s32 v3, v20;
	[tilespmem:v4+s0+$0x0] =	vst.idx.msk $0xffff, v58;
	v6 =	vld [tilespmem:s2+$0x30]  }
0x2f6: {  	[tilespmem:v51+s0+$0x0] =	vst.idx.msk $0xffff, v50  }
0x2f7: {  	[tilespmem:v60+s0+$0x0] =	vst.idx.msk $0xffff, v59  }
0x2f8: {  	[tilespmem:v63+s0+$0x0] =	vst.idx.msk $0xffff, v5  }
0x2f9: {  	[tilespmem:v61+s0+$0x0] =	vst.idx.msk $0xffff, v11  }
0x2fa: {  	s7 =	sadd.s32 s14, s8;
	s23 =	simm.s32 $0x10600;
	[tilespmem:v62+s0+$0x0] =	vst.idx.msk $0xffff, v6  }
0x2fb: {  	[hbm4b:s7+s3] =	stream.linear.scatter [tilespmem:s23], [sflag:$0x6], $0x80, $0x38;
	[tilespmem:$0x16C00] =	vst v63  }
0x2fc: {  	s17 =	sadd.s32 $0x10, s7;
	s16 =	simm.s32 $0x10688  }
0x2fd: {  	[hbm4b:s17+s3] =	stream.linear.scatter [tilespmem:s16], [sflag:$0x6], $0x80, $0x38;
	[tilespmem:$0x16C00] =	vst v63  }
0x2fe: {  	s22 =	simm.s32 $0x10710;
	s23 =	sadd.s32 $0x20, s7  }
0x2ff: {  	[hbm4b:s23+s3] =	stream.linear.scatter [tilespmem:s22], [sflag:$0x6], $0x80, $0x38;
	[tilespmem:$0x16C00] =	vst v63  }
0x300: {  	s16 =	simm.s32 $0x10798;
	s17 =	sadd.s32 $0x30, s7  }
0x301: {  	[hbm4b:s17+s3] =	stream.linear.scatter [tilespmem:s16], [sflag:$0x6], $0x80, $0x38;
	[tilespmem:$0x16C00] =	vst v63  }
0x302: {  	s22 =	simm.s32 $0x10820;
	s23 =	sadd.s32 $0x40, s7  }
0x303: {  	[hbm4b:s23+s3] =	stream.linear.scatter [tilespmem:s22], [sflag:$0x6], $0x80, $0x38;
	[tilespmem:$0x16C00] =	vst v63  }
0x304: {  	s2 =	simm.s32 $0x440;
	s16 =	simm.s32 $0x108A8;
	s17 =	sadd.s32 $0x50, s7  }
0x305: {  	[hbm4b:s17+s3] =	stream.linear.scatter [tilespmem:s16], [sflag:$0x6], $0x80, $0x38;
	[tilespmem:$0x16C00] =	vst v63  }
0x306: {  	s22 =	simm.s32 $0x10930;
	s23 =	sadd.s32 $0x60, s7;
	s16 =	simm.s32 $0x2200  }
0x307: {  	[hbm4b:s23+s3] =	stream.linear.scatter [tilespmem:s22], [sflag:$0x6], $0x80, $0x38;
	[tilespmem:$0x16C00] =	vst v63  }
0x308: {  	s17 =	simm.s32 $0x109B8;
	s22 =	sadd.s32 $0x70, s7;
	s7 =	sadd.s32 $0x1000, s7  }
.LBB2_25:
0x309: {  	[hbm4b:s22+s3] =	stream.linear.scatter [tilespmem:s17], [sflag:$0x6], $0x80, $0x38;
	[tilespmem:$0x16C00] =	vst v63  }
0x30a: {  	s17 =	smov.u32 s2;
	s2 =	smov.u32 s16  }
0x30b: {  	s23 =	sadd.s32 $0x1100, s16;
	s2 =	sshra.s32 s2, $0x2;
	s22 =	sadd.s32 $0x10600, s17  }
0x30c: {  	[hbm4b:s7+s3] =	stream.linear.scatter [tilespmem:s22], [sflag:$0x6], $0x80, $0x38;
	[tilespmem:$0x16C00] =	vst v63  }
0x30d: {  	p0 =	sne.s32 s16, $0x7700;
	s16 =	sadd.s32 $0x10688, s17;
	s22 =	sadd.s32 $0x10, s7  }
0x30e: {  	[hbm4b:s22+s3] =	stream.linear.scatter [tilespmem:s16], [sflag:$0x6], $0x80, $0x38;
	[tilespmem:$0x16C00] =	vst v63  }
0x30f: {  	s16 =	sadd.s32 $0x10710, s17;
	s22 =	sadd.s32 $0x20, s7  }
0x310: {  	[hbm4b:s22+s3] =	stream.linear.scatter [tilespmem:s16], [sflag:$0x6], $0x80, $0x38;
	[tilespmem:$0x16C00] =	vst v63  }
0x311: {  	s16 =	sadd.s32 $0x10798, s17;
	s22 =	sadd.s32 $0x30, s7  }
0x312: {  	[hbm4b:s22+s3] =	stream.linear.scatter [tilespmem:s16], [sflag:$0x6], $0x80, $0x38;
	[tilespmem:$0x16C00] =	vst v63  }
0x313: {  	s16 =	sadd.s32 $0x10820, s17;
	s22 =	sadd.s32 $0x40, s7  }
0x314: {  	[hbm4b:s22+s3] =	stream.linear.scatter [tilespmem:s16], [sflag:$0x6], $0x80, $0x38;
	[tilespmem:$0x16C00] =	vst v63  }
.Ltmp11:
0x315: {  	s16 =	sadd.s32 $0x108A8, s17;
	s22 =	sadd.s32 $0x50, s7;
	(pc) =	sbr.rel @p0 .LBB2_25-.Ltmp11, $4  }
0x316: {  	[hbm4b:s22+s3] =	stream.linear.scatter [tilespmem:s16], [sflag:$0x6], $0x80, $0x38;
	[tilespmem:$0x16C00] =	vst v63  }
0x317: {  	s16 =	sadd.s32 $0x10930, s17;
	s22 =	sadd.s32 $0x60, s7;
	s17 =	sadd.s32 $0x109B8, s17  }
0x318: {  	[hbm4b:s22+s3] =	stream.linear.scatter [tilespmem:s16], [sflag:$0x6], $0x80, $0x38;
	[tilespmem:$0x16C00] =	vst v63  }
0x319: {  	s22 =	sadd.s32 $0x70, s7;
	s7 =	sadd.s32 $0x1000, s7;
	s16 =	smov.u32 s23  }
0x31a: {  	[hbm4b:s22+s3] =	stream.linear.scatter [tilespmem:s17], [sflag:$0x6], $0x80, $0x38;
	[tilespmem:$0x16C00] =	vst v63  }
0x31b: {  	s16 =	sadd.s32 $0x10600, s2  }
0x31c: {  	[hbm4b:s7+s3] =	stream.linear.scatter [tilespmem:s16], [sflag:$0x6], $0x80, $0x38;
	[tilespmem:$0x16C00] =	vst v63  }
0x31d: {  	s22 =	sadd.s32 $0x10688, s2;
	s23 =	sadd.s32 $0x10, s7  }
0x31e: {  	[hbm4b:s23+s3] =	stream.linear.scatter [tilespmem:s22], [sflag:$0x6], $0x80, $0x38;
	[tilespmem:$0x16C00] =	vst v63  }
0x31f: {  	s22 =	sadd.s32 $0x10710, s2;
	s23 =	sadd.s32 $0x20, s7  }
0x320: {  	[hbm4b:s23+s3] =	stream.linear.scatter [tilespmem:s22], [sflag:$0x6], $0x80, $0x38;
	[tilespmem:$0x16C00] =	vst v63  }
0x321: {  	s22 =	sadd.s32 $0x10798, s2;
	s23 =	sadd.s32 $0x30, s7  }
0x322: {  	[hbm4b:s23+s3] =	stream.linear.scatter [tilespmem:s22], [sflag:$0x6], $0x80, $0x38;
	[tilespmem:$0x16C00] =	vst v63  }
0x323: {  	s22 =	sadd.s32 $0x10820, s2;
	s23 =	sadd.s32 $0x40, s7  }
0x324: {  	[hbm4b:s23+s3] =	stream.linear.scatter [tilespmem:s22], [sflag:$0x6], $0x80, $0x38;
	[tilespmem:$0x16C00] =	vst v63  }
0x325: {  	s22 =	sadd.s32 $0x108A8, s2;
	s23 =	sadd.s32 $0x50, s7  }
0x326: {  	[hbm4b:s23+s3] =	stream.linear.scatter [tilespmem:s22], [sflag:$0x6], $0x80, $0x38;
	[tilespmem:$0x16C00] =	vst v63  }
0x327: {  	s22 =	sadd.s32 $0x10930, s2;
	s23 =	sadd.s32 $0x60, s7  }
0x328: {  	[hbm4b:s23+s3] =	stream.linear.scatter [tilespmem:s22], [sflag:$0x6], $0x80, $0x38;
	[tilespmem:$0x16C00] =	vst v63  }
0x329: {  	s17 =	sadd.s32 $0x70, s7;
	s16 =	sadd.s32 $0x109B8, s2  }
0x32a: {  	[hbm4b:s17+s3] =	stream.linear.scatter [tilespmem:s16], [sflag:$0x6], $0x80, $0x38;
	[tilespmem:$0x16C00] =	vst v63  }
0x32b: {  	s22 =	sadd.s32 $0x280, s15;
	s23 =	simm.s32 $0x8400  }
0x32c: {  	[tilespmem:s23], [sflag:$0x2] =	stream.indirect.gather [hbm4b:s4+s19], $0x40, s22, s19, $0xb8;
	[tilespmem:$0x16C00] =	vst v63  }
0x32d: {  	_ =	swait.ge [sflag:s24], $0x2000  }
0x32e: {  	[sflag:s24] =	ssyncset.done $0x0  }
0x32f: {  	[sflag:s24] =	ssyncadd.s32 $0xFFFFE000  }
0x330: {  	s7 =	simm.s32 $0x3;
	_ =	swait.ge [sflag:s21], $0x2000  }
0x331: {  	v4 =	vmov s7;
	s16 =	simm.s32 $0x0;
	[sflag:s21] =	ssyncset.done $0x0  }
0x332: {  	v5 =	vand.u32 $0x7F, v4;
	s17 =	simm.s32 $0xA480;
	v4 =	vmov s16;
	s22 =	simm.s32 $0x1;
	[sflag:s21] =	ssyncadd.s32 $0xFFFFE000  }
0x333: {  	v8 =	vadd.s32 v0, v5;
	v6 =	vand.u32 $0x7C, v4;
	v4 =	vmov s22;
	v7 =	vld [tilespmem:s17+$0x40]  }
0x334: {  	v10 =	vadd.s32 v0, v6;
	v11 =	vand.u32 $0x7D, v4;
	v9 =	vld [tilespmem:s17+$0xFFFFFF80]  }
0x335: {  	s23 =	simm.s32 $0x2;
	v12 =	vadd.s32 v0, v11;
	v4 =	vld [tilespmem:s17+$0xFFFFFFC0]  }
0x336: {  	v13 =	vmov s23  }
0x337: {  	v13 =	vand.u32 $0x7E, v13  }
0x338: {  	v15 =	vadd.s32 v0, v13;
	v14 =	vld [tilespmem:s17+$0x0];
	[tilespmem:v8+s26+$0x0] =	vst.idx.msk $0xffff, v7  }
0x339: {  	v8 =	vadd.s32 v1, v5;
	[tilespmem:v10+s26+$0x0] =	vst.idx.msk $0xffff, v9;
	v7 =	vld [tilespmem:s17+$0x50]  }
0x33a: {  	v10 =	vadd.s32 v1, v6;
	[tilespmem:v12+s26+$0x0] =	vst.idx.msk $0xffff, v4;
	v9 =	vld [tilespmem:s17+$0xFFFFFF90]  }
0x33b: {  	v12 =	vadd.s32 v1, v11;
	v4 =	vld [tilespmem:s17+$0xFFFFFFD0];
	_ =	sdelay $0x1  }
0x33c: {  	[tilespmem:v15+s26+$0x0] =	vst.idx.msk $0xffff, v14  }
0x33d: {  	v16 =	vadd.s32 v1, v13;
	v15 =	vld [tilespmem:s17+$0x10];
	[tilespmem:v8+s26+$0x0] =	vst.idx.msk $0xffff, v7  }
0x33e: {  	s7 =	simm.s32 $0x7;
	v14 =	vadd.s32 v2, v5;
	[tilespmem:v10+s26+$0x0] =	vst.idx.msk $0xffff, v9;
	v7 =	vld [tilespmem:s17+$0x60]  }
0x33f: {  	s16 =	simm.s32 $0x4;
	v10 =	vadd.s32 v2, v6;
	v8 =	vmov s7;
	[tilespmem:v12+s26+$0x0] =	vst.idx.msk $0xffff, v4;
	v9 =	vld [tilespmem:s17+$0xFFFFFFA0]  }
0x340: {  	v17 =	vadd.s32 v2, v11;
	v4 =	vmov s16;
	s16 =	simm.s32 $0xA580;
	v8 =	vand.u32 $0x7F, v8;
	v12 =	vld [tilespmem:s17+$0xFFFFFFE0]  }
0x341: {  	v18 =	vld [tilespmem:s16+$0x40];
	v19 =	vadd.s32 v0, v8  }
0x342: {  	s22 =	simm.s32 $0x5;
	[tilespmem:v16+s26+$0x0] =	vst.idx.msk $0xffff, v15  }
0x343: {  	v22 =	vmov s22;
	v4 =	vand.u32 $0x7C, v4;
	[tilespmem:v14+s26+$0x0] =	vst.idx.msk $0xffff, v7  }
0x344: {  	s23 =	simm.s32 $0x6;
	v20 =	vld [tilespmem:s16+$0xFFFFFF80];
	v21 =	vadd.s32 v0, v4;
	v7 =	vand.u32 $0x7D, v22;
	[tilespmem:v10+s26+$0x0] =	vst.idx.msk $0xffff, v9  }
0x345: {  	v14 =	vmov s23;
	v9 =	vld [tilespmem:s16+$0xFFFFFFC0];
	[tilespmem:v17+s26+$0x0] =	vst.idx.msk $0xffff, v12;
	v10 =	vadd.s32 v0, v7  }
0x346: {  	v16 =	vadd.s32 v3, v5;
	v12 =	vld [tilespmem:s17+$0x20];
	v5 =	vand.u32 $0x7E, v14;
	[tilespmem:v19+s26+$0x0] =	vst.idx.msk $0xffff, v18;
	v18 =	vadd.s32 v2, v13  }
0x347: {  	v14 =	vld [tilespmem:s16+$0x0];
	v63 =	vadd.s32 v0, v5  }
0x348: {  	v15 =	vld [tilespmem:s17+$0x70]  }
0x349: {  	[tilespmem:v21+s26+$0x0] =	vst.idx.msk $0xffff, v20;
	v20 =	vadd.s32 v1, v8;
	v19 =	vld [tilespmem:s16+$0x50]  }
0x34a: {  	v23 =	vadd.s32 v1, v4;
	v21 =	vld [tilespmem:s16+$0xFFFFFF90];
	[tilespmem:v10+s26+$0x0] =	vst.idx.msk $0xffff, v9  }
0x34b: {  	v25 =	vadd.s32 v3, v11;
	v24 =	vld [tilespmem:s17+$0xFFFFFFF0];
	[tilespmem:v18+s26+$0x0] =	vst.idx.msk $0xffff, v12  }
0x34c: {  	v18 =	vadd.s32 v1, v7;
	v17 =	vld [tilespmem:s16+$0xFFFFFFD0];
	[tilespmem:v63+s26+$0x0] =	vst.idx.msk $0xffff, v14  }
0x34d: {  	[tilespmem:v16+s26+$0x0] =	vst.idx.msk $0xffff, v15;
	v16 =	vadd.s32 v1, v5;
	v15 =	vld [tilespmem:s16+$0x10]  }
0x34e: {  	[tilespmem:v20+s26+$0x0] =	vst.idx.msk $0xffff, v19;
	v11 =	vld [tilespmem:s17+$0x30];
	v14 =	vadd.s32 v3, v13  }
0x34f: {  	v12 =	vadd.s32 v2, v8;
	[tilespmem:v23+s26+$0x0] =	vst.idx.msk $0xffff, v21;
	v9 =	vld [tilespmem:s16+$0x60]  }
0x350: {  	s2 =	simm.s32 $0xC;
	s22 =	simm.s32 $0xB;
	s7 =	simm.s32 $0x8;
	[tilespmem:v25+s26+$0x0] =	vst.idx.msk $0xffff, v24;
	v13 =	vadd.s32 v2, v4;
	v10 =	vld [tilespmem:s16+$0xFFFFFFA0]  }
.LBB2_27:
0x351: {  	p0 =	slt.u32 s2, $0x7C;
	v19 =	vmov s22;
	[tilespmem:v18+s26+$0x0] =	vst.idx.msk $0xffff, v17;
	v17 =	vld [tilespmem:s17+$0xFFFFFFB0];
	v18 =	vadd.s32 v3, v6;
	v6 =	vmov v4;
	s17 =	smov.u32 s16  }
0x352: {  	v4 =	vmov s7;
	v21 =	vadd.s32 v2, v7;
	s16 =	sadd.s32 $0x100, s16;
	v19 =	vand.u32 $0x7F, v19;
	v20 =	vld [tilespmem:s17+$0xFFFFFFE0];
	[tilespmem:v16+s26+$0x0] =	vst.idx.msk $0xffff, v15  }
0x353: {  	s22 =	sadd.s32 $0x1, s7;
	v4 =	vand.u32 $0x7C, v4;
	v15 =	vld [tilespmem:s16+$0x40];
	v16 =	vadd.s32 v0, v19;
	[tilespmem:v14+s26+$0x0] =	vst.idx.msk $0xffff, v11  }
0x354: {  	v22 =	vmov s22;
	s22 =	sadd.s32 $0x2, s7;
	s7 =	smov.u32 s2;
	v14 =	vadd.s32 v0, v4;
	v11 =	vld [tilespmem:s16+$0xFFFFFF80];
	[tilespmem:v12+s26+$0x0] =	vst.idx.msk $0xffff, v9  }
0x355: {  	v9 =	vand.u32 $0x7D, v22;
	v12 =	vmov s22;
	[tilespmem:v13+s26+$0x0] =	vst.idx.msk $0xffff, v10;
	v10 =	vld [tilespmem:s17+$0x70];
	v13 =	vadd.s32 v3, v8;
	v8 =	vmovc v19  }
0x356: {  	v22 =	vadd.s32 v0, v9;
	v12 =	vand.u32 $0x7E, v12;
	v19 =	vld [tilespmem:s16+$0xFFFFFFC0];
	[tilespmem:v18+s26+$0x0] =	vst.idx.msk $0xffff, v17  }
0x357: {  	v24 =	vadd.s32 v0, v12;
	v23 =	vld [tilespmem:s16+$0x0];
	[tilespmem:v21+s26+$0x0] =	vst.idx.msk $0xffff, v20  }
0x358: {  	v21 =	vadd.s32 v2, v5;
	[tilespmem:v16+s26+$0x0] =	vst.idx.msk $0xffff, v15;
	v20 =	vld [tilespmem:s17+$0x20]  }
0x359: {  	[tilespmem:v14+s26+$0x0] =	vst.idx.msk $0xffff, v11;
	v11 =	vld [tilespmem:s16+$0x50];
	v14 =	vadd.s32 v1, v8  }
0x35a: {  	v26 =	vadd.s32 v1, v4;
	v25 =	vld [tilespmem:s16+$0xFFFFFF90];
	[tilespmem:v13+s26+$0x0] =	vst.idx.msk $0xffff, v10  }
0x35b: {  	[tilespmem:v22+s26+$0x0] =	vst.idx.msk $0xffff, v19;
	v19 =	vld [tilespmem:s17+$0xFFFFFFF0];
	v22 =	vadd.s32 v3, v7;
	v7 =	vmov v9  }
.Ltmp12:
0x35c: {  	v17 =	vld [tilespmem:s16+$0xFFFFFFD0];
	v18 =	vadd.s32 v1, v7;
	[tilespmem:v24+s26+$0x0] =	vst.idx.msk $0xffff, v23;
	(pc) =	sbr.rel @p0 .LBB2_27-.Ltmp12, $4  }
0x35d: {  	v16 =	vadd.s32 v1, v12;
	v15 =	vld [tilespmem:s16+$0x10];
	[tilespmem:v21+s26+$0x0] =	vst.idx.msk $0xffff, v20  }
0x35e: {  	[tilespmem:v14+s26+$0x0] =	vst.idx.msk $0xffff, v11;
	v11 =	vld [tilespmem:s17+$0x30];
	v14 =	vadd.s32 v3, v5;
	v5 =	vmov v12  }
0x35f: {  	v12 =	vadd.s32 v2, v8;
	[tilespmem:v26+s26+$0x0] =	vst.idx.msk $0xffff, v25;
	v9 =	vld [tilespmem:s16+$0x60]  }
0x360: {  	s2 =	sadd.s32 $0x4, s2;
	s22 =	sadd.s32 $0x3, s7;
	v13 =	vadd.s32 v2, v4;
	v10 =	vld [tilespmem:s16+$0xFFFFFFA0];
	[tilespmem:v22+s26+$0x0] =	vst.idx.msk $0xffff, v19  }
0x361: {  	_ =	sdelay $0x2  }
0x362: {  	v19 =	vmov s22  }
0x363: {  	s23 =	sadd.s32 $0x1, s7;
	[tilespmem:v18+s26+$0x0] =	vst.idx.msk $0xffff, v17;
	v30 =	vld [tilespmem:s17+$0xFFFFFFB0];
	v6 =	vadd.s32 v3, v6;
	s2 =	sadd.s32 $0x100, s16;
	v21 =	vmov s7;
	v31 =	vand.u32 $0x7F, v19  }
0x364: {  	s22 =	sadd.s32 $0x2, s7;
	v32 =	vmov s23;
	[tilespmem:v16+s26+$0x0] =	vst.idx.msk $0xffff, v15;
	v33 =	vld [tilespmem:s2+$0x40];
	v21 =	vand.u32 $0x7C, v21;
	v34 =	vadd.s32 v0, v31  }
0x365: {  	v20 =	vmov s22;
	v22 =	vld [tilespmem:s2+$0xFFFFFF80];
	v19 =	vand.u32 $0x7D, v32;
	[tilespmem:v14+s26+$0x0] =	vst.idx.msk $0xffff, v11;
	v39 =	vadd.s32 v0, v21  }
0x366: {  	v35 =	vld [tilespmem:s2+$0xFFFFFFC0];
	v20 =	vand.u32 $0x7E, v20;
	v36 =	vadd.s32 v0, v19;
	[tilespmem:v12+s26+$0x0] =	vst.idx.msk $0xffff, v9  }
0x367: {  	v37 =	vld [tilespmem:s2+$0x0];
	v38 =	vadd.s32 v0, v20;
	[tilespmem:v13+s26+$0x0] =	vst.idx.msk $0xffff, v10  }
0x368: {  	v41 =	vadd.s32 v2, v7;
	v40 =	vld [tilespmem:s16+$0xFFFFFFE0];
	[tilespmem:v6+s26+$0x0] =	vst.idx.msk $0xffff, v30  }
0x369: {  	v49 =	vadd.s32 v2, v5;
	v48 =	vld [tilespmem:s16+$0x20];
	[tilespmem:v34+s26+$0x0] =	vst.idx.msk $0xffff, v33  }
0x36a: {  	v43 =	vadd.s32 v1, v31;
	[tilespmem:v39+s26+$0x0] =	vst.idx.msk $0xffff, v22;
	v15 =	vld [tilespmem:s2+$0x50]  }
0x36b: {  	v47 =	vadd.s32 v1, v21;
	[tilespmem:v36+s26+$0x0] =	vst.idx.msk $0xffff, v35;
	v46 =	vld [tilespmem:s2+$0xFFFFFF90]  }
0x36c: {  	v44 =	vadd.s32 v1, v19;
	[tilespmem:v38+s26+$0x0] =	vst.idx.msk $0xffff, v37;
	v11 =	vld [tilespmem:s2+$0xFFFFFFD0]  }
0x36d: {  	v45 =	vadd.s32 v1, v20;
	[tilespmem:v41+s26+$0x0] =	vst.idx.msk $0xffff, v40;
	v9 =	vld [tilespmem:s2+$0x10]  }
0x36e: {  	v8 =	vadd.s32 v3, v8;
	v42 =	vld [tilespmem:s16+$0x70];
	[tilespmem:v49+s26+$0x0] =	vst.idx.msk $0xffff, v48  }
0x36f: {  	v5 =	vadd.s32 v3, v5;
	v13 =	vld [tilespmem:s16+$0x30];
	[tilespmem:v43+s26+$0x0] =	vst.idx.msk $0xffff, v15  }
0x370: {  	v52 =	vadd.s32 v2, v31;
	[tilespmem:v47+s26+$0x0] =	vst.idx.msk $0xffff, v46;
	v15 =	vld [tilespmem:s2+$0x60]  }
0x371: {  	v57 =	vadd.s32 v2, v21;
	[tilespmem:v44+s26+$0x0] =	vst.idx.msk $0xffff, v11;
	v56 =	vld [tilespmem:s2+$0xFFFFFFA0]  }
0x372: {  	v53 =	vadd.s32 v2, v19;
	[tilespmem:v45+s26+$0x0] =	vst.idx.msk $0xffff, v9;
	v11 =	vld [tilespmem:s2+$0xFFFFFFE0]  }
0x373: {  	v55 =	vadd.s32 v2, v20;
	[tilespmem:v8+s26+$0x0] =	vst.idx.msk $0xffff, v42;
	v54 =	vld [tilespmem:s2+$0x20]  }
0x374: {  	v4 =	vadd.s32 v3, v4;
	v58 =	vld [tilespmem:s16+$0xFFFFFFB0];
	[tilespmem:v5+s26+$0x0] =	vst.idx.msk $0xffff, v13  }
0x375: {  	v51 =	vadd.s32 v3, v7;
	v50 =	vld [tilespmem:s16+$0xFFFFFFF0];
	[tilespmem:v52+s26+$0x0] =	vst.idx.msk $0xffff, v15  }
0x376: {  	v60 =	vadd.s32 v3, v31;
	[tilespmem:v57+s26+$0x0] =	vst.idx.msk $0xffff, v56;
	v59 =	vld [tilespmem:s2+$0x70]  }
0x377: {  	v63 =	vadd.s32 v3, v21;
	[tilespmem:v53+s26+$0x0] =	vst.idx.msk $0xffff, v11;
	v5 =	vld [tilespmem:s2+$0xFFFFFFB0]  }
0x378: {  	v61 =	vadd.s32 v3, v19;
	[tilespmem:v55+s26+$0x0] =	vst.idx.msk $0xffff, v54;
	v11 =	vld [tilespmem:s2+$0xFFFFFFF0]  }
0x379: {  	v62 =	vadd.s32 v3, v20;
	[tilespmem:v4+s26+$0x0] =	vst.idx.msk $0xffff, v58;
	v6 =	vld [tilespmem:s2+$0x30]  }
0x37a: {  	[tilespmem:v51+s26+$0x0] =	vst.idx.msk $0xffff, v50  }
0x37b: {  	[tilespmem:v60+s26+$0x0] =	vst.idx.msk $0xffff, v59  }
0x37c: {  	[tilespmem:v63+s26+$0x0] =	vst.idx.msk $0xffff, v5  }
0x37d: {  	[tilespmem:v61+s26+$0x0] =	vst.idx.msk $0xffff, v11  }
0x37e: {  	s7 =	sadd.s32 s14, s10;
	s23 =	simm.s32 $0x12800;
	[tilespmem:v62+s26+$0x0] =	vst.idx.msk $0xffff, v6  }
0x37f: {  	[hbm4b:s7+s3] =	stream.linear.scatter [tilespmem:s23], [sflag:$0x7], $0x80, $0x38;
	[tilespmem:$0x16C00] =	vst v63  }
0x380: {  	s17 =	sadd.s32 $0x10, s7;
	s16 =	simm.s32 $0x12888  }
0x381: {  	[hbm4b:s17+s3] =	stream.linear.scatter [tilespmem:s16], [sflag:$0x7], $0x80, $0x38;
	[tilespmem:$0x16C00] =	vst v63  }
0x382: {  	s22 =	simm.s32 $0x12910;
	s23 =	sadd.s32 $0x20, s7  }
0x383: {  	[hbm4b:s23+s3] =	stream.linear.scatter [tilespmem:s22], [sflag:$0x7], $0x80, $0x38;
	[tilespmem:$0x16C00] =	vst v63  }
0x384: {  	s16 =	simm.s32 $0x12998;
	s17 =	sadd.s32 $0x30, s7  }
0x385: {  	[hbm4b:s17+s3] =	stream.linear.scatter [tilespmem:s16], [sflag:$0x7], $0x80, $0x38;
	[tilespmem:$0x16C00] =	vst v63  }
0x386: {  	s22 =	simm.s32 $0x12A20;
	s23 =	sadd.s32 $0x40, s7  }
0x387: {  	[hbm4b:s23+s3] =	stream.linear.scatter [tilespmem:s22], [sflag:$0x7], $0x80, $0x38;
	[tilespmem:$0x16C00] =	vst v63  }
0x388: {  	s2 =	simm.s32 $0x440;
	s16 =	simm.s32 $0x12AA8;
	s17 =	sadd.s32 $0x50, s7  }
0x389: {  	[hbm4b:s17+s3] =	stream.linear.scatter [tilespmem:s16], [sflag:$0x7], $0x80, $0x38;
	[tilespmem:$0x16C00] =	vst v63  }
0x38a: {  	s22 =	simm.s32 $0x12B30;
	s23 =	sadd.s32 $0x60, s7;
	s16 =	simm.s32 $0x2200  }
0x38b: {  	[hbm4b:s23+s3] =	stream.linear.scatter [tilespmem:s22], [sflag:$0x7], $0x80, $0x38;
	[tilespmem:$0x16C00] =	vst v63  }
0x38c: {  	s17 =	simm.s32 $0x12BB8;
	s22 =	sadd.s32 $0x70, s7;
	s7 =	sadd.s32 $0x1000, s7  }
.LBB2_29:
0x38d: {  	[hbm4b:s22+s3] =	stream.linear.scatter [tilespmem:s17], [sflag:$0x7], $0x80, $0x38;
	[tilespmem:$0x16C00] =	vst v63  }
0x38e: {  	s17 =	smov.u32 s2;
	s2 =	smov.u32 s16  }
0x38f: {  	s23 =	sadd.s32 $0x1100, s16;
	s2 =	sshra.s32 s2, $0x2;
	s22 =	sadd.s32 $0x12800, s17  }
0x390: {  	[hbm4b:s7+s3] =	stream.linear.scatter [tilespmem:s22], [sflag:$0x7], $0x80, $0x38;
	[tilespmem:$0x16C00] =	vst v63  }
0x391: {  	p0 =	sne.s32 s16, $0x7700;
	s16 =	sadd.s32 $0x12888, s17;
	s22 =	sadd.s32 $0x10, s7  }
0x392: {  	[hbm4b:s22+s3] =	stream.linear.scatter [tilespmem:s16], [sflag:$0x7], $0x80, $0x38;
	[tilespmem:$0x16C00] =	vst v63  }
0x393: {  	s16 =	sadd.s32 $0x12910, s17;
	s22 =	sadd.s32 $0x20, s7  }
0x394: {  	[hbm4b:s22+s3] =	stream.linear.scatter [tilespmem:s16], [sflag:$0x7], $0x80, $0x38;
	[tilespmem:$0x16C00] =	vst v63  }
0x395: {  	s16 =	sadd.s32 $0x12998, s17;
	s22 =	sadd.s32 $0x30, s7  }
0x396: {  	[hbm4b:s22+s3] =	stream.linear.scatter [tilespmem:s16], [sflag:$0x7], $0x80, $0x38;
	[tilespmem:$0x16C00] =	vst v63  }
0x397: {  	s16 =	sadd.s32 $0x12A20, s17;
	s22 =	sadd.s32 $0x40, s7  }
0x398: {  	[hbm4b:s22+s3] =	stream.linear.scatter [tilespmem:s16], [sflag:$0x7], $0x80, $0x38;
	[tilespmem:$0x16C00] =	vst v63  }
.Ltmp13:
0x399: {  	s16 =	sadd.s32 $0x12AA8, s17;
	s22 =	sadd.s32 $0x50, s7;
	(pc) =	sbr.rel @p0 .LBB2_29-.Ltmp13, $4  }
0x39a: {  	[hbm4b:s22+s3] =	stream.linear.scatter [tilespmem:s16], [sflag:$0x7], $0x80, $0x38;
	[tilespmem:$0x16C00] =	vst v63  }
0x39b: {  	s16 =	sadd.s32 $0x12B30, s17;
	s22 =	sadd.s32 $0x60, s7;
	s17 =	sadd.s32 $0x12BB8, s17  }
0x39c: {  	[hbm4b:s22+s3] =	stream.linear.scatter [tilespmem:s16], [sflag:$0x7], $0x80, $0x38;
	[tilespmem:$0x16C00] =	vst v63  }
0x39d: {  	s22 =	sadd.s32 $0x70, s7;
	s7 =	sadd.s32 $0x1000, s7;
	s16 =	smov.u32 s23  }
0x39e: {  	[hbm4b:s22+s3] =	stream.linear.scatter [tilespmem:s17], [sflag:$0x7], $0x80, $0x38;
	[tilespmem:$0x16C00] =	vst v63  }
0x39f: {  	s16 =	sadd.s32 $0x12800, s2  }
0x3a0: {  	[hbm4b:s7+s3] =	stream.linear.scatter [tilespmem:s16], [sflag:$0x7], $0x80, $0x38;
	[tilespmem:$0x16C00] =	vst v63  }
0x3a1: {  	s22 =	sadd.s32 $0x12888, s2;
	s23 =	sadd.s32 $0x10, s7  }
0x3a2: {  	[hbm4b:s23+s3] =	stream.linear.scatter [tilespmem:s22], [sflag:$0x7], $0x80, $0x38;
	[tilespmem:$0x16C00] =	vst v63  }
0x3a3: {  	s22 =	sadd.s32 $0x12910, s2;
	s23 =	sadd.s32 $0x20, s7  }
0x3a4: {  	[hbm4b:s23+s3] =	stream.linear.scatter [tilespmem:s22], [sflag:$0x7], $0x80, $0x38;
	[tilespmem:$0x16C00] =	vst v63  }
0x3a5: {  	s22 =	sadd.s32 $0x12998, s2;
	s23 =	sadd.s32 $0x30, s7  }
0x3a6: {  	[hbm4b:s23+s3] =	stream.linear.scatter [tilespmem:s22], [sflag:$0x7], $0x80, $0x38;
	[tilespmem:$0x16C00] =	vst v63  }
0x3a7: {  	s22 =	sadd.s32 $0x12A20, s2;
	s23 =	sadd.s32 $0x40, s7  }
0x3a8: {  	[hbm4b:s23+s3] =	stream.linear.scatter [tilespmem:s22], [sflag:$0x7], $0x80, $0x38;
	[tilespmem:$0x16C00] =	vst v63  }
0x3a9: {  	s22 =	sadd.s32 $0x12AA8, s2;
	s23 =	sadd.s32 $0x50, s7  }
0x3aa: {  	[hbm4b:s23+s3] =	stream.linear.scatter [tilespmem:s22], [sflag:$0x7], $0x80, $0x38;
	[tilespmem:$0x16C00] =	vst v63  }
0x3ab: {  	s22 =	sadd.s32 $0x12B30, s2;
	s23 =	sadd.s32 $0x60, s7  }
0x3ac: {  	[hbm4b:s23+s3] =	stream.linear.scatter [tilespmem:s22], [sflag:$0x7], $0x80, $0x38;
	[tilespmem:$0x16C00] =	vst v63  }
0x3ad: {  	s17 =	sadd.s32 $0x12BB8, s2;
	s22 =	sadd.s32 $0x70, s7  }
0x3ae: {  	[hbm4b:s22+s3] =	stream.linear.scatter [tilespmem:s17], [sflag:$0x7], $0x80, $0x38;
	[tilespmem:$0x16C00] =	vst v63  }
0x3af: {  	s23 =	sadd.s32 $0x300, s15  }
0x3b0: {  	[tilespmem:s25], [sflag:$0x3] =	stream.indirect.gather [hbm4b:s4+s19], $0x40, s23, s19, $0xb8;
	[tilespmem:$0x16C00] =	vst v63  }
0x3b1: {  	_ =	swait.ge [sflag:s20], $0x2000  }
0x3b2: {  	[sflag:s20] =	ssyncset.done $0x0  }
0x3b3: {  	[sflag:s20] =	ssyncadd.s32 $0xFFFFE000  }
0x3b4: {  	s7 =	simm.s32 $0x3;
	_ =	swait.ge [sflag:s9], $0x2000  }
0x3b5: {  	s16 =	simm.s32 $0x0;
	v4 =	vmov s7;
	[sflag:s9] =	ssyncset.done $0x0  }
0x3b6: {  	s17 =	simm.s32 $0xC480;
	v5 =	vand.u32 $0x7F, v4;
	v4 =	vmov s16;
	s22 =	simm.s32 $0x1;
	[sflag:s9] =	ssyncadd.s32 $0xFFFFE000  }
0x3b7: {  	v8 =	vadd.s32 v0, v5;
	v6 =	vand.u32 $0x7C, v4;
	v4 =	vmov s22;
	v7 =	vld [tilespmem:s17+$0x40]  }
0x3b8: {  	v10 =	vadd.s32 v0, v6;
	v11 =	vand.u32 $0x7D, v4;
	v9 =	vld [tilespmem:s17+$0xFFFFFF80]  }
0x3b9: {  	s23 =	simm.s32 $0x2;
	v12 =	vadd.s32 v0, v11;
	v4 =	vld [tilespmem:s17+$0xFFFFFFC0]  }
0x3ba: {  	v13 =	vmov s23  }
0x3bb: {  	v13 =	vand.u32 $0x7E, v13  }
0x3bc: {  	v15 =	vadd.s32 v0, v13;
	v14 =	vld [tilespmem:s17+$0x0];
	[tilespmem:v8+s31+$0x0] =	vst.idx.msk $0xffff, v7  }
0x3bd: {  	v8 =	vadd.s32 v1, v5;
	[tilespmem:v10+s31+$0x0] =	vst.idx.msk $0xffff, v9;
	v7 =	vld [tilespmem:s17+$0x50]  }
0x3be: {  	v10 =	vadd.s32 v1, v6;
	[tilespmem:v12+s31+$0x0] =	vst.idx.msk $0xffff, v4;
	v9 =	vld [tilespmem:s17+$0xFFFFFF90]  }
0x3bf: {  	v12 =	vadd.s32 v1, v11;
	v4 =	vld [tilespmem:s17+$0xFFFFFFD0];
	_ =	sdelay $0x1  }
0x3c0: {  	[tilespmem:v15+s31+$0x0] =	vst.idx.msk $0xffff, v14  }
0x3c1: {  	v16 =	vadd.s32 v1, v13;
	v15 =	vld [tilespmem:s17+$0x10];
	[tilespmem:v8+s31+$0x0] =	vst.idx.msk $0xffff, v7  }
0x3c2: {  	s7 =	simm.s32 $0x7;
	v14 =	vadd.s32 v2, v5;
	[tilespmem:v10+s31+$0x0] =	vst.idx.msk $0xffff, v9;
	v7 =	vld [tilespmem:s17+$0x60]  }
0x3c3: {  	s16 =	simm.s32 $0x4;
	v10 =	vadd.s32 v2, v6;
	v8 =	vmov s7;
	[tilespmem:v12+s31+$0x0] =	vst.idx.msk $0xffff, v4;
	v9 =	vld [tilespmem:s17+$0xFFFFFFA0]  }
0x3c4: {  	v17 =	vadd.s32 v2, v11;
	v4 =	vmov s16;
	s16 =	simm.s32 $0xC580;
	v8 =	vand.u32 $0x7F, v8;
	v12 =	vld [tilespmem:s17+$0xFFFFFFE0]  }
0x3c5: {  	v18 =	vld [tilespmem:s16+$0x40];
	v19 =	vadd.s32 v0, v8  }
0x3c6: {  	s22 =	simm.s32 $0x5;
	[tilespmem:v16+s31+$0x0] =	vst.idx.msk $0xffff, v15  }
0x3c7: {  	v22 =	vmov s22;
	v4 =	vand.u32 $0x7C, v4;
	[tilespmem:v14+s31+$0x0] =	vst.idx.msk $0xffff, v7  }
0x3c8: {  	s23 =	simm.s32 $0x6;
	v20 =	vld [tilespmem:s16+$0xFFFFFF80];
	v21 =	vadd.s32 v0, v4;
	v7 =	vand.u32 $0x7D, v22;
	[tilespmem:v10+s31+$0x0] =	vst.idx.msk $0xffff, v9  }
0x3c9: {  	v14 =	vmov s23;
	v9 =	vld [tilespmem:s16+$0xFFFFFFC0];
	[tilespmem:v17+s31+$0x0] =	vst.idx.msk $0xffff, v12;
	v10 =	vadd.s32 v0, v7  }
0x3ca: {  	v16 =	vadd.s32 v3, v5;
	v12 =	vld [tilespmem:s17+$0x20];
	v5 =	vand.u32 $0x7E, v14;
	[tilespmem:v19+s31+$0x0] =	vst.idx.msk $0xffff, v18;
	v18 =	vadd.s32 v2, v13  }
0x3cb: {  	v14 =	vld [tilespmem:s16+$0x0];
	v63 =	vadd.s32 v0, v5  }
0x3cc: {  	v15 =	vld [tilespmem:s17+$0x70]  }
0x3cd: {  	[tilespmem:v21+s31+$0x0] =	vst.idx.msk $0xffff, v20;
	v20 =	vadd.s32 v1, v8;
	v19 =	vld [tilespmem:s16+$0x50]  }
0x3ce: {  	v23 =	vadd.s32 v1, v4;
	v21 =	vld [tilespmem:s16+$0xFFFFFF90];
	[tilespmem:v10+s31+$0x0] =	vst.idx.msk $0xffff, v9  }
0x3cf: {  	v25 =	vadd.s32 v3, v11;
	v24 =	vld [tilespmem:s17+$0xFFFFFFF0];
	[tilespmem:v18+s31+$0x0] =	vst.idx.msk $0xffff, v12  }
0x3d0: {  	v18 =	vadd.s32 v1, v7;
	v17 =	vld [tilespmem:s16+$0xFFFFFFD0];
	[tilespmem:v63+s31+$0x0] =	vst.idx.msk $0xffff, v14  }
0x3d1: {  	[tilespmem:v16+s31+$0x0] =	vst.idx.msk $0xffff, v15;
	v16 =	vadd.s32 v1, v5;
	v15 =	vld [tilespmem:s16+$0x10]  }
0x3d2: {  	[tilespmem:v20+s31+$0x0] =	vst.idx.msk $0xffff, v19;
	v11 =	vld [tilespmem:s17+$0x30];
	v14 =	vadd.s32 v3, v13  }
0x3d3: {  	v12 =	vadd.s32 v2, v8;
	[tilespmem:v23+s31+$0x0] =	vst.idx.msk $0xffff, v21;
	v9 =	vld [tilespmem:s16+$0x60]  }
0x3d4: {  	s2 =	simm.s32 $0xC;
	s22 =	simm.s32 $0xB;
	s7 =	simm.s32 $0x8;
	[tilespmem:v25+s31+$0x0] =	vst.idx.msk $0xffff, v24;
	v13 =	vadd.s32 v2, v4;
	v10 =	vld [tilespmem:s16+$0xFFFFFFA0]  }
.LBB2_31:
0x3d5: {  	p0 =	slt.u32 s2, $0x7C;
	v19 =	vmov s22;
	[tilespmem:v18+s31+$0x0] =	vst.idx.msk $0xffff, v17;
	v17 =	vld [tilespmem:s17+$0xFFFFFFB0];
	v18 =	vadd.s32 v3, v6;
	v6 =	vmov v4;
	s17 =	smov.u32 s16  }
0x3d6: {  	v4 =	vmov s7;
	v21 =	vadd.s32 v2, v7;
	s16 =	sadd.s32 $0x100, s16;
	v19 =	vand.u32 $0x7F, v19;
	v20 =	vld [tilespmem:s17+$0xFFFFFFE0];
	[tilespmem:v16+s31+$0x0] =	vst.idx.msk $0xffff, v15  }
0x3d7: {  	s22 =	sadd.s32 $0x1, s7;
	v4 =	vand.u32 $0x7C, v4;
	v15 =	vld [tilespmem:s16+$0x40];
	v16 =	vadd.s32 v0, v19;
	[tilespmem:v14+s31+$0x0] =	vst.idx.msk $0xffff, v11  }
0x3d8: {  	v22 =	vmov s22;
	s22 =	sadd.s32 $0x2, s7;
	s7 =	smov.u32 s2;
	v14 =	vadd.s32 v0, v4;
	v11 =	vld [tilespmem:s16+$0xFFFFFF80];
	[tilespmem:v12+s31+$0x0] =	vst.idx.msk $0xffff, v9  }
0x3d9: {  	v9 =	vand.u32 $0x7D, v22;
	v12 =	vmov s22;
	[tilespmem:v13+s31+$0x0] =	vst.idx.msk $0xffff, v10;
	v10 =	vld [tilespmem:s17+$0x70];
	v13 =	vadd.s32 v3, v8;
	v8 =	vmovc v19  }
0x3da: {  	v22 =	vadd.s32 v0, v9;
	v12 =	vand.u32 $0x7E, v12;
	v19 =	vld [tilespmem:s16+$0xFFFFFFC0];
	[tilespmem:v18+s31+$0x0] =	vst.idx.msk $0xffff, v17  }
0x3db: {  	v24 =	vadd.s32 v0, v12;
	v23 =	vld [tilespmem:s16+$0x0];
	[tilespmem:v21+s31+$0x0] =	vst.idx.msk $0xffff, v20  }
0x3dc: {  	v21 =	vadd.s32 v2, v5;
	[tilespmem:v16+s31+$0x0] =	vst.idx.msk $0xffff, v15;
	v20 =	vld [tilespmem:s17+$0x20]  }
0x3dd: {  	[tilespmem:v14+s31+$0x0] =	vst.idx.msk $0xffff, v11;
	v11 =	vld [tilespmem:s16+$0x50];
	v14 =	vadd.s32 v1, v8  }
0x3de: {  	v26 =	vadd.s32 v1, v4;
	v25 =	vld [tilespmem:s16+$0xFFFFFF90];
	[tilespmem:v13+s31+$0x0] =	vst.idx.msk $0xffff, v10  }
0x3df: {  	[tilespmem:v22+s31+$0x0] =	vst.idx.msk $0xffff, v19;
	v19 =	vld [tilespmem:s17+$0xFFFFFFF0];
	v22 =	vadd.s32 v3, v7;
	v7 =	vmov v9  }
.Ltmp14:
0x3e0: {  	v17 =	vld [tilespmem:s16+$0xFFFFFFD0];
	v18 =	vadd.s32 v1, v7;
	[tilespmem:v24+s31+$0x0] =	vst.idx.msk $0xffff, v23;
	(pc) =	sbr.rel @p0 .LBB2_31-.Ltmp14, $4  }
0x3e1: {  	v16 =	vadd.s32 v1, v12;
	v15 =	vld [tilespmem:s16+$0x10];
	[tilespmem:v21+s31+$0x0] =	vst.idx.msk $0xffff, v20  }
0x3e2: {  	[tilespmem:v14+s31+$0x0] =	vst.idx.msk $0xffff, v11;
	v11 =	vld [tilespmem:s17+$0x30];
	v14 =	vadd.s32 v3, v5;
	v5 =	vmov v12  }
0x3e3: {  	v12 =	vadd.s32 v2, v8;
	[tilespmem:v26+s31+$0x0] =	vst.idx.msk $0xffff, v25;
	v9 =	vld [tilespmem:s16+$0x60]  }
0x3e4: {  	s2 =	sadd.s32 $0x4, s2;
	s22 =	sadd.s32 $0x3, s7;
	v13 =	vadd.s32 v2, v4;
	v10 =	vld [tilespmem:s16+$0xFFFFFFA0];
	[tilespmem:v22+s31+$0x0] =	vst.idx.msk $0xffff, v19  }
0x3e5: {  	_ =	sdelay $0x2  }
0x3e6: {  	v19 =	vmov s22  }
0x3e7: {  	s23 =	sadd.s32 $0x1, s7;
	[tilespmem:v18+s31+$0x0] =	vst.idx.msk $0xffff, v17;
	v30 =	vld [tilespmem:s17+$0xFFFFFFB0];
	v6 =	vadd.s32 v3, v6;
	s2 =	sadd.s32 $0x100, s16;
	v21 =	vmov s7;
	v31 =	vand.u32 $0x7F, v19  }
0x3e8: {  	v32 =	vmov s23;
	s23 =	sadd.s32 $0x2, s7;
	[tilespmem:v16+s31+$0x0] =	vst.idx.msk $0xffff, v15;
	v33 =	vld [tilespmem:s2+$0x40];
	v21 =	vand.u32 $0x7C, v21;
	v34 =	vadd.s32 v0, v31  }
0x3e9: {  	v22 =	vld [tilespmem:s2+$0xFFFFFF80];
	v19 =	vand.u32 $0x7D, v32;
	v20 =	vmov s23;
	[tilespmem:v14+s31+$0x0] =	vst.idx.msk $0xffff, v11;
	v39 =	vadd.s32 v0, v21  }
0x3ea: {  	v35 =	vld [tilespmem:s2+$0xFFFFFFC0];
	v36 =	vadd.s32 v0, v19;
	v20 =	vand.u32 $0x7E, v20;
	[tilespmem:v12+s31+$0x0] =	vst.idx.msk $0xffff, v9  }
0x3eb: {  	v37 =	vld [tilespmem:s2+$0x0];
	v38 =	vadd.s32 v0, v20;
	[tilespmem:v13+s31+$0x0] =	vst.idx.msk $0xffff, v10  }
0x3ec: {  	v41 =	vadd.s32 v2, v7;
	v40 =	vld [tilespmem:s16+$0xFFFFFFE0];
	[tilespmem:v6+s31+$0x0] =	vst.idx.msk $0xffff, v30  }
0x3ed: {  	v49 =	vadd.s32 v2, v5;
	v48 =	vld [tilespmem:s16+$0x20];
	[tilespmem:v34+s31+$0x0] =	vst.idx.msk $0xffff, v33  }
0x3ee: {  	v43 =	vadd.s32 v1, v31;
	[tilespmem:v39+s31+$0x0] =	vst.idx.msk $0xffff, v22;
	v15 =	vld [tilespmem:s2+$0x50]  }
0x3ef: {  	v47 =	vadd.s32 v1, v21;
	[tilespmem:v36+s31+$0x0] =	vst.idx.msk $0xffff, v35;
	v46 =	vld [tilespmem:s2+$0xFFFFFF90]  }
0x3f0: {  	v44 =	vadd.s32 v1, v19;
	v11 =	vld [tilespmem:s2+$0xFFFFFFD0];
	[tilespmem:v38+s31+$0x0] =	vst.idx.msk $0xffff, v37  }
0x3f1: {  	v45 =	vadd.s32 v1, v20;
	[tilespmem:v41+s31+$0x0] =	vst.idx.msk $0xffff, v40;
	v9 =	vld [tilespmem:s2+$0x10]  }
0x3f2: {  	v8 =	vadd.s32 v3, v8;
	v42 =	vld [tilespmem:s16+$0x70];
	[tilespmem:v49+s31+$0x0] =	vst.idx.msk $0xffff, v48  }
0x3f3: {  	v5 =	vadd.s32 v3, v5;
	v13 =	vld [tilespmem:s16+$0x30];
	[tilespmem:v43+s31+$0x0] =	vst.idx.msk $0xffff, v15  }
0x3f4: {  	v52 =	vadd.s32 v2, v31;
	[tilespmem:v47+s31+$0x0] =	vst.idx.msk $0xffff, v46;
	v15 =	vld [tilespmem:s2+$0x60]  }
0x3f5: {  	v57 =	vadd.s32 v2, v21;
	[tilespmem:v44+s31+$0x0] =	vst.idx.msk $0xffff, v11;
	v56 =	vld [tilespmem:s2+$0xFFFFFFA0]  }
0x3f6: {  	v53 =	vadd.s32 v2, v19;
	v11 =	vld [tilespmem:s2+$0xFFFFFFE0];
	[tilespmem:v45+s31+$0x0] =	vst.idx.msk $0xffff, v9  }
0x3f7: {  	v55 =	vadd.s32 v2, v20;
	[tilespmem:v8+s31+$0x0] =	vst.idx.msk $0xffff, v42;
	v54 =	vld [tilespmem:s2+$0x20]  }
0x3f8: {  	v4 =	vadd.s32 v3, v4;
	v58 =	vld [tilespmem:s16+$0xFFFFFFB0];
	[tilespmem:v5+s31+$0x0] =	vst.idx.msk $0xffff, v13  }
0x3f9: {  	v51 =	vadd.s32 v3, v7;
	v50 =	vld [tilespmem:s16+$0xFFFFFFF0];
	[tilespmem:v52+s31+$0x0] =	vst.idx.msk $0xffff, v15  }
0x3fa: {  	v60 =	vadd.s32 v3, v31;
	[tilespmem:v57+s31+$0x0] =	vst.idx.msk $0xffff, v56;
	v59 =	vld [tilespmem:s2+$0x70]  }
0x3fb: {  	v63 =	vadd.s32 v3, v21;
	[tilespmem:v53+s31+$0x0] =	vst.idx.msk $0xffff, v11;
	v5 =	vld [tilespmem:s2+$0xFFFFFFB0]  }
0x3fc: {  	v61 =	vadd.s32 v3, v19;
	v11 =	vld [tilespmem:s2+$0xFFFFFFF0];
	[tilespmem:v55+s31+$0x0] =	vst.idx.msk $0xffff, v54  }
0x3fd: {  	v62 =	vadd.s32 v3, v20;
	[tilespmem:v4+s31+$0x0] =	vst.idx.msk $0xffff, v58;
	v6 =	vld [tilespmem:s2+$0x30]  }
0x3fe: {  	[tilespmem:v51+s31+$0x0] =	vst.idx.msk $0xffff, v50  }
0x3ff: {  	[tilespmem:v60+s31+$0x0] =	vst.idx.msk $0xffff, v59  }
0x400: {  	[tilespmem:v63+s31+$0x0] =	vst.idx.msk $0xffff, v5  }
0x401: {  	[tilespmem:v61+s31+$0x0] =	vst.idx.msk $0xffff, v11  }
0x402: {  	s7 =	sadd.s32 s14, s11;
	s16 =	simm.s32 $0x14A00;
	[tilespmem:v62+s31+$0x0] =	vst.idx.msk $0xffff, v6  }
0x403: {  	[hbm4b:s7+s3] =	stream.linear.scatter [tilespmem:s16], [sflag:$0x8], $0x80, $0x38;
	[tilespmem:$0x16C00] =	vst v63  }
0x404: {  	s17 =	simm.s32 $0x14A88;
	s14 =	sadd.s32 $0x10, s7  }
0x405: {  	[hbm4b:s14+s3] =	stream.linear.scatter [tilespmem:s17], [sflag:$0x8], $0x80, $0x38;
	[tilespmem:$0x16C00] =	vst v63  }
0x406: {  	s22 =	simm.s32 $0x14B10;
	s23 =	sadd.s32 $0x20, s7;
	s2 =	simm.s32 $0x440  }
0x407: {  	[hbm4b:s23+s3] =	stream.linear.scatter [tilespmem:s22], [sflag:$0x8], $0x80, $0x38;
	[tilespmem:$0x16C00] =	vst v63  }
0x408: {  	s16 =	simm.s32 $0x14B98;
	s17 =	sadd.s32 $0x30, s7;
	s14 =	simm.s32 $0x2200  }
0x409: {  	[hbm4b:s17+s3] =	stream.linear.scatter [tilespmem:s16], [sflag:$0x8], $0x80, $0x38;
	[tilespmem:$0x16C00] =	vst v63  }
0x40a: {  	s22 =	simm.s32 $0x14C20;
	s23 =	sadd.s32 $0x40, s7;
	s16 =	simm.s32 $0x14CA8  }
0x40b: {  	[hbm4b:s23+s3] =	stream.linear.scatter [tilespmem:s22], [sflag:$0x8], $0x80, $0x38;
	[tilespmem:$0x16C00] =	vst v63  }
0x40c: {  	s17 =	sadd.s32 $0x50, s7;
	s22 =	simm.s32 $0x14D30;
	s23 =	sadd.s32 $0x60, s7  }
0x40d: {  	[hbm4b:s17+s3] =	stream.linear.scatter [tilespmem:s16], [sflag:$0x8], $0x80, $0x38;
	[tilespmem:$0x16C00] =	vst v63  }
0x40e: {  	s16 =	simm.s32 $0x14DB8;
	s17 =	sadd.s32 $0x70, s7;
	s7 =	sadd.s32 $0x1000, s7  }
0x40f: {  	[hbm4b:s23+s3] =	stream.linear.scatter [tilespmem:s22], [sflag:$0x8], $0x80, $0x38;
	[tilespmem:$0x16C00] =	vst v63  }
.LBB2_33:
0x410: {  	[hbm4b:s17+s3] =	stream.linear.scatter [tilespmem:s16], [sflag:$0x8], $0x80, $0x38;
	[tilespmem:$0x16C00] =	vst v63  }
0x411: {  	s16 =	smov.u32 s2;
	s2 =	smov.u32 s14  }
0x412: {  	s22 =	sadd.s32 $0x1100, s14;
	s2 =	sshra.s32 s2, $0x2;
	s17 =	sadd.s32 $0x14A00, s16  }
0x413: {  	[hbm4b:s7+s3] =	stream.linear.scatter [tilespmem:s17], [sflag:$0x8], $0x80, $0x38;
	[tilespmem:$0x16C00] =	vst v63  }
0x414: {  	p0 =	sne.s32 s14, $0x7700;
	s14 =	sadd.s32 $0x14A88, s16;
	s17 =	sadd.s32 $0x10, s7  }
0x415: {  	[hbm4b:s17+s3] =	stream.linear.scatter [tilespmem:s14], [sflag:$0x8], $0x80, $0x38;
	[tilespmem:$0x16C00] =	vst v63  }
0x416: {  	s14 =	sadd.s32 $0x14B10, s16;
	s17 =	sadd.s32 $0x20, s7  }
0x417: {  	[hbm4b:s17+s3] =	stream.linear.scatter [tilespmem:s14], [sflag:$0x8], $0x80, $0x38;
	[tilespmem:$0x16C00] =	vst v63  }
0x418: {  	s14 =	sadd.s32 $0x14B98, s16;
	s17 =	sadd.s32 $0x30, s7  }
0x419: {  	[hbm4b:s17+s3] =	stream.linear.scatter [tilespmem:s14], [sflag:$0x8], $0x80, $0x38;
	[tilespmem:$0x16C00] =	vst v63  }
0x41a: {  	s14 =	sadd.s32 $0x14C20, s16;
	s17 =	sadd.s32 $0x40, s7  }
0x41b: {  	[hbm4b:s17+s3] =	stream.linear.scatter [tilespmem:s14], [sflag:$0x8], $0x80, $0x38;
	[tilespmem:$0x16C00] =	vst v63  }
.Ltmp15:
0x41c: {  	s14 =	sadd.s32 $0x14CA8, s16;
	s17 =	sadd.s32 $0x50, s7;
	(pc) =	sbr.rel @p0 .LBB2_33-.Ltmp15, $4  }
0x41d: {  	[hbm4b:s17+s3] =	stream.linear.scatter [tilespmem:s14], [sflag:$0x8], $0x80, $0x38;
	[tilespmem:$0x16C00] =	vst v63  }
0x41e: {  	s14 =	sadd.s32 $0x14D30, s16;
	s17 =	sadd.s32 $0x60, s7;
	s16 =	sadd.s32 $0x14DB8, s16  }
0x41f: {  	[hbm4b:s17+s3] =	stream.linear.scatter [tilespmem:s14], [sflag:$0x8], $0x80, $0x38;
	[tilespmem:$0x16C00] =	vst v63  }
0x420: {  	s17 =	sadd.s32 $0x70, s7;
	s7 =	sadd.s32 $0x1000, s7;
	s14 =	smov.u32 s22  }
0x421: {  	[hbm4b:s17+s3] =	stream.linear.scatter [tilespmem:s16], [sflag:$0x8], $0x80, $0x38;
	[tilespmem:$0x16C00] =	vst v63  }
0x422: {  	s14 =	sadd.s32 $0x14A00, s2  }
0x423: {  	[hbm4b:s7+s3] =	stream.linear.scatter [tilespmem:s14], [sflag:$0x8], $0x80, $0x38;
	[tilespmem:$0x16C00] =	vst v63  }
0x424: {  	s16 =	sadd.s32 $0x14A88, s2;
	s17 =	sadd.s32 $0x10, s7  }
0x425: {  	[hbm4b:s17+s3] =	stream.linear.scatter [tilespmem:s16], [sflag:$0x8], $0x80, $0x38;
	[tilespmem:$0x16C00] =	vst v63  }
0x426: {  	s22 =	sadd.s32 $0x14B10, s2;
	s23 =	sadd.s32 $0x20, s7  }
0x427: {  	[hbm4b:s23+s3] =	stream.linear.scatter [tilespmem:s22], [sflag:$0x8], $0x80, $0x38;
	[tilespmem:$0x16C00] =	vst v63  }
0x428: {  	s16 =	sadd.s32 $0x14B98, s2;
	s17 =	sadd.s32 $0x30, s7  }
0x429: {  	[hbm4b:s17+s3] =	stream.linear.scatter [tilespmem:s16], [sflag:$0x8], $0x80, $0x38;
	[tilespmem:$0x16C00] =	vst v63  }
0x42a: {  	s22 =	sadd.s32 $0x14C20, s2;
	s23 =	sadd.s32 $0x40, s7  }
0x42b: {  	[hbm4b:s23+s3] =	stream.linear.scatter [tilespmem:s22], [sflag:$0x8], $0x80, $0x38;
	[tilespmem:$0x16C00] =	vst v63  }
0x42c: {  	s16 =	sadd.s32 $0x14CA8, s2;
	s17 =	sadd.s32 $0x50, s7  }
0x42d: {  	[hbm4b:s17+s3] =	stream.linear.scatter [tilespmem:s16], [sflag:$0x8], $0x80, $0x38;
	[tilespmem:$0x16C00] =	vst v63  }
0x42e: {  	p0 =	sne.s32 s13, $0x30;
	s22 =	sadd.s32 $0x14D30, s2;
	s23 =	sadd.s32 $0x60, s7  }
0x42f: {  	[hbm4b:s23+s3] =	stream.linear.scatter [tilespmem:s22], [sflag:$0x8], $0x80, $0x38;
	[tilespmem:$0x16C00] =	vst v63  }
.Ltmp16:
0x430: {  	_ = 	snop;
	(pc) =	sbr.rel @p0 .LBB2_18-.Ltmp16, $4  }
0x431: {  	s17 =	sadd.s32 $0x14DB8, s2;
	s22 =	sadd.s32 $0x70, s7  }
0x432: {  	[hbm4b:s22+s3] =	stream.linear.scatter [tilespmem:s17], [sflag:$0x8], $0x80, $0x38;
	[tilespmem:$0x16C00] =	vst v63  }
0x433: {  	s23 =	sadd.s32 $0x380, s15  }
0x434: {  	[tilespmem:s28], [sflag:$0x4] =	stream.indirect.gather [hbm4b:s4+s19], $0x40, s23, s19, $0xb8;
	[tilespmem:$0x16C00] =	vst v63  }
0x435: {  	_ =	swait.ge [sflag:s29], $0x2000  }
0x436: {  	[sflag:s29] =	ssyncset.done $0x0  }
0x437: {  	[sflag:s29] =	ssyncadd.s32 $0xFFFFE000  }
0x438: {  	s2 =	simm.s32 $0x3;
	_ =	swait.ge [sflag:s6], $0x2000  }
0x439: {  	s14 =	simm.s32 $0x0;
	v4 =	vmov s2;
	[sflag:s6] =	ssyncset.done $0x0  }
0x43a: {  	s13 =	simm.s32 $0x6480;
	s15 =	simm.s32 $0x1;
	v5 =	vand.u32 $0x7F, v4;
	v4 =	vmov s14;
	[sflag:s6] =	ssyncadd.s32 $0xFFFFE000  }
0x43b: {  	v8 =	vadd.s32 v0, v5;
	v6 =	vand.u32 $0x7C, v4;
	v4 =	vmov s15;
	v7 =	vld [tilespmem:s13+$0x40]  }
0x43c: {  	v10 =	vadd.s32 v0, v6;
	v11 =	vand.u32 $0x7D, v4;
	v9 =	vld [tilespmem:s13+$0xFFFFFF80]  }
0x43d: {  	s16 =	simm.s32 $0x2;
	v12 =	vadd.s32 v0, v11;
	v4 =	vld [tilespmem:s13+$0xFFFFFFC0]  }
0x43e: {  	v13 =	vmov s16  }
0x43f: {  	v13 =	vand.u32 $0x7E, v13  }
0x440: {  	v15 =	vadd.s32 v0, v13;
	v14 =	vld [tilespmem:s13+$0x0];
	[tilespmem:v8+s30+$0x0] =	vst.idx.msk $0xffff, v7  }
0x441: {  	v8 =	vadd.s32 v1, v5;
	[tilespmem:v10+s30+$0x0] =	vst.idx.msk $0xffff, v9;
	v7 =	vld [tilespmem:s13+$0x50]  }
0x442: {  	v10 =	vadd.s32 v1, v6;
	[tilespmem:v12+s30+$0x0] =	vst.idx.msk $0xffff, v4;
	v9 =	vld [tilespmem:s13+$0xFFFFFF90]  }
0x443: {  	v12 =	vadd.s32 v1, v11;
	v4 =	vld [tilespmem:s13+$0xFFFFFFD0];
	_ =	sdelay $0x1  }
0x444: {  	[tilespmem:v15+s30+$0x0] =	vst.idx.msk $0xffff, v14  }
0x445: {  	v16 =	vadd.s32 v1, v13;
	v15 =	vld [tilespmem:s13+$0x10];
	[tilespmem:v8+s30+$0x0] =	vst.idx.msk $0xffff, v7  }
0x446: {  	s17 =	simm.s32 $0x7;
	v14 =	vadd.s32 v2, v5;
	[tilespmem:v10+s30+$0x0] =	vst.idx.msk $0xffff, v9;
	v7 =	vld [tilespmem:s13+$0x60]  }
0x447: {  	v10 =	vadd.s32 v2, v6;
	v8 =	vmov s17;
	[tilespmem:v12+s30+$0x0] =	vst.idx.msk $0xffff, v4;
	v9 =	vld [tilespmem:s13+$0xFFFFFFA0]  }
0x448: {  	s12 =	simm.s32 $0x6580;
	v17 =	vadd.s32 v2, v11;
	v8 =	vand.u32 $0x7F, v8;
	v12 =	vld [tilespmem:s13+$0xFFFFFFE0]  }
0x449: {  	s7 =	simm.s32 $0x4;
	v18 =	vld [tilespmem:s12+$0x40];
	v19 =	vadd.s32 v0, v8  }
0x44a: {  	s22 =	simm.s32 $0x5;
	v4 =	vmov s7;
	[tilespmem:v16+s30+$0x0] =	vst.idx.msk $0xffff, v15  }
0x44b: {  	v22 =	vmov s22;
	v4 =	vand.u32 $0x7C, v4;
	[tilespmem:v14+s30+$0x0] =	vst.idx.msk $0xffff, v7  }
0x44c: {  	s23 =	simm.s32 $0x6;
	v20 =	vld [tilespmem:s12+$0xFFFFFF80];
	v21 =	vadd.s32 v0, v4;
	v7 =	vand.u32 $0x7D, v22;
	[tilespmem:v10+s30+$0x0] =	vst.idx.msk $0xffff, v9  }
0x44d: {  	v14 =	vmov s23;
	v9 =	vld [tilespmem:s12+$0xFFFFFFC0];
	[tilespmem:v17+s30+$0x0] =	vst.idx.msk $0xffff, v12;
	v10 =	vadd.s32 v0, v7  }
0x44e: {  	v16 =	vadd.s32 v3, v5;
	v12 =	vld [tilespmem:s13+$0x20];
	v5 =	vand.u32 $0x7E, v14;
	[tilespmem:v19+s30+$0x0] =	vst.idx.msk $0xffff, v18;
	v18 =	vadd.s32 v2, v13  }
0x44f: {  	v14 =	vld [tilespmem:s12+$0x0];
	v63 =	vadd.s32 v0, v5  }
0x450: {  	v15 =	vld [tilespmem:s13+$0x70]  }
0x451: {  	[tilespmem:v21+s30+$0x0] =	vst.idx.msk $0xffff, v20;
	v20 =	vadd.s32 v1, v8;
	v19 =	vld [tilespmem:s12+$0x50]  }
0x452: {  	v23 =	vadd.s32 v1, v4;
	v21 =	vld [tilespmem:s12+$0xFFFFFF90];
	[tilespmem:v10+s30+$0x0] =	vst.idx.msk $0xffff, v9  }
0x453: {  	v25 =	vadd.s32 v3, v11;
	v24 =	vld [tilespmem:s13+$0xFFFFFFF0];
	[tilespmem:v18+s30+$0x0] =	vst.idx.msk $0xffff, v12  }
0x454: {  	v18 =	vadd.s32 v1, v7;
	v17 =	vld [tilespmem:s12+$0xFFFFFFD0];
	[tilespmem:v63+s30+$0x0] =	vst.idx.msk $0xffff, v14  }
0x455: {  	[tilespmem:v16+s30+$0x0] =	vst.idx.msk $0xffff, v15;
	v16 =	vadd.s32 v1, v5;
	v15 =	vld [tilespmem:s12+$0x10]  }
0x456: {  	[tilespmem:v20+s30+$0x0] =	vst.idx.msk $0xffff, v19;
	v11 =	vld [tilespmem:s13+$0x30];
	v14 =	vadd.s32 v3, v13  }
0x457: {  	v12 =	vadd.s32 v2, v8;
	[tilespmem:v23+s30+$0x0] =	vst.idx.msk $0xffff, v21;
	v9 =	vld [tilespmem:s12+$0x60]  }
0x458: {  	s2 =	simm.s32 $0xC;
	s14 =	simm.s32 $0xB;
	s7 =	simm.s32 $0x8;
	[tilespmem:v25+s30+$0x0] =	vst.idx.msk $0xffff, v24;
	v13 =	vadd.s32 v2, v4;
	v10 =	vld [tilespmem:s12+$0xFFFFFFA0]  }
.LBB2_36:
0x459: {  	p0 =	slt.u32 s2, $0x7C;
	v19 =	vmov s14;
	[tilespmem:v18+s30+$0x0] =	vst.idx.msk $0xffff, v17;
	v17 =	vld [tilespmem:s13+$0xFFFFFFB0];
	v18 =	vadd.s32 v3, v6;
	v6 =	vmov v4;
	s13 =	smov.u32 s12  }
0x45a: {  	v4 =	vmov s7;
	v21 =	vadd.s32 v2, v7;
	s12 =	sadd.s32 $0x100, s12;
	v19 =	vand.u32 $0x7F, v19;
	v20 =	vld [tilespmem:s13+$0xFFFFFFE0];
	[tilespmem:v16+s30+$0x0] =	vst.idx.msk $0xffff, v15  }
0x45b: {  	s14 =	sadd.s32 $0x1, s7;
	v4 =	vand.u32 $0x7C, v4;
	v15 =	vld [tilespmem:s12+$0x40];
	v16 =	vadd.s32 v0, v19;
	[tilespmem:v14+s30+$0x0] =	vst.idx.msk $0xffff, v11  }
0x45c: {  	v22 =	vmov s14;
	s14 =	sadd.s32 $0x2, s7;
	s7 =	smov.u32 s2;
	v14 =	vadd.s32 v0, v4;
	v11 =	vld [tilespmem:s12+$0xFFFFFF80];
	[tilespmem:v12+s30+$0x0] =	vst.idx.msk $0xffff, v9  }
0x45d: {  	v9 =	vand.u32 $0x7D, v22;
	v12 =	vmov s14;
	[tilespmem:v13+s30+$0x0] =	vst.idx.msk $0xffff, v10;
	v10 =	vld [tilespmem:s13+$0x70];
	v13 =	vadd.s32 v3, v8;
	v8 =	vmovc v19  }
0x45e: {  	v22 =	vadd.s32 v0, v9;
	v12 =	vand.u32 $0x7E, v12;
	v19 =	vld [tilespmem:s12+$0xFFFFFFC0];
	[tilespmem:v18+s30+$0x0] =	vst.idx.msk $0xffff, v17  }
0x45f: {  	v24 =	vadd.s32 v0, v12;
	v23 =	vld [tilespmem:s12+$0x0];
	[tilespmem:v21+s30+$0x0] =	vst.idx.msk $0xffff, v20  }
0x460: {  	v21 =	vadd.s32 v2, v5;
	[tilespmem:v16+s30+$0x0] =	vst.idx.msk $0xffff, v15;
	v20 =	vld [tilespmem:s13+$0x20]  }
0x461: {  	[tilespmem:v14+s30+$0x0] =	vst.idx.msk $0xffff, v11;
	v11 =	vld [tilespmem:s12+$0x50];
	v14 =	vadd.s32 v1, v8  }
0x462: {  	v26 =	vadd.s32 v1, v4;
	v25 =	vld [tilespmem:s12+$0xFFFFFF90];
	[tilespmem:v13+s30+$0x0] =	vst.idx.msk $0xffff, v10  }
0x463: {  	[tilespmem:v22+s30+$0x0] =	vst.idx.msk $0xffff, v19;
	v19 =	vld [tilespmem:s13+$0xFFFFFFF0];
	v22 =	vadd.s32 v3, v7;
	v7 =	vmov v9  }
.Ltmp17:
0x464: {  	v17 =	vld [tilespmem:s12+$0xFFFFFFD0];
	v18 =	vadd.s32 v1, v7;
	[tilespmem:v24+s30+$0x0] =	vst.idx.msk $0xffff, v23;
	(pc) =	sbr.rel @p0 .LBB2_36-.Ltmp17, $4  }
0x465: {  	v16 =	vadd.s32 v1, v12;
	v15 =	vld [tilespmem:s12+$0x10];
	[tilespmem:v21+s30+$0x0] =	vst.idx.msk $0xffff, v20  }
0x466: {  	[tilespmem:v14+s30+$0x0] =	vst.idx.msk $0xffff, v11;
	v11 =	vld [tilespmem:s13+$0x30];
	v14 =	vadd.s32 v3, v5;
	v5 =	vmov v12  }
0x467: {  	v12 =	vadd.s32 v2, v8;
	[tilespmem:v26+s30+$0x0] =	vst.idx.msk $0xffff, v25;
	v9 =	vld [tilespmem:s12+$0x60]  }
0x468: {  	s2 =	sadd.s32 $0x4, s2;
	s14 =	sadd.s32 $0x3, s7;
	v13 =	vadd.s32 v2, v4;
	v10 =	vld [tilespmem:s12+$0xFFFFFFA0];
	[tilespmem:v22+s30+$0x0] =	vst.idx.msk $0xffff, v19  }
0x469: {  	_ =	sdelay $0x2  }
0x46a: {  	v19 =	vmov s14  }
0x46b: {  	s22 =	sadd.s32 $0x1, s7;
	[tilespmem:v18+s30+$0x0] =	vst.idx.msk $0xffff, v17;
	v30 =	vld [tilespmem:s13+$0xFFFFFFB0];
	v6 =	vadd.s32 v3, v6;
	s2 =	sadd.s32 $0x100, s12;
	v21 =	vmov s7;
	v31 =	vand.u32 $0x7F, v19  }
0x46c: {  	s23 =	sadd.s32 $0x2, s7;
	v32 =	vmov s22;
	[tilespmem:v16+s30+$0x0] =	vst.idx.msk $0xffff, v15;
	v33 =	vld [tilespmem:s2+$0x40];
	v21 =	vand.u32 $0x7C, v21;
	v34 =	vadd.s32 v0, v31  }
0x46d: {  	v20 =	vmov s23;
	v22 =	vld [tilespmem:s2+$0xFFFFFF80];
	v19 =	vand.u32 $0x7D, v32;
	[tilespmem:v14+s30+$0x0] =	vst.idx.msk $0xffff, v11;
	v39 =	vadd.s32 v0, v21  }
0x46e: {  	v35 =	vld [tilespmem:s2+$0xFFFFFFC0];
	v20 =	vand.u32 $0x7E, v20;
	v36 =	vadd.s32 v0, v19;
	[tilespmem:v12+s30+$0x0] =	vst.idx.msk $0xffff, v9  }
0x46f: {  	v37 =	vld [tilespmem:s2+$0x0];
	v38 =	vadd.s32 v0, v20;
	[tilespmem:v13+s30+$0x0] =	vst.idx.msk $0xffff, v10  }
0x470: {  	v41 =	vadd.s32 v2, v7;
	v40 =	vld [tilespmem:s12+$0xFFFFFFE0];
	[tilespmem:v6+s30+$0x0] =	vst.idx.msk $0xffff, v30  }
0x471: {  	v49 =	vadd.s32 v2, v5;
	v48 =	vld [tilespmem:s12+$0x20];
	[tilespmem:v34+s30+$0x0] =	vst.idx.msk $0xffff, v33  }
0x472: {  	v43 =	vadd.s32 v1, v31;
	[tilespmem:v39+s30+$0x0] =	vst.idx.msk $0xffff, v22;
	v15 =	vld [tilespmem:s2+$0x50]  }
0x473: {  	v47 =	vadd.s32 v1, v21;
	[tilespmem:v36+s30+$0x0] =	vst.idx.msk $0xffff, v35;
	v46 =	vld [tilespmem:s2+$0xFFFFFF90]  }
0x474: {  	v44 =	vadd.s32 v1, v19;
	[tilespmem:v38+s30+$0x0] =	vst.idx.msk $0xffff, v37;
	v11 =	vld [tilespmem:s2+$0xFFFFFFD0]  }
0x475: {  	v45 =	vadd.s32 v1, v20;
	[tilespmem:v41+s30+$0x0] =	vst.idx.msk $0xffff, v40;
	v9 =	vld [tilespmem:s2+$0x10]  }
0x476: {  	v8 =	vadd.s32 v3, v8;
	v42 =	vld [tilespmem:s12+$0x70];
	[tilespmem:v49+s30+$0x0] =	vst.idx.msk $0xffff, v48  }
0x477: {  	v5 =	vadd.s32 v3, v5;
	v13 =	vld [tilespmem:s12+$0x30];
	[tilespmem:v43+s30+$0x0] =	vst.idx.msk $0xffff, v15  }
0x478: {  	v52 =	vadd.s32 v2, v31;
	[tilespmem:v47+s30+$0x0] =	vst.idx.msk $0xffff, v46;
	v15 =	vld [tilespmem:s2+$0x60]  }
0x479: {  	v57 =	vadd.s32 v2, v21;
	[tilespmem:v44+s30+$0x0] =	vst.idx.msk $0xffff, v11;
	v56 =	vld [tilespmem:s2+$0xFFFFFFA0]  }
0x47a: {  	v53 =	vadd.s32 v2, v19;
	[tilespmem:v45+s30+$0x0] =	vst.idx.msk $0xffff, v9;
	v11 =	vld [tilespmem:s2+$0xFFFFFFE0]  }
0x47b: {  	v55 =	vadd.s32 v2, v20;
	[tilespmem:v8+s30+$0x0] =	vst.idx.msk $0xffff, v42;
	v54 =	vld [tilespmem:s2+$0x20]  }
0x47c: {  	v4 =	vadd.s32 v3, v4;
	v58 =	vld [tilespmem:s12+$0xFFFFFFB0];
	[tilespmem:v5+s30+$0x0] =	vst.idx.msk $0xffff, v13  }
0x47d: {  	v51 =	vadd.s32 v3, v7;
	v50 =	vld [tilespmem:s12+$0xFFFFFFF0];
	[tilespmem:v52+s30+$0x0] =	vst.idx.msk $0xffff, v15  }
0x47e: {  	v60 =	vadd.s32 v3, v31;
	[tilespmem:v57+s30+$0x0] =	vst.idx.msk $0xffff, v56;
	v59 =	vld [tilespmem:s2+$0x70]  }
0x47f: {  	v63 =	vadd.s32 v3, v21;
	[tilespmem:v53+s30+$0x0] =	vst.idx.msk $0xffff, v11;
	v5 =	vld [tilespmem:s2+$0xFFFFFFB0]  }
0x480: {  	v61 =	vadd.s32 v3, v19;
	[tilespmem:v55+s30+$0x0] =	vst.idx.msk $0xffff, v54;
	v11 =	vld [tilespmem:s2+$0xFFFFFFF0]  }
0x481: {  	v62 =	vadd.s32 v3, v20;
	[tilespmem:v4+s30+$0x0] =	vst.idx.msk $0xffff, v58;
	v6 =	vld [tilespmem:s2+$0x30]  }
0x482: {  	[tilespmem:v51+s30+$0x0] =	vst.idx.msk $0xffff, v50  }
0x483: {  	[tilespmem:v60+s30+$0x0] =	vst.idx.msk $0xffff, v59  }
0x484: {  	[tilespmem:v63+s30+$0x0] =	vst.idx.msk $0xffff, v5  }
0x485: {  	[tilespmem:v61+s30+$0x0] =	vst.idx.msk $0xffff, v11  }
0x486: {  	[tilespmem:v62+s30+$0x0] =	vst.idx.msk $0xffff, v6  }
0x487: {  	s14 =	simm.s32 $0xE400;
	s15 =	rddreg [dreg:$0x8]  }
0x488: {  	[hbm4b:s15+s3] =	stream.linear.scatter [tilespmem:s14], [sflag:$0x5], $0x80, $0x38;
	[tilespmem:$0x16C00] =	vst v63  }
0x489: {  	s16 =	simm.s32 $0xE488;
	s17 =	sadd.s32 $0x10, s15  }
0x48a: {  	[hbm4b:s17+s3] =	stream.linear.scatter [tilespmem:s16], [sflag:$0x5], $0x80, $0x38;
	[tilespmem:$0x16C00] =	vst v63  }
0x48b: {  	s7 =	simm.s32 $0xE598;
	s22 =	simm.s32 $0xE510;
	s23 =	sadd.s32 $0x20, s15  }
0x48c: {  	[hbm4b:s23+s3] =	stream.linear.scatter [tilespmem:s22], [sflag:$0x5], $0x80, $0x38;
	[tilespmem:$0x16C00] =	vst v63  }
0x48d: {  	s13 =	simm.s32 $0xE620;
	s2 =	simm.s32 $0x440;
	s12 =	sadd.s32 $0x30, s15  }
0x48e: {  	[hbm4b:s12+s3] =	stream.linear.scatter [tilespmem:s7], [sflag:$0x5], $0x80, $0x38;
	[tilespmem:$0x16C00] =	vst v63  }
0x48f: {  	s14 =	sadd.s32 $0x40, s15;
	s16 =	simm.s32 $0xE6A8;
	s17 =	sadd.s32 $0x50, s15  }
0x490: {  	[hbm4b:s14+s3] =	stream.linear.scatter [tilespmem:s13], [sflag:$0x5], $0x80, $0x38;
	[tilespmem:$0x16C00] =	vst v63  }
0x491: {  	s22 =	simm.s32 $0xE730;
	s23 =	sadd.s32 $0x60, s15;
	s12 =	simm.s32 $0x2200  }
0x492: {  	[hbm4b:s17+s3] =	stream.linear.scatter [tilespmem:s16], [sflag:$0x5], $0x80, $0x38;
	[tilespmem:$0x16C00] =	vst v63  }
0x493: {  	s7 =	sadd.s32 $0x1000, s15;
	s13 =	simm.s32 $0xE7B8;
	s14 =	sadd.s32 $0x70, s15  }
0x494: {  	[hbm4b:s23+s3] =	stream.linear.scatter [tilespmem:s22], [sflag:$0x5], $0x80, $0x38;
	[tilespmem:$0x16C00] =	vst v63  }
.LBB2_38:
0x495: {  	[hbm4b:s14+s3] =	stream.linear.scatter [tilespmem:s13], [sflag:$0x5], $0x80, $0x38;
	[tilespmem:$0x16C00] =	vst v63  }
0x496: {  	s13 =	smov.u32 s2;
	s2 =	smov.u32 s12  }
0x497: {  	s15 =	sadd.s32 $0x1100, s12;
	s2 =	sshra.s32 s2, $0x2;
	s14 =	sadd.s32 $0xE400, s13  }
0x498: {  	[hbm4b:s7+s3] =	stream.linear.scatter [tilespmem:s14], [sflag:$0x5], $0x80, $0x38;
	[tilespmem:$0x16C00] =	vst v63  }
0x499: {  	p0 =	sne.s32 s12, $0x7700;
	s12 =	sadd.s32 $0xE488, s13;
	s14 =	sadd.s32 $0x10, s7  }
0x49a: {  	[hbm4b:s14+s3] =	stream.linear.scatter [tilespmem:s12], [sflag:$0x5], $0x80, $0x38;
	[tilespmem:$0x16C00] =	vst v63  }
0x49b: {  	s12 =	sadd.s32 $0xE510, s13;
	s14 =	sadd.s32 $0x20, s7  }
0x49c: {  	[hbm4b:s14+s3] =	stream.linear.scatter [tilespmem:s12], [sflag:$0x5], $0x80, $0x38;
	[tilespmem:$0x16C00] =	vst v63  }
0x49d: {  	s12 =	sadd.s32 $0xE598, s13;
	s14 =	sadd.s32 $0x30, s7  }
0x49e: {  	[hbm4b:s14+s3] =	stream.linear.scatter [tilespmem:s12], [sflag:$0x5], $0x80, $0x38;
	[tilespmem:$0x16C00] =	vst v63  }
0x49f: {  	s12 =	sadd.s32 $0xE620, s13;
	s14 =	sadd.s32 $0x40, s7  }
0x4a0: {  	[hbm4b:s14+s3] =	stream.linear.scatter [tilespmem:s12], [sflag:$0x5], $0x80, $0x38;
	[tilespmem:$0x16C00] =	vst v63  }
.Ltmp18:
0x4a1: {  	s12 =	sadd.s32 $0xE6A8, s13;
	s14 =	sadd.s32 $0x50, s7;
	(pc) =	sbr.rel @p0 .LBB2_38-.Ltmp18, $4  }
0x4a2: {  	[hbm4b:s14+s3] =	stream.linear.scatter [tilespmem:s12], [sflag:$0x5], $0x80, $0x38;
	[tilespmem:$0x16C00] =	vst v63  }
0x4a3: {  	s12 =	sadd.s32 $0xE730, s13;
	s14 =	sadd.s32 $0x60, s7;
	s13 =	sadd.s32 $0xE7B8, s13  }
0x4a4: {  	[hbm4b:s14+s3] =	stream.linear.scatter [tilespmem:s12], [sflag:$0x5], $0x80, $0x38;
	[tilespmem:$0x16C00] =	vst v63  }
0x4a5: {  	s14 =	sadd.s32 $0x70, s7;
	s7 =	sadd.s32 $0x1000, s7;
	s12 =	smov.u32 s15  }
0x4a6: {  	[hbm4b:s14+s3] =	stream.linear.scatter [tilespmem:s13], [sflag:$0x5], $0x80, $0x38;
	[tilespmem:$0x16C00] =	vst v63  }
0x4a7: {  	s12 =	sadd.s32 $0xE400, s2  }
0x4a8: {  	[hbm4b:s7+s3] =	stream.linear.scatter [tilespmem:s12], [sflag:$0x5], $0x80, $0x38;
	[tilespmem:$0x16C00] =	vst v63  }
0x4a9: {  	s22 =	sadd.s32 $0xE488, s2;
	s23 =	sadd.s32 $0x10, s7  }
0x4aa: {  	[hbm4b:s23+s3] =	stream.linear.scatter [tilespmem:s22], [sflag:$0x5], $0x80, $0x38;
	[tilespmem:$0x16C00] =	vst v63  }
0x4ab: {  	s14 =	sadd.s32 $0xE510, s2;
	s15 =	sadd.s32 $0x20, s7  }
0x4ac: {  	[hbm4b:s15+s3] =	stream.linear.scatter [tilespmem:s14], [sflag:$0x5], $0x80, $0x38;
	[tilespmem:$0x16C00] =	vst v63  }
0x4ad: {  	s16 =	sadd.s32 $0xE598, s2;
	s17 =	sadd.s32 $0x30, s7  }
0x4ae: {  	[hbm4b:s17+s3] =	stream.linear.scatter [tilespmem:s16], [sflag:$0x5], $0x80, $0x38;
	[tilespmem:$0x16C00] =	vst v63  }
0x4af: {  	s22 =	sadd.s32 $0xE620, s2;
	s23 =	sadd.s32 $0x40, s7  }
0x4b0: {  	[hbm4b:s23+s3] =	stream.linear.scatter [tilespmem:s22], [sflag:$0x5], $0x80, $0x38;
	[tilespmem:$0x16C00] =	vst v63  }
0x4b1: {  	s14 =	sadd.s32 $0xE6A8, s2;
	s15 =	sadd.s32 $0x50, s7  }
0x4b2: {  	[hbm4b:s15+s3] =	stream.linear.scatter [tilespmem:s14], [sflag:$0x5], $0x80, $0x38;
	[tilespmem:$0x16C00] =	vst v63  }
0x4b3: {  	s16 =	sadd.s32 $0xE730, s2;
	s17 =	sadd.s32 $0x60, s7  }
0x4b4: {  	[hbm4b:s17+s3] =	stream.linear.scatter [tilespmem:s16], [sflag:$0x5], $0x80, $0x38;
	[tilespmem:$0x16C00] =	vst v63  }
0x4b5: {  	s22 =	sadd.s32 $0xE7B8, s2;
	s23 =	sadd.s32 $0x70, s7  }
0x4b6: {  	[hbm4b:s23+s3] =	stream.linear.scatter [tilespmem:s22], [sflag:$0x5], $0x80, $0x38;
	[tilespmem:$0x16C00] =	vst v63  }
0x4b7: {  	_ =	swait.ge [sflag:s1], $0x2000  }
0x4b8: {  	[sflag:s1] =	ssyncset.done $0x0  }
0x4b9: {  	[sflag:s1] =	ssyncadd.s32 $0xFFFFE000  }
0x4ba: {  	s7 =	simm.s32 $0x3;
	_ =	swait.ge [sflag:s18], $0x2000  }
0x4bb: {  	s12 =	simm.s32 $0x0;
	v4 =	vmov s7;
	[sflag:s18] =	ssyncset.done $0x0  }
0x4bc: {  	s13 =	simm.s32 $0x8480;
	v5 =	vand.u32 $0x7F, v4;
	v4 =	vmov s12;
	s14 =	simm.s32 $0x1;
	[sflag:s18] =	ssyncadd.s32 $0xFFFFE000  }
0x4bd: {  	v8 =	vadd.s32 v0, v5;
	v6 =	vand.u32 $0x7C, v4;
	v4 =	vmov s14;
	v7 =	vld [tilespmem:s13+$0x40]  }
0x4be: {  	v10 =	vadd.s32 v0, v6;
	v11 =	vand.u32 $0x7D, v4;
	v9 =	vld [tilespmem:s13+$0xFFFFFF80]  }
0x4bf: {  	s15 =	simm.s32 $0x2;
	v12 =	vadd.s32 v0, v11;
	v4 =	vld [tilespmem:s13+$0xFFFFFFC0]  }
0x4c0: {  	v13 =	vmov s15  }
0x4c1: {  	v13 =	vand.u32 $0x7E, v13  }
0x4c2: {  	v15 =	vadd.s32 v0, v13;
	v14 =	vld [tilespmem:s13+$0x0];
	[tilespmem:v8+s0+$0x0] =	vst.idx.msk $0xffff, v7  }
0x4c3: {  	v8 =	vadd.s32 v1, v5;
	[tilespmem:v10+s0+$0x0] =	vst.idx.msk $0xffff, v9;
	v7 =	vld [tilespmem:s13+$0x50]  }
0x4c4: {  	v10 =	vadd.s32 v1, v6;
	[tilespmem:v12+s0+$0x0] =	vst.idx.msk $0xffff, v4;
	v9 =	vld [tilespmem:s13+$0xFFFFFF90]  }
0x4c5: {  	v12 =	vadd.s32 v1, v11;
	v4 =	vld [tilespmem:s13+$0xFFFFFFD0];
	_ =	sdelay $0x1  }
0x4c6: {  	[tilespmem:v15+s0+$0x0] =	vst.idx.msk $0xffff, v14  }
0x4c7: {  	v16 =	vadd.s32 v1, v13;
	v15 =	vld [tilespmem:s13+$0x10];
	[tilespmem:v8+s0+$0x0] =	vst.idx.msk $0xffff, v7  }
0x4c8: {  	s16 =	simm.s32 $0x7;
	v14 =	vadd.s32 v2, v5;
	[tilespmem:v10+s0+$0x0] =	vst.idx.msk $0xffff, v9;
	v7 =	vld [tilespmem:s13+$0x60]  }
0x4c9: {  	v10 =	vadd.s32 v2, v6;
	v8 =	vmov s16;
	[tilespmem:v12+s0+$0x0] =	vst.idx.msk $0xffff, v4;
	v9 =	vld [tilespmem:s13+$0xFFFFFFA0]  }
0x4ca: {  	s12 =	simm.s32 $0x8580;
	v17 =	vadd.s32 v2, v11;
	v8 =	vand.u32 $0x7F, v8;
	v12 =	vld [tilespmem:s13+$0xFFFFFFE0]  }
0x4cb: {  	s17 =	simm.s32 $0x4;
	v18 =	vld [tilespmem:s12+$0x40];
	v19 =	vadd.s32 v0, v8  }
0x4cc: {  	s22 =	simm.s32 $0x5;
	v4 =	vmov s17;
	[tilespmem:v16+s0+$0x0] =	vst.idx.msk $0xffff, v15  }
0x4cd: {  	v22 =	vmov s22;
	v4 =	vand.u32 $0x7C, v4;
	[tilespmem:v14+s0+$0x0] =	vst.idx.msk $0xffff, v7  }
0x4ce: {  	s23 =	simm.s32 $0x6;
	v20 =	vld [tilespmem:s12+$0xFFFFFF80];
	v21 =	vadd.s32 v0, v4;
	v7 =	vand.u32 $0x7D, v22;
	[tilespmem:v10+s0+$0x0] =	vst.idx.msk $0xffff, v9  }
0x4cf: {  	v14 =	vmov s23;
	v9 =	vld [tilespmem:s12+$0xFFFFFFC0];
	[tilespmem:v17+s0+$0x0] =	vst.idx.msk $0xffff, v12;
	v10 =	vadd.s32 v0, v7  }
0x4d0: {  	v16 =	vadd.s32 v3, v5;
	v12 =	vld [tilespmem:s13+$0x20];
	v5 =	vand.u32 $0x7E, v14;
	[tilespmem:v19+s0+$0x0] =	vst.idx.msk $0xffff, v18;
	v18 =	vadd.s32 v2, v13  }
0x4d1: {  	v14 =	vld [tilespmem:s12+$0x0];
	v63 =	vadd.s32 v0, v5  }
0x4d2: {  	v15 =	vld [tilespmem:s13+$0x70]  }
0x4d3: {  	[tilespmem:v21+s0+$0x0] =	vst.idx.msk $0xffff, v20;
	v20 =	vadd.s32 v1, v8;
	v19 =	vld [tilespmem:s12+$0x50]  }
0x4d4: {  	v23 =	vadd.s32 v1, v4;
	v21 =	vld [tilespmem:s12+$0xFFFFFF90];
	[tilespmem:v10+s0+$0x0] =	vst.idx.msk $0xffff, v9  }
0x4d5: {  	v25 =	vadd.s32 v3, v11;
	v24 =	vld [tilespmem:s13+$0xFFFFFFF0];
	[tilespmem:v18+s0+$0x0] =	vst.idx.msk $0xffff, v12  }
0x4d6: {  	v18 =	vadd.s32 v1, v7;
	v17 =	vld [tilespmem:s12+$0xFFFFFFD0];
	[tilespmem:v63+s0+$0x0] =	vst.idx.msk $0xffff, v14  }
0x4d7: {  	[tilespmem:v16+s0+$0x0] =	vst.idx.msk $0xffff, v15;
	v16 =	vadd.s32 v1, v5;
	v15 =	vld [tilespmem:s12+$0x10]  }
0x4d8: {  	[tilespmem:v20+s0+$0x0] =	vst.idx.msk $0xffff, v19;
	v11 =	vld [tilespmem:s13+$0x30];
	v14 =	vadd.s32 v3, v13  }
0x4d9: {  	v12 =	vadd.s32 v2, v8;
	[tilespmem:v23+s0+$0x0] =	vst.idx.msk $0xffff, v21;
	v9 =	vld [tilespmem:s12+$0x60]  }
0x4da: {  	s2 =	simm.s32 $0xC;
	s7 =	simm.s32 $0x8;
	s14 =	simm.s32 $0xB;
	[tilespmem:v25+s0+$0x0] =	vst.idx.msk $0xffff, v24;
	v13 =	vadd.s32 v2, v4;
	v10 =	vld [tilespmem:s12+$0xFFFFFFA0]  }
.LBB2_40:
0x4db: {  	p0 =	slt.u32 s2, $0x7C;
	v19 =	vmov s14;
	[tilespmem:v18+s0+$0x0] =	vst.idx.msk $0xffff, v17;
	v17 =	vld [tilespmem:s13+$0xFFFFFFB0];
	v18 =	vadd.s32 v3, v6;
	v6 =	vmov v4;
	s13 =	smov.u32 s12  }
0x4dc: {  	v4 =	vmov s7;
	v21 =	vadd.s32 v2, v7;
	s12 =	sadd.s32 $0x100, s12;
	v19 =	vand.u32 $0x7F, v19;
	v20 =	vld [tilespmem:s13+$0xFFFFFFE0];
	[tilespmem:v16+s0+$0x0] =	vst.idx.msk $0xffff, v15  }
0x4dd: {  	s14 =	sadd.s32 $0x1, s7;
	v4 =	vand.u32 $0x7C, v4;
	v15 =	vld [tilespmem:s12+$0x40];
	v16 =	vadd.s32 v0, v19;
	[tilespmem:v14+s0+$0x0] =	vst.idx.msk $0xffff, v11  }
0x4de: {  	v22 =	vmov s14;
	s14 =	sadd.s32 $0x2, s7;
	s7 =	smov.u32 s2;
	v14 =	vadd.s32 v0, v4;
	v11 =	vld [tilespmem:s12+$0xFFFFFF80];
	[tilespmem:v12+s0+$0x0] =	vst.idx.msk $0xffff, v9  }
0x4df: {  	v9 =	vand.u32 $0x7D, v22;
	v12 =	vmov s14;
	[tilespmem:v13+s0+$0x0] =	vst.idx.msk $0xffff, v10;
	v10 =	vld [tilespmem:s13+$0x70];
	v13 =	vadd.s32 v3, v8;
	v8 =	vmovc v19  }
0x4e0: {  	v22 =	vadd.s32 v0, v9;
	v12 =	vand.u32 $0x7E, v12;
	v19 =	vld [tilespmem:s12+$0xFFFFFFC0];
	[tilespmem:v18+s0+$0x0] =	vst.idx.msk $0xffff, v17  }
0x4e1: {  	v24 =	vadd.s32 v0, v12;
	v23 =	vld [tilespmem:s12+$0x0];
	[tilespmem:v21+s0+$0x0] =	vst.idx.msk $0xffff, v20  }
0x4e2: {  	v21 =	vadd.s32 v2, v5;
	[tilespmem:v16+s0+$0x0] =	vst.idx.msk $0xffff, v15;
	v20 =	vld [tilespmem:s13+$0x20]  }
0x4e3: {  	[tilespmem:v14+s0+$0x0] =	vst.idx.msk $0xffff, v11;
	v11 =	vld [tilespmem:s12+$0x50];
	v14 =	vadd.s32 v1, v8  }
0x4e4: {  	v26 =	vadd.s32 v1, v4;
	v25 =	vld [tilespmem:s12+$0xFFFFFF90];
	[tilespmem:v13+s0+$0x0] =	vst.idx.msk $0xffff, v10  }
0x4e5: {  	[tilespmem:v22+s0+$0x0] =	vst.idx.msk $0xffff, v19;
	v19 =	vld [tilespmem:s13+$0xFFFFFFF0];
	v22 =	vadd.s32 v3, v7;
	v7 =	vmov v9  }
.Ltmp19:
0x4e6: {  	v17 =	vld [tilespmem:s12+$0xFFFFFFD0];
	v18 =	vadd.s32 v1, v7;
	[tilespmem:v24+s0+$0x0] =	vst.idx.msk $0xffff, v23;
	(pc) =	sbr.rel @p0 .LBB2_40-.Ltmp19, $4  }
0x4e7: {  	v16 =	vadd.s32 v1, v12;
	v15 =	vld [tilespmem:s12+$0x10];
	[tilespmem:v21+s0+$0x0] =	vst.idx.msk $0xffff, v20  }
0x4e8: {  	[tilespmem:v14+s0+$0x0] =	vst.idx.msk $0xffff, v11;
	v11 =	vld [tilespmem:s13+$0x30];
	v14 =	vadd.s32 v3, v5;
	v5 =	vmov v12  }
0x4e9: {  	v12 =	vadd.s32 v2, v8;
	[tilespmem:v26+s0+$0x0] =	vst.idx.msk $0xffff, v25;
	v9 =	vld [tilespmem:s12+$0x60]  }
0x4ea: {  	s2 =	sadd.s32 $0x4, s2;
	s14 =	sadd.s32 $0x3, s7;
	v13 =	vadd.s32 v2, v4;
	v10 =	vld [tilespmem:s12+$0xFFFFFFA0];
	[tilespmem:v22+s0+$0x0] =	vst.idx.msk $0xffff, v19  }
0x4eb: {  	_ =	sdelay $0x2  }
0x4ec: {  	v19 =	vmov s14  }
0x4ed: {  	s22 =	sadd.s32 $0x1, s7;
	[tilespmem:v18+s0+$0x0] =	vst.idx.msk $0xffff, v17;
	v30 =	vld [tilespmem:s13+$0xFFFFFFB0];
	v6 =	vadd.s32 v3, v6;
	s2 =	sadd.s32 $0x100, s12;
	v21 =	vmov s7;
	v31 =	vand.u32 $0x7F, v19  }
0x4ee: {  	s23 =	sadd.s32 $0x2, s7;
	v32 =	vmov s22;
	[tilespmem:v16+s0+$0x0] =	vst.idx.msk $0xffff, v15;
	v33 =	vld [tilespmem:s2+$0x40];
	v21 =	vand.u32 $0x7C, v21;
	v34 =	vadd.s32 v0, v31  }
0x4ef: {  	v20 =	vmov s23;
	v22 =	vld [tilespmem:s2+$0xFFFFFF80];
	v19 =	vand.u32 $0x7D, v32;
	[tilespmem:v14+s0+$0x0] =	vst.idx.msk $0xffff, v11;
	v39 =	vadd.s32 v0, v21  }
0x4f0: {  	v35 =	vld [tilespmem:s2+$0xFFFFFFC0];
	v20 =	vand.u32 $0x7E, v20;
	v36 =	vadd.s32 v0, v19;
	[tilespmem:v12+s0+$0x0] =	vst.idx.msk $0xffff, v9  }
0x4f1: {  	v37 =	vld [tilespmem:s2+$0x0];
	v38 =	vadd.s32 v0, v20;
	[tilespmem:v13+s0+$0x0] =	vst.idx.msk $0xffff, v10  }
0x4f2: {  	v41 =	vadd.s32 v2, v7;
	v40 =	vld [tilespmem:s12+$0xFFFFFFE0];
	[tilespmem:v6+s0+$0x0] =	vst.idx.msk $0xffff, v30  }
0x4f3: {  	v49 =	vadd.s32 v2, v5;
	v48 =	vld [tilespmem:s12+$0x20];
	[tilespmem:v34+s0+$0x0] =	vst.idx.msk $0xffff, v33  }
0x4f4: {  	v43 =	vadd.s32 v1, v31;
	[tilespmem:v39+s0+$0x0] =	vst.idx.msk $0xffff, v22;
	v15 =	vld [tilespmem:s2+$0x50]  }
0x4f5: {  	v47 =	vadd.s32 v1, v21;
	[tilespmem:v36+s0+$0x0] =	vst.idx.msk $0xffff, v35;
	v46 =	vld [tilespmem:s2+$0xFFFFFF90]  }
0x4f6: {  	v44 =	vadd.s32 v1, v19;
	[tilespmem:v38+s0+$0x0] =	vst.idx.msk $0xffff, v37;
	v11 =	vld [tilespmem:s2+$0xFFFFFFD0]  }
0x4f7: {  	v45 =	vadd.s32 v1, v20;
	[tilespmem:v41+s0+$0x0] =	vst.idx.msk $0xffff, v40;
	v9 =	vld [tilespmem:s2+$0x10]  }
0x4f8: {  	v8 =	vadd.s32 v3, v8;
	v42 =	vld [tilespmem:s12+$0x70];
	[tilespmem:v49+s0+$0x0] =	vst.idx.msk $0xffff, v48  }
0x4f9: {  	v5 =	vadd.s32 v3, v5;
	v13 =	vld [tilespmem:s12+$0x30];
	[tilespmem:v43+s0+$0x0] =	vst.idx.msk $0xffff, v15  }
0x4fa: {  	v52 =	vadd.s32 v2, v31;
	[tilespmem:v47+s0+$0x0] =	vst.idx.msk $0xffff, v46;
	v15 =	vld [tilespmem:s2+$0x60]  }
0x4fb: {  	v57 =	vadd.s32 v2, v21;
	[tilespmem:v44+s0+$0x0] =	vst.idx.msk $0xffff, v11;
	v56 =	vld [tilespmem:s2+$0xFFFFFFA0]  }
0x4fc: {  	v53 =	vadd.s32 v2, v19;
	[tilespmem:v45+s0+$0x0] =	vst.idx.msk $0xffff, v9;
	v11 =	vld [tilespmem:s2+$0xFFFFFFE0]  }
0x4fd: {  	v55 =	vadd.s32 v2, v20;
	[tilespmem:v8+s0+$0x0] =	vst.idx.msk $0xffff, v42;
	v54 =	vld [tilespmem:s2+$0x20]  }
0x4fe: {  	v4 =	vadd.s32 v3, v4;
	v58 =	vld [tilespmem:s12+$0xFFFFFFB0];
	[tilespmem:v5+s0+$0x0] =	vst.idx.msk $0xffff, v13  }
0x4ff: {  	v51 =	vadd.s32 v3, v7;
	v50 =	vld [tilespmem:s12+$0xFFFFFFF0];
	[tilespmem:v52+s0+$0x0] =	vst.idx.msk $0xffff, v15  }
0x500: {  	v60 =	vadd.s32 v3, v31;
	[tilespmem:v57+s0+$0x0] =	vst.idx.msk $0xffff, v56;
	v59 =	vld [tilespmem:s2+$0x70]  }
0x501: {  	v63 =	vadd.s32 v3, v21;
	[tilespmem:v53+s0+$0x0] =	vst.idx.msk $0xffff, v11;
	v5 =	vld [tilespmem:s2+$0xFFFFFFB0]  }
0x502: {  	v61 =	vadd.s32 v3, v19;
	[tilespmem:v55+s0+$0x0] =	vst.idx.msk $0xffff, v54;
	v11 =	vld [tilespmem:s2+$0xFFFFFFF0]  }
0x503: {  	v62 =	vadd.s32 v3, v20;
	[tilespmem:v4+s0+$0x0] =	vst.idx.msk $0xffff, v58;
	v6 =	vld [tilespmem:s2+$0x30]  }
0x504: {  	[tilespmem:v51+s0+$0x0] =	vst.idx.msk $0xffff, v50  }
0x505: {  	[tilespmem:v60+s0+$0x0] =	vst.idx.msk $0xffff, v59  }
0x506: {  	[tilespmem:v63+s0+$0x0] =	vst.idx.msk $0xffff, v5  }
0x507: {  	[tilespmem:v61+s0+$0x0] =	vst.idx.msk $0xffff, v11  }
0x508: {  	[tilespmem:v62+s0+$0x0] =	vst.idx.msk $0xffff, v6  }
0x509: {  	s14 =	simm.s32 $0x10600;
	s15 =	rddreg [dreg:$0x9]  }
0x50a: {  	[hbm4b:s15+s3] =	stream.linear.scatter [tilespmem:s14], [sflag:$0x6], $0x80, $0x38;
	[tilespmem:$0x16C00] =	vst v63  }
0x50b: {  	s16 =	simm.s32 $0x10688;
	s17 =	sadd.s32 $0x10, s15  }
0x50c: {  	[hbm4b:s17+s3] =	stream.linear.scatter [tilespmem:s16], [sflag:$0x6], $0x80, $0x38;
	[tilespmem:$0x16C00] =	vst v63  }
0x50d: {  	s7 =	simm.s32 $0x10798;
	s22 =	simm.s32 $0x10710;
	s23 =	sadd.s32 $0x20, s15  }
0x50e: {  	[hbm4b:s23+s3] =	stream.linear.scatter [tilespmem:s22], [sflag:$0x6], $0x80, $0x38;
	[tilespmem:$0x16C00] =	vst v63  }
0x50f: {  	s13 =	simm.s32 $0x10820;
	s2 =	simm.s32 $0x440;
	s12 =	sadd.s32 $0x30, s15  }
0x510: {  	[hbm4b:s12+s3] =	stream.linear.scatter [tilespmem:s7], [sflag:$0x6], $0x80, $0x38;
	[tilespmem:$0x16C00] =	vst v63  }
0x511: {  	s14 =	sadd.s32 $0x40, s15;
	s16 =	simm.s32 $0x108A8;
	s17 =	sadd.s32 $0x50, s15  }
0x512: {  	[hbm4b:s14+s3] =	stream.linear.scatter [tilespmem:s13], [sflag:$0x6], $0x80, $0x38;
	[tilespmem:$0x16C00] =	vst v63  }
0x513: {  	s22 =	simm.s32 $0x10930;
	s23 =	sadd.s32 $0x60, s15;
	s12 =	simm.s32 $0x2200  }
0x514: {  	[hbm4b:s17+s3] =	stream.linear.scatter [tilespmem:s16], [sflag:$0x6], $0x80, $0x38;
	[tilespmem:$0x16C00] =	vst v63  }
0x515: {  	s7 =	sadd.s32 $0x1000, s15;
	s13 =	simm.s32 $0x109B8;
	s14 =	sadd.s32 $0x70, s15  }
0x516: {  	[hbm4b:s23+s3] =	stream.linear.scatter [tilespmem:s22], [sflag:$0x6], $0x80, $0x38;
	[tilespmem:$0x16C00] =	vst v63  }
.LBB2_42:
0x517: {  	[hbm4b:s14+s3] =	stream.linear.scatter [tilespmem:s13], [sflag:$0x6], $0x80, $0x38;
	[tilespmem:$0x16C00] =	vst v63  }
0x518: {  	s13 =	smov.u32 s2;
	s2 =	smov.u32 s12  }
0x519: {  	s15 =	sadd.s32 $0x1100, s12;
	s2 =	sshra.s32 s2, $0x2;
	s14 =	sadd.s32 $0x10600, s13  }
0x51a: {  	[hbm4b:s7+s3] =	stream.linear.scatter [tilespmem:s14], [sflag:$0x6], $0x80, $0x38;
	[tilespmem:$0x16C00] =	vst v63  }
0x51b: {  	p0 =	sne.s32 s12, $0x7700;
	s12 =	sadd.s32 $0x10688, s13;
	s14 =	sadd.s32 $0x10, s7  }
0x51c: {  	[hbm4b:s14+s3] =	stream.linear.scatter [tilespmem:s12], [sflag:$0x6], $0x80, $0x38;
	[tilespmem:$0x16C00] =	vst v63  }
0x51d: {  	s12 =	sadd.s32 $0x10710, s13;
	s14 =	sadd.s32 $0x20, s7  }
0x51e: {  	[hbm4b:s14+s3] =	stream.linear.scatter [tilespmem:s12], [sflag:$0x6], $0x80, $0x38;
	[tilespmem:$0x16C00] =	vst v63  }
0x51f: {  	s12 =	sadd.s32 $0x10798, s13;
	s14 =	sadd.s32 $0x30, s7  }
0x520: {  	[hbm4b:s14+s3] =	stream.linear.scatter [tilespmem:s12], [sflag:$0x6], $0x80, $0x38;
	[tilespmem:$0x16C00] =	vst v63  }
0x521: {  	s12 =	sadd.s32 $0x10820, s13;
	s14 =	sadd.s32 $0x40, s7  }
0x522: {  	[hbm4b:s14+s3] =	stream.linear.scatter [tilespmem:s12], [sflag:$0x6], $0x80, $0x38;
	[tilespmem:$0x16C00] =	vst v63  }
.Ltmp20:
0x523: {  	s12 =	sadd.s32 $0x108A8, s13;
	s14 =	sadd.s32 $0x50, s7;
	(pc) =	sbr.rel @p0 .LBB2_42-.Ltmp20, $4  }
0x524: {  	[hbm4b:s14+s3] =	stream.linear.scatter [tilespmem:s12], [sflag:$0x6], $0x80, $0x38;
	[tilespmem:$0x16C00] =	vst v63  }
0x525: {  	s12 =	sadd.s32 $0x10930, s13;
	s14 =	sadd.s32 $0x60, s7;
	s13 =	sadd.s32 $0x109B8, s13  }
0x526: {  	[hbm4b:s14+s3] =	stream.linear.scatter [tilespmem:s12], [sflag:$0x6], $0x80, $0x38;
	[tilespmem:$0x16C00] =	vst v63  }
0x527: {  	s14 =	sadd.s32 $0x70, s7;
	s7 =	sadd.s32 $0x1000, s7;
	s12 =	smov.u32 s15  }
0x528: {  	[hbm4b:s14+s3] =	stream.linear.scatter [tilespmem:s13], [sflag:$0x6], $0x80, $0x38;
	[tilespmem:$0x16C00] =	vst v63  }
0x529: {  	s12 =	sadd.s32 $0x10600, s2  }
0x52a: {  	[hbm4b:s7+s3] =	stream.linear.scatter [tilespmem:s12], [sflag:$0x6], $0x80, $0x38;
	[tilespmem:$0x16C00] =	vst v63  }
0x52b: {  	s22 =	sadd.s32 $0x10688, s2;
	s23 =	sadd.s32 $0x10, s7  }
0x52c: {  	[hbm4b:s23+s3] =	stream.linear.scatter [tilespmem:s22], [sflag:$0x6], $0x80, $0x38;
	[tilespmem:$0x16C00] =	vst v63  }
0x52d: {  	s14 =	sadd.s32 $0x10710, s2;
	s15 =	sadd.s32 $0x20, s7  }
0x52e: {  	[hbm4b:s15+s3] =	stream.linear.scatter [tilespmem:s14], [sflag:$0x6], $0x80, $0x38;
	[tilespmem:$0x16C00] =	vst v63  }
0x52f: {  	s16 =	sadd.s32 $0x10798, s2;
	s17 =	sadd.s32 $0x30, s7  }
0x530: {  	[hbm4b:s17+s3] =	stream.linear.scatter [tilespmem:s16], [sflag:$0x6], $0x80, $0x38;
	[tilespmem:$0x16C00] =	vst v63  }
0x531: {  	s22 =	sadd.s32 $0x10820, s2;
	s23 =	sadd.s32 $0x40, s7  }
0x532: {  	[hbm4b:s23+s3] =	stream.linear.scatter [tilespmem:s22], [sflag:$0x6], $0x80, $0x38;
	[tilespmem:$0x16C00] =	vst v63  }
0x533: {  	s14 =	sadd.s32 $0x108A8, s2;
	s15 =	sadd.s32 $0x50, s7  }
0x534: {  	[hbm4b:s15+s3] =	stream.linear.scatter [tilespmem:s14], [sflag:$0x6], $0x80, $0x38;
	[tilespmem:$0x16C00] =	vst v63  }
0x535: {  	s16 =	sadd.s32 $0x10930, s2;
	s17 =	sadd.s32 $0x60, s7  }
0x536: {  	[hbm4b:s17+s3] =	stream.linear.scatter [tilespmem:s16], [sflag:$0x6], $0x80, $0x38;
	[tilespmem:$0x16C00] =	vst v63  }
0x537: {  	s22 =	sadd.s32 $0x109B8, s2;
	s23 =	sadd.s32 $0x70, s7  }
0x538: {  	[hbm4b:s23+s3] =	stream.linear.scatter [tilespmem:s22], [sflag:$0x6], $0x80, $0x38;
	[tilespmem:$0x16C00] =	vst v63  }
0x539: {  	_ =	swait.ge [sflag:s24], $0x2000  }
0x53a: {  	[sflag:s24] =	ssyncset.done $0x0  }
0x53b: {  	[sflag:s24] =	ssyncadd.s32 $0xFFFFE000  }
0x53c: {  	s7 =	simm.s32 $0x3;
	_ =	swait.ge [sflag:s21], $0x2000  }
0x53d: {  	s12 =	simm.s32 $0x0;
	v4 =	vmov s7;
	[sflag:s21] =	ssyncset.done $0x0  }
0x53e: {  	s13 =	simm.s32 $0xA480;
	v5 =	vand.u32 $0x7F, v4;
	v4 =	vmov s12;
	s14 =	simm.s32 $0x1;
	[sflag:s21] =	ssyncadd.s32 $0xFFFFE000  }
0x53f: {  	v8 =	vadd.s32 v0, v5;
	v6 =	vand.u32 $0x7C, v4;
	v4 =	vmov s14;
	v7 =	vld [tilespmem:s13+$0x40]  }
0x540: {  	v10 =	vadd.s32 v0, v6;
	v11 =	vand.u32 $0x7D, v4;
	v9 =	vld [tilespmem:s13+$0xFFFFFF80]  }
0x541: {  	s15 =	simm.s32 $0x2;
	v12 =	vadd.s32 v0, v11;
	v4 =	vld [tilespmem:s13+$0xFFFFFFC0]  }
0x542: {  	v13 =	vmov s15  }
0x543: {  	v13 =	vand.u32 $0x7E, v13  }
0x544: {  	v15 =	vadd.s32 v0, v13;
	v14 =	vld [tilespmem:s13+$0x0];
	[tilespmem:v8+s26+$0x0] =	vst.idx.msk $0xffff, v7  }
0x545: {  	v8 =	vadd.s32 v1, v5;
	[tilespmem:v10+s26+$0x0] =	vst.idx.msk $0xffff, v9;
	v7 =	vld [tilespmem:s13+$0x50]  }
0x546: {  	v10 =	vadd.s32 v1, v6;
	[tilespmem:v12+s26+$0x0] =	vst.idx.msk $0xffff, v4;
	v9 =	vld [tilespmem:s13+$0xFFFFFF90]  }
0x547: {  	v12 =	vadd.s32 v1, v11;
	v4 =	vld [tilespmem:s13+$0xFFFFFFD0];
	_ =	sdelay $0x1  }
0x548: {  	[tilespmem:v15+s26+$0x0] =	vst.idx.msk $0xffff, v14  }
0x549: {  	v16 =	vadd.s32 v1, v13;
	v15 =	vld [tilespmem:s13+$0x10];
	[tilespmem:v8+s26+$0x0] =	vst.idx.msk $0xffff, v7  }
0x54a: {  	s16 =	simm.s32 $0x7;
	v14 =	vadd.s32 v2, v5;
	[tilespmem:v10+s26+$0x0] =	vst.idx.msk $0xffff, v9;
	v7 =	vld [tilespmem:s13+$0x60]  }
0x54b: {  	v10 =	vadd.s32 v2, v6;
	v8 =	vmov s16;
	[tilespmem:v12+s26+$0x0] =	vst.idx.msk $0xffff, v4;
	v9 =	vld [tilespmem:s13+$0xFFFFFFA0]  }
0x54c: {  	s12 =	simm.s32 $0xA580;
	v17 =	vadd.s32 v2, v11;
	v8 =	vand.u32 $0x7F, v8;
	v12 =	vld [tilespmem:s13+$0xFFFFFFE0]  }
0x54d: {  	s17 =	simm.s32 $0x4;
	v18 =	vld [tilespmem:s12+$0x40];
	v19 =	vadd.s32 v0, v8  }
0x54e: {  	s22 =	simm.s32 $0x5;
	v4 =	vmov s17;
	[tilespmem:v16+s26+$0x0] =	vst.idx.msk $0xffff, v15  }
0x54f: {  	v22 =	vmov s22;
	v4 =	vand.u32 $0x7C, v4;
	[tilespmem:v14+s26+$0x0] =	vst.idx.msk $0xffff, v7  }
0x550: {  	s23 =	simm.s32 $0x6;
	v20 =	vld [tilespmem:s12+$0xFFFFFF80];
	v21 =	vadd.s32 v0, v4;
	v7 =	vand.u32 $0x7D, v22;
	[tilespmem:v10+s26+$0x0] =	vst.idx.msk $0xffff, v9  }
0x551: {  	v14 =	vmov s23;
	v9 =	vld [tilespmem:s12+$0xFFFFFFC0];
	[tilespmem:v17+s26+$0x0] =	vst.idx.msk $0xffff, v12;
	v10 =	vadd.s32 v0, v7  }
0x552: {  	v16 =	vadd.s32 v3, v5;
	v12 =	vld [tilespmem:s13+$0x20];
	v5 =	vand.u32 $0x7E, v14;
	[tilespmem:v19+s26+$0x0] =	vst.idx.msk $0xffff, v18;
	v18 =	vadd.s32 v2, v13  }
0x553: {  	v14 =	vld [tilespmem:s12+$0x0];
	v63 =	vadd.s32 v0, v5  }
0x554: {  	v15 =	vld [tilespmem:s13+$0x70]  }
0x555: {  	[tilespmem:v21+s26+$0x0] =	vst.idx.msk $0xffff, v20;
	v20 =	vadd.s32 v1, v8;
	v19 =	vld [tilespmem:s12+$0x50]  }
0x556: {  	v23 =	vadd.s32 v1, v4;
	v21 =	vld [tilespmem:s12+$0xFFFFFF90];
	[tilespmem:v10+s26+$0x0] =	vst.idx.msk $0xffff, v9  }
0x557: {  	v25 =	vadd.s32 v3, v11;
	v24 =	vld [tilespmem:s13+$0xFFFFFFF0];
	[tilespmem:v18+s26+$0x0] =	vst.idx.msk $0xffff, v12  }
0x558: {  	v18 =	vadd.s32 v1, v7;
	v17 =	vld [tilespmem:s12+$0xFFFFFFD0];
	[tilespmem:v63+s26+$0x0] =	vst.idx.msk $0xffff, v14  }
0x559: {  	[tilespmem:v16+s26+$0x0] =	vst.idx.msk $0xffff, v15;
	v16 =	vadd.s32 v1, v5;
	v15 =	vld [tilespmem:s12+$0x10]  }
0x55a: {  	[tilespmem:v20+s26+$0x0] =	vst.idx.msk $0xffff, v19;
	v11 =	vld [tilespmem:s13+$0x30];
	v14 =	vadd.s32 v3, v13  }
0x55b: {  	v12 =	vadd.s32 v2, v8;
	[tilespmem:v23+s26+$0x0] =	vst.idx.msk $0xffff, v21;
	v9 =	vld [tilespmem:s12+$0x60]  }
0x55c: {  	s2 =	simm.s32 $0xC;
	s7 =	simm.s32 $0x8;
	s14 =	simm.s32 $0xB;
	[tilespmem:v25+s26+$0x0] =	vst.idx.msk $0xffff, v24;
	v13 =	vadd.s32 v2, v4;
	v10 =	vld [tilespmem:s12+$0xFFFFFFA0]  }
.LBB2_44:
0x55d: {  	p0 =	slt.u32 s2, $0x7C;
	v19 =	vmov s14;
	[tilespmem:v18+s26+$0x0] =	vst.idx.msk $0xffff, v17;
	v17 =	vld [tilespmem:s13+$0xFFFFFFB0];
	v18 =	vadd.s32 v3, v6;
	v6 =	vmov v4;
	s13 =	smov.u32 s12  }
0x55e: {  	v4 =	vmov s7;
	v21 =	vadd.s32 v2, v7;
	s12 =	sadd.s32 $0x100, s12;
	v19 =	vand.u32 $0x7F, v19;
	v20 =	vld [tilespmem:s13+$0xFFFFFFE0];
	[tilespmem:v16+s26+$0x0] =	vst.idx.msk $0xffff, v15  }
0x55f: {  	s14 =	sadd.s32 $0x1, s7;
	v4 =	vand.u32 $0x7C, v4;
	v15 =	vld [tilespmem:s12+$0x40];
	v16 =	vadd.s32 v0, v19;
	[tilespmem:v14+s26+$0x0] =	vst.idx.msk $0xffff, v11  }
0x560: {  	v22 =	vmov s14;
	s14 =	sadd.s32 $0x2, s7;
	s7 =	smov.u32 s2;
	v14 =	vadd.s32 v0, v4;
	v11 =	vld [tilespmem:s12+$0xFFFFFF80];
	[tilespmem:v12+s26+$0x0] =	vst.idx.msk $0xffff, v9  }
0x561: {  	v9 =	vand.u32 $0x7D, v22;
	v12 =	vmov s14;
	[tilespmem:v13+s26+$0x0] =	vst.idx.msk $0xffff, v10;
	v10 =	vld [tilespmem:s13+$0x70];
	v13 =	vadd.s32 v3, v8;
	v8 =	vmovc v19  }
0x562: {  	v22 =	vadd.s32 v0, v9;
	v12 =	vand.u32 $0x7E, v12;
	v19 =	vld [tilespmem:s12+$0xFFFFFFC0];
	[tilespmem:v18+s26+$0x0] =	vst.idx.msk $0xffff, v17  }
0x563: {  	v24 =	vadd.s32 v0, v12;
	v23 =	vld [tilespmem:s12+$0x0];
	[tilespmem:v21+s26+$0x0] =	vst.idx.msk $0xffff, v20  }
0x564: {  	v21 =	vadd.s32 v2, v5;
	[tilespmem:v16+s26+$0x0] =	vst.idx.msk $0xffff, v15;
	v20 =	vld [tilespmem:s13+$0x20]  }
0x565: {  	[tilespmem:v14+s26+$0x0] =	vst.idx.msk $0xffff, v11;
	v11 =	vld [tilespmem:s12+$0x50];
	v14 =	vadd.s32 v1, v8  }
0x566: {  	v26 =	vadd.s32 v1, v4;
	v25 =	vld [tilespmem:s12+$0xFFFFFF90];
	[tilespmem:v13+s26+$0x0] =	vst.idx.msk $0xffff, v10  }
0x567: {  	[tilespmem:v22+s26+$0x0] =	vst.idx.msk $0xffff, v19;
	v19 =	vld [tilespmem:s13+$0xFFFFFFF0];
	v22 =	vadd.s32 v3, v7;
	v7 =	vmov v9  }
.Ltmp21:
0x568: {  	v17 =	vld [tilespmem:s12+$0xFFFFFFD0];
	v18 =	vadd.s32 v1, v7;
	[tilespmem:v24+s26+$0x0] =	vst.idx.msk $0xffff, v23;
	(pc) =	sbr.rel @p0 .LBB2_44-.Ltmp21, $4  }
0x569: {  	v16 =	vadd.s32 v1, v12;
	v15 =	vld [tilespmem:s12+$0x10];
	[tilespmem:v21+s26+$0x0] =	vst.idx.msk $0xffff, v20  }
0x56a: {  	[tilespmem:v14+s26+$0x0] =	vst.idx.msk $0xffff, v11;
	v11 =	vld [tilespmem:s13+$0x30];
	v14 =	vadd.s32 v3, v5;
	v5 =	vmov v12  }
0x56b: {  	v12 =	vadd.s32 v2, v8;
	[tilespmem:v26+s26+$0x0] =	vst.idx.msk $0xffff, v25;
	v9 =	vld [tilespmem:s12+$0x60]  }
0x56c: {  	s2 =	sadd.s32 $0x4, s2;
	s14 =	sadd.s32 $0x3, s7;
	v13 =	vadd.s32 v2, v4;
	v10 =	vld [tilespmem:s12+$0xFFFFFFA0];
	[tilespmem:v22+s26+$0x0] =	vst.idx.msk $0xffff, v19  }
0x56d: {  	_ =	sdelay $0x2  }
0x56e: {  	v19 =	vmov s14  }
0x56f: {  	s22 =	sadd.s32 $0x1, s7;
	[tilespmem:v18+s26+$0x0] =	vst.idx.msk $0xffff, v17;
	v30 =	vld [tilespmem:s13+$0xFFFFFFB0];
	v6 =	vadd.s32 v3, v6;
	s2 =	sadd.s32 $0x100, s12;
	v21 =	vmov s7;
	v31 =	vand.u32 $0x7F, v19  }
0x570: {  	s23 =	sadd.s32 $0x2, s7;
	v32 =	vmov s22;
	[tilespmem:v16+s26+$0x0] =	vst.idx.msk $0xffff, v15;
	v33 =	vld [tilespmem:s2+$0x40];
	v21 =	vand.u32 $0x7C, v21;
	v34 =	vadd.s32 v0, v31  }
0x571: {  	v20 =	vmov s23;
	v22 =	vld [tilespmem:s2+$0xFFFFFF80];
	v19 =	vand.u32 $0x7D, v32;
	[tilespmem:v14+s26+$0x0] =	vst.idx.msk $0xffff, v11;
	v39 =	vadd.s32 v0, v21  }
0x572: {  	v35 =	vld [tilespmem:s2+$0xFFFFFFC0];
	v20 =	vand.u32 $0x7E, v20;
	v36 =	vadd.s32 v0, v19;
	[tilespmem:v12+s26+$0x0] =	vst.idx.msk $0xffff, v9  }
0x573: {  	v37 =	vld [tilespmem:s2+$0x0];
	v38 =	vadd.s32 v0, v20;
	[tilespmem:v13+s26+$0x0] =	vst.idx.msk $0xffff, v10  }
0x574: {  	v41 =	vadd.s32 v2, v7;
	v40 =	vld [tilespmem:s12+$0xFFFFFFE0];
	[tilespmem:v6+s26+$0x0] =	vst.idx.msk $0xffff, v30  }
0x575: {  	v49 =	vadd.s32 v2, v5;
	v48 =	vld [tilespmem:s12+$0x20];
	[tilespmem:v34+s26+$0x0] =	vst.idx.msk $0xffff, v33  }
0x576: {  	v43 =	vadd.s32 v1, v31;
	[tilespmem:v39+s26+$0x0] =	vst.idx.msk $0xffff, v22;
	v15 =	vld [tilespmem:s2+$0x50]  }
0x577: {  	v47 =	vadd.s32 v1, v21;
	[tilespmem:v36+s26+$0x0] =	vst.idx.msk $0xffff, v35;
	v46 =	vld [tilespmem:s2+$0xFFFFFF90]  }
0x578: {  	v44 =	vadd.s32 v1, v19;
	[tilespmem:v38+s26+$0x0] =	vst.idx.msk $0xffff, v37;
	v11 =	vld [tilespmem:s2+$0xFFFFFFD0]  }
0x579: {  	v45 =	vadd.s32 v1, v20;
	[tilespmem:v41+s26+$0x0] =	vst.idx.msk $0xffff, v40;
	v9 =	vld [tilespmem:s2+$0x10]  }
0x57a: {  	v8 =	vadd.s32 v3, v8;
	v42 =	vld [tilespmem:s12+$0x70];
	[tilespmem:v49+s26+$0x0] =	vst.idx.msk $0xffff, v48  }
0x57b: {  	v5 =	vadd.s32 v3, v5;
	v13 =	vld [tilespmem:s12+$0x30];
	[tilespmem:v43+s26+$0x0] =	vst.idx.msk $0xffff, v15  }
0x57c: {  	v52 =	vadd.s32 v2, v31;
	[tilespmem:v47+s26+$0x0] =	vst.idx.msk $0xffff, v46;
	v15 =	vld [tilespmem:s2+$0x60]  }
0x57d: {  	v57 =	vadd.s32 v2, v21;
	[tilespmem:v44+s26+$0x0] =	vst.idx.msk $0xffff, v11;
	v56 =	vld [tilespmem:s2+$0xFFFFFFA0]  }
0x57e: {  	v53 =	vadd.s32 v2, v19;
	[tilespmem:v45+s26+$0x0] =	vst.idx.msk $0xffff, v9;
	v11 =	vld [tilespmem:s2+$0xFFFFFFE0]  }
0x57f: {  	v55 =	vadd.s32 v2, v20;
	[tilespmem:v8+s26+$0x0] =	vst.idx.msk $0xffff, v42;
	v54 =	vld [tilespmem:s2+$0x20]  }
0x580: {  	v4 =	vadd.s32 v3, v4;
	v58 =	vld [tilespmem:s12+$0xFFFFFFB0];
	[tilespmem:v5+s26+$0x0] =	vst.idx.msk $0xffff, v13  }
0x581: {  	v51 =	vadd.s32 v3, v7;
	v50 =	vld [tilespmem:s12+$0xFFFFFFF0];
	[tilespmem:v52+s26+$0x0] =	vst.idx.msk $0xffff, v15  }
0x582: {  	v60 =	vadd.s32 v3, v31;
	[tilespmem:v57+s26+$0x0] =	vst.idx.msk $0xffff, v56;
	v59 =	vld [tilespmem:s2+$0x70]  }
0x583: {  	v63 =	vadd.s32 v3, v21;
	[tilespmem:v53+s26+$0x0] =	vst.idx.msk $0xffff, v11;
	v5 =	vld [tilespmem:s2+$0xFFFFFFB0]  }
0x584: {  	v61 =	vadd.s32 v3, v19;
	[tilespmem:v55+s26+$0x0] =	vst.idx.msk $0xffff, v54;
	v11 =	vld [tilespmem:s2+$0xFFFFFFF0]  }
0x585: {  	v62 =	vadd.s32 v3, v20;
	[tilespmem:v4+s26+$0x0] =	vst.idx.msk $0xffff, v58;
	v6 =	vld [tilespmem:s2+$0x30]  }
0x586: {  	[tilespmem:v51+s26+$0x0] =	vst.idx.msk $0xffff, v50  }
0x587: {  	[tilespmem:v60+s26+$0x0] =	vst.idx.msk $0xffff, v59  }
0x588: {  	[tilespmem:v63+s26+$0x0] =	vst.idx.msk $0xffff, v5  }
0x589: {  	[tilespmem:v61+s26+$0x0] =	vst.idx.msk $0xffff, v11  }
0x58a: {  	[tilespmem:v62+s26+$0x0] =	vst.idx.msk $0xffff, v6  }
0x58b: {  	s14 =	simm.s32 $0x12800;
	s15 =	rddreg [dreg:$0xa]  }
0x58c: {  	[hbm4b:s15+s3] =	stream.linear.scatter [tilespmem:s14], [sflag:$0x7], $0x80, $0x38;
	[tilespmem:$0x16C00] =	vst v63  }
0x58d: {  	s16 =	simm.s32 $0x12888;
	s17 =	sadd.s32 $0x10, s15  }
0x58e: {  	[hbm4b:s17+s3] =	stream.linear.scatter [tilespmem:s16], [sflag:$0x7], $0x80, $0x38;
	[tilespmem:$0x16C00] =	vst v63  }
0x58f: {  	s7 =	simm.s32 $0x12998;
	s22 =	simm.s32 $0x12910;
	s23 =	sadd.s32 $0x20, s15  }
0x590: {  	[hbm4b:s23+s3] =	stream.linear.scatter [tilespmem:s22], [sflag:$0x7], $0x80, $0x38;
	[tilespmem:$0x16C00] =	vst v63  }
0x591: {  	s13 =	simm.s32 $0x12A20;
	s2 =	simm.s32 $0x440;
	s12 =	sadd.s32 $0x30, s15  }
0x592: {  	[hbm4b:s12+s3] =	stream.linear.scatter [tilespmem:s7], [sflag:$0x7], $0x80, $0x38;
	[tilespmem:$0x16C00] =	vst v63  }
0x593: {  	s14 =	sadd.s32 $0x40, s15;
	s16 =	simm.s32 $0x12AA8;
	s17 =	sadd.s32 $0x50, s15  }
0x594: {  	[hbm4b:s14+s3] =	stream.linear.scatter [tilespmem:s13], [sflag:$0x7], $0x80, $0x38;
	[tilespmem:$0x16C00] =	vst v63  }
0x595: {  	s22 =	simm.s32 $0x12B30;
	s23 =	sadd.s32 $0x60, s15;
	s12 =	simm.s32 $0x2200  }
0x596: {  	[hbm4b:s17+s3] =	stream.linear.scatter [tilespmem:s16], [sflag:$0x7], $0x80, $0x38;
	[tilespmem:$0x16C00] =	vst v63  }
0x597: {  	s7 =	sadd.s32 $0x1000, s15;
	s13 =	simm.s32 $0x12BB8;
	s14 =	sadd.s32 $0x70, s15  }
0x598: {  	[hbm4b:s23+s3] =	stream.linear.scatter [tilespmem:s22], [sflag:$0x7], $0x80, $0x38;
	[tilespmem:$0x16C00] =	vst v63  }
.LBB2_46:
0x599: {  	[hbm4b:s14+s3] =	stream.linear.scatter [tilespmem:s13], [sflag:$0x7], $0x80, $0x38;
	[tilespmem:$0x16C00] =	vst v63  }
0x59a: {  	s13 =	smov.u32 s2;
	s2 =	smov.u32 s12  }
0x59b: {  	s15 =	sadd.s32 $0x1100, s12;
	s2 =	sshra.s32 s2, $0x2;
	s14 =	sadd.s32 $0x12800, s13  }
0x59c: {  	[hbm4b:s7+s3] =	stream.linear.scatter [tilespmem:s14], [sflag:$0x7], $0x80, $0x38;
	[tilespmem:$0x16C00] =	vst v63  }
0x59d: {  	p0 =	sne.s32 s12, $0x7700;
	s12 =	sadd.s32 $0x12888, s13;
	s14 =	sadd.s32 $0x10, s7  }
0x59e: {  	[hbm4b:s14+s3] =	stream.linear.scatter [tilespmem:s12], [sflag:$0x7], $0x80, $0x38;
	[tilespmem:$0x16C00] =	vst v63  }
0x59f: {  	s12 =	sadd.s32 $0x12910, s13;
	s14 =	sadd.s32 $0x20, s7  }
0x5a0: {  	[hbm4b:s14+s3] =	stream.linear.scatter [tilespmem:s12], [sflag:$0x7], $0x80, $0x38;
	[tilespmem:$0x16C00] =	vst v63  }
0x5a1: {  	s12 =	sadd.s32 $0x12998, s13;
	s14 =	sadd.s32 $0x30, s7  }
0x5a2: {  	[hbm4b:s14+s3] =	stream.linear.scatter [tilespmem:s12], [sflag:$0x7], $0x80, $0x38;
	[tilespmem:$0x16C00] =	vst v63  }
0x5a3: {  	s12 =	sadd.s32 $0x12A20, s13;
	s14 =	sadd.s32 $0x40, s7  }
0x5a4: {  	[hbm4b:s14+s3] =	stream.linear.scatter [tilespmem:s12], [sflag:$0x7], $0x80, $0x38;
	[tilespmem:$0x16C00] =	vst v63  }
.Ltmp22:
0x5a5: {  	s12 =	sadd.s32 $0x12AA8, s13;
	s14 =	sadd.s32 $0x50, s7;
	(pc) =	sbr.rel @p0 .LBB2_46-.Ltmp22, $4  }
0x5a6: {  	[hbm4b:s14+s3] =	stream.linear.scatter [tilespmem:s12], [sflag:$0x7], $0x80, $0x38;
	[tilespmem:$0x16C00] =	vst v63  }
0x5a7: {  	s12 =	sadd.s32 $0x12B30, s13;
	s14 =	sadd.s32 $0x60, s7;
	s13 =	sadd.s32 $0x12BB8, s13  }
0x5a8: {  	[hbm4b:s14+s3] =	stream.linear.scatter [tilespmem:s12], [sflag:$0x7], $0x80, $0x38;
	[tilespmem:$0x16C00] =	vst v63  }
0x5a9: {  	s14 =	sadd.s32 $0x70, s7;
	s7 =	sadd.s32 $0x1000, s7;
	s12 =	smov.u32 s15  }
0x5aa: {  	[hbm4b:s14+s3] =	stream.linear.scatter [tilespmem:s13], [sflag:$0x7], $0x80, $0x38;
	[tilespmem:$0x16C00] =	vst v63  }
0x5ab: {  	s12 =	sadd.s32 $0x12800, s2  }
0x5ac: {  	[hbm4b:s7+s3] =	stream.linear.scatter [tilespmem:s12], [sflag:$0x7], $0x80, $0x38;
	[tilespmem:$0x16C00] =	vst v63  }
0x5ad: {  	s22 =	sadd.s32 $0x12888, s2;
	s23 =	sadd.s32 $0x10, s7  }
0x5ae: {  	[hbm4b:s23+s3] =	stream.linear.scatter [tilespmem:s22], [sflag:$0x7], $0x80, $0x38;
	[tilespmem:$0x16C00] =	vst v63  }
0x5af: {  	s14 =	sadd.s32 $0x12910, s2;
	s15 =	sadd.s32 $0x20, s7  }
0x5b0: {  	[hbm4b:s15+s3] =	stream.linear.scatter [tilespmem:s14], [sflag:$0x7], $0x80, $0x38;
	[tilespmem:$0x16C00] =	vst v63  }
0x5b1: {  	s16 =	sadd.s32 $0x12998, s2;
	s17 =	sadd.s32 $0x30, s7  }
0x5b2: {  	[hbm4b:s17+s3] =	stream.linear.scatter [tilespmem:s16], [sflag:$0x7], $0x80, $0x38;
	[tilespmem:$0x16C00] =	vst v63  }
0x5b3: {  	s22 =	sadd.s32 $0x12A20, s2;
	s23 =	sadd.s32 $0x40, s7  }
0x5b4: {  	[hbm4b:s23+s3] =	stream.linear.scatter [tilespmem:s22], [sflag:$0x7], $0x80, $0x38;
	[tilespmem:$0x16C00] =	vst v63  }
0x5b5: {  	s14 =	sadd.s32 $0x12AA8, s2;
	s15 =	sadd.s32 $0x50, s7  }
0x5b6: {  	[hbm4b:s15+s3] =	stream.linear.scatter [tilespmem:s14], [sflag:$0x7], $0x80, $0x38;
	[tilespmem:$0x16C00] =	vst v63  }
0x5b7: {  	s16 =	sadd.s32 $0x12B30, s2;
	s17 =	sadd.s32 $0x60, s7  }
0x5b8: {  	[hbm4b:s17+s3] =	stream.linear.scatter [tilespmem:s16], [sflag:$0x7], $0x80, $0x38;
	[tilespmem:$0x16C00] =	vst v63  }
0x5b9: {  	s22 =	sadd.s32 $0x12BB8, s2;
	s23 =	sadd.s32 $0x70, s7  }
0x5ba: {  	[hbm4b:s23+s3] =	stream.linear.scatter [tilespmem:s22], [sflag:$0x7], $0x80, $0x38;
	[tilespmem:$0x16C00] =	vst v63  }
0x5bb: {  	_ =	swait.ge [sflag:s20], $0x2000  }
0x5bc: {  	[sflag:s20] =	ssyncset.done $0x0  }
0x5bd: {  	[sflag:s20] =	ssyncadd.s32 $0xFFFFE000  }
0x5be: {  	s7 =	simm.s32 $0x3;
	_ =	swait.ge [sflag:s9], $0x2000  }
0x5bf: {  	s12 =	simm.s32 $0x0;
	v4 =	vmov s7;
	[sflag:s9] =	ssyncset.done $0x0  }
0x5c0: {  	s13 =	simm.s32 $0xC480;
	v5 =	vand.u32 $0x7F, v4;
	v4 =	vmov s12;
	s14 =	simm.s32 $0x1;
	[sflag:s9] =	ssyncadd.s32 $0xFFFFE000  }
0x5c1: {  	v8 =	vadd.s32 v0, v5;
	v6 =	vand.u32 $0x7C, v4;
	v4 =	vmov s14;
	v7 =	vld [tilespmem:s13+$0x40]  }
0x5c2: {  	v10 =	vadd.s32 v0, v6;
	v11 =	vand.u32 $0x7D, v4;
	v9 =	vld [tilespmem:s13+$0xFFFFFF80]  }
0x5c3: {  	s15 =	simm.s32 $0x2;
	v12 =	vadd.s32 v0, v11;
	v4 =	vld [tilespmem:s13+$0xFFFFFFC0]  }
0x5c4: {  	v13 =	vmov s15  }
0x5c5: {  	v13 =	vand.u32 $0x7E, v13  }
0x5c6: {  	v15 =	vadd.s32 v0, v13;
	v14 =	vld [tilespmem:s13+$0x0];
	[tilespmem:v8+s31+$0x0] =	vst.idx.msk $0xffff, v7  }
0x5c7: {  	v8 =	vadd.s32 v1, v5;
	[tilespmem:v10+s31+$0x0] =	vst.idx.msk $0xffff, v9;
	v7 =	vld [tilespmem:s13+$0x50]  }
0x5c8: {  	v10 =	vadd.s32 v1, v6;
	[tilespmem:v12+s31+$0x0] =	vst.idx.msk $0xffff, v4;
	v9 =	vld [tilespmem:s13+$0xFFFFFF90]  }
0x5c9: {  	v12 =	vadd.s32 v1, v11;
	v4 =	vld [tilespmem:s13+$0xFFFFFFD0];
	_ =	sdelay $0x1  }
0x5ca: {  	[tilespmem:v15+s31+$0x0] =	vst.idx.msk $0xffff, v14  }
0x5cb: {  	v16 =	vadd.s32 v1, v13;
	v15 =	vld [tilespmem:s13+$0x10];
	[tilespmem:v8+s31+$0x0] =	vst.idx.msk $0xffff, v7  }
0x5cc: {  	s16 =	simm.s32 $0x7;
	v14 =	vadd.s32 v2, v5;
	[tilespmem:v10+s31+$0x0] =	vst.idx.msk $0xffff, v9;
	v7 =	vld [tilespmem:s13+$0x60]  }
0x5cd: {  	v10 =	vadd.s32 v2, v6;
	v8 =	vmov s16;
	[tilespmem:v12+s31+$0x0] =	vst.idx.msk $0xffff, v4;
	v9 =	vld [tilespmem:s13+$0xFFFFFFA0]  }
0x5ce: {  	s12 =	simm.s32 $0xC580;
	v17 =	vadd.s32 v2, v11;
	v8 =	vand.u32 $0x7F, v8;
	v12 =	vld [tilespmem:s13+$0xFFFFFFE0]  }
0x5cf: {  	s17 =	simm.s32 $0x4;
	v18 =	vld [tilespmem:s12+$0x40];
	v19 =	vadd.s32 v0, v8  }
0x5d0: {  	s22 =	simm.s32 $0x5;
	v4 =	vmov s17;
	[tilespmem:v16+s31+$0x0] =	vst.idx.msk $0xffff, v15  }
0x5d1: {  	v22 =	vmov s22;
	v4 =	vand.u32 $0x7C, v4;
	[tilespmem:v14+s31+$0x0] =	vst.idx.msk $0xffff, v7  }
0x5d2: {  	s23 =	simm.s32 $0x6;
	v20 =	vld [tilespmem:s12+$0xFFFFFF80];
	v21 =	vadd.s32 v0, v4;
	v7 =	vand.u32 $0x7D, v22;
	[tilespmem:v10+s31+$0x0] =	vst.idx.msk $0xffff, v9  }
0x5d3: {  	v14 =	vmov s23;
	v9 =	vld [tilespmem:s12+$0xFFFFFFC0];
	[tilespmem:v17+s31+$0x0] =	vst.idx.msk $0xffff, v12;
	v10 =	vadd.s32 v0, v7  }
0x5d4: {  	v16 =	vadd.s32 v3, v5;
	v12 =	vld [tilespmem:s13+$0x20];
	v5 =	vand.u32 $0x7E, v14;
	[tilespmem:v19+s31+$0x0] =	vst.idx.msk $0xffff, v18;
	v18 =	vadd.s32 v2, v13  }
0x5d5: {  	v14 =	vld [tilespmem:s12+$0x0];
	v63 =	vadd.s32 v0, v5  }
0x5d6: {  	v15 =	vld [tilespmem:s13+$0x70]  }
0x5d7: {  	[tilespmem:v21+s31+$0x0] =	vst.idx.msk $0xffff, v20;
	v20 =	vadd.s32 v1, v8;
	v19 =	vld [tilespmem:s12+$0x50]  }
0x5d8: {  	v23 =	vadd.s32 v1, v4;
	v21 =	vld [tilespmem:s12+$0xFFFFFF90];
	[tilespmem:v10+s31+$0x0] =	vst.idx.msk $0xffff, v9  }
0x5d9: {  	v25 =	vadd.s32 v3, v11;
	v24 =	vld [tilespmem:s13+$0xFFFFFFF0];
	[tilespmem:v18+s31+$0x0] =	vst.idx.msk $0xffff, v12  }
0x5da: {  	v18 =	vadd.s32 v1, v7;
	v17 =	vld [tilespmem:s12+$0xFFFFFFD0];
	[tilespmem:v63+s31+$0x0] =	vst.idx.msk $0xffff, v14  }
0x5db: {  	[tilespmem:v16+s31+$0x0] =	vst.idx.msk $0xffff, v15;
	v16 =	vadd.s32 v1, v5;
	v15 =	vld [tilespmem:s12+$0x10]  }
0x5dc: {  	[tilespmem:v20+s31+$0x0] =	vst.idx.msk $0xffff, v19;
	v11 =	vld [tilespmem:s13+$0x30];
	v14 =	vadd.s32 v3, v13  }
0x5dd: {  	v12 =	vadd.s32 v2, v8;
	[tilespmem:v23+s31+$0x0] =	vst.idx.msk $0xffff, v21;
	v9 =	vld [tilespmem:s12+$0x60]  }
0x5de: {  	s2 =	simm.s32 $0xC;
	s7 =	simm.s32 $0x8;
	s14 =	simm.s32 $0xB;
	[tilespmem:v25+s31+$0x0] =	vst.idx.msk $0xffff, v24;
	v13 =	vadd.s32 v2, v4;
	v10 =	vld [tilespmem:s12+$0xFFFFFFA0]  }
.LBB2_48:
0x5df: {  	p0 =	slt.u32 s2, $0x7C;
	v19 =	vmov s14;
	[tilespmem:v18+s31+$0x0] =	vst.idx.msk $0xffff, v17;
	v17 =	vld [tilespmem:s13+$0xFFFFFFB0];
	v18 =	vadd.s32 v3, v6;
	v6 =	vmov v4;
	s13 =	smov.u32 s12  }
0x5e0: {  	v4 =	vmov s7;
	v21 =	vadd.s32 v2, v7;
	s12 =	sadd.s32 $0x100, s12;
	v19 =	vand.u32 $0x7F, v19;
	v20 =	vld [tilespmem:s13+$0xFFFFFFE0];
	[tilespmem:v16+s31+$0x0] =	vst.idx.msk $0xffff, v15  }
0x5e1: {  	s14 =	sadd.s32 $0x1, s7;
	v4 =	vand.u32 $0x7C, v4;
	v15 =	vld [tilespmem:s12+$0x40];
	v16 =	vadd.s32 v0, v19;
	[tilespmem:v14+s31+$0x0] =	vst.idx.msk $0xffff, v11  }
0x5e2: {  	v22 =	vmov s14;
	s14 =	sadd.s32 $0x2, s7;
	s7 =	smov.u32 s2;
	v14 =	vadd.s32 v0, v4;
	v11 =	vld [tilespmem:s12+$0xFFFFFF80];
	[tilespmem:v12+s31+$0x0] =	vst.idx.msk $0xffff, v9  }
0x5e3: {  	v9 =	vand.u32 $0x7D, v22;
	v12 =	vmov s14;
	[tilespmem:v13+s31+$0x0] =	vst.idx.msk $0xffff, v10;
	v10 =	vld [tilespmem:s13+$0x70];
	v13 =	vadd.s32 v3, v8;
	v8 =	vmovc v19  }
0x5e4: {  	v22 =	vadd.s32 v0, v9;
	v12 =	vand.u32 $0x7E, v12;
	v19 =	vld [tilespmem:s12+$0xFFFFFFC0];
	[tilespmem:v18+s31+$0x0] =	vst.idx.msk $0xffff, v17  }
0x5e5: {  	v24 =	vadd.s32 v0, v12;
	v23 =	vld [tilespmem:s12+$0x0];
	[tilespmem:v21+s31+$0x0] =	vst.idx.msk $0xffff, v20  }
0x5e6: {  	v21 =	vadd.s32 v2, v5;
	[tilespmem:v16+s31+$0x0] =	vst.idx.msk $0xffff, v15;
	v20 =	vld [tilespmem:s13+$0x20]  }
0x5e7: {  	[tilespmem:v14+s31+$0x0] =	vst.idx.msk $0xffff, v11;
	v11 =	vld [tilespmem:s12+$0x50];
	v14 =	vadd.s32 v1, v8  }
0x5e8: {  	v26 =	vadd.s32 v1, v4;
	v25 =	vld [tilespmem:s12+$0xFFFFFF90];
	[tilespmem:v13+s31+$0x0] =	vst.idx.msk $0xffff, v10  }
0x5e9: {  	[tilespmem:v22+s31+$0x0] =	vst.idx.msk $0xffff, v19;
	v19 =	vld [tilespmem:s13+$0xFFFFFFF0];
	v22 =	vadd.s32 v3, v7;
	v7 =	vmov v9  }
.Ltmp23:
0x5ea: {  	v17 =	vld [tilespmem:s12+$0xFFFFFFD0];
	v18 =	vadd.s32 v1, v7;
	[tilespmem:v24+s31+$0x0] =	vst.idx.msk $0xffff, v23;
	(pc) =	sbr.rel @p0 .LBB2_48-.Ltmp23, $4  }
0x5eb: {  	v16 =	vadd.s32 v1, v12;
	v15 =	vld [tilespmem:s12+$0x10];
	[tilespmem:v21+s31+$0x0] =	vst.idx.msk $0xffff, v20  }
0x5ec: {  	[tilespmem:v14+s31+$0x0] =	vst.idx.msk $0xffff, v11;
	v11 =	vld [tilespmem:s13+$0x30];
	v14 =	vadd.s32 v3, v5;
	v5 =	vmov v12  }
0x5ed: {  	v12 =	vadd.s32 v2, v8;
	[tilespmem:v26+s31+$0x0] =	vst.idx.msk $0xffff, v25;
	v9 =	vld [tilespmem:s12+$0x60]  }
0x5ee: {  	s2 =	sadd.s32 $0x4, s2;
	s14 =	sadd.s32 $0x3, s7;
	v13 =	vadd.s32 v2, v4;
	v10 =	vld [tilespmem:s12+$0xFFFFFFA0];
	[tilespmem:v22+s31+$0x0] =	vst.idx.msk $0xffff, v19  }
0x5ef: {  	_ =	sdelay $0x2  }
0x5f0: {  	v19 =	vmov s14  }
0x5f1: {  	s22 =	sadd.s32 $0x1, s7;
	[tilespmem:v18+s31+$0x0] =	vst.idx.msk $0xffff, v17;
	v30 =	vld [tilespmem:s13+$0xFFFFFFB0];
	v6 =	vadd.s32 v3, v6;
	s2 =	sadd.s32 $0x100, s12;
	v21 =	vmov s7;
	v31 =	vand.u32 $0x7F, v19  }
0x5f2: {  	s23 =	sadd.s32 $0x2, s7;
	v32 =	vmov s22;
	[tilespmem:v16+s31+$0x0] =	vst.idx.msk $0xffff, v15;
	v33 =	vld [tilespmem:s2+$0x40];
	v21 =	vand.u32 $0x7C, v21;
	v34 =	vadd.s32 v0, v31  }
0x5f3: {  	v20 =	vmov s23;
	v22 =	vld [tilespmem:s2+$0xFFFFFF80];
	v19 =	vand.u32 $0x7D, v32;
	[tilespmem:v14+s31+$0x0] =	vst.idx.msk $0xffff, v11;
	v39 =	vadd.s32 v0, v21  }
0x5f4: {  	v35 =	vld [tilespmem:s2+$0xFFFFFFC0];
	v20 =	vand.u32 $0x7E, v20;
	v36 =	vadd.s32 v0, v19;
	[tilespmem:v12+s31+$0x0] =	vst.idx.msk $0xffff, v9  }
0x5f5: {  	v37 =	vld [tilespmem:s2+$0x0];
	v38 =	vadd.s32 v0, v20;
	[tilespmem:v13+s31+$0x0] =	vst.idx.msk $0xffff, v10  }
0x5f6: {  	v41 =	vadd.s32 v2, v7;
	v40 =	vld [tilespmem:s12+$0xFFFFFFE0];
	[tilespmem:v6+s31+$0x0] =	vst.idx.msk $0xffff, v30  }
0x5f7: {  	v49 =	vadd.s32 v2, v5;
	v48 =	vld [tilespmem:s12+$0x20];
	[tilespmem:v34+s31+$0x0] =	vst.idx.msk $0xffff, v33  }
0x5f8: {  	v43 =	vadd.s32 v1, v31;
	[tilespmem:v39+s31+$0x0] =	vst.idx.msk $0xffff, v22;
	v15 =	vld [tilespmem:s2+$0x50]  }
0x5f9: {  	v47 =	vadd.s32 v1, v21;
	[tilespmem:v36+s31+$0x0] =	vst.idx.msk $0xffff, v35;
	v46 =	vld [tilespmem:s2+$0xFFFFFF90]  }
0x5fa: {  	v44 =	vadd.s32 v1, v19;
	[tilespmem:v38+s31+$0x0] =	vst.idx.msk $0xffff, v37;
	v11 =	vld [tilespmem:s2+$0xFFFFFFD0]  }
0x5fb: {  	v45 =	vadd.s32 v1, v20;
	[tilespmem:v41+s31+$0x0] =	vst.idx.msk $0xffff, v40;
	v9 =	vld [tilespmem:s2+$0x10]  }
0x5fc: {  	v8 =	vadd.s32 v3, v8;
	v42 =	vld [tilespmem:s12+$0x70];
	[tilespmem:v49+s31+$0x0] =	vst.idx.msk $0xffff, v48  }
0x5fd: {  	v5 =	vadd.s32 v3, v5;
	v13 =	vld [tilespmem:s12+$0x30];
	[tilespmem:v43+s31+$0x0] =	vst.idx.msk $0xffff, v15  }
0x5fe: {  	v52 =	vadd.s32 v2, v31;
	[tilespmem:v47+s31+$0x0] =	vst.idx.msk $0xffff, v46;
	v15 =	vld [tilespmem:s2+$0x60]  }
0x5ff: {  	v57 =	vadd.s32 v2, v21;
	[tilespmem:v44+s31+$0x0] =	vst.idx.msk $0xffff, v11;
	v56 =	vld [tilespmem:s2+$0xFFFFFFA0]  }
0x600: {  	v53 =	vadd.s32 v2, v19;
	[tilespmem:v45+s31+$0x0] =	vst.idx.msk $0xffff, v9;
	v11 =	vld [tilespmem:s2+$0xFFFFFFE0]  }
0x601: {  	v55 =	vadd.s32 v2, v20;
	[tilespmem:v8+s31+$0x0] =	vst.idx.msk $0xffff, v42;
	v54 =	vld [tilespmem:s2+$0x20]  }
0x602: {  	v4 =	vadd.s32 v3, v4;
	v58 =	vld [tilespmem:s12+$0xFFFFFFB0];
	[tilespmem:v5+s31+$0x0] =	vst.idx.msk $0xffff, v13  }
0x603: {  	v51 =	vadd.s32 v3, v7;
	v50 =	vld [tilespmem:s12+$0xFFFFFFF0];
	[tilespmem:v52+s31+$0x0] =	vst.idx.msk $0xffff, v15  }
0x604: {  	v60 =	vadd.s32 v3, v31;
	[tilespmem:v57+s31+$0x0] =	vst.idx.msk $0xffff, v56;
	v59 =	vld [tilespmem:s2+$0x70]  }
0x605: {  	v63 =	vadd.s32 v3, v21;
	[tilespmem:v53+s31+$0x0] =	vst.idx.msk $0xffff, v11;
	v5 =	vld [tilespmem:s2+$0xFFFFFFB0]  }
0x606: {  	v61 =	vadd.s32 v3, v19;
	[tilespmem:v55+s31+$0x0] =	vst.idx.msk $0xffff, v54;
	v11 =	vld [tilespmem:s2+$0xFFFFFFF0]  }
0x607: {  	v62 =	vadd.s32 v3, v20;
	[tilespmem:v4+s31+$0x0] =	vst.idx.msk $0xffff, v58;
	v6 =	vld [tilespmem:s2+$0x30]  }
0x608: {  	[tilespmem:v51+s31+$0x0] =	vst.idx.msk $0xffff, v50  }
0x609: {  	[tilespmem:v60+s31+$0x0] =	vst.idx.msk $0xffff, v59  }
0x60a: {  	[tilespmem:v63+s31+$0x0] =	vst.idx.msk $0xffff, v5  }
0x60b: {  	[tilespmem:v61+s31+$0x0] =	vst.idx.msk $0xffff, v11  }
0x60c: {  	[tilespmem:v62+s31+$0x0] =	vst.idx.msk $0xffff, v6  }
0x60d: {  	s14 =	simm.s32 $0x14A00;
	s15 =	rddreg [dreg:$0xb]  }
0x60e: {  	[hbm4b:s15+s3] =	stream.linear.scatter [tilespmem:s14], [sflag:$0x8], $0x80, $0x38;
	[tilespmem:$0x16C00] =	vst v63  }
0x60f: {  	s16 =	simm.s32 $0x14A88;
	s17 =	sadd.s32 $0x10, s15  }
0x610: {  	[hbm4b:s17+s3] =	stream.linear.scatter [tilespmem:s16], [sflag:$0x8], $0x80, $0x38;
	[tilespmem:$0x16C00] =	vst v63  }
0x611: {  	s7 =	simm.s32 $0x14B98;
	s22 =	simm.s32 $0x14B10;
	s23 =	sadd.s32 $0x20, s15  }
0x612: {  	[hbm4b:s23+s3] =	stream.linear.scatter [tilespmem:s22], [sflag:$0x8], $0x80, $0x38;
	[tilespmem:$0x16C00] =	vst v63  }
0x613: {  	s13 =	simm.s32 $0x14C20;
	s2 =	simm.s32 $0x440;
	s12 =	sadd.s32 $0x30, s15  }
0x614: {  	[hbm4b:s12+s3] =	stream.linear.scatter [tilespmem:s7], [sflag:$0x8], $0x80, $0x38;
	[tilespmem:$0x16C00] =	vst v63  }
0x615: {  	s14 =	sadd.s32 $0x40, s15;
	s16 =	simm.s32 $0x14CA8;
	s17 =	sadd.s32 $0x50, s15  }
0x616: {  	[hbm4b:s14+s3] =	stream.linear.scatter [tilespmem:s13], [sflag:$0x8], $0x80, $0x38;
	[tilespmem:$0x16C00] =	vst v63  }
0x617: {  	s22 =	simm.s32 $0x14D30;
	s23 =	sadd.s32 $0x60, s15;
	s12 =	simm.s32 $0x2200  }
0x618: {  	[hbm4b:s17+s3] =	stream.linear.scatter [tilespmem:s16], [sflag:$0x8], $0x80, $0x38;
	[tilespmem:$0x16C00] =	vst v63  }
0x619: {  	s7 =	sadd.s32 $0x1000, s15;
	s13 =	simm.s32 $0x14DB8;
	s14 =	sadd.s32 $0x70, s15  }
0x61a: {  	[hbm4b:s23+s3] =	stream.linear.scatter [tilespmem:s22], [sflag:$0x8], $0x80, $0x38;
	[tilespmem:$0x16C00] =	vst v63  }
.LBB2_50:
0x61b: {  	[hbm4b:s14+s3] =	stream.linear.scatter [tilespmem:s13], [sflag:$0x8], $0x80, $0x38;
	[tilespmem:$0x16C00] =	vst v63  }
0x61c: {  	s13 =	smov.u32 s2;
	s2 =	smov.u32 s12  }
0x61d: {  	s15 =	sadd.s32 $0x1100, s12;
	s2 =	sshra.s32 s2, $0x2;
	s14 =	sadd.s32 $0x14A00, s13  }
0x61e: {  	[hbm4b:s7+s3] =	stream.linear.scatter [tilespmem:s14], [sflag:$0x8], $0x80, $0x38;
	[tilespmem:$0x16C00] =	vst v63  }
0x61f: {  	p0 =	sne.s32 s12, $0x7700;
	s12 =	sadd.s32 $0x14A88, s13;
	s14 =	sadd.s32 $0x10, s7  }
0x620: {  	[hbm4b:s14+s3] =	stream.linear.scatter [tilespmem:s12], [sflag:$0x8], $0x80, $0x38;
	[tilespmem:$0x16C00] =	vst v63  }
0x621: {  	s12 =	sadd.s32 $0x14B10, s13;
	s14 =	sadd.s32 $0x20, s7  }
0x622: {  	[hbm4b:s14+s3] =	stream.linear.scatter [tilespmem:s12], [sflag:$0x8], $0x80, $0x38;
	[tilespmem:$0x16C00] =	vst v63  }
0x623: {  	s12 =	sadd.s32 $0x14B98, s13;
	s14 =	sadd.s32 $0x30, s7  }
0x624: {  	[hbm4b:s14+s3] =	stream.linear.scatter [tilespmem:s12], [sflag:$0x8], $0x80, $0x38;
	[tilespmem:$0x16C00] =	vst v63  }
0x625: {  	s12 =	sadd.s32 $0x14C20, s13;
	s14 =	sadd.s32 $0x40, s7  }
0x626: {  	[hbm4b:s14+s3] =	stream.linear.scatter [tilespmem:s12], [sflag:$0x8], $0x80, $0x38;
	[tilespmem:$0x16C00] =	vst v63  }
.Ltmp24:
0x627: {  	s12 =	sadd.s32 $0x14CA8, s13;
	s14 =	sadd.s32 $0x50, s7;
	(pc) =	sbr.rel @p0 .LBB2_50-.Ltmp24, $4  }
0x628: {  	[hbm4b:s14+s3] =	stream.linear.scatter [tilespmem:s12], [sflag:$0x8], $0x80, $0x38;
	[tilespmem:$0x16C00] =	vst v63  }
0x629: {  	s12 =	sadd.s32 $0x14D30, s13;
	s14 =	sadd.s32 $0x60, s7;
	s13 =	sadd.s32 $0x14DB8, s13  }
0x62a: {  	[hbm4b:s14+s3] =	stream.linear.scatter [tilespmem:s12], [sflag:$0x8], $0x80, $0x38;
	[tilespmem:$0x16C00] =	vst v63  }
0x62b: {  	s14 =	sadd.s32 $0x70, s7;
	s7 =	sadd.s32 $0x1000, s7;
	s12 =	smov.u32 s15  }
0x62c: {  	[hbm4b:s14+s3] =	stream.linear.scatter [tilespmem:s13], [sflag:$0x8], $0x80, $0x38;
	[tilespmem:$0x16C00] =	vst v63  }
0x62d: {  	s12 =	sadd.s32 $0x14A00, s2  }
0x62e: {  	[hbm4b:s7+s3] =	stream.linear.scatter [tilespmem:s12], [sflag:$0x8], $0x80, $0x38;
	[tilespmem:$0x16C00] =	vst v63  }
0x62f: {  	s16 =	sadd.s32 $0x14A88, s2;
	s17 =	sadd.s32 $0x10, s7  }
0x630: {  	[hbm4b:s17+s3] =	stream.linear.scatter [tilespmem:s16], [sflag:$0x8], $0x80, $0x38;
	[tilespmem:$0x16C00] =	vst v63  }
0x631: {  	s22 =	sadd.s32 $0x14B10, s2;
	s23 =	sadd.s32 $0x20, s7  }
0x632: {  	[hbm4b:s23+s3] =	stream.linear.scatter [tilespmem:s22], [sflag:$0x8], $0x80, $0x38;
	[tilespmem:$0x16C00] =	vst v63  }
0x633: {  	s14 =	sadd.s32 $0x14B98, s2;
	s15 =	sadd.s32 $0x30, s7  }
0x634: {  	[hbm4b:s15+s3] =	stream.linear.scatter [tilespmem:s14], [sflag:$0x8], $0x80, $0x38;
	[tilespmem:$0x16C00] =	vst v63  }
0x635: {  	s16 =	sadd.s32 $0x14C20, s2;
	s17 =	sadd.s32 $0x40, s7  }
0x636: {  	[hbm4b:s17+s3] =	stream.linear.scatter [tilespmem:s16], [sflag:$0x8], $0x80, $0x38;
	[tilespmem:$0x16C00] =	vst v63  }
0x637: {  	s22 =	sadd.s32 $0x14CA8, s2;
	s23 =	sadd.s32 $0x50, s7  }
0x638: {  	[hbm4b:s23+s3] =	stream.linear.scatter [tilespmem:s22], [sflag:$0x8], $0x80, $0x38;
	[tilespmem:$0x16C00] =	vst v63  }
0x639: {  	s14 =	sadd.s32 $0x14D30, s2;
	s15 =	sadd.s32 $0x60, s7  }
0x63a: {  	[hbm4b:s15+s3] =	stream.linear.scatter [tilespmem:s14], [sflag:$0x8], $0x80, $0x38;
	[tilespmem:$0x16C00] =	vst v63  }
0x63b: {  	s16 =	sadd.s32 $0x14DB8, s2;
	s17 =	sadd.s32 $0x70, s7  }
0x63c: {  	[hbm4b:s17+s3] =	stream.linear.scatter [tilespmem:s16], [sflag:$0x8], $0x80, $0x38;
	[tilespmem:$0x16C00] =	vst v63  }
0x63d: {  	_ =	swait.ge [sflag:s6], $0x2000  }
0x63e: {  	[sflag:s6] =	ssyncset.done $0x0  }
0x63f: {  	[sflag:s6] =	ssyncadd.s32 $0xFFFFE000  }
0x640: {  	_ =	swait.ge [sflag:s18], $0x2000  }
0x641: {  	[sflag:s18] =	ssyncset.done $0x0  }
0x642: {  	[sflag:s18] =	ssyncadd.s32 $0xFFFFE000  }
0x643: {  	_ =	swait.ge [sflag:s21], $0x2000  }
0x644: {  	[sflag:s21] =	ssyncset.done $0x0  }
0x645: {  	[sflag:s21] =	ssyncadd.s32 $0xFFFFE000  }
0x646: {  	_ =	swait.ge [sflag:s9], $0x2000  }
0x647: {  	s22 =	rddreg [dreg:$0xd]  }
0x648: {  	s23 =	rddreg [dreg:$0xc];
	s7 =	sadd.s32 $0x1, s22  }
0x649: {  	p0 =	sne.s32 s7, s23  }
.Ltmp25:
0x64a: {  	_ = 	snop;
	(pc) =	sbr.rel @p0 .LBB2_1-.Ltmp25, $3  }
0x64b: {  	_ =	sdelay $0x1  }
0x64c: {  	[sflag:s9] =	ssyncset.done $0x0  }
0x64d: {  	[sflag:s9] =	ssyncadd.s32 $0xFFFFE000  }
0x64e: {  	_ =	sfence.sel $0x180000  }
0x64f: {  	[bflag:$0x0] =	sbarrier.arrive $0xFFFF  }
0x650: {  	_ =	strace $0x90000047  }
0x651: {  	s0 =	stileid.u32;
	[bflag:$0x2] =	sbarrier.arrive $0xFFFF  }
0x652: {  	p0 =	sne.s32 s0, $0x0;
	s0 =	rddreg [dreg:$0x2]  }
0x653: {  	s0 =	sadd.s32 @!p0 $0x100000, s0  }
0x654: {  	[sflag:s0] =	ssyncadd.tile.s32 @!p0 $0x1;
	_ =	shalt  }
.Lfunc_end2:
_tile_overlayer_lowered:
.L_overlay_start_2:
0x655: {  	(tag) =	ssettag $0x2  }
0x656: {  	s0 =	rddreg [dreg:$0x0];
	s2 =	stileid.u32  }
0x657: {  	s1 =	rddreg [dreg:$0x1];
	p0 =	sne.s32 s2, $0x0  }
0x658: {  	s3 =	rddreg [dreg:$0x2];
	[bflag:$0x3] =	sbarrier.arrive $0xFFFF;
	s2 =	simm.s32 @!p0 $0x1C09  }
0x659: {  	[timem:s3], [sflag:s2] =	dma.local @!p0 [hbm:s0], s1  }
0x65a: {  	s0 =	simm.s32 @!p0 $0x9  }
0x65b: {  	_ =	swait.ge @!p0 [sflag:s0], s1  }
0x65c: {  	s1 =	ssub.s32 @!p0 $0x0, s1;
	[sflag:s0] =	ssyncset.done @!p0 $0x0  }
0x65d: {  	[sflag:s0] =	ssyncadd.s32 @!p0 s1  }
0x65e: {  	[bflag:$0x3] =	sbarrier.arrive $0xFFFF  }
0x65f: {  	_ =	shalt  }

</sc_bundles>
